<compile_context>
chip_gen: v7x
topology: tpu7x:2x2x1
jax: 0.10.2.dev20260603
libtpu: 0.0.44.dev20260713+nightly
codegen_flags: <defaults>
</compile_context>

<pallas_src>
import functools

import jax
import jax.numpy as jnp
from jax import lax
from jax.experimental import pallas as pl
from jax.experimental.pallas import tpu as pltpu
from jax.experimental.pallas import tpu_sc as plsc

E = 8
K = 2
CAP = 512
NEG_INF = -1e30
NC = 2
NS = 16
LN = 16


def _router_body(x_ref, gw_ref, mslotT_ref, pT_ref, fsT_ref, aux_ref,
                 used_ref):
    x = x_ref[...]
    gw = gw_ref[...]
    T = x.shape[0]
    logits = jax.lax.dot_general(
        x, gw, (((1,), (1,)), ((), ())), preferred_element_type=jnp.float32)
    lane = jax.lax.broadcasted_iota(jnp.int32, (T, E), 1)
    m1 = jnp.max(logits, axis=1, keepdims=True)
    idx1 = jnp.min(jnp.where(logits == m1, lane, E), axis=1, keepdims=True)
    masked = jnp.where(lane == idx1, NEG_INF, logits)
    m2 = jnp.max(masked, axis=1, keepdims=True)
    idx2 = jnp.min(jnp.where(masked == m2, lane, E), axis=1, keepdims=True)
    t = jnp.exp(m2 - m1)
    w1 = 1.0 / (1.0 + t)
    w2 = t / (1.0 + t)
    mask = jnp.logical_or(lane == idx1, lane == idx2).astype(jnp.float32)
    inc = mask
    shift = 1
    while shift < T:
        shifted = jnp.concatenate(
            [jnp.zeros((shift, E), jnp.float32), inc[:T - shift]], axis=0)
        inc = inc + shifted
        shift *= 2
    slot = inc - mask
    kept = jnp.logical_and(mask > 0, slot < float(CAP))
    mslot = jnp.where(kept, slot, -1.0)
    p = jnp.where(kept, jnp.where(lane == idx1, w1, w2), 0.0)
    mslotT_ref[...] = mslot.T
    pT_ref[...] = p.T

    is1 = lane == idx1
    is2 = lane == idx2
    slot1 = jnp.sum(jnp.where(is1, slot, 0.0), axis=1, keepdims=True)
    slot2 = jnp.sum(jnp.where(is2, slot, 0.0), axis=1, keepdims=True)
    e1 = idx1.astype(jnp.float32)
    e2 = idx2.astype(jnp.float32)
    fs1 = jnp.where(slot1 < float(CAP), e1 * float(CAP) + slot1, -1.0)
    fs2 = jnp.where(slot2 < float(CAP), e2 * float(CAP) + slot2, -1.0)
    fs_te = jnp.where(lane == 0, fs1, jnp.where(lane == 1, fs2, 0.0))
    fsT_ref[...] = fs_te.T

    counts = jnp.sum(mask, axis=0, keepdims=True)
    frac = counts / float(T)
    mu = jnp.sum(frac, axis=1, keepdims=True) / float(E)
    var = jnp.sum((frac - mu) ** 2, axis=1, keepdims=True) / float(E - 1)
    aux_ref[...] = jnp.broadcast_to(var * float(E), (1, 128))
    used = jnp.sum((counts > 0).astype(jnp.int32), axis=1, keepdims=True)
    used_ref[...] = jnp.broadcast_to(used, (1, 128))


def _dispatch_body(x_hbm, mslotT_hbm, pT_hbm, xin_hbm, wslot_hbm,
                   slotrow, prow, selidx, wslot, rows0, rows1,
                   gsem0, gsem1, wsem0, wsem1, *, T, H):
    c = lax.axis_index("c")
    s = lax.axis_index("s")
    e = 4 * c + s // 4
    q = s % 4
    pltpu.sync_copy(mslotT_hbm.at[e], slotrow)
    pltpu.sync_copy(pT_hbm.at[e], prow)
    zi = jnp.zeros((LN,), jnp.int32)
    zf = jnp.zeros((LN,), jnp.float32)
    for i in range(CAP // LN):
        selidx[pl.ds(i * LN, LN)] = zi
        wslot[pl.ds(i * LN, LN)] = zf

    def scan_body(i, carry):
        sl = slotrow[pl.ds(i * LN, LN)]
        pv = prow[pl.ds(i * LN, LN)]
        sli = sl.astype(jnp.int32)
        msk = sl >= 0.0
        tok = lax.iota(jnp.int32, LN) + i * LN
        plsc.store_scatter(selidx, [sli], tok, mask=msk)
        plsc.store_scatter(wslot, [sli], pv, mask=msk)
        return carry

    lax.fori_loop(0, T // LN, scan_body, 0)
    base = q * (CAP // 4)
    pltpu.sync_copy(wslot.at[pl.ds(base, CAP // 4)],
                    wslot_hbm.at[pl.ds(e * CAP + base, CAP // 4)])
    rows = (rows0, rows1)
    gsem = (gsem0, gsem1)
    wsem = (wsem0, wsem1)
    CH = 32

    def _fire_gather(ch):
        b = ch % 2
        off = base + ch * CH
        return pltpu.async_copy(x_hbm.at[selidx.at[pl.ds(off, CH)]],
                                rows[b], gsem[b])

    def _fire_write(ch):
        b = ch % 2
        off = base + ch * CH
        return pltpu.async_copy(rows[b],
                                xin_hbm.at[pl.ds(e * CAP + off, CH)],
                                wsem[b])

    g0 = _fire_gather(0)
    g1 = _fire_gather(1)
    g0.wait()
    w0 = _fire_write(0)
    g1.wait()
    w1 = _fire_write(1)
    w0.wait()
    g2 = _fire_gather(2)
    w1.wait()
    g3 = _fire_gather(3)
    g2.wait()
    w2 = _fire_write(2)
    g3.wait()
    w3 = _fire_write(3)
    w2.wait()
    w3.wait()


def _ffn_body(xin_ref, ws_ref, wg_ref, wu_ref, wd_ref, eo_ref, xb_ref,
              acc_ref, *, n_itile):
    e = pl.program_id(0)
    it = pl.program_id(1)

    @pl.when(jnp.logical_and(e < E, it == 0))
    def _():
        xb_ref[...] = xin_ref[...].astype(jnp.bfloat16)

    @pl.when(e < E)
    def _compute():
        xin = xb_ref[...]
        wg = wg_ref[0].astype(jnp.bfloat16)
        wu = wu_ref[0].astype(jnp.bfloat16)
        g = jax.lax.dot_general(xin, wg, (((1,), (1,)), ((), ())),
                                preferred_element_type=jnp.float32)
        u = jax.lax.dot_general(xin, wu, (((1,), (1,)), ((), ())),
                                preferred_element_type=jnp.float32)
        g = g / (1.0 + jnp.exp(-g))
        h = (g * u).astype(jnp.bfloat16)
        wd = wd_ref[0].astype(jnp.bfloat16)
        contrib = jax.lax.dot_general(h, wd, (((1,), (1,)), ((), ())),
                                      preferred_element_type=jnp.float32)

        @pl.when(it == 0)
        def _():
            acc_ref[...] = contrib

        @pl.when(it > 0)
        def _():
            acc_ref[...] = acc_ref[...] + contrib

    @pl.when(it == n_itile - 1)
    def _():
        acc = acc_ref[...] * ws_ref[0]
        eo_ref[...] = jnp.where(e < E, acc, 0.0)


def _combine_body(eo_hbm, fsT_hbm, out_hbm, fs1v, fs2v, idx1, idx2,
                  rows1a, rows1b, rows2a, rows2b, outa, outb_,
                  g1a, g1b, g2a, g2b, wsa, wsb, *, T, H):
    c = lax.axis_index("c")
    s = lax.axis_index("s")
    w = s * NC + c
    ntok = T // (NC * NS)
    tbase = w * ntok
    pltpu.sync_copy(fsT_hbm.at[0, pl.ds(tbase, ntok)], fs1v)
    pltpu.sync_copy(fsT_hbm.at[1, pl.ds(tbase, ntok)], fs2v)
    zrow = jnp.float32(E * CAP)
    for i in range(ntok // LN):
        sl = pl.ds(i * LN, LN)
        f1 = fs1v[sl]
        f2 = fs2v[sl]
        idx1[sl] = jnp.where(f1 >= 0.0, f1, zrow).astype(jnp.int32)
        idx2[sl] = jnp.where(f2 >= 0.0, f2, zrow).astype(jnp.int32)

    CH = 16
    nch = ntok // CH
    rows1 = (rows1a, rows1b)
    rows2 = (rows2a, rows2b)
    outb = (outa, outb_)
    g1s = (g1a, g1b)
    g2s = (g2a, g2b)
    wss = (wsa, wsb)

    def _fire(ch):
        b = ch % 2
        c1 = pltpu.async_copy(eo_hbm.at[idx1.at[pl.ds(ch * CH, CH)]],
                              rows1[b], g1s[b])
        c2 = pltpu.async_copy(eo_hbm.at[idx2.at[pl.ds(ch * CH, CH)]],
                              rows2[b], g2s[b])
        return c1, c2

    pend_g = [None, None]
    pend_w = [None, None]
    pend_g[0] = _fire(0)
    for ch in range(nch):
        b = ch % 2
        nb = 1 - b
        if ch + 1 < nch:
            if pend_w[nb] is not None:
                pend_w[nb].wait()
                pend_w[nb] = None
            pend_g[nb] = _fire(ch + 1)
        pend_g[b][0].wait()
        pend_g[b][1].wait()
        if pend_w[b] is not None:
            pend_w[b].wait()
            pend_w[b] = None
        r1 = rows1[b]
        r2 = rows2[b]
        ob = outb[b]

        def tok_body(i, carry):
            for j in range(H // LN):
                js = pl.ds(j * LN, LN)
                ob[i, js] = r1[i, js] + r2[i, js]
            return carry

        lax.fori_loop(0, CH, tok_body, 0)
        pend_w[b] = pltpu.async_copy(
            ob, out_hbm.at[pl.ds(tbase + ch * CH, CH)], wss[b])
    for b in range(2):
        if pend_w[b] is not None:
            pend_w[b].wait()


def kernel(x, gate_w, w_gate, w_up, w_down):
    B, S, H = x.shape
    T = B * S
    I = w_gate.shape[1]
    x_flat = x.reshape(T, H)

    mslotT, pT, fsT, aux, used = pl.pallas_call(
        _router_body,
        out_shape=(
            jax.ShapeDtypeStruct((E, T), jnp.float32),
            jax.ShapeDtypeStruct((E, T), jnp.float32),
            jax.ShapeDtypeStruct((E, T), jnp.float32),
            jax.ShapeDtypeStruct((1, 128), jnp.float32),
            jax.ShapeDtypeStruct((1, 128), jnp.int32),
        ),
    )(x_flat, gate_w)

    mesh = plsc.VectorSubcoreMesh(core_axis_name="c", subcore_axis_name="s",
                                  num_cores=NC, num_subcores=NS)
    xin, wslot = pl.kernel(
        functools.partial(_dispatch_body, T=T, H=H),
        out_type=(
            jax.ShapeDtypeStruct((E * CAP, H), jnp.float32),
            jax.ShapeDtypeStruct((E * CAP,), jnp.float32),
        ),
        mesh=mesh,
        scratch_types=[
            pltpu.VMEM((T,), jnp.float32),
            pltpu.VMEM((T,), jnp.float32),
            pltpu.VMEM((CAP,), jnp.int32),
            pltpu.VMEM((CAP,), jnp.float32),
            pltpu.VMEM((32, H), jnp.float32),
            pltpu.VMEM((32, H), jnp.float32),
            pltpu.SemaphoreType.DMA,
            pltpu.SemaphoreType.DMA,
            pltpu.SemaphoreType.DMA,
            pltpu.SemaphoreType.DMA,
        ],
        compiler_params=pltpu.CompilerParams(needs_layout_passes=False),
    )(x_flat, mslotT, pT)

    IT = 1024
    n_itile = I // IT
    wslot3 = wslot.reshape(E, CAP, 1)
    eo = pl.pallas_call(
        functools.partial(_ffn_body, n_itile=n_itile),
        grid=(E + 1, n_itile),
        in_specs=[
            pl.BlockSpec((CAP, H), lambda e, it: (jnp.minimum(e, E - 1), 0)),
            pl.BlockSpec((1, CAP, 1),
                         lambda e, it: (jnp.minimum(e, E - 1), 0, 0)),
            pl.BlockSpec((1, IT, H),
                         lambda e, it: (jnp.minimum(e, E - 1),
                                        jnp.where(e < E, it, n_itile - 1), 0)),
            pl.BlockSpec((1, IT, H),
                         lambda e, it: (jnp.minimum(e, E - 1),
                                        jnp.where(e < E, it, n_itile - 1), 0)),
            pl.BlockSpec((1, H, IT),
                         lambda e, it: (jnp.minimum(e, E - 1), 0,
                                        jnp.where(e < E, it, n_itile - 1))),
        ],
        out_specs=pl.BlockSpec((CAP, H), lambda e, it: (e, 0)),
        out_shape=jax.ShapeDtypeStruct(((E + 1) * CAP, H), jnp.float32),
        scratch_shapes=[
            pltpu.VMEM((CAP, H), jnp.bfloat16),
            pltpu.VMEM((CAP, H), jnp.float32),
        ],
        compiler_params=pltpu.CompilerParams(
            dimension_semantics=("arbitrary", "arbitrary"),
            vmem_limit_bytes=62 * 1024 * 1024,
        ),
    )(xin, wslot3, w_gate, w_up, w_down)

    out = pl.kernel(
        functools.partial(_combine_body, T=T, H=H),
        out_type=jax.ShapeDtypeStruct((T, H), jnp.float32),
        mesh=mesh,
        scratch_types=[
            pltpu.VMEM((T // (NC * NS),), jnp.float32),
            pltpu.VMEM((T // (NC * NS),), jnp.float32),
            pltpu.VMEM((T // (NC * NS),), jnp.int32),
            pltpu.VMEM((T // (NC * NS),), jnp.int32),
            pltpu.VMEM((16, H), jnp.float32),
            pltpu.VMEM((16, H), jnp.float32),
            pltpu.VMEM((16, H), jnp.float32),
            pltpu.VMEM((16, H), jnp.float32),
            pltpu.VMEM((16, H), jnp.float32),
            pltpu.VMEM((16, H), jnp.float32),
            pltpu.SemaphoreType.DMA,
            pltpu.SemaphoreType.DMA,
            pltpu.SemaphoreType.DMA,
            pltpu.SemaphoreType.DMA,
            pltpu.SemaphoreType.DMA,
            pltpu.SemaphoreType.DMA,
        ],
        compiler_params=pltpu.CompilerParams(needs_layout_passes=False),
    )(eo, fsT)

    return (out.reshape(B, S, H), aux[0, 0], used[0, 0])

# --- scband reference (transcript-rebuilt; emitter-appended) ---
"""Pipeline reference for scband-mo-efeed-forward-41240275976831 (READ-ONLY COPY).

The authoritative reference and input builder live on the scoring server;
editing this copy changes nothing except your own understanding.
"""

import jax, jax.numpy as jnp
import numpy as np

E = 8          # num_experts
K = 2          # num_experts_per_tok
CAP = 512      # expert_capacity
H = 1024       # hidden_size
I = 4096       # intermediate_size
B = 1
S = 2048


def setup_inputs(seed: int = 0) -> dict:
    key = jax.random.key(seed)
    ks = jax.random.split(key, 5)
    x = jax.random.normal(ks[0], (B, S, H), dtype=jnp.float32)
    gate_w = jax.random.normal(ks[1], (E, H), dtype=jnp.float32) * 0.02
    w_gate = jax.random.normal(ks[2], (E, I, H), dtype=jnp.float32) * 0.02
    w_up = jax.random.normal(ks[3], (E, I, H), dtype=jnp.float32) * 0.02
    w_down = jax.random.normal(ks[4], (E, H, I), dtype=jnp.float32) * 0.02
    return {"x": x, "gate_w": gate_w, "w_gate": w_gate, "w_up": w_up, "w_down": w_down}


def reference(x, gate_w, w_gate, w_up, w_down):
    Bx, Sx, Hx = x.shape
    T = Bx * Sx
    x_flat = x.reshape(T, Hx)
    # Router
    logits = x_flat @ gate_w.T                       # (T, E)
    probs = jax.nn.softmax(logits, axis=-1)
    routing_weights, routing_indices = jax.lax.top_k(probs, K)   # (T, K)
    routing_weights = routing_weights / routing_weights.sum(axis=-1, keepdims=True)
    expert_mask = jax.nn.one_hot(routing_indices, E, dtype=jnp.float32).sum(axis=1)  # (T, E)
    aux_loss = jnp.var(expert_mask.mean(axis=0), ddof=1) * E
    # Dispatch with fixed capacity (deterministic first-fit truncation
    # in place of torch.randperm-based dropping)
    output = jnp.zeros_like(x_flat)
    arange = jnp.arange(T)
    experts_used = 0
    for e in range(E):
        sel = (routing_indices == e).any(axis=-1)                # (T,) bool
        order = jnp.argsort(jnp.where(sel, arange, arange + T))  # selected tokens first
        sel_idx = order[:CAP]                                     # (CAP,)
        valid = sel[sel_idx].astype(x.dtype)                      # (CAP,)
        xin = x_flat[sel_idx]                                     # (CAP, H)
        gate = jax.nn.silu(xin @ w_gate[e].T)
        up = xin @ w_up[e].T
        eo = (gate * up) @ w_down[e].T                            # (CAP, H)
        w_tok = jnp.where(routing_indices[sel_idx] == e, routing_weights[sel_idx], 0.0).sum(axis=-1)
        output = output.at[sel_idx].add(eo * (w_tok * valid)[:, None])
        experts_used = experts_used + (sel.sum() > 0).astype(jnp.int32)
    output = output.reshape(Bx, Sx, Hx)
    return (output, aux_loss, experts_used)

if __name__ == "__main__":
    import jax
    _d = setup_inputs()
    print(jax.jit(kernel)(*tuple(_d.values())))

</pallas_src>

<mosaic_0001>
#map = affine_map<(d0, d1) -> (0, 0)>
#map1 = affine_map<(d0, d1) -> (0)>
module attributes {stable_mosaic.version = 14 : i64} {
  func.func @_dispatch_body(%arg0: i32, %arg1: i32, %arg2: memref<2048x1024xf32, #tpu.memory_space<hbm>>, %arg3: memref<8x2048xf32, #tpu.memory_space<hbm>>, %arg4: memref<8x2048xf32, #tpu.memory_space<hbm>>, %arg5: memref<4096x1024xf32, #tpu.memory_space<hbm>>, %arg6: memref<4096xf32, #tpu.memory_space<hbm>>, %arg7: memref<2048xf32, #tpu.memory_space<vmem>>, %arg8: memref<2048xf32, #tpu.memory_space<vmem>>, %arg9: memref<512xi32, #tpu.memory_space<vmem>>, %arg10: memref<512xf32, #tpu.memory_space<vmem>>, %arg11: memref<32x1024xf32, #tpu.memory_space<vmem>>, %arg12: memref<32x1024xf32, #tpu.memory_space<vmem>>, %arg13: memref<!tpu.dma_semaphore, #tpu.memory_space<semaphore_mem>>, %arg14: memref<!tpu.dma_semaphore, #tpu.memory_space<semaphore_mem>>, %arg15: memref<!tpu.dma_semaphore, #tpu.memory_space<semaphore_mem>>, %arg16: memref<!tpu.dma_semaphore, #tpu.memory_space<semaphore_mem>>) attributes {dimension_semantics = [#tpu.dimension_semantics<core_parallel>, #tpu.dimension_semantics<subcore_parallel>], iteration_bounds = array<i64: 2, 16>, scalar_prefetch = 0 : i64, scratch_operands = 10 : i64, tpu.core_type = #tpu.core_type<sc_vector_subcore>, window_params = [{transform_indices = #map}, {transform_indices = #map}, {transform_indices = #map}, {transform_indices = #map}, {transform_indices = #map1}]} {
    %mul3A = arith.constant 4 : i32
    %mul3A_0 = arith.muli %mul3A, %arg0 : i32
    %jit3A = arith.constant 4 : i32
    %div3A = arith.divsi %arg1, %jit3A : i32
    %sign3A = arith.constant 0 : i32
    %sign3A_1 = arith.cmpi sgt, %arg1, %sign3A : i32
    %sign3A_2 = arith.extui %sign3A_1 : i1 to i32
    %sign3A_3 = arith.constant 0 : i32
    %sign3A_4 = arith.cmpi slt, %arg1, %sign3A_3 : i32
    %sign3A_5 = arith.extui %sign3A_4 : i1 to i32
    %sign3A_6 = arith.subi %sign3A_2, %sign3A_5 : i32
    %sign3A_7 = arith.constant 0 : i32
    %sign3A_8 = arith.cmpi sgt, %jit3A, %sign3A_7 : i32
    %sign3A_9 = arith.extui %sign3A_8 : i1 to i32
    %sign3A_10 = arith.constant 0 : i32
    %sign3A_11 = arith.cmpi slt, %jit3A, %sign3A_10 : i32
    %sign3A_12 = arith.extui %sign3A_11 : i1 to i32
    %sign3A_13 = arith.subi %sign3A_9, %sign3A_12 : i32
    %ne3A = arith.cmpi ne, %sign3A_6, %sign3A_13 : i32
    %rem3A = arith.remsi %arg1, %jit3A : i32
    %ne3A_14 = arith.constant 0 : i32
    %ne3A_15 = arith.cmpi ne, %rem3A, %ne3A_14 : i32
    %and3A = arith.andi %ne3A, %ne3A_15 : i1
    %sub3A = arith.constant 1 : i32
    %sub3A_16 = arith.subi %div3A, %sub3A : i32
    %select_n3A = arith.select %and3A, %sub3A_16, %div3A : i32
    %add3A = arith.addi %mul3A_0, %select_n3A : i32
    %jit3A_17 = arith.constant 4 : i32
    %eq3A = arith.constant 0 : i32
    %eq3A_18 = arith.cmpi eq, %jit3A_17, %eq3A : i32
    %jit3A_19 = arith.constant 1 : i32
    %select_n3A_20 = arith.select %eq3A_18, %jit3A_19, %jit3A_17 : i32
    %rem3A_21 = arith.remsi %arg1, %select_n3A_20 : i32
    %ne3A_22 = arith.constant 0 : i32
    %ne3A_23 = arith.cmpi ne, %rem3A_21, %ne3A_22 : i32
    %lt3A = arith.constant 0 : i32
    %lt3A_24 = arith.cmpi slt, %rem3A_21, %lt3A : i32
    %lt3A_25 = arith.constant 0 : i32
    %lt3A_26 = arith.cmpi slt, %select_n3A_20, %lt3A_25 : i32
    %ne3A_27 = arith.xori %lt3A_24, %lt3A_26 : i1
    %and3A_28 = arith.andi %ne3A_27, %ne3A_23 : i1
    %add3A_29 = arith.addi %rem3A_21, %select_n3A_20 : i32
    %select_n3A_30 = arith.select %and3A_28, %add3A_29, %rem3A_21 : i32
    "tpu.region"() ({
      %run_scoped3A = tpu.sem_alloc : memref<!tpu.dma_semaphore, #tpu.memory_space<semaphore_mem>>
      %dma_start3A_261 = arith.constant 0 : i32
      %dma_start3A_262 = tpu.memref_slice %arg3[%add3A, %dma_start3A_261] : memref<8x2048xf32, #tpu.memory_space<hbm>> -> memref<1x2048xf32, #tpu.memory_space<hbm>>
      %dma_start3A_263 = tpu.memref_squeeze %dma_start3A_262 : memref<1x2048xf32, #tpu.memory_space<hbm>> -> memref<2048xf32, #tpu.memory_space<hbm>>
      %dma_start3A_264 = arith.constant 0 : i32
      %dma_start3A_265 = tpu.memref_slice %arg3[%add3A, %dma_start3A_264] : memref<8x2048xf32, #tpu.memory_space<hbm>> -> memref<1x2048xf32, #tpu.memory_space<hbm>>
      %dma_start3A_266 = tpu.memref_squeeze %dma_start3A_265 : memref<1x2048xf32, #tpu.memory_space<hbm>> -> memref<2048xf32, #tpu.memory_space<hbm>>
      tpu.enqueue_dma source(%dma_start3A_266 : memref<2048xf32, #tpu.memory_space<hbm>>) target(%arg7 : memref<2048xf32, #tpu.memory_space<vmem>>) target_semaphore(%run_scoped3A : memref<!tpu.dma_semaphore, #tpu.memory_space<semaphore_mem>>)
      %dma_wait3A_267 = arith.constant 0 : i32
      %dma_wait3A_268 = tpu.memref_slice %arg3[%add3A, %dma_wait3A_267] : memref<8x2048xf32, #tpu.memory_space<hbm>> -> memref<1x2048xf32, #tpu.memory_space<hbm>>
      %dma_wait3A_269 = tpu.memref_squeeze %dma_wait3A_268 : memref<1x2048xf32, #tpu.memory_space<hbm>> -> memref<2048xf32, #tpu.memory_space<hbm>>
      %dma_wait3A_270 = arith.constant 0 : i32
      %dma_wait3A_271 = tpu.memref_slice %arg3[%add3A, %dma_wait3A_270] : memref<8x2048xf32, #tpu.memory_space<hbm>> -> memref<1x2048xf32, #tpu.memory_space<hbm>>
      %dma_wait3A_272 = tpu.memref_squeeze %dma_wait3A_271 : memref<1x2048xf32, #tpu.memory_space<hbm>> -> memref<2048xf32, #tpu.memory_space<hbm>>
      tpu.wait_dma2 semaphore(%run_scoped3A : memref<!tpu.dma_semaphore, #tpu.memory_space<semaphore_mem>>) src(%dma_wait3A_272 : memref<2048xf32, #tpu.memory_space<hbm>>) dst(%arg7 : memref<2048xf32, #tpu.memory_space<vmem>>)
      tpu.yield
    }) : () -> ()
    "tpu.region"() ({
      %run_scoped3A = tpu.sem_alloc : memref<!tpu.dma_semaphore, #tpu.memory_space<semaphore_mem>>
      %dma_start3A_261 = arith.constant 0 : i32
      %dma_start3A_262 = tpu.memref_slice %arg4[%add3A, %dma_start3A_261] : memref<8x2048xf32, #tpu.memory_space<hbm>> -> memref<1x2048xf32, #tpu.memory_space<hbm>>
      %dma_start3A_263 = tpu.memref_squeeze %dma_start3A_262 : memref<1x2048xf32, #tpu.memory_space<hbm>> -> memref<2048xf32, #tpu.memory_space<hbm>>
      %dma_start3A_264 = arith.constant 0 : i32
      %dma_start3A_265 = tpu.memref_slice %arg4[%add3A, %dma_start3A_264] : memref<8x2048xf32, #tpu.memory_space<hbm>> -> memref<1x2048xf32, #tpu.memory_space<hbm>>
      %dma_start3A_266 = tpu.memref_squeeze %dma_start3A_265 : memref<1x2048xf32, #tpu.memory_space<hbm>> -> memref<2048xf32, #tpu.memory_space<hbm>>
      tpu.enqueue_dma source(%dma_start3A_266 : memref<2048xf32, #tpu.memory_space<hbm>>) target(%arg8 : memref<2048xf32, #tpu.memory_space<vmem>>) target_semaphore(%run_scoped3A : memref<!tpu.dma_semaphore, #tpu.memory_space<semaphore_mem>>)
      %dma_wait3A_267 = arith.constant 0 : i32
      %dma_wait3A_268 = tpu.memref_slice %arg4[%add3A, %dma_wait3A_267] : memref<8x2048xf32, #tpu.memory_space<hbm>> -> memref<1x2048xf32, #tpu.memory_space<hbm>>
      %dma_wait3A_269 = tpu.memref_squeeze %dma_wait3A_268 : memref<1x2048xf32, #tpu.memory_space<hbm>> -> memref<2048xf32, #tpu.memory_space<hbm>>
      %dma_wait3A_270 = arith.constant 0 : i32
      %dma_wait3A_271 = tpu.memref_slice %arg4[%add3A, %dma_wait3A_270] : memref<8x2048xf32, #tpu.memory_space<hbm>> -> memref<1x2048xf32, #tpu.memory_space<hbm>>
      %dma_wait3A_272 = tpu.memref_squeeze %dma_wait3A_271 : memref<1x2048xf32, #tpu.memory_space<hbm>> -> memref<2048xf32, #tpu.memory_space<hbm>>
      tpu.wait_dma2 semaphore(%run_scoped3A : memref<!tpu.dma_semaphore, #tpu.memory_space<semaphore_mem>>) src(%dma_wait3A_272 : memref<2048xf32, #tpu.memory_space<hbm>>) dst(%arg8 : memref<2048xf32, #tpu.memory_space<vmem>>)
      tpu.yield
    }) : () -> ()
    %broadcast_in_dim3A = arith.constant 0 : i32
    %broadcast_in_dim3A_31 = vector.broadcast %broadcast_in_dim3A : i32 to vector<16xi32>
    %broadcast_in_dim3A_32 = arith.constant 0.000000e+00 : f32
    %broadcast_in_dim3A_33 = vector.broadcast %broadcast_in_dim3A_32 : f32 to vector<16xf32>
    %swap3A = arith.constant 0 : index
    %swap3A_34 = tpu.vector_load %arg9[%swap3A] {strides = array<i32>} : memref<512xi32, #tpu.memory_space<vmem>>, vector<16xi32>,
    tpu.vector_store %arg9[%swap3A], %broadcast_in_dim3A_31 {strides = array<i32>} : memref<512xi32, #tpu.memory_space<vmem>>, vector<16xi32>,
    %swap3A_35 = arith.constant 0 : index
    %swap3A_36 = tpu.vector_load %arg10[%swap3A_35] {strides = array<i32>} : memref<512xf32, #tpu.memory_space<vmem>>, vector<16xf32>,
    tpu.vector_store %arg10[%swap3A_35], %broadcast_in_dim3A_33 {strides = array<i32>} : memref<512xf32, #tpu.memory_space<vmem>>, vector<16xf32>,
    %swap3A_37 = arith.constant 16 : index
    %swap3A_38 = tpu.vector_load %arg9[%swap3A_37] {strides = array<i32>} : memref<512xi32, #tpu.memory_space<vmem>>, vector<16xi32>,
    tpu.vector_store %arg9[%swap3A_37], %broadcast_in_dim3A_31 {strides = array<i32>} : memref<512xi32, #tpu.memory_space<vmem>>, vector<16xi32>,
    %swap3A_39 = arith.constant 16 : index
    %swap3A_40 = tpu.vector_load %arg10[%swap3A_39] {strides = array<i32>} : memref<512xf32, #tpu.memory_space<vmem>>, vector<16xf32>,
    tpu.vector_store %arg10[%swap3A_39], %broadcast_in_dim3A_33 {strides = array<i32>} : memref<512xf32, #tpu.memory_space<vmem>>, vector<16xf32>,
    %swap3A_41 = arith.constant 32 : index
    %swap3A_42 = tpu.vector_load %arg9[%swap3A_41] {strides = array<i32>} : memref<512xi32, #tpu.memory_space<vmem>>, vector<16xi32>,
    tpu.vector_store %arg9[%swap3A_41], %broadcast_in_dim3A_31 {strides = array<i32>} : memref<512xi32, #tpu.memory_space<vmem>>, vector<16xi32>,
    %swap3A_43 = arith.constant 32 : index
    %swap3A_44 = tpu.vector_load %arg10[%swap3A_43] {strides = array<i32>} : memref<512xf32, #tpu.memory_space<vmem>>, vector<16xf32>,
    tpu.vector_store %arg10[%swap3A_43], %broadcast_in_dim3A_33 {strides = array<i32>} : memref<512xf32, #tpu.memory_space<vmem>>, vector<16xf32>,
    %swap3A_45 = arith.constant 48 : index
    %swap3A_46 = tpu.vector_load %arg9[%swap3A_45] {strides = array<i32>} : memref<512xi32, #tpu.memory_space<vmem>>, vector<16xi32>,
    tpu.vector_store %arg9[%swap3A_45], %broadcast_in_dim3A_31 {strides = array<i32>} : memref<512xi32, #tpu.memory_space<vmem>>, vector<16xi32>,
    %swap3A_47 = arith.constant 48 : index
    %swap3A_48 = tpu.vector_load %arg10[%swap3A_47] {strides = array<i32>} : memref<512xf32, #tpu.memory_space<vmem>>, vector<16xf32>,
    tpu.vector_store %arg10[%swap3A_47], %broadcast_in_dim3A_33 {strides = array<i32>} : memref<512xf32, #tpu.memory_space<vmem>>, vector<16xf32>,
    %swap3A_49 = arith.constant 64 : index
    %swap3A_50 = tpu.vector_load %arg9[%swap3A_49] {strides = array<i32>} : memref<512xi32, #tpu.memory_space<vmem>>, vector<16xi32>,
    tpu.vector_store %arg9[%swap3A_49], %broadcast_in_dim3A_31 {strides = array<i32>} : memref<512xi32, #tpu.memory_space<vmem>>, vector<16xi32>,
    %swap3A_51 = arith.constant 64 : index
    %swap3A_52 = tpu.vector_load %arg10[%swap3A_51] {strides = array<i32>} : memref<512xf32, #tpu.memory_space<vmem>>, vector<16xf32>,
    tpu.vector_store %arg10[%swap3A_51], %broadcast_in_dim3A_33 {strides = array<i32>} : memref<512xf32, #tpu.memory_space<vmem>>, vector<16xf32>,
    %swap3A_53 = arith.constant 80 : index
    %swap3A_54 = tpu.vector_load %arg9[%swap3A_53] {strides = array<i32>} : memref<512xi32, #tpu.memory_space<vmem>>, vector<16xi32>,
    tpu.vector_store %arg9[%swap3A_53], %broadcast_in_dim3A_31 {strides = array<i32>} : memref<512xi32, #tpu.memory_space<vmem>>, vector<16xi32>,
    %swap3A_55 = arith.constant 80 : index
    %swap3A_56 = tpu.vector_load %arg10[%swap3A_55] {strides = array<i32>} : memref<512xf32, #tpu.memory_space<vmem>>, vector<16xf32>,
    tpu.vector_store %arg10[%swap3A_55], %broadcast_in_dim3A_33 {strides = array<i32>} : memref<512xf32, #tpu.memory_space<vmem>>, vector<16xf32>,
    %swap3A_57 = arith.constant 96 : index
    %swap3A_58 = tpu.vector_load %arg9[%swap3A_57] {strides = array<i32>} : memref<512xi32, #tpu.memory_space<vmem>>, vector<16xi32>,
    tpu.vector_store %arg9[%swap3A_57], %broadcast_in_dim3A_31 {strides = array<i32>} : memref<512xi32, #tpu.memory_space<vmem>>, vector<16xi32>,
    %swap3A_59 = arith.constant 96 : index
    %swap3A_60 = tpu.vector_load %arg10[%swap3A_59] {strides = array<i32>} : memref<512xf32, #tpu.memory_space<vmem>>, vector<16xf32>,
    tpu.vector_store %arg10[%swap3A_59], %broadcast_in_dim3A_33 {strides = array<i32>} : memref<512xf32, #tpu.memory_space<vmem>>, vector<16xf32>,
    %swap3A_61 = arith.constant 112 : index
    %swap3A_62 = tpu.vector_load %arg9[%swap3A_61] {strides = array<i32>} : memref<512xi32, #tpu.memory_space<vmem>>, vector<16xi32>,
    tpu.vector_store %arg9[%swap3A_61], %broadcast_in_dim3A_31 {strides = array<i32>} : memref<512xi32, #tpu.memory_space<vmem>>, vector<16xi32>,
    %swap3A_63 = arith.constant 112 : index
    %swap3A_64 = tpu.vector_load %arg10[%swap3A_63] {strides = array<i32>} : memref<512xf32, #tpu.memory_space<vmem>>, vector<16xf32>,
    tpu.vector_store %arg10[%swap3A_63], %broadcast_in_dim3A_33 {strides = array<i32>} : memref<512xf32, #tpu.memory_space<vmem>>, vector<16xf32>,
    %swap3A_65 = arith.constant 128 : index
    %swap3A_66 = tpu.vector_load %arg9[%swap3A_65] {strides = array<i32>} : memref<512xi32, #tpu.memory_space<vmem>>, vector<16xi32>,
    tpu.vector_store %arg9[%swap3A_65], %broadcast_in_dim3A_31 {strides = array<i32>} : memref<512xi32, #tpu.memory_space<vmem>>, vector<16xi32>,
    %swap3A_67 = arith.constant 128 : index
    %swap3A_68 = tpu.vector_load %arg10[%swap3A_67] {strides = array<i32>} : memref<512xf32, #tpu.memory_space<vmem>>, vector<16xf32>,
    tpu.vector_store %arg10[%swap3A_67], %broadcast_in_dim3A_33 {strides = array<i32>} : memref<512xf32, #tpu.memory_space<vmem>>, vector<16xf32>,
    %swap3A_69 = arith.constant 144 : index
    %swap3A_70 = tpu.vector_load %arg9[%swap3A_69] {strides = array<i32>} : memref<512xi32, #tpu.memory_space<vmem>>, vector<16xi32>,
    tpu.vector_store %arg9[%swap3A_69], %broadcast_in_dim3A_31 {strides = array<i32>} : memref<512xi32, #tpu.memory_space<vmem>>, vector<16xi32>,
    %swap3A_71 = arith.constant 144 : index
    %swap3A_72 = tpu.vector_load %arg10[%swap3A_71] {strides = array<i32>} : memref<512xf32, #tpu.memory_space<vmem>>, vector<16xf32>,
    tpu.vector_store %arg10[%swap3A_71], %broadcast_in_dim3A_33 {strides = array<i32>} : memref<512xf32, #tpu.memory_space<vmem>>, vector<16xf32>,
    %swap3A_73 = arith.constant 160 : index
    %swap3A_74 = tpu.vector_load %arg9[%swap3A_73] {strides = array<i32>} : memref<512xi32, #tpu.memory_space<vmem>>, vector<16xi32>,
    tpu.vector_store %arg9[%swap3A_73], %broadcast_in_dim3A_31 {strides = array<i32>} : memref<512xi32, #tpu.memory_space<vmem>>, vector<16xi32>,
    %swap3A_75 = arith.constant 160 : index
    %swap3A_76 = tpu.vector_load %arg10[%swap3A_75] {strides = array<i32>} : memref<512xf32, #tpu.memory_space<vmem>>, vector<16xf32>,
    tpu.vector_store %arg10[%swap3A_75], %broadcast_in_dim3A_33 {strides = array<i32>} : memref<512xf32, #tpu.memory_space<vmem>>, vector<16xf32>,
    %swap3A_77 = arith.constant 176 : index
    %swap3A_78 = tpu.vector_load %arg9[%swap3A_77] {strides = array<i32>} : memref<512xi32, #tpu.memory_space<vmem>>, vector<16xi32>,
    tpu.vector_store %arg9[%swap3A_77], %broadcast_in_dim3A_31 {strides = array<i32>} : memref<512xi32, #tpu.memory_space<vmem>>, vector<16xi32>,
    %swap3A_79 = arith.constant 176 : index
    %swap3A_80 = tpu.vector_load %arg10[%swap3A_79] {strides = array<i32>} : memref<512xf32, #tpu.memory_space<vmem>>, vector<16xf32>,
    tpu.vector_store %arg10[%swap3A_79], %broadcast_in_dim3A_33 {strides = array<i32>} : memref<512xf32, #tpu.memory_space<vmem>>, vector<16xf32>,
    %swap3A_81 = arith.constant 192 : index
    %swap3A_82 = tpu.vector_load %arg9[%swap3A_81] {strides = array<i32>} : memref<512xi32, #tpu.memory_space<vmem>>, vector<16xi32>,
    tpu.vector_store %arg9[%swap3A_81], %broadcast_in_dim3A_31 {strides = array<i32>} : memref<512xi32, #tpu.memory_space<vmem>>, vector<16xi32>,
    %swap3A_83 = arith.constant 192 : index
    %swap3A_84 = tpu.vector_load %arg10[%swap3A_83] {strides = array<i32>} : memref<512xf32, #tpu.memory_space<vmem>>, vector<16xf32>,
    tpu.vector_store %arg10[%swap3A_83], %broadcast_in_dim3A_33 {strides = array<i32>} : memref<512xf32, #tpu.memory_space<vmem>>, vector<16xf32>,
    %swap3A_85 = arith.constant 208 : index
    %swap3A_86 = tpu.vector_load %arg9[%swap3A_85] {strides = array<i32>} : memref<512xi32, #tpu.memory_space<vmem>>, vector<16xi32>,
    tpu.vector_store %arg9[%swap3A_85], %broadcast_in_dim3A_31 {strides = array<i32>} : memref<512xi32, #tpu.memory_space<vmem>>, vector<16xi32>,
    %swap3A_87 = arith.constant 208 : index
    %swap3A_88 = tpu.vector_load %arg10[%swap3A_87] {strides = array<i32>} : memref<512xf32, #tpu.memory_space<vmem>>, vector<16xf32>,
    tpu.vector_store %arg10[%swap3A_87], %broadcast_in_dim3A_33 {strides = array<i32>} : memref<512xf32, #tpu.memory_space<vmem>>, vector<16xf32>,
    %swap3A_89 = arith.constant 224 : index
    %swap3A_90 = tpu.vector_load %arg9[%swap3A_89] {strides = array<i32>} : memref<512xi32, #tpu.memory_space<vmem>>, vector<16xi32>,
    tpu.vector_store %arg9[%swap3A_89], %broadcast_in_dim3A_31 {strides = array<i32>} : memref<512xi32, #tpu.memory_space<vmem>>, vector<16xi32>,
    %swap3A_91 = arith.constant 224 : index
    %swap3A_92 = tpu.vector_load %arg10[%swap3A_91] {strides = array<i32>} : memref<512xf32, #tpu.memory_space<vmem>>, vector<16xf32>,
    tpu.vector_store %arg10[%swap3A_91], %broadcast_in_dim3A_33 {strides = array<i32>} : memref<512xf32, #tpu.memory_space<vmem>>, vector<16xf32>,
    %swap3A_93 = arith.constant 240 : index
    %swap3A_94 = tpu.vector_load %arg9[%swap3A_93] {strides = array<i32>} : memref<512xi32, #tpu.memory_space<vmem>>, vector<16xi32>,
    tpu.vector_store %arg9[%swap3A_93], %broadcast_in_dim3A_31 {strides = array<i32>} : memref<512xi32, #tpu.memory_space<vmem>>, vector<16xi32>,
    %swap3A_95 = arith.constant 240 : index
    %swap3A_96 = tpu.vector_load %arg10[%swap3A_95] {strides = array<i32>} : memref<512xf32, #tpu.memory_space<vmem>>, vector<16xf32>,
    tpu.vector_store %arg10[%swap3A_95], %broadcast_in_dim3A_33 {strides = array<i32>} : memref<512xf32, #tpu.memory_space<vmem>>, vector<16xf32>,
    %swap3A_97 = arith.constant 256 : index
    %swap3A_98 = tpu.vector_load %arg9[%swap3A_97] {strides = array<i32>} : memref<512xi32, #tpu.memory_space<vmem>>, vector<16xi32>,
    tpu.vector_store %arg9[%swap3A_97], %broadcast_in_dim3A_31 {strides = array<i32>} : memref<512xi32, #tpu.memory_space<vmem>>, vector<16xi32>,
    %swap3A_99 = arith.constant 256 : index
    %swap3A_100 = tpu.vector_load %arg10[%swap3A_99] {strides = array<i32>} : memref<512xf32, #tpu.memory_space<vmem>>, vector<16xf32>,
    tpu.vector_store %arg10[%swap3A_99], %broadcast_in_dim3A_33 {strides = array<i32>} : memref<512xf32, #tpu.memory_space<vmem>>, vector<16xf32>,
    %swap3A_101 = arith.constant 272 : index
    %swap3A_102 = tpu.vector_load %arg9[%swap3A_101] {strides = array<i32>} : memref<512xi32, #tpu.memory_space<vmem>>, vector<16xi32>,
    tpu.vector_store %arg9[%swap3A_101], %broadcast_in_dim3A_31 {strides = array<i32>} : memref<512xi32, #tpu.memory_space<vmem>>, vector<16xi32>,
    %swap3A_103 = arith.constant 272 : index
    %swap3A_104 = tpu.vector_load %arg10[%swap3A_103] {strides = array<i32>} : memref<512xf32, #tpu.memory_space<vmem>>, vector<16xf32>,
    tpu.vector_store %arg10[%swap3A_103], %broadcast_in_dim3A_33 {strides = array<i32>} : memref<512xf32, #tpu.memory_space<vmem>>, vector<16xf32>,
    %swap3A_105 = arith.constant 288 : index
    %swap3A_106 = tpu.vector_load %arg9[%swap3A_105] {strides = array<i32>} : memref<512xi32, #tpu.memory_space<vmem>>, vector<16xi32>,
    tpu.vector_store %arg9[%swap3A_105], %broadcast_in_dim3A_31 {strides = array<i32>} : memref<512xi32, #tpu.memory_space<vmem>>, vector<16xi32>,
    %swap3A_107 = arith.constant 288 : index
    %swap3A_108 = tpu.vector_load %arg10[%swap3A_107] {strides = array<i32>} : memref<512xf32, #tpu.memory_space<vmem>>, vector<16xf32>,
    tpu.vector_store %arg10[%swap3A_107], %broadcast_in_dim3A_33 {strides = array<i32>} : memref<512xf32, #tpu.memory_space<vmem>>, vector<16xf32>,
    %swap3A_109 = arith.constant 304 : index
    %swap3A_110 = tpu.vector_load %arg9[%swap3A_109] {strides = array<i32>} : memref<512xi32, #tpu.memory_space<vmem>>, vector<16xi32>,
    tpu.vector_store %arg9[%swap3A_109], %broadcast_in_dim3A_31 {strides = array<i32>} : memref<512xi32, #tpu.memory_space<vmem>>, vector<16xi32>,
    %swap3A_111 = arith.constant 304 : index
    %swap3A_112 = tpu.vector_load %arg10[%swap3A_111] {strides = array<i32>} : memref<512xf32, #tpu.memory_space<vmem>>, vector<16xf32>,
    tpu.vector_store %arg10[%swap3A_111], %broadcast_in_dim3A_33 {strides = array<i32>} : memref<512xf32, #tpu.memory_space<vmem>>, vector<16xf32>,
    %swap3A_113 = arith.constant 320 : index
    %swap3A_114 = tpu.vector_load %arg9[%swap3A_113] {strides = array<i32>} : memref<512xi32, #tpu.memory_space<vmem>>, vector<16xi32>,
    tpu.vector_store %arg9[%swap3A_113], %broadcast_in_dim3A_31 {strides = array<i32>} : memref<512xi32, #tpu.memory_space<vmem>>, vector<16xi32>,
    %swap3A_115 = arith.constant 320 : index
    %swap3A_116 = tpu.vector_load %arg10[%swap3A_115] {strides = array<i32>} : memref<512xf32, #tpu.memory_space<vmem>>, vector<16xf32>,
    tpu.vector_store %arg10[%swap3A_115], %broadcast_in_dim3A_33 {strides = array<i32>} : memref<512xf32, #tpu.memory_space<vmem>>, vector<16xf32>,
    %swap3A_117 = arith.constant 336 : index
    %swap3A_118 = tpu.vector_load %arg9[%swap3A_117] {strides = array<i32>} : memref<512xi32, #tpu.memory_space<vmem>>, vector<16xi32>,
    tpu.vector_store %arg9[%swap3A_117], %broadcast_in_dim3A_31 {strides = array<i32>} : memref<512xi32, #tpu.memory_space<vmem>>, vector<16xi32>,
    %swap3A_119 = arith.constant 336 : index
    %swap3A_120 = tpu.vector_load %arg10[%swap3A_119] {strides = array<i32>} : memref<512xf32, #tpu.memory_space<vmem>>, vector<16xf32>,
    tpu.vector_store %arg10[%swap3A_119], %broadcast_in_dim3A_33 {strides = array<i32>} : memref<512xf32, #tpu.memory_space<vmem>>, vector<16xf32>,
    %swap3A_121 = arith.constant 352 : index
    %swap3A_122 = tpu.vector_load %arg9[%swap3A_121] {strides = array<i32>} : memref<512xi32, #tpu.memory_space<vmem>>, vector<16xi32>,
    tpu.vector_store %arg9[%swap3A_121], %broadcast_in_dim3A_31 {strides = array<i32>} : memref<512xi32, #tpu.memory_space<vmem>>, vector<16xi32>,
    %swap3A_123 = arith.constant 352 : index
    %swap3A_124 = tpu.vector_load %arg10[%swap3A_123] {strides = array<i32>} : memref<512xf32, #tpu.memory_space<vmem>>, vector<16xf32>,
    tpu.vector_store %arg10[%swap3A_123], %broadcast_in_dim3A_33 {strides = array<i32>} : memref<512xf32, #tpu.memory_space<vmem>>, vector<16xf32>,
    %swap3A_125 = arith.constant 368 : index
    %swap3A_126 = tpu.vector_load %arg9[%swap3A_125] {strides = array<i32>} : memref<512xi32, #tpu.memory_space<vmem>>, vector<16xi32>,
    tpu.vector_store %arg9[%swap3A_125], %broadcast_in_dim3A_31 {strides = array<i32>} : memref<512xi32, #tpu.memory_space<vmem>>, vector<16xi32>,
    %swap3A_127 = arith.constant 368 : index
    %swap3A_128 = tpu.vector_load %arg10[%swap3A_127] {strides = array<i32>} : memref<512xf32, #tpu.memory_space<vmem>>, vector<16xf32>,
    tpu.vector_store %arg10[%swap3A_127], %broadcast_in_dim3A_33 {strides = array<i32>} : memref<512xf32, #tpu.memory_space<vmem>>, vector<16xf32>,
    %swap3A_129 = arith.constant 384 : index
    %swap3A_130 = tpu.vector_load %arg9[%swap3A_129] {strides = array<i32>} : memref<512xi32, #tpu.memory_space<vmem>>, vector<16xi32>,
    tpu.vector_store %arg9[%swap3A_129], %broadcast_in_dim3A_31 {strides = array<i32>} : memref<512xi32, #tpu.memory_space<vmem>>, vector<16xi32>,
    %swap3A_131 = arith.constant 384 : index
    %swap3A_132 = tpu.vector_load %arg10[%swap3A_131] {strides = array<i32>} : memref<512xf32, #tpu.memory_space<vmem>>, vector<16xf32>,
    tpu.vector_store %arg10[%swap3A_131], %broadcast_in_dim3A_33 {strides = array<i32>} : memref<512xf32, #tpu.memory_space<vmem>>, vector<16xf32>,
    %swap3A_133 = arith.constant 400 : index
    %swap3A_134 = tpu.vector_load %arg9[%swap3A_133] {strides = array<i32>} : memref<512xi32, #tpu.memory_space<vmem>>, vector<16xi32>,
    tpu.vector_store %arg9[%swap3A_133], %broadcast_in_dim3A_31 {strides = array<i32>} : memref<512xi32, #tpu.memory_space<vmem>>, vector<16xi32>,
    %swap3A_135 = arith.constant 400 : index
    %swap3A_136 = tpu.vector_load %arg10[%swap3A_135] {strides = array<i32>} : memref<512xf32, #tpu.memory_space<vmem>>, vector<16xf32>,
    tpu.vector_store %arg10[%swap3A_135], %broadcast_in_dim3A_33 {strides = array<i32>} : memref<512xf32, #tpu.memory_space<vmem>>, vector<16xf32>,
    %swap3A_137 = arith.constant 416 : index
    %swap3A_138 = tpu.vector_load %arg9[%swap3A_137] {strides = array<i32>} : memref<512xi32, #tpu.memory_space<vmem>>, vector<16xi32>,
    tpu.vector_store %arg9[%swap3A_137], %broadcast_in_dim3A_31 {strides = array<i32>} : memref<512xi32, #tpu.memory_space<vmem>>, vector<16xi32>,
    %swap3A_139 = arith.constant 416 : index
    %swap3A_140 = tpu.vector_load %arg10[%swap3A_139] {strides = array<i32>} : memref<512xf32, #tpu.memory_space<vmem>>, vector<16xf32>,
    tpu.vector_store %arg10[%swap3A_139], %broadcast_in_dim3A_33 {strides = array<i32>} : memref<512xf32, #tpu.memory_space<vmem>>, vector<16xf32>,
    %swap3A_141 = arith.constant 432 : index
    %swap3A_142 = tpu.vector_load %arg9[%swap3A_141] {strides = array<i32>} : memref<512xi32, #tpu.memory_space<vmem>>, vector<16xi32>,
    tpu.vector_store %arg9[%swap3A_141], %broadcast_in_dim3A_31 {strides = array<i32>} : memref<512xi32, #tpu.memory_space<vmem>>, vector<16xi32>,
    %swap3A_143 = arith.constant 432 : index
    %swap3A_144 = tpu.vector_load %arg10[%swap3A_143] {strides = array<i32>} : memref<512xf32, #tpu.memory_space<vmem>>, vector<16xf32>,
    tpu.vector_store %arg10[%swap3A_143], %broadcast_in_dim3A_33 {strides = array<i32>} : memref<512xf32, #tpu.memory_space<vmem>>, vector<16xf32>,
    %swap3A_145 = arith.constant 448 : index
    %swap3A_146 = tpu.vector_load %arg9[%swap3A_145] {strides = array<i32>} : memref<512xi32, #tpu.memory_space<vmem>>, vector<16xi32>,
    tpu.vector_store %arg9[%swap3A_145], %broadcast_in_dim3A_31 {strides = array<i32>} : memref<512xi32, #tpu.memory_space<vmem>>, vector<16xi32>,
    %swap3A_147 = arith.constant 448 : index
    %swap3A_148 = tpu.vector_load %arg10[%swap3A_147] {strides = array<i32>} : memref<512xf32, #tpu.memory_space<vmem>>, vector<16xf32>,
    tpu.vector_store %arg10[%swap3A_147], %broadcast_in_dim3A_33 {strides = array<i32>} : memref<512xf32, #tpu.memory_space<vmem>>, vector<16xf32>,
    %swap3A_149 = arith.constant 464 : index
    %swap3A_150 = tpu.vector_load %arg9[%swap3A_149] {strides = array<i32>} : memref<512xi32, #tpu.memory_space<vmem>>, vector<16xi32>,
    tpu.vector_store %arg9[%swap3A_149], %broadcast_in_dim3A_31 {strides = array<i32>} : memref<512xi32, #tpu.memory_space<vmem>>, vector<16xi32>,
    %swap3A_151 = arith.constant 464 : index
    %swap3A_152 = tpu.vector_load %arg10[%swap3A_151] {strides = array<i32>} : memref<512xf32, #tpu.memory_space<vmem>>, vector<16xf32>,
    tpu.vector_store %arg10[%swap3A_151], %broadcast_in_dim3A_33 {strides = array<i32>} : memref<512xf32, #tpu.memory_space<vmem>>, vector<16xf32>,
    %swap3A_153 = arith.constant 480 : index
    %swap3A_154 = tpu.vector_load %arg9[%swap3A_153] {strides = array<i32>} : memref<512xi32, #tpu.memory_space<vmem>>, vector<16xi32>,
    tpu.vector_store %arg9[%swap3A_153], %broadcast_in_dim3A_31 {strides = array<i32>} : memref<512xi32, #tpu.memory_space<vmem>>, vector<16xi32>,
    %swap3A_155 = arith.constant 480 : index
    %swap3A_156 = tpu.vector_load %arg10[%swap3A_155] {strides = array<i32>} : memref<512xf32, #tpu.memory_space<vmem>>, vector<16xf32>,
    tpu.vector_store %arg10[%swap3A_155], %broadcast_in_dim3A_33 {strides = array<i32>} : memref<512xf32, #tpu.memory_space<vmem>>, vector<16xf32>,
    %swap3A_157 = arith.constant 496 : index
    %swap3A_158 = tpu.vector_load %arg9[%swap3A_157] {strides = array<i32>} : memref<512xi32, #tpu.memory_space<vmem>>, vector<16xi32>,
    tpu.vector_store %arg9[%swap3A_157], %broadcast_in_dim3A_31 {strides = array<i32>} : memref<512xi32, #tpu.memory_space<vmem>>, vector<16xi32>,
    %swap3A_159 = arith.constant 496 : index
    %swap3A_160 = tpu.vector_load %arg10[%swap3A_159] {strides = array<i32>} : memref<512xf32, #tpu.memory_space<vmem>>, vector<16xf32>,
    tpu.vector_store %arg10[%swap3A_159], %broadcast_in_dim3A_33 {strides = array<i32>} : memref<512xf32, #tpu.memory_space<vmem>>, vector<16xf32>,
    %scan3A = arith.constant 0 : i32
    %scan3A_161 = arith.constant 0 : i32
    %scan3A_162 = arith.constant 128 : i32
    %scan3A_163 = arith.addi %scan3A_161, %scan3A_162 : i32
    %scan3A_164 = arith.constant 1 : i32
    scf.for %scan3A_261 = %scan3A_161 to %scan3A_163 step %scan3A_164  : i32 {
      %mul3A_262 = arith.constant 16 : i32
      %mul3A_263 = arith.muli %scan3A_261, %mul3A_262 : i32
      %get3A = arith.index_cast %mul3A_263 : i32 to index
      %get3A_264 = tpu.vector_load %arg7[%get3A] {strides = array<i32>} : memref<2048xf32, #tpu.memory_space<vmem>>, vector<16xf32>,
      %mul3A_265 = arith.constant 16 : i32
      %mul3A_266 = arith.muli %scan3A_261, %mul3A_265 : i32
      %get3A_267 = arith.index_cast %mul3A_266 : i32 to index
      %get3A_268 = tpu.vector_load %arg8[%get3A_267] {strides = array<i32>} : memref<2048xf32, #tpu.memory_space<vmem>>, vector<16xf32>,
      %convert_element_type3A = arith.fptosi %get3A_264 : vector<16xf32> to vector<16xi32>
      %ge3A = arith.constant 0.000000e+00 : f32
      %ge3A_269 = vector.broadcast %ge3A : f32 to vector<16xf32>
      %ge3A_270 = arith.cmpf oge, %get3A_264, %ge3A_269 : vector<16xf32>
      %iota3A = tpu.iota {dimensions = array<i32: 0>} : vector<16xi32>
      %mul3A_271 = arith.constant 16 : i32
      %mul3A_272 = arith.muli %scan3A_261, %mul3A_271 : i32
      %add3A_273 = vector.broadcast %mul3A_272 : i32 to vector<16xi32>
      %add3A_274 = arith.addi %iota3A, %add3A_273 : vector<16xi32>
      tpu.vector_store_idx %arg9[%convert_element_type3A], %add3A_274 masked %ge3A_270 : memref<512xi32, #tpu.memory_space<vmem>>[vector<16xi32>], vector<16xi32>, vector<16xi1>
      tpu.vector_store_idx %arg10[%convert_element_type3A], %get3A_268 masked %ge3A_270 : memref<512xf32, #tpu.memory_space<vmem>>[vector<16xi32>], vector<16xf32>, vector<16xi1>
    }
    %scan3A_165 = arith.constant 128 : i32
    %mul3A_166 = arith.constant 128 : i32
    %mul3A_167 = arith.muli %select_n3A_30, %mul3A_166 : i32
    %mul3A_168 = arith.constant 512 : i32
    %mul3A_169 = arith.muli %add3A, %mul3A_168 : i32
    %add3A_170 = arith.addi %mul3A_169, %mul3A_167 : i32
    "tpu.region"() ({
      %run_scoped3A = tpu.sem_alloc : memref<!tpu.dma_semaphore, #tpu.memory_space<semaphore_mem>>
      %dma_start3A_261 = tpu.memref_slice %arg10[%mul3A_167] : memref<512xf32, #tpu.memory_space<vmem>> -> memref<128xf32, #tpu.memory_space<vmem>>
      %dma_start3A_262 = tpu.memref_slice %arg6[%add3A_170] : memref<4096xf32, #tpu.memory_space<hbm>> -> memref<128xf32, #tpu.memory_space<hbm>>
      %dma_start3A_263 = tpu.memref_slice %arg6[%add3A_170] : memref<4096xf32, #tpu.memory_space<hbm>> -> memref<128xf32, #tpu.memory_space<hbm>>
      %dma_start3A_264 = tpu.memref_slice %arg10[%mul3A_167] : memref<512xf32, #tpu.memory_space<vmem>> -> memref<128xf32, #tpu.memory_space<vmem>>
      tpu.enqueue_dma source(%dma_start3A_264 : memref<128xf32, #tpu.memory_space<vmem>>) target(%dma_start3A_263 : memref<128xf32, #tpu.memory_space<hbm>>) target_semaphore(%run_scoped3A : memref<!tpu.dma_semaphore, #tpu.memory_space<semaphore_mem>>)
      %dma_wait3A_265 = tpu.memref_slice %arg10[%mul3A_167] : memref<512xf32, #tpu.memory_space<vmem>> -> memref<128xf32, #tpu.memory_space<vmem>>
      %dma_wait3A_266 = tpu.memref_slice %arg6[%add3A_170] : memref<4096xf32, #tpu.memory_space<hbm>> -> memref<128xf32, #tpu.memory_space<hbm>>
      %dma_wait3A_267 = tpu.memref_slice %arg6[%add3A_170] : memref<4096xf32, #tpu.memory_space<hbm>> -> memref<128xf32, #tpu.memory_space<hbm>>
      %dma_wait3A_268 = tpu.memref_slice %arg10[%mul3A_167] : memref<512xf32, #tpu.memory_space<vmem>> -> memref<128xf32, #tpu.memory_space<vmem>>
      tpu.wait_dma2 semaphore(%run_scoped3A : memref<!tpu.dma_semaphore, #tpu.memory_space<semaphore_mem>>) src(%dma_wait3A_268 : memref<128xf32, #tpu.memory_space<vmem>>) dst(%dma_wait3A_267 : memref<128xf32, #tpu.memory_space<hbm>>)
      tpu.yield
    }) : () -> ()
    %add3A_171 = arith.constant 0 : i32
    %add3A_172 = arith.addi %mul3A_167, %add3A_171 : i32
    %dma_start3A = tpu.memref_slice %arg9[%add3A_172] : memref<512xi32, #tpu.memory_space<vmem>> -> memref<32xi32, #tpu.memory_space<vmem>>
    %dma_start3A_173 = arith.constant 0 : i32
    %dma_start3A_174 = arith.constant 0 : i32
    %dma_start3A_175 = tpu.memref_slice %arg2[%dma_start3A_173, %dma_start3A_174] : memref<2048x1024xf32, #tpu.memory_space<hbm>> -> memref<2048x1024xf32, #tpu.memory_space<hbm>>
    tpu.enqueue_indirect_dma source(%dma_start3A_175 : memref<2048x1024xf32, #tpu.memory_space<hbm>>) target(%arg11 : memref<32x1024xf32, #tpu.memory_space<vmem>>) offsets(%dma_start3A : memref<32xi32, #tpu.memory_space<vmem>>) semaphore(%arg13 : memref<!tpu.dma_semaphore, #tpu.memory_space<semaphore_mem>>)
    %add3A_176 = arith.constant 32 : i32
    %add3A_177 = arith.addi %mul3A_167, %add3A_176 : i32
    %dma_start3A_178 = tpu.memref_slice %arg9[%add3A_177] : memref<512xi32, #tpu.memory_space<vmem>> -> memref<32xi32, #tpu.memory_space<vmem>>
    %dma_start3A_179 = arith.constant 0 : i32
    %dma_start3A_180 = arith.constant 0 : i32
    %dma_start3A_181 = tpu.memref_slice %arg2[%dma_start3A_179, %dma_start3A_180] : memref<2048x1024xf32, #tpu.memory_space<hbm>> -> memref<2048x1024xf32, #tpu.memory_space<hbm>>
    tpu.enqueue_indirect_dma source(%dma_start3A_181 : memref<2048x1024xf32, #tpu.memory_space<hbm>>) target(%arg12 : memref<32x1024xf32, #tpu.memory_space<vmem>>) offsets(%dma_start3A_178 : memref<32xi32, #tpu.memory_space<vmem>>) semaphore(%arg14 : memref<!tpu.dma_semaphore, #tpu.memory_space<semaphore_mem>>)
    %dma_wait3A = tpu.memref_slice %arg9[%add3A_172] : memref<512xi32, #tpu.memory_space<vmem>> -> memref<32xi32, #tpu.memory_space<vmem>>
    %dma_wait3A_182 = arith.constant 0 : i32
    %dma_wait3A_183 = arith.constant 0 : i32
    %dma_wait3A_184 = tpu.memref_slice %arg2[%dma_wait3A_182, %dma_wait3A_183] : memref<2048x1024xf32, #tpu.memory_space<hbm>> -> memref<2048x1024xf32, #tpu.memory_space<hbm>>
    tpu.wait_indirect_dma semaphore(%arg13 : memref<!tpu.dma_semaphore, #tpu.memory_space<semaphore_mem>>) src(%dma_wait3A_184 : memref<2048x1024xf32, #tpu.memory_space<hbm>>) dst(%arg11 : memref<32x1024xf32, #tpu.memory_space<vmem>>)
    %add3A_185 = arith.constant 0 : i32
    %add3A_186 = arith.addi %mul3A_167, %add3A_185 : i32
    %mul3A_187 = arith.constant 512 : i32
    %mul3A_188 = arith.muli %add3A, %mul3A_187 : i32
    %add3A_189 = arith.addi %mul3A_188, %add3A_186 : i32
    %dma_start3A_190 = arith.constant 0 : i32
    %dma_start3A_191 = tpu.memref_slice %arg5[%add3A_189, %dma_start3A_190] : memref<4096x1024xf32, #tpu.memory_space<hbm>> -> memref<32x1024xf32, #tpu.memory_space<hbm>>
    %dma_start3A_192 = arith.constant 0 : i32
    %dma_start3A_193 = tpu.memref_slice %arg5[%add3A_189, %dma_start3A_192] : memref<4096x1024xf32, #tpu.memory_space<hbm>> -> memref<32x1024xf32, #tpu.memory_space<hbm>>
    tpu.enqueue_dma source(%arg11 : memref<32x1024xf32, #tpu.memory_space<vmem>>) target(%dma_start3A_193 : memref<32x1024xf32, #tpu.memory_space<hbm>>) target_semaphore(%arg15 : memref<!tpu.dma_semaphore, #tpu.memory_space<semaphore_mem>>)
    %dma_wait3A_194 = tpu.memref_slice %arg9[%add3A_177] : memref<512xi32, #tpu.memory_space<vmem>> -> memref<32xi32, #tpu.memory_space<vmem>>
    %dma_wait3A_195 = arith.constant 0 : i32
    %dma_wait3A_196 = arith.constant 0 : i32
    %dma_wait3A_197 = tpu.memref_slice %arg2[%dma_wait3A_195, %dma_wait3A_196] : memref<2048x1024xf32, #tpu.memory_space<hbm>> -> memref<2048x1024xf32, #tpu.memory_space<hbm>>
    tpu.wait_indirect_dma semaphore(%arg14 : memref<!tpu.dma_semaphore, #tpu.memory_space<semaphore_mem>>) src(%dma_wait3A_197 : memref<2048x1024xf32, #tpu.memory_space<hbm>>) dst(%arg12 : memref<32x1024xf32, #tpu.memory_space<vmem>>)
    %add3A_198 = arith.constant 32 : i32
    %add3A_199 = arith.addi %mul3A_167, %add3A_198 : i32
    %mul3A_200 = arith.constant 512 : i32
    %mul3A_201 = arith.muli %add3A, %mul3A_200 : i32
    %add3A_202 = arith.addi %mul3A_201, %add3A_199 : i32
    %dma_start3A_203 = arith.constant 0 : i32
    %dma_start3A_204 = tpu.memref_slice %arg5[%add3A_202, %dma_start3A_203] : memref<4096x1024xf32, #tpu.memory_space<hbm>> -> memref<32x1024xf32, #tpu.memory_space<hbm>>
    %dma_start3A_205 = arith.constant 0 : i32
    %dma_start3A_206 = tpu.memref_slice %arg5[%add3A_202, %dma_start3A_205] : memref<4096x1024xf32, #tpu.memory_space<hbm>> -> memref<32x1024xf32, #tpu.memory_space<hbm>>
    tpu.enqueue_dma source(%arg12 : memref<32x1024xf32, #tpu.memory_space<vmem>>) target(%dma_start3A_206 : memref<32x1024xf32, #tpu.memory_space<hbm>>) target_semaphore(%arg16 : memref<!tpu.dma_semaphore, #tpu.memory_space<semaphore_mem>>)
    %dma_wait3A_207 = arith.constant 0 : i32
    %dma_wait3A_208 = tpu.memref_slice %arg5[%add3A_189, %dma_wait3A_207] : memref<4096x1024xf32, #tpu.memory_space<hbm>> -> memref<32x1024xf32, #tpu.memory_space<hbm>>
    %dma_wait3A_209 = arith.constant 0 : i32
    %dma_wait3A_210 = tpu.memref_slice %arg5[%add3A_189, %dma_wait3A_209] : memref<4096x1024xf32, #tpu.memory_space<hbm>> -> memref<32x1024xf32, #tpu.memory_space<hbm>>
    tpu.wait_dma2 semaphore(%arg15 : memref<!tpu.dma_semaphore, #tpu.memory_space<semaphore_mem>>) src(%arg11 : memref<32x1024xf32, #tpu.memory_space<vmem>>) dst(%dma_wait3A_210 : memref<32x1024xf32, #tpu.memory_space<hbm>>)
    %add3A_211 = arith.constant 64 : i32
    %add3A_212 = arith.addi %mul3A_167, %add3A_211 : i32
    %dma_start3A_213 = tpu.memref_slice %arg9[%add3A_212] : memref<512xi32, #tpu.memory_space<vmem>> -> memref<32xi32, #tpu.memory_space<vmem>>
    %dma_start3A_214 = arith.constant 0 : i32
    %dma_start3A_215 = arith.constant 0 : i32
    %dma_start3A_216 = tpu.memref_slice %arg2[%dma_start3A_214, %dma_start3A_215] : memref<2048x1024xf32, #tpu.memory_space<hbm>> -> memref<2048x1024xf32, #tpu.memory_space<hbm>>
    tpu.enqueue_indirect_dma source(%dma_start3A_216 : memref<2048x1024xf32, #tpu.memory_space<hbm>>) target(%arg11 : memref<32x1024xf32, #tpu.memory_space<vmem>>) offsets(%dma_start3A_213 : memref<32xi32, #tpu.memory_space<vmem>>) semaphore(%arg13 : memref<!tpu.dma_semaphore, #tpu.memory_space<semaphore_mem>>)
    %dma_wait3A_217 = arith.constant 0 : i32
    %dma_wait3A_218 = tpu.memref_slice %arg5[%add3A_202, %dma_wait3A_217] : memref<4096x1024xf32, #tpu.memory_space<hbm>> -> memref<32x1024xf32, #tpu.memory_space<hbm>>
    %dma_wait3A_219 = arith.constant 0 : i32
    %dma_wait3A_220 = tpu.memref_slice %arg5[%add3A_202, %dma_wait3A_219] : memref<4096x1024xf32, #tpu.memory_space<hbm>> -> memref<32x1024xf32, #tpu.memory_space<hbm>>
    tpu.wait_dma2 semaphore(%arg16 : memref<!tpu.dma_semaphore, #tpu.memory_space<semaphore_mem>>) src(%arg12 : memref<32x1024xf32, #tpu.memory_space<vmem>>) dst(%dma_wait3A_220 : memref<32x1024xf32, #tpu.memory_space<hbm>>)
    %add3A_221 = arith.constant 96 : i32
    %add3A_222 = arith.addi %mul3A_167, %add3A_221 : i32
    %dma_start3A_223 = tpu.memref_slice %arg9[%add3A_222] : memref<512xi32, #tpu.memory_space<vmem>> -> memref<32xi32, #tpu.memory_space<vmem>>
    %dma_start3A_224 = arith.constant 0 : i32
    %dma_start3A_225 = arith.constant 0 : i32
    %dma_start3A_226 = tpu.memref_slice %arg2[%dma_start3A_224, %dma_start3A_225] : memref<2048x1024xf32, #tpu.memory_space<hbm>> -> memref<2048x1024xf32, #tpu.memory_space<hbm>>
    tpu.enqueue_indirect_dma source(%dma_start3A_226 : memref<2048x1024xf32, #tpu.memory_space<hbm>>) target(%arg12 : memref<32x1024xf32, #tpu.memory_space<vmem>>) offsets(%dma_start3A_223 : memref<32xi32, #tpu.memory_space<vmem>>) semaphore(%arg14 : memref<!tpu.dma_semaphore, #tpu.memory_space<semaphore_mem>>)
    %dma_wait3A_227 = tpu.memref_slice %arg9[%add3A_212] : memref<512xi32, #tpu.memory_space<vmem>> -> memref<32xi32, #tpu.memory_space<vmem>>
    %dma_wait3A_228 = arith.constant 0 : i32
    %dma_wait3A_229 = arith.constant 0 : i32
    %dma_wait3A_230 = tpu.memref_slice %arg2[%dma_wait3A_228, %dma_wait3A_229] : memref<2048x1024xf32, #tpu.memory_space<hbm>> -> memref<2048x1024xf32, #tpu.memory_space<hbm>>
    tpu.wait_indirect_dma semaphore(%arg13 : memref<!tpu.dma_semaphore, #tpu.memory_space<semaphore_mem>>) src(%dma_wait3A_230 : memref<2048x1024xf32, #tpu.memory_space<hbm>>) dst(%arg11 : memref<32x1024xf32, #tpu.memory_space<vmem>>)
    %add3A_231 = arith.constant 64 : i32
    %add3A_232 = arith.addi %mul3A_167, %add3A_231 : i32
    %mul3A_233 = arith.constant 512 : i32
    %mul3A_234 = arith.muli %add3A, %mul3A_233 : i32
    %add3A_235 = arith.addi %mul3A_234, %add3A_232 : i32
    %dma_start3A_236 = arith.constant 0 : i32
    %dma_start3A_237 = tpu.memref_slice %arg5[%add3A_235, %dma_start3A_236] : memref<4096x1024xf32, #tpu.memory_space<hbm>> -> memref<32x1024xf32, #tpu.memory_space<hbm>>
    %dma_start3A_238 = arith.constant 0 : i32
    %dma_start3A_239 = tpu.memref_slice %arg5[%add3A_235, %dma_start3A_238] : memref<4096x1024xf32, #tpu.memory_space<hbm>> -> memref<32x1024xf32, #tpu.memory_space<hbm>>
    tpu.enqueue_dma source(%arg11 : memref<32x1024xf32, #tpu.memory_space<vmem>>) target(%dma_start3A_239 : memref<32x1024xf32, #tpu.memory_space<hbm>>) target_semaphore(%arg15 : memref<!tpu.dma_semaphore, #tpu.memory_space<semaphore_mem>>)
    %dma_wait3A_240 = tpu.memref_slice %arg9[%add3A_222] : memref<512xi32, #tpu.memory_space<vmem>> -> memref<32xi32, #tpu.memory_space<vmem>>
    %dma_wait3A_241 = arith.constant 0 : i32
    %dma_wait3A_242 = arith.constant 0 : i32
    %dma_wait3A_243 = tpu.memref_slice %arg2[%dma_wait3A_241, %dma_wait3A_242] : memref<2048x1024xf32, #tpu.memory_space<hbm>> -> memref<2048x1024xf32, #tpu.memory_space<hbm>>
    tpu.wait_indirect_dma semaphore(%arg14 : memref<!tpu.dma_semaphore, #tpu.memory_space<semaphore_mem>>) src(%dma_wait3A_243 : memref<2048x1024xf32, #tpu.memory_space<hbm>>) dst(%arg12 : memref<32x1024xf32, #tpu.memory_space<vmem>>)
    %add3A_244 = arith.constant 96 : i32
    %add3A_245 = arith.addi %mul3A_167, %add3A_244 : i32
    %mul3A_246 = arith.constant 512 : i32
    %mul3A_247 = arith.muli %add3A, %mul3A_246 : i32
    %add3A_248 = arith.addi %mul3A_247, %add3A_245 : i32
    %dma_start3A_249 = arith.constant 0 : i32
    %dma_start3A_250 = tpu.memref_slice %arg5[%add3A_248, %dma_start3A_249] : memref<4096x1024xf32, #tpu.memory_space<hbm>> -> memref<32x1024xf32, #tpu.memory_space<hbm>>
    %dma_start3A_251 = arith.constant 0 : i32
    %dma_start3A_252 = tpu.memref_slice %arg5[%add3A_248, %dma_start3A_251] : memref<4096x1024xf32, #tpu.memory_space<hbm>> -> memref<32x1024xf32, #tpu.memory_space<hbm>>
    tpu.enqueue_dma source(%arg12 : memref<32x1024xf32, #tpu.memory_space<vmem>>) target(%dma_start3A_252 : memref<32x1024xf32, #tpu.memory_space<hbm>>) target_semaphore(%arg16 : memref<!tpu.dma_semaphore, #tpu.memory_space<semaphore_mem>>)
    %dma_wait3A_253 = arith.constant 0 : i32
    %dma_wait3A_254 = tpu.memref_slice %arg5[%add3A_235, %dma_wait3A_253] : memref<4096x1024xf32, #tpu.memory_space<hbm>> -> memref<32x1024xf32, #tpu.memory_space<hbm>>
    %dma_wait3A_255 = arith.constant 0 : i32
    %dma_wait3A_256 = tpu.memref_slice %arg5[%add3A_235, %dma_wait3A_255] : memref<4096x1024xf32, #tpu.memory_space<hbm>> -> memref<32x1024xf32, #tpu.memory_space<hbm>>
    tpu.wait_dma2 semaphore(%arg15 : memref<!tpu.dma_semaphore, #tpu.memory_space<semaphore_mem>>) src(%arg11 : memref<32x1024xf32, #tpu.memory_space<vmem>>) dst(%dma_wait3A_256 : memref<32x1024xf32, #tpu.memory_space<hbm>>)
    %dma_wait3A_257 = arith.constant 0 : i32
    %dma_wait3A_258 = tpu.memref_slice %arg5[%add3A_248, %dma_wait3A_257] : memref<4096x1024xf32, #tpu.memory_space<hbm>> -> memref<32x1024xf32, #tpu.memory_space<hbm>>
    %dma_wait3A_259 = arith.constant 0 : i32
    %dma_wait3A_260 = tpu.memref_slice %arg5[%add3A_248, %dma_wait3A_259] : memref<4096x1024xf32, #tpu.memory_space<hbm>> -> memref<32x1024xf32, #tpu.memory_space<hbm>>
    tpu.wait_dma2 semaphore(%arg16 : memref<!tpu.dma_semaphore, #tpu.memory_space<semaphore_mem>>) src(%arg12 : memref<32x1024xf32, #tpu.memory_space<vmem>>) dst(%dma_wait3A_260 : memref<32x1024xf32, #tpu.memory_space<hbm>>)
    return
  }
}

#map = affine_map<(d0, d1) -> (0, 0)>
module attributes {stable_mosaic.version = 14 : i64} {
  func.func @_combine_body(%arg0: i32, %arg1: i32, %arg2: memref<4608x1024xf32, #tpu.memory_space<hbm>>, %arg3: memref<8x2048xf32, #tpu.memory_space<hbm>>, %arg4: memref<2048x1024xf32, #tpu.memory_space<hbm>>, %arg5: memref<64xf32, #tpu.memory_space<vmem>>, %arg6: memref<64xf32, #tpu.memory_space<vmem>>, %arg7: memref<64xi32, #tpu.memory_space<vmem>>, %arg8: memref<64xi32, #tpu.memory_space<vmem>>, %arg9: memref<16x1024xf32, #tpu.memory_space<vmem>>, %arg10: memref<16x1024xf32, #tpu.memory_space<vmem>>, %arg11: memref<16x1024xf32, #tpu.memory_space<vmem>>, %arg12: memref<16x1024xf32, #tpu.memory_space<vmem>>, %arg13: memref<16x1024xf32, #tpu.memory_space<vmem>>, %arg14: memref<16x1024xf32, #tpu.memory_space<vmem>>, %arg15: memref<!tpu.dma_semaphore, #tpu.memory_space<semaphore_mem>>, %arg16: memref<!tpu.dma_semaphore, #tpu.memory_space<semaphore_mem>>, %arg17: memref<!tpu.dma_semaphore, #tpu.memory_space<semaphore_mem>>, %arg18: memref<!tpu.dma_semaphore, #tpu.memory_space<semaphore_mem>>, %arg19: memref<!tpu.dma_semaphore, #tpu.memory_space<semaphore_mem>>, %arg20: memref<!tpu.dma_semaphore, #tpu.memory_space<semaphore_mem>>) attributes {dimension_semantics = [#tpu.dimension_semantics<core_parallel>, #tpu.dimension_semantics<subcore_parallel>], iteration_bounds = array<i64: 2, 16>, scalar_prefetch = 0 : i64, scratch_operands = 16 : i64, tpu.core_type = #tpu.core_type<sc_vector_subcore>, window_params = [{transform_indices = #map}, {transform_indices = #map}, {transform_indices = #map}]} {
    %mul3A = arith.constant 2 : i32
    %mul3A_0 = arith.muli %arg1, %mul3A : i32
    %add3A = arith.addi %mul3A_0, %arg0 : i32
    %mul3A_1 = arith.constant 64 : i32
    %mul3A_2 = arith.muli %add3A, %mul3A_1 : i32
    %run_scoped3A = arith.constant 0 : i32
    "tpu.region"() ({
      %run_scoped3A_226 = tpu.sem_alloc : memref<!tpu.dma_semaphore, #tpu.memory_space<semaphore_mem>>
      %dma_start3A_227 = tpu.memref_slice %arg3[%run_scoped3A, %mul3A_2] : memref<8x2048xf32, #tpu.memory_space<hbm>> -> memref<1x64xf32, #tpu.memory_space<hbm>>
      %dma_start3A_228 = tpu.memref_squeeze %dma_start3A_227 : memref<1x64xf32, #tpu.memory_space<hbm>> -> memref<64xf32, #tpu.memory_space<hbm>>
      %dma_start3A_229 = tpu.memref_slice %arg3[%run_scoped3A, %mul3A_2] : memref<8x2048xf32, #tpu.memory_space<hbm>> -> memref<1x64xf32, #tpu.memory_space<hbm>>
      %dma_start3A_230 = tpu.memref_squeeze %dma_start3A_229 : memref<1x64xf32, #tpu.memory_space<hbm>> -> memref<64xf32, #tpu.memory_space<hbm>>
      tpu.enqueue_dma source(%dma_start3A_230 : memref<64xf32, #tpu.memory_space<hbm>>) target(%arg5 : memref<64xf32, #tpu.memory_space<vmem>>) target_semaphore(%run_scoped3A_226 : memref<!tpu.dma_semaphore, #tpu.memory_space<semaphore_mem>>)
      %dma_wait3A_231 = tpu.memref_slice %arg3[%run_scoped3A, %mul3A_2] : memref<8x2048xf32, #tpu.memory_space<hbm>> -> memref<1x64xf32, #tpu.memory_space<hbm>>
      %dma_wait3A_232 = tpu.memref_squeeze %dma_wait3A_231 : memref<1x64xf32, #tpu.memory_space<hbm>> -> memref<64xf32, #tpu.memory_space<hbm>>
      %dma_wait3A_233 = tpu.memref_slice %arg3[%run_scoped3A, %mul3A_2] : memref<8x2048xf32, #tpu.memory_space<hbm>> -> memref<1x64xf32, #tpu.memory_space<hbm>>
      %dma_wait3A_234 = tpu.memref_squeeze %dma_wait3A_233 : memref<1x64xf32, #tpu.memory_space<hbm>> -> memref<64xf32, #tpu.memory_space<hbm>>
      tpu.wait_dma2 semaphore(%run_scoped3A_226 : memref<!tpu.dma_semaphore, #tpu.memory_space<semaphore_mem>>) src(%dma_wait3A_234 : memref<64xf32, #tpu.memory_space<hbm>>) dst(%arg5 : memref<64xf32, #tpu.memory_space<vmem>>)
      tpu.yield
    }) : () -> ()
    %run_scoped3A_3 = arith.constant 1 : i32
    "tpu.region"() ({
      %run_scoped3A_226 = tpu.sem_alloc : memref<!tpu.dma_semaphore, #tpu.memory_space<semaphore_mem>>
      %dma_start3A_227 = tpu.memref_slice %arg3[%run_scoped3A_3, %mul3A_2] : memref<8x2048xf32, #tpu.memory_space<hbm>> -> memref<1x64xf32, #tpu.memory_space<hbm>>
      %dma_start3A_228 = tpu.memref_squeeze %dma_start3A_227 : memref<1x64xf32, #tpu.memory_space<hbm>> -> memref<64xf32, #tpu.memory_space<hbm>>
      %dma_start3A_229 = tpu.memref_slice %arg3[%run_scoped3A_3, %mul3A_2] : memref<8x2048xf32, #tpu.memory_space<hbm>> -> memref<1x64xf32, #tpu.memory_space<hbm>>
      %dma_start3A_230 = tpu.memref_squeeze %dma_start3A_229 : memref<1x64xf32, #tpu.memory_space<hbm>> -> memref<64xf32, #tpu.memory_space<hbm>>
      tpu.enqueue_dma source(%dma_start3A_230 : memref<64xf32, #tpu.memory_space<hbm>>) target(%arg6 : memref<64xf32, #tpu.memory_space<vmem>>) target_semaphore(%run_scoped3A_226 : memref<!tpu.dma_semaphore, #tpu.memory_space<semaphore_mem>>)
      %dma_wait3A_231 = tpu.memref_slice %arg3[%run_scoped3A_3, %mul3A_2] : memref<8x2048xf32, #tpu.memory_space<hbm>> -> memref<1x64xf32, #tpu.memory_space<hbm>>
      %dma_wait3A_232 = tpu.memref_squeeze %dma_wait3A_231 : memref<1x64xf32, #tpu.memory_space<hbm>> -> memref<64xf32, #tpu.memory_space<hbm>>
      %dma_wait3A_233 = tpu.memref_slice %arg3[%run_scoped3A_3, %mul3A_2] : memref<8x2048xf32, #tpu.memory_space<hbm>> -> memref<1x64xf32, #tpu.memory_space<hbm>>
      %dma_wait3A_234 = tpu.memref_squeeze %dma_wait3A_233 : memref<1x64xf32, #tpu.memory_space<hbm>> -> memref<64xf32, #tpu.memory_space<hbm>>
      tpu.wait_dma2 semaphore(%run_scoped3A_226 : memref<!tpu.dma_semaphore, #tpu.memory_space<semaphore_mem>>) src(%dma_wait3A_234 : memref<64xf32, #tpu.memory_space<hbm>>) dst(%arg6 : memref<64xf32, #tpu.memory_space<vmem>>)
      tpu.yield
    }) : () -> ()
    %get3A = arith.constant 0 : index
    %get3A_4 = tpu.vector_load %arg5[%get3A] {strides = array<i32>} : memref<64xf32, #tpu.memory_space<vmem>>, vector<16xf32>,
    %get3A_5 = arith.constant 0 : index
    %get3A_6 = tpu.vector_load %arg6[%get3A_5] {strides = array<i32>} : memref<64xf32, #tpu.memory_space<vmem>>, vector<16xf32>,
    %ge3A = arith.constant 0.000000e+00 : f32
    %ge3A_7 = vector.broadcast %ge3A : f32 to vector<16xf32>
    %ge3A_8 = arith.cmpf oge, %get3A_4, %ge3A_7 : vector<16xf32>
    %jit3A = arith.constant 4.096000e+03 : f32
    %broadcast_in_dim3A = vector.broadcast %jit3A : f32 to vector<16xf32>
    %select_n3A = arith.select %ge3A_8, %get3A_4, %broadcast_in_dim3A : vector<16xi1>, vector<16xf32>
    %convert_element_type3A = arith.fptosi %select_n3A : vector<16xf32> to vector<16xi32>
    %swap3A = arith.constant 0 : index
    %swap3A_9 = tpu.vector_load %arg7[%swap3A] {strides = array<i32>} : memref<64xi32, #tpu.memory_space<vmem>>, vector<16xi32>,
    tpu.vector_store %arg7[%swap3A], %convert_element_type3A {strides = array<i32>} : memref<64xi32, #tpu.memory_space<vmem>>, vector<16xi32>,
    %ge3A_10 = arith.constant 0.000000e+00 : f32
    %ge3A_11 = vector.broadcast %ge3A_10 : f32 to vector<16xf32>
    %ge3A_12 = arith.cmpf oge, %get3A_6, %ge3A_11 : vector<16xf32>
    %jit3A_13 = arith.constant 4.096000e+03 : f32
    %broadcast_in_dim3A_14 = vector.broadcast %jit3A_13 : f32 to vector<16xf32>
    %select_n3A_15 = arith.select %ge3A_12, %get3A_6, %broadcast_in_dim3A_14 : vector<16xi1>, vector<16xf32>
    %convert_element_type3A_16 = arith.fptosi %select_n3A_15 : vector<16xf32> to vector<16xi32>
    %swap3A_17 = arith.constant 0 : index
    %swap3A_18 = tpu.vector_load %arg8[%swap3A_17] {strides = array<i32>} : memref<64xi32, #tpu.memory_space<vmem>>, vector<16xi32>,
    tpu.vector_store %arg8[%swap3A_17], %convert_element_type3A_16 {strides = array<i32>} : memref<64xi32, #tpu.memory_space<vmem>>, vector<16xi32>,
    %get3A_19 = arith.constant 16 : index
    %get3A_20 = tpu.vector_load %arg5[%get3A_19] {strides = array<i32>} : memref<64xf32, #tpu.memory_space<vmem>>, vector<16xf32>,
    %get3A_21 = arith.constant 16 : index
    %get3A_22 = tpu.vector_load %arg6[%get3A_21] {strides = array<i32>} : memref<64xf32, #tpu.memory_space<vmem>>, vector<16xf32>,
    %ge3A_23 = arith.constant 0.000000e+00 : f32
    %ge3A_24 = vector.broadcast %ge3A_23 : f32 to vector<16xf32>
    %ge3A_25 = arith.cmpf oge, %get3A_20, %ge3A_24 : vector<16xf32>
    %jit3A_26 = arith.constant 4.096000e+03 : f32
    %broadcast_in_dim3A_27 = vector.broadcast %jit3A_26 : f32 to vector<16xf32>
    %select_n3A_28 = arith.select %ge3A_25, %get3A_20, %broadcast_in_dim3A_27 : vector<16xi1>, vector<16xf32>
    %convert_element_type3A_29 = arith.fptosi %select_n3A_28 : vector<16xf32> to vector<16xi32>
    %swap3A_30 = arith.constant 16 : index
    %swap3A_31 = tpu.vector_load %arg7[%swap3A_30] {strides = array<i32>} : memref<64xi32, #tpu.memory_space<vmem>>, vector<16xi32>,
    tpu.vector_store %arg7[%swap3A_30], %convert_element_type3A_29 {strides = array<i32>} : memref<64xi32, #tpu.memory_space<vmem>>, vector<16xi32>,
    %ge3A_32 = arith.constant 0.000000e+00 : f32
    %ge3A_33 = vector.broadcast %ge3A_32 : f32 to vector<16xf32>
    %ge3A_34 = arith.cmpf oge, %get3A_22, %ge3A_33 : vector<16xf32>
    %jit3A_35 = arith.constant 4.096000e+03 : f32
    %broadcast_in_dim3A_36 = vector.broadcast %jit3A_35 : f32 to vector<16xf32>
    %select_n3A_37 = arith.select %ge3A_34, %get3A_22, %broadcast_in_dim3A_36 : vector<16xi1>, vector<16xf32>
    %convert_element_type3A_38 = arith.fptosi %select_n3A_37 : vector<16xf32> to vector<16xi32>
    %swap3A_39 = arith.constant 16 : index
    %swap3A_40 = tpu.vector_load %arg8[%swap3A_39] {strides = array<i32>} : memref<64xi32, #tpu.memory_space<vmem>>, vector<16xi32>,
    tpu.vector_store %arg8[%swap3A_39], %convert_element_type3A_38 {strides = array<i32>} : memref<64xi32, #tpu.memory_space<vmem>>, vector<16xi32>,
    %get3A_41 = arith.constant 32 : index
    %get3A_42 = tpu.vector_load %arg5[%get3A_41] {strides = array<i32>} : memref<64xf32, #tpu.memory_space<vmem>>, vector<16xf32>,
    %get3A_43 = arith.constant 32 : index
    %get3A_44 = tpu.vector_load %arg6[%get3A_43] {strides = array<i32>} : memref<64xf32, #tpu.memory_space<vmem>>, vector<16xf32>,
    %ge3A_45 = arith.constant 0.000000e+00 : f32
    %ge3A_46 = vector.broadcast %ge3A_45 : f32 to vector<16xf32>
    %ge3A_47 = arith.cmpf oge, %get3A_42, %ge3A_46 : vector<16xf32>
    %jit3A_48 = arith.constant 4.096000e+03 : f32
    %broadcast_in_dim3A_49 = vector.broadcast %jit3A_48 : f32 to vector<16xf32>
    %select_n3A_50 = arith.select %ge3A_47, %get3A_42, %broadcast_in_dim3A_49 : vector<16xi1>, vector<16xf32>
    %convert_element_type3A_51 = arith.fptosi %select_n3A_50 : vector<16xf32> to vector<16xi32>
    %swap3A_52 = arith.constant 32 : index
    %swap3A_53 = tpu.vector_load %arg7[%swap3A_52] {strides = array<i32>} : memref<64xi32, #tpu.memory_space<vmem>>, vector<16xi32>,
    tpu.vector_store %arg7[%swap3A_52], %convert_element_type3A_51 {strides = array<i32>} : memref<64xi32, #tpu.memory_space<vmem>>, vector<16xi32>,
    %ge3A_54 = arith.constant 0.000000e+00 : f32
    %ge3A_55 = vector.broadcast %ge3A_54 : f32 to vector<16xf32>
    %ge3A_56 = arith.cmpf oge, %get3A_44, %ge3A_55 : vector<16xf32>
    %jit3A_57 = arith.constant 4.096000e+03 : f32
    %broadcast_in_dim3A_58 = vector.broadcast %jit3A_57 : f32 to vector<16xf32>
    %select_n3A_59 = arith.select %ge3A_56, %get3A_44, %broadcast_in_dim3A_58 : vector<16xi1>, vector<16xf32>
    %convert_element_type3A_60 = arith.fptosi %select_n3A_59 : vector<16xf32> to vector<16xi32>
    %swap3A_61 = arith.constant 32 : index
    %swap3A_62 = tpu.vector_load %arg8[%swap3A_61] {strides = array<i32>} : memref<64xi32, #tpu.memory_space<vmem>>, vector<16xi32>,
    tpu.vector_store %arg8[%swap3A_61], %convert_element_type3A_60 {strides = array<i32>} : memref<64xi32, #tpu.memory_space<vmem>>, vector<16xi32>,
    %get3A_63 = arith.constant 48 : index
    %get3A_64 = tpu.vector_load %arg5[%get3A_63] {strides = array<i32>} : memref<64xf32, #tpu.memory_space<vmem>>, vector<16xf32>,
    %get3A_65 = arith.constant 48 : index
    %get3A_66 = tpu.vector_load %arg6[%get3A_65] {strides = array<i32>} : memref<64xf32, #tpu.memory_space<vmem>>, vector<16xf32>,
    %ge3A_67 = arith.constant 0.000000e+00 : f32
    %ge3A_68 = vector.broadcast %ge3A_67 : f32 to vector<16xf32>
    %ge3A_69 = arith.cmpf oge, %get3A_64, %ge3A_68 : vector<16xf32>
    %jit3A_70 = arith.constant 4.096000e+03 : f32
    %broadcast_in_dim3A_71 = vector.broadcast %jit3A_70 : f32 to vector<16xf32>
    %select_n3A_72 = arith.select %ge3A_69, %get3A_64, %broadcast_in_dim3A_71 : vector<16xi1>, vector<16xf32>
    %convert_element_type3A_73 = arith.fptosi %select_n3A_72 : vector<16xf32> to vector<16xi32>
    %swap3A_74 = arith.constant 48 : index
    %swap3A_75 = tpu.vector_load %arg7[%swap3A_74] {strides = array<i32>} : memref<64xi32, #tpu.memory_space<vmem>>, vector<16xi32>,
    tpu.vector_store %arg7[%swap3A_74], %convert_element_type3A_73 {strides = array<i32>} : memref<64xi32, #tpu.memory_space<vmem>>, vector<16xi32>,
    %ge3A_76 = arith.constant 0.000000e+00 : f32
    %ge3A_77 = vector.broadcast %ge3A_76 : f32 to vector<16xf32>
    %ge3A_78 = arith.cmpf oge, %get3A_66, %ge3A_77 : vector<16xf32>
    %jit3A_79 = arith.constant 4.096000e+03 : f32
    %broadcast_in_dim3A_80 = vector.broadcast %jit3A_79 : f32 to vector<16xf32>
    %select_n3A_81 = arith.select %ge3A_78, %get3A_66, %broadcast_in_dim3A_80 : vector<16xi1>, vector<16xf32>
    %convert_element_type3A_82 = arith.fptosi %select_n3A_81 : vector<16xf32> to vector<16xi32>
    %swap3A_83 = arith.constant 48 : index
    %swap3A_84 = tpu.vector_load %arg8[%swap3A_83] {strides = array<i32>} : memref<64xi32, #tpu.memory_space<vmem>>, vector<16xi32>,
    tpu.vector_store %arg8[%swap3A_83], %convert_element_type3A_82 {strides = array<i32>} : memref<64xi32, #tpu.memory_space<vmem>>, vector<16xi32>,
    %dma_start3A = arith.constant 0 : i32
    %dma_start3A_85 = tpu.memref_slice %arg7[%dma_start3A] : memref<64xi32, #tpu.memory_space<vmem>> -> memref<16xi32, #tpu.memory_space<vmem>>
    %dma_start3A_86 = arith.constant 0 : i32
    %dma_start3A_87 = arith.constant 0 : i32
    %dma_start3A_88 = tpu.memref_slice %arg2[%dma_start3A_86, %dma_start3A_87] : memref<4608x1024xf32, #tpu.memory_space<hbm>> -> memref<4608x1024xf32, #tpu.memory_space<hbm>>
    tpu.enqueue_indirect_dma source(%dma_start3A_88 : memref<4608x1024xf32, #tpu.memory_space<hbm>>) target(%arg9 : memref<16x1024xf32, #tpu.memory_space<vmem>>) offsets(%dma_start3A_85 : memref<16xi32, #tpu.memory_space<vmem>>) semaphore(%arg15 : memref<!tpu.dma_semaphore, #tpu.memory_space<semaphore_mem>>)
    %dma_start3A_89 = arith.constant 0 : i32
    %dma_start3A_90 = tpu.memref_slice %arg8[%dma_start3A_89] : memref<64xi32, #tpu.memory_space<vmem>> -> memref<16xi32, #tpu.memory_space<vmem>>
    %dma_start3A_91 = arith.constant 0 : i32
    %dma_start3A_92 = arith.constant 0 : i32
    %dma_start3A_93 = tpu.memref_slice %arg2[%dma_start3A_91, %dma_start3A_92] : memref<4608x1024xf32, #tpu.memory_space<hbm>> -> memref<4608x1024xf32, #tpu.memory_space<hbm>>
    tpu.enqueue_indirect_dma source(%dma_start3A_93 : memref<4608x1024xf32, #tpu.memory_space<hbm>>) target(%arg11 : memref<16x1024xf32, #tpu.memory_space<vmem>>) offsets(%dma_start3A_90 : memref<16xi32, #tpu.memory_space<vmem>>) semaphore(%arg17 : memref<!tpu.dma_semaphore, #tpu.memory_space<semaphore_mem>>)
    %dma_start3A_94 = arith.constant 16 : i32
    %dma_start3A_95 = tpu.memref_slice %arg7[%dma_start3A_94] : memref<64xi32, #tpu.memory_space<vmem>> -> memref<16xi32, #tpu.memory_space<vmem>>
    %dma_start3A_96 = arith.constant 0 : i32
    %dma_start3A_97 = arith.constant 0 : i32
    %dma_start3A_98 = tpu.memref_slice %arg2[%dma_start3A_96, %dma_start3A_97] : memref<4608x1024xf32, #tpu.memory_space<hbm>> -> memref<4608x1024xf32, #tpu.memory_space<hbm>>
    tpu.enqueue_indirect_dma source(%dma_start3A_98 : memref<4608x1024xf32, #tpu.memory_space<hbm>>) target(%arg10 : memref<16x1024xf32, #tpu.memory_space<vmem>>) offsets(%dma_start3A_95 : memref<16xi32, #tpu.memory_space<vmem>>) semaphore(%arg16 : memref<!tpu.dma_semaphore, #tpu.memory_space<semaphore_mem>>)
    %dma_start3A_99 = arith.constant 16 : i32
    %dma_start3A_100 = tpu.memref_slice %arg8[%dma_start3A_99] : memref<64xi32, #tpu.memory_space<vmem>> -> memref<16xi32, #tpu.memory_space<vmem>>
    %dma_start3A_101 = arith.constant 0 : i32
    %dma_start3A_102 = arith.constant 0 : i32
    %dma_start3A_103 = tpu.memref_slice %arg2[%dma_start3A_101, %dma_start3A_102] : memref<4608x1024xf32, #tpu.memory_space<hbm>> -> memref<4608x1024xf32, #tpu.memory_space<hbm>>
    tpu.enqueue_indirect_dma source(%dma_start3A_103 : memref<4608x1024xf32, #tpu.memory_space<hbm>>) target(%arg12 : memref<16x1024xf32, #tpu.memory_space<vmem>>) offsets(%dma_start3A_100 : memref<16xi32, #tpu.memory_space<vmem>>) semaphore(%arg18 : memref<!tpu.dma_semaphore, #tpu.memory_space<semaphore_mem>>)
    %dma_wait3A = arith.constant 0 : i32
    %dma_wait3A_104 = tpu.memref_slice %arg7[%dma_wait3A] : memref<64xi32, #tpu.memory_space<vmem>> -> memref<16xi32, #tpu.memory_space<vmem>>
    %dma_wait3A_105 = arith.constant 0 : i32
    %dma_wait3A_106 = arith.constant 0 : i32
    %dma_wait3A_107 = tpu.memref_slice %arg2[%dma_wait3A_105, %dma_wait3A_106] : memref<4608x1024xf32, #tpu.memory_space<hbm>> -> memref<4608x1024xf32, #tpu.memory_space<hbm>>
    tpu.wait_indirect_dma semaphore(%arg15 : memref<!tpu.dma_semaphore, #tpu.memory_space<semaphore_mem>>) src(%dma_wait3A_107 : memref<4608x1024xf32, #tpu.memory_space<hbm>>) dst(%arg9 : memref<16x1024xf32, #tpu.memory_space<vmem>>)
    %dma_wait3A_108 = arith.constant 0 : i32
    %dma_wait3A_109 = tpu.memref_slice %arg8[%dma_wait3A_108] : memref<64xi32, #tpu.memory_space<vmem>> -> memref<16xi32, #tpu.memory_space<vmem>>
    %dma_wait3A_110 = arith.constant 0 : i32
    %dma_wait3A_111 = arith.constant 0 : i32
    %dma_wait3A_112 = tpu.memref_slice %arg2[%dma_wait3A_110, %dma_wait3A_111] : memref<4608x1024xf32, #tpu.memory_space<hbm>> -> memref<4608x1024xf32, #tpu.memory_space<hbm>>
    tpu.wait_indirect_dma semaphore(%arg17 : memref<!tpu.dma_semaphore, #tpu.memory_space<semaphore_mem>>) src(%dma_wait3A_112 : memref<4608x1024xf32, #tpu.memory_space<hbm>>) dst(%arg11 : memref<16x1024xf32, #tpu.memory_space<vmem>>)
    %scan3A = arith.constant 0 : i32
    %scan3A_113 = arith.constant 0 : i32
    %scan3A_114 = arith.constant 16 : i32
    %scan3A_115 = arith.addi %scan3A_113, %scan3A_114 : i32
    %scan3A_116 = arith.constant 1 : i32
    scf.for %scan3A_226 = %scan3A_113 to %scan3A_115 step %scan3A_116  : i32 {
      %get3A_227 = arith.index_cast %scan3A_226 : i32 to index
      %get3A_228 = arith.constant 0 : index
      %get3A_229 = tpu.vector_load %arg9[%get3A_227, %get3A_228] {strides = array<i32>} : memref<16x1024xf32, #tpu.memory_space<vmem>>, vector<16xf32>,
      %get3A_230 = arith.index_cast %scan3A_226 : i32 to index
      %get3A_231 = arith.constant 0 : index
      %get3A_232 = tpu.vector_load %arg11[%get3A_230, %get3A_231] {strides = array<i32>} : memref<16x1024xf32, #tpu.memory_space<vmem>>, vector<16xf32>,
      %add3A_233 = arith.addf %get3A_229, %get3A_232 : vector<16xf32>
      %swap3A_234 = arith.index_cast %scan3A_226 : i32 to index
      %swap3A_235 = arith.constant 0 : index
      %swap3A_236 = tpu.vector_load %arg13[%swap3A_234, %swap3A_235] {strides = array<i32>} : memref<16x1024xf32, #tpu.memory_space<vmem>>, vector<16xf32>,
      tpu.vector_store %arg13[%swap3A_234, %swap3A_235], %add3A_233 {strides = array<i32>} : memref<16x1024xf32, #tpu.memory_space<vmem>>, vector<16xf32>,
      %get3A_237 = arith.index_cast %scan3A_226 : i32 to index
      %get3A_238 = arith.constant 16 : index
      %get3A_239 = tpu.vector_load %arg9[%get3A_237, %get3A_238] {strides = array<i32>} : memref<16x1024xf32, #tpu.memory_space<vmem>>, vector<16xf32>,
      %get3A_240 = arith.index_cast %scan3A_226 : i32 to index
      %get3A_241 = arith.constant 16 : index
      %get3A_242 = tpu.vector_load %arg11[%get3A_240, %get3A_241] {strides = array<i32>} : memref<16x1024xf32, #tpu.memory_space<vmem>>, vector<16xf32>,
      %add3A_243 = arith.addf %get3A_239, %get3A_242 : vector<16xf32>
      %swap3A_244 = arith.index_cast %scan3A_226 : i32 to index
      %swap3A_245 = arith.constant 16 : index
      %swap3A_246 = tpu.vector_load %arg13[%swap3A_244, %swap3A_245] {strides = array<i32>} : memref<16x1024xf32, #tpu.memory_space<vmem>>, vector<16xf32>,
      tpu.vector_store %arg13[%swap3A_244, %swap3A_245], %add3A_243 {strides = array<i32>} : memref<16x1024xf32, #tpu.memory_space<vmem>>, vector<16xf32>,
      %get3A_247 = arith.index_cast %scan3A_226 : i32 to index
      %get3A_248 = arith.constant 32 : index
      %get3A_249 = tpu.vector_load %arg9[%get3A_247, %get3A_248] {strides = array<i32>} : memref<16x1024xf32, #tpu.memory_space<vmem>>, vector<16xf32>,
      %get3A_250 = arith.index_cast %scan3A_226 : i32 to index
      %get3A_251 = arith.constant 32 : index
      %get3A_252 = tpu.vector_load %arg11[%get3A_250, %get3A_251] {strides = array<i32>} : memref<16x1024xf32, #tpu.memory_space<vmem>>, vector<16xf32>,
      %add3A_253 = arith.addf %get3A_249, %get3A_252 : vector<16xf32>
      %swap3A_254 = arith.index_cast %scan3A_226 : i32 to index
      %swap3A_255 = arith.constant 32 : index
      %swap3A_256 = tpu.vector_load %arg13[%swap3A_254, %swap3A_255] {strides = array<i32>} : memref<16x1024xf32, #tpu.memory_space<vmem>>, vector<16xf32>,
      tpu.vector_store %arg13[%swap3A_254, %swap3A_255], %add3A_253 {strides = array<i32>} : memref<16x1024xf32, #tpu.memory_space<vmem>>, vector<16xf32>,
      %get3A_257 = arith.index_cast %scan3A_226 : i32 to index
      %get3A_258 = arith.constant 48 : index
      %get3A_259 = tpu.vector_load %arg9[%get3A_257, %get3A_258] {strides = array<i32>} : memref<16x1024xf32, #tpu.memory_space<vmem>>, vector<16xf32>,
      %get3A_260 = arith.index_cast %scan3A_226 : i32 to index
      %get3A_261 = arith.constant 48 : index
      %get3A_262 = tpu.vector_load %arg11[%get3A_260, %get3A_261] {strides = array<i32>} : memref<16x1024xf32, #tpu.memory_space<vmem>>, vector<16xf32>,
      %add3A_263 = arith.addf %get3A_259, %get3A_262 : vector<16xf32>
      %swap3A_264 = arith.index_cast %scan3A_226 : i32 to index
      %swap3A_265 = arith.constant 48 : index
      %swap3A_266 = tpu.vector_load %arg13[%swap3A_264, %swap3A_265] {strides = array<i32>} : memref<16x1024xf32, #tpu.memory_space<vmem>>, vector<16xf32>,
      tpu.vector_store %arg13[%swap3A_264, %swap3A_265], %add3A_263 {strides = array<i32>} : memref<16x1024xf32, #tpu.memory_space<vmem>>, vector<16xf32>,
      %get3A_267 = arith.index_cast %scan3A_226 : i32 to index
      %get3A_268 = arith.constant 64 : index
      %get3A_269 = tpu.vector_load %arg9[%get3A_267, %get3A_268] {strides = array<i32>} : memref<16x1024xf32, #tpu.memory_space<vmem>>, vector<16xf32>,
      %get3A_270 = arith.index_cast %scan3A_226 : i32 to index
      %get3A_271 = arith.constant 64 : index
      %get3A_272 = tpu.vector_load %arg11[%get3A_270, %get3A_271] {strides = array<i32>} : memref<16x1024xf32, #tpu.memory_space<vmem>>, vector<16xf32>,
      %add3A_273 = arith.addf %get3A_269, %get3A_272 : vector<16xf32>
      %swap3A_274 = arith.index_cast %scan3A_226 : i32 to index
      %swap3A_275 = arith.constant 64 : index
      %swap3A_276 = tpu.vector_load %arg13[%swap3A_274, %swap3A_275] {strides = array<i32>} : memref<16x1024xf32, #tpu.memory_space<vmem>>, vector<16xf32>,
      tpu.vector_store %arg13[%swap3A_274, %swap3A_275], %add3A_273 {strides = array<i32>} : memref<16x1024xf32, #tpu.memory_space<vmem>>, vector<16xf32>,
      %get3A_277 = arith.index_cast %scan3A_226 : i32 to index
      %get3A_278 = arith.constant 80 : index
      %get3A_279 = tpu.vector_load %arg9[%get3A_277, %get3A_278] {strides = array<i32>} : memref<16x1024xf32, #tpu.memory_space<vmem>>, vector<16xf32>,
      %get3A_280 = arith.index_cast %scan3A_226 : i32 to index
      %get3A_281 = arith.constant 80 : index
      %get3A_282 = tpu.vector_load %arg11[%get3A_280, %get3A_281] {strides = array<i32>} : memref<16x1024xf32, #tpu.memory_space<vmem>>, vector<16xf32>,
      %add3A_283 = arith.addf %get3A_279, %get3A_282 : vector<16xf32>
      %swap3A_284 = arith.index_cast %scan3A_226 : i32 to index
      %swap3A_285 = arith.constant 80 : index
      %swap3A_286 = tpu.vector_load %arg13[%swap3A_284, %swap3A_285] {strides = array<i32>} : memref<16x1024xf32, #tpu.memory_space<vmem>>, vector<16xf32>,
      tpu.vector_store %arg13[%swap3A_284, %swap3A_285], %add3A_283 {strides = array<i32>} : memref<16x1024xf32, #tpu.memory_space<vmem>>, vector<16xf32>,
      %get3A_287 = arith.index_cast %scan3A_226 : i32 to index
      %get3A_288 = arith.constant 96 : index
      %get3A_289 = tpu.vector_load %arg9[%get3A_287, %get3A_288] {strides = array<i32>} : memref<16x1024xf32, #tpu.memory_space<vmem>>, vector<16xf32>,
      %get3A_290 = arith.index_cast %scan3A_226 : i32 to index
      %get3A_291 = arith.constant 96 : index
      %get3A_292 = tpu.vector_load %arg11[%get3A_290, %get3A_291] {strides = array<i32>} : memref<16x1024xf32, #tpu.memory_space<vmem>>, vector<16xf32>,
      %add3A_293 = arith.addf %get3A_289, %get3A_292 : vector<16xf32>
      %swap3A_294 = arith.index_cast %scan3A_226 : i32 to index
      %swap3A_295 = arith.constant 96 : index
      %swap3A_296 = tpu.vector_load %arg13[%swap3A_294, %swap3A_295] {strides = array<i32>} : memref<16x1024xf32, #tpu.memory_space<vmem>>, vector<16xf32>,
      tpu.vector_store %arg13[%swap3A_294, %swap3A_295], %add3A_293 {strides = array<i32>} : memref<16x1024xf32, #tpu.memory_space<vmem>>, vector<16xf32>,
      %get3A_297 = arith.index_cast %scan3A_226 : i32 to index
      %get3A_298 = arith.constant 112 : index
      %get3A_299 = tpu.vector_load %arg9[%get3A_297, %get3A_298] {strides = array<i32>} : memref<16x1024xf32, #tpu.memory_space<vmem>>, vector<16xf32>,
      %get3A_300 = arith.index_cast %scan3A_226 : i32 to index
      %get3A_301 = arith.constant 112 : index
      %get3A_302 = tpu.vector_load %arg11[%get3A_300, %get3A_301] {strides = array<i32>} : memref<16x1024xf32, #tpu.memory_space<vmem>>, vector<16xf32>,
      %add3A_303 = arith.addf %get3A_299, %get3A_302 : vector<16xf32>
      %swap3A_304 = arith.index_cast %scan3A_226 : i32 to index
      %swap3A_305 = arith.constant 112 : index
      %swap3A_306 = tpu.vector_load %arg13[%swap3A_304, %swap3A_305] {strides = array<i32>} : memref<16x1024xf32, #tpu.memory_space<vmem>>, vector<16xf32>,
      tpu.vector_store %arg13[%swap3A_304, %swap3A_305], %add3A_303 {strides = array<i32>} : memref<16x1024xf32, #tpu.memory_space<vmem>>, vector<16xf32>,
      %get3A_307 = arith.index_cast %scan3A_226 : i32 to index
      %get3A_308 = arith.constant 128 : index
      %get3A_309 = tpu.vector_load %arg9[%get3A_307, %get3A_308] {strides = array<i32>} : memref<16x1024xf32, #tpu.memory_space<vmem>>, vector<16xf32>,
      %get3A_310 = arith.index_cast %scan3A_226 : i32 to index
      %get3A_311 = arith.constant 128 : index
      %get3A_312 = tpu.vector_load %arg11[%get3A_310, %get3A_311] {strides = array<i32>} : memref<16x1024xf32, #tpu.memory_space<vmem>>, vector<16xf32>,
      %add3A_313 = arith.addf %get3A_309, %get3A_312 : vector<16xf32>
      %swap3A_314 = arith.index_cast %scan3A_226 : i32 to index
      %swap3A_315 = arith.constant 128 : index
      %swap3A_316 = tpu.vector_load %arg13[%swap3A_314, %swap3A_315] {strides = array<i32>} : memref<16x1024xf32, #tpu.memory_space<vmem>>, vector<16xf32>,
      tpu.vector_store %arg13[%swap3A_314, %swap3A_315], %add3A_313 {strides = array<i32>} : memref<16x1024xf32, #tpu.memory_space<vmem>>, vector<16xf32>,
      %get3A_317 = arith.index_cast %scan3A_226 : i32 to index
      %get3A_318 = arith.constant 144 : index
      %get3A_319 = tpu.vector_load %arg9[%get3A_317, %get3A_318] {strides = array<i32>} : memref<16x1024xf32, #tpu.memory_space<vmem>>, vector<16xf32>,
      %get3A_320 = arith.index_cast %scan3A_226 : i32 to index
      %get3A_321 = arith.constant 144 : index
      %get3A_322 = tpu.vector_load %arg11[%get3A_320, %get3A_321] {strides = array<i32>} : memref<16x1024xf32, #tpu.memory_space<vmem>>, vector<16xf32>,
      %add3A_323 = arith.addf %get3A_319, %get3A_322 : vector<16xf32>
      %swap3A_324 = arith.index_cast %scan3A_226 : i32 to index
      %swap3A_325 = arith.constant 144 : index
      %swap3A_326 = tpu.vector_load %arg13[%swap3A_324, %swap3A_325] {strides = array<i32>} : memref<16x1024xf32, #tpu.memory_space<vmem>>, vector<16xf32>,
      tpu.vector_store %arg13[%swap3A_324, %swap3A_325], %add3A_323 {strides = array<i32>} : memref<16x1024xf32, #tpu.memory_space<vmem>>, vector<16xf32>,
      %get3A_327 = arith.index_cast %scan3A_226 : i32 to index
      %get3A_328 = arith.constant 160 : index
      %get3A_329 = tpu.vector_load %arg9[%get3A_327, %get3A_328] {strides = array<i32>} : memref<16x1024xf32, #tpu.memory_space<vmem>>, vector<16xf32>,
      %get3A_330 = arith.index_cast %scan3A_226 : i32 to index
      %get3A_331 = arith.constant 160 : index
      %get3A_332 = tpu.vector_load %arg11[%get3A_330, %get3A_331] {strides = array<i32>} : memref<16x1024xf32, #tpu.memory_space<vmem>>, vector<16xf32>,
      %add3A_333 = arith.addf %get3A_329, %get3A_332 : vector<16xf32>
      %swap3A_334 = arith.index_cast %scan3A_226 : i32 to index
      %swap3A_335 = arith.constant 160 : index
      %swap3A_336 = tpu.vector_load %arg13[%swap3A_334, %swap3A_335] {strides = array<i32>} : memref<16x1024xf32, #tpu.memory_space<vmem>>, vector<16xf32>,
      tpu.vector_store %arg13[%swap3A_334, %swap3A_335], %add3A_333 {strides = array<i32>} : memref<16x1024xf32, #tpu.memory_space<vmem>>, vector<16xf32>,
      %get3A_337 = arith.index_cast %scan3A_226 : i32 to index
      %get3A_338 = arith.constant 176 : index
      %get3A_339 = tpu.vector_load %arg9[%get3A_337, %get3A_338] {strides = array<i32>} : memref<16x1024xf32, #tpu.memory_space<vmem>>, vector<16xf32>,
      %get3A_340 = arith.index_cast %scan3A_226 : i32 to index
      %get3A_341 = arith.constant 176 : index
      %get3A_342 = tpu.vector_load %arg11[%get3A_340, %get3A_341] {strides = array<i32>} : memref<16x1024xf32, #tpu.memory_space<vmem>>, vector<16xf32>,
      %add3A_343 = arith.addf %get3A_339, %get3A_342 : vector<16xf32>
      %swap3A_344 = arith.index_cast %scan3A_226 : i32 to index
      %swap3A_345 = arith.constant 176 : index
      %swap3A_346 = tpu.vector_load %arg13[%swap3A_344, %swap3A_345] {strides = array<i32>} : memref<16x1024xf32, #tpu.memory_space<vmem>>, vector<16xf32>,
      tpu.vector_store %arg13[%swap3A_344, %swap3A_345], %add3A_343 {strides = array<i32>} : memref<16x1024xf32, #tpu.memory_space<vmem>>, vector<16xf32>,
      %get3A_347 = arith.index_cast %scan3A_226 : i32 to index
      %get3A_348 = arith.constant 192 : index
      %get3A_349 = tpu.vector_load %arg9[%get3A_347, %get3A_348] {strides = array<i32>} : memref<16x1024xf32, #tpu.memory_space<vmem>>, vector<16xf32>,
      %get3A_350 = arith.index_cast %scan3A_226 : i32 to index
      %get3A_351 = arith.constant 192 : index
      %get3A_352 = tpu.vector_load %arg11[%get3A_350, %get3A_351] {strides = array<i32>} : memref<16x1024xf32, #tpu.memory_space<vmem>>, vector<16xf32>,
      %add3A_353 = arith.addf %get3A_349, %get3A_352 : vector<16xf32>
      %swap3A_354 = arith.index_cast %scan3A_226 : i32 to index
      %swap3A_355 = arith.constant 192 : index
      %swap3A_356 = tpu.vector_load %arg13[%swap3A_354, %swap3A_355] {strides = array<i32>} : memref<16x1024xf32, #tpu.memory_space<vmem>>, vector<16xf32>,
      tpu.vector_store %arg13[%swap3A_354, %swap3A_355], %add3A_353 {strides = array<i32>} : memref<16x1024xf32, #tpu.memory_space<vmem>>, vector<16xf32>,
      %get3A_357 = arith.index_cast %scan3A_226 : i32 to index
      %get3A_358 = arith.constant 208 : index
      %get3A_359 = tpu.vector_load %arg9[%get3A_357, %get3A_358] {strides = array<i32>} : memref<16x1024xf32, #tpu.memory_space<vmem>>, vector<16xf32>,
      %get3A_360 = arith.index_cast %scan3A_226 : i32 to index
      %get3A_361 = arith.constant 208 : index
      %get3A_362 = tpu.vector_load %arg11[%get3A_360, %get3A_361] {strides = array<i32>} : memref<16x1024xf32, #tpu.memory_space<vmem>>, vector<16xf32>,
      %add3A_363 = arith.addf %get3A_359, %get3A_362 : vector<16xf32>
      %swap3A_364 = arith.index_cast %scan3A_226 : i32 to index
      %swap3A_365 = arith.constant 208 : index
      %swap3A_366 = tpu.vector_load %arg13[%swap3A_364, %swap3A_365] {strides = array<i32>} : memref<16x1024xf32, #tpu.memory_space<vmem>>, vector<16xf32>,
      tpu.vector_store %arg13[%swap3A_364, %swap3A_365], %add3A_363 {strides = array<i32>} : memref<16x1024xf32, #tpu.memory_space<vmem>>, vector<16xf32>,
      %get3A_367 = arith.index_cast %scan3A_226 : i32 to index
      %get3A_368 = arith.constant 224 : index
      %get3A_369 = tpu.vector_load %arg9[%get3A_367, %get3A_368] {strides = array<i32>} : memref<16x1024xf32, #tpu.memory_space<vmem>>, vector<16xf32>,
      %get3A_370 = arith.index_cast %scan3A_226 : i32 to index
      %get3A_371 = arith.constant 224 : index
      %get3A_372 = tpu.vector_load %arg11[%get3A_370, %get3A_371] {strides = array<i32>} : memref<16x1024xf32, #tpu.memory_space<vmem>>, vector<16xf32>,
      %add3A_373 = arith.addf %get3A_369, %get3A_372 : vector<16xf32>
      %swap3A_374 = arith.index_cast %scan3A_226 : i32 to index
      %swap3A_375 = arith.constant 224 : index
      %swap3A_376 = tpu.vector_load %arg13[%swap3A_374, %swap3A_375] {strides = array<i32>} : memref<16x1024xf32, #tpu.memory_space<vmem>>, vector<16xf32>,
      tpu.vector_store %arg13[%swap3A_374, %swap3A_375], %add3A_373 {strides = array<i32>} : memref<16x1024xf32, #tpu.memory_space<vmem>>, vector<16xf32>,
      %get3A_377 = arith.index_cast %scan3A_226 : i32 to index
      %get3A_378 = arith.constant 240 : index
      %get3A_379 = tpu.vector_load %arg9[%get3A_377, %get3A_378] {strides = array<i32>} : memref<16x1024xf32, #tpu.memory_space<vmem>>, vector<16xf32>,
      %get3A_380 = arith.index_cast %scan3A_226 : i32 to index
      %get3A_381 = arith.constant 240 : index
      %get3A_382 = tpu.vector_load %arg11[%get3A_380, %get3A_381] {strides = array<i32>} : memref<16x1024xf32, #tpu.memory_space<vmem>>, vector<16xf32>,
      %add3A_383 = arith.addf %get3A_379, %get3A_382 : vector<16xf32>
      %swap3A_384 = arith.index_cast %scan3A_226 : i32 to index
      %swap3A_385 = arith.constant 240 : index
      %swap3A_386 = tpu.vector_load %arg13[%swap3A_384, %swap3A_385] {strides = array<i32>} : memref<16x1024xf32, #tpu.memory_space<vmem>>, vector<16xf32>,
      tpu.vector_store %arg13[%swap3A_384, %swap3A_385], %add3A_383 {strides = array<i32>} : memref<16x1024xf32, #tpu.memory_space<vmem>>, vector<16xf32>,
      %get3A_387 = arith.index_cast %scan3A_226 : i32 to index
      %get3A_388 = arith.constant 256 : index
      %get3A_389 = tpu.vector_load %arg9[%get3A_387, %get3A_388] {strides = array<i32>} : memref<16x1024xf32, #tpu.memory_space<vmem>>, vector<16xf32>,
      %get3A_390 = arith.index_cast %scan3A_226 : i32 to index
      %get3A_391 = arith.constant 256 : index
      %get3A_392 = tpu.vector_load %arg11[%get3A_390, %get3A_391] {strides = array<i32>} : memref<16x1024xf32, #tpu.memory_space<vmem>>, vector<16xf32>,
      %add3A_393 = arith.addf %get3A_389, %get3A_392 : vector<16xf32>
      %swap3A_394 = arith.index_cast %scan3A_226 : i32 to index
      %swap3A_395 = arith.constant 256 : index
      %swap3A_396 = tpu.vector_load %arg13[%swap3A_394, %swap3A_395] {strides = array<i32>} : memref<16x1024xf32, #tpu.memory_space<vmem>>, vector<16xf32>,
      tpu.vector_store %arg13[%swap3A_394, %swap3A_395], %add3A_393 {strides = array<i32>} : memref<16x1024xf32, #tpu.memory_space<vmem>>, vector<16xf32>,
      %get3A_397 = arith.index_cast %scan3A_226 : i32 to index
      %get3A_398 = arith.constant 272 : index
      %get3A_399 = tpu.vector_load %arg9[%get3A_397, %get3A_398] {strides = array<i32>} : memref<16x1024xf32, #tpu.memory_space<vmem>>, vector<16xf32>,
      %get3A_400 = arith.index_cast %scan3A_226 : i32 to index
      %get3A_401 = arith.constant 272 : index
      %get3A_402 = tpu.vector_load %arg11[%get3A_400, %get3A_401] {strides = array<i32>} : memref<16x1024xf32, #tpu.memory_space<vmem>>, vector<16xf32>,
      %add3A_403 = arith.addf %get3A_399, %get3A_402 : vector<16xf32>
      %swap3A_404 = arith.index_cast %scan3A_226 : i32 to index
      %swap3A_405 = arith.constant 272 : index
      %swap3A_406 = tpu.vector_load %arg13[%swap3A_404, %swap3A_405] {strides = array<i32>} : memref<16x1024xf32, #tpu.memory_space<vmem>>, vector<16xf32>,
      tpu.vector_store %arg13[%swap3A_404, %swap3A_405], %add3A_403 {strides = array<i32>} : memref<16x1024xf32, #tpu.memory_space<vmem>>, vector<16xf32>,
      %get3A_407 = arith.index_cast %scan3A_226 : i32 to index
      %get3A_408 = arith.constant 288 : index
      %get3A_409 = tpu.vector_load %arg9[%get3A_407, %get3A_408] {strides = array<i32>} : memref<16x1024xf32, #tpu.memory_space<vmem>>, vector<16xf32>,
      %get3A_410 = arith.index_cast %scan3A_226 : i32 to index
      %get3A_411 = arith.constant 288 : index
      %get3A_412 = tpu.vector_load %arg11[%get3A_410, %get3A_411] {strides = array<i32>} : memref<16x1024xf32, #tpu.memory_space<vmem>>, vector<16xf32>,
      %add3A_413 = arith.addf %get3A_409, %get3A_412 : vector<16xf32>
      %swap3A_414 = arith.index_cast %scan3A_226 : i32 to index
      %swap3A_415 = arith.constant 288 : index
      %swap3A_416 = tpu.vector_load %arg13[%swap3A_414, %swap3A_415] {strides = array<i32>} : memref<16x1024xf32, #tpu.memory_space<vmem>>, vector<16xf32>,
      tpu.vector_store %arg13[%swap3A_414, %swap3A_415], %add3A_413 {strides = array<i32>} : memref<16x1024xf32, #tpu.memory_space<vmem>>, vector<16xf32>,
      %get3A_417 = arith.index_cast %scan3A_226 : i32 to index
      %get3A_418 = arith.constant 304 : index
      %get3A_419 = tpu.vector_load %arg9[%get3A_417, %get3A_418] {strides = array<i32>} : memref<16x1024xf32, #tpu.memory_space<vmem>>, vector<16xf32>,
      %get3A_420 = arith.index_cast %scan3A_226 : i32 to index
      %get3A_421 = arith.constant 304 : index
      %get3A_422 = tpu.vector_load %arg11[%get3A_420, %get3A_421] {strides = array<i32>} : memref<16x1024xf32, #tpu.memory_space<vmem>>, vector<16xf32>,
      %add3A_423 = arith.addf %get3A_419, %get3A_422 : vector<16xf32>
      %swap3A_424 = arith.index_cast %scan3A_226 : i32 to index
      %swap3A_425 = arith.constant 304 : index
      %swap3A_426 = tpu.vector_load %arg13[%swap3A_424, %swap3A_425] {strides = array<i32>} : memref<16x1024xf32, #tpu.memory_space<vmem>>, vector<16xf32>,
      tpu.vector_store %arg13[%swap3A_424, %swap3A_425], %add3A_423 {strides = array<i32>} : memref<16x1024xf32, #tpu.memory_space<vmem>>, vector<16xf32>,
      %get3A_427 = arith.index_cast %scan3A_226 : i32 to index
      %get3A_428 = arith.constant 320 : index
      %get3A_429 = tpu.vector_load %arg9[%get3A_427, %get3A_428] {strides = array<i32>} : memref<16x1024xf32, #tpu.memory_space<vmem>>, vector<16xf32>,
      %get3A_430 = arith.index_cast %scan3A_226 : i32 to index
      %get3A_431 = arith.constant 320 : index
      %get3A_432 = tpu.vector_load %arg11[%get3A_430, %get3A_431] {strides = array<i32>} : memref<16x1024xf32, #tpu.memory_space<vmem>>, vector<16xf32>,
      %add3A_433 = arith.addf %get3A_429, %get3A_432 : vector<16xf32>
      %swap3A_434 = arith.index_cast %scan3A_226 : i32 to index
      %swap3A_435 = arith.constant 320 : index
      %swap3A_436 = tpu.vector_load %arg13[%swap3A_434, %swap3A_435] {strides = array<i32>} : memref<16x1024xf32, #tpu.memory_space<vmem>>, vector<16xf32>,
      tpu.vector_store %arg13[%swap3A_434, %swap3A_435], %add3A_433 {strides = array<i32>} : memref<16x1024xf32, #tpu.memory_space<vmem>>, vector<16xf32>,
      %get3A_437 = arith.index_cast %scan3A_226 : i32 to index
      %get3A_438 = arith.constant 336 : index
      %get3A_439 = tpu.vector_load %arg9[%get3A_437, %get3A_438] {strides = array<i32>} : memref<16x1024xf32, #tpu.memory_space<vmem>>, vector<16xf32>,
      %get3A_440 = arith.index_cast %scan3A_226 : i32 to index
      %get3A_441 = arith.constant 336 : index
      %get3A_442 = tpu.vector_load %arg11[%get3A_440, %get3A_441] {strides = array<i32>} : memref<16x1024xf32, #tpu.memory_space<vmem>>, vector<16xf32>,
      %add3A_443 = arith.addf %get3A_439, %get3A_442 : vector<16xf32>
      %swap3A_444 = arith.index_cast %scan3A_226 : i32 to index
      %swap3A_445 = arith.constant 336 : index
      %swap3A_446 = tpu.vector_load %arg13[%swap3A_444, %swap3A_445] {strides = array<i32>} : memref<16x1024xf32, #tpu.memory_space<vmem>>, vector<16xf32>,
      tpu.vector_store %arg13[%swap3A_444, %swap3A_445], %add3A_443 {strides = array<i32>} : memref<16x1024xf32, #tpu.memory_space<vmem>>, vector<16xf32>,
      %get3A_447 = arith.index_cast %scan3A_226 : i32 to index
      %get3A_448 = arith.constant 352 : index
      %get3A_449 = tpu.vector_load %arg9[%get3A_447, %get3A_448] {strides = array<i32>} : memref<16x1024xf32, #tpu.memory_space<vmem>>, vector<16xf32>,
      %get3A_450 = arith.index_cast %scan3A_226 : i32 to index
      %get3A_451 = arith.constant 352 : index
      %get3A_452 = tpu.vector_load %arg11[%get3A_450, %get3A_451] {strides = array<i32>} : memref<16x1024xf32, #tpu.memory_space<vmem>>, vector<16xf32>,
      %add3A_453 = arith.addf %get3A_449, %get3A_452 : vector<16xf32>
      %swap3A_454 = arith.index_cast %scan3A_226 : i32 to index
      %swap3A_455 = arith.constant 352 : index
      %swap3A_456 = tpu.vector_load %arg13[%swap3A_454, %swap3A_455] {strides = array<i32>} : memref<16x1024xf32, #tpu.memory_space<vmem>>, vector<16xf32>,
      tpu.vector_store %arg13[%swap3A_454, %swap3A_455], %add3A_453 {strides = array<i32>} : memref<16x1024xf32, #tpu.memory_space<vmem>>, vector<16xf32>,
      %get3A_457 = arith.index_cast %scan3A_226 : i32 to index
      %get3A_458 = arith.constant 368 : index
      %get3A_459 = tpu.vector_load %arg9[%get3A_457, %get3A_458] {strides = array<i32>} : memref<16x1024xf32, #tpu.memory_space<vmem>>, vector<16xf32>,
      %get3A_460 = arith.index_cast %scan3A_226 : i32 to index
      %get3A_461 = arith.constant 368 : index
      %get3A_462 = tpu.vector_load %arg11[%get3A_460, %get3A_461] {strides = array<i32>} : memref<16x1024xf32, #tpu.memory_space<vmem>>, vector<16xf32>,
      %add3A_463 = arith.addf %get3A_459, %get3A_462 : vector<16xf32>
      %swap3A_464 = arith.index_cast %scan3A_226 : i32 to index
      %swap3A_465 = arith.constant 368 : index
      %swap3A_466 = tpu.vector_load %arg13[%swap3A_464, %swap3A_465] {strides = array<i32>} : memref<16x1024xf32, #tpu.memory_space<vmem>>, vector<16xf32>,
      tpu.vector_store %arg13[%swap3A_464, %swap3A_465], %add3A_463 {strides = array<i32>} : memref<16x1024xf32, #tpu.memory_space<vmem>>, vector<16xf32>,
      %get3A_467 = arith.index_cast %scan3A_226 : i32 to index
      %get3A_468 = arith.constant 384 : index
      %get3A_469 = tpu.vector_load %arg9[%get3A_467, %get3A_468] {strides = array<i32>} : memref<16x1024xf32, #tpu.memory_space<vmem>>, vector<16xf32>,
      %get3A_470 = arith.index_cast %scan3A_226 : i32 to index
      %get3A_471 = arith.constant 384 : index
      %get3A_472 = tpu.vector_load %arg11[%get3A_470, %get3A_471] {strides = array<i32>} : memref<16x1024xf32, #tpu.memory_space<vmem>>, vector<16xf32>,
      %add3A_473 = arith.addf %get3A_469, %get3A_472 : vector<16xf32>
      %swap3A_474 = arith.index_cast %scan3A_226 : i32 to index
      %swap3A_475 = arith.constant 384 : index
      %swap3A_476 = tpu.vector_load %arg13[%swap3A_474, %swap3A_475] {strides = array<i32>} : memref<16x1024xf32, #tpu.memory_space<vmem>>, vector<16xf32>,
      tpu.vector_store %arg13[%swap3A_474, %swap3A_475], %add3A_473 {strides = array<i32>} : memref<16x1024xf32, #tpu.memory_space<vmem>>, vector<16xf32>,
      %get3A_477 = arith.index_cast %scan3A_226 : i32 to index
      %get3A_478 = arith.constant 400 : index
      %get3A_479 = tpu.vector_load %arg9[%get3A_477, %get3A_478] {strides = array<i32>} : memref<16x1024xf32, #tpu.memory_space<vmem>>, vector<16xf32>,
      %get3A_480 = arith.index_cast %scan3A_226 : i32 to index
      %get3A_481 = arith.constant 400 : index
      %get3A_482 = tpu.vector_load %arg11[%get3A_480, %get3A_481] {strides = array<i32>} : memref<16x1024xf32, #tpu.memory_space<vmem>>, vector<16xf32>,
      %add3A_483 = arith.addf %get3A_479, %get3A_482 : vector<16xf32>
      %swap3A_484 = arith.index_cast %scan3A_226 : i32 to index
      %swap3A_485 = arith.constant 400 : index
      %swap3A_486 = tpu.vector_load %arg13[%swap3A_484, %swap3A_485] {strides = array<i32>} : memref<16x1024xf32, #tpu.memory_space<vmem>>, vector<16xf32>,
      tpu.vector_store %arg13[%swap3A_484, %swap3A_485], %add3A_483 {strides = array<i32>} : memref<16x1024xf32, #tpu.memory_space<vmem>>, vector<16xf32>,
      %get3A_487 = arith.index_cast %scan3A_226 : i32 to index
      %get3A_488 = arith.constant 416 : index
      %get3A_489 = tpu.vector_load %arg9[%get3A_487, %get3A_488] {strides = array<i32>} : memref<16x1024xf32, #tpu.memory_space<vmem>>, vector<16xf32>,
      %get3A_490 = arith.index_cast %scan3A_226 : i32 to index
      %get3A_491 = arith.constant 416 : index
      %get3A_492 = tpu.vector_load %arg11[%get3A_490, %get3A_491] {strides = array<i32>} : memref<16x1024xf32, #tpu.memory_space<vmem>>, vector<16xf32>,
      %add3A_493 = arith.addf %get3A_489, %get3A_492 : vector<16xf32>
      %swap3A_494 = arith.index_cast %scan3A_226 : i32 to index
      %swap3A_495 = arith.constant 416 : index
      %swap3A_496 = tpu.vector_load %arg13[%swap3A_494, %swap3A_495] {strides = array<i32>} : memref<16x1024xf32, #tpu.memory_space<vmem>>, vector<16xf32>,
      tpu.vector_store %arg13[%swap3A_494, %swap3A_495], %add3A_493 {strides = array<i32>} : memref<16x1024xf32, #tpu.memory_space<vmem>>, vector<16xf32>,
      %get3A_497 = arith.index_cast %scan3A_226 : i32 to index
      %get3A_498 = arith.constant 432 : index
      %get3A_499 = tpu.vector_load %arg9[%get3A_497, %get3A_498] {strides = array<i32>} : memref<16x1024xf32, #tpu.memory_space<vmem>>, vector<16xf32>,
      %get3A_500 = arith.index_cast %scan3A_226 : i32 to index
      %get3A_501 = arith.constant 432 : index
      %get3A_502 = tpu.vector_load %arg11[%get3A_500, %get3A_501] {strides = array<i32>} : memref<16x1024xf32, #tpu.memory_space<vmem>>, vector<16xf32>,
      %add3A_503 = arith.addf %get3A_499, %get3A_502 : vector<16xf32>
      %swap3A_504 = arith.index_cast %scan3A_226 : i32 to index
      %swap3A_505 = arith.constant 432 : index
      %swap3A_506 = tpu.vector_load %arg13[%swap3A_504, %swap3A_505] {strides = array<i32>} : memref<16x1024xf32, #tpu.memory_space<vmem>>, vector<16xf32>,
      tpu.vector_store %arg13[%swap3A_504, %swap3A_505], %add3A_503 {strides = array<i32>} : memref<16x1024xf32, #tpu.memory_space<vmem>>, vector<16xf32>,
      %get3A_507 = arith.index_cast %scan3A_226 : i32 to index
      %get3A_508 = arith.constant 448 : index
      %get3A_509 = tpu.vector_load %arg9[%get3A_507, %get3A_508] {strides = array<i32>} : memref<16x1024xf32, #tpu.memory_space<vmem>>, vector<16xf32>,
      %get3A_510 = arith.index_cast %scan3A_226 : i32 to index
      %get3A_511 = arith.constant 448 : index
      %get3A_512 = tpu.vector_load %arg11[%get3A_510, %get3A_511] {strides = array<i32>} : memref<16x1024xf32, #tpu.memory_space<vmem>>, vector<16xf32>,
      %add3A_513 = arith.addf %get3A_509, %get3A_512 : vector<16xf32>
      %swap3A_514 = arith.index_cast %scan3A_226 : i32 to index
      %swap3A_515 = arith.constant 448 : index
      %swap3A_516 = tpu.vector_load %arg13[%swap3A_514, %swap3A_515] {strides = array<i32>} : memref<16x1024xf32, #tpu.memory_space<vmem>>, vector<16xf32>,
      tpu.vector_store %arg13[%swap3A_514, %swap3A_515], %add3A_513 {strides = array<i32>} : memref<16x1024xf32, #tpu.memory_space<vmem>>, vector<16xf32>,
      %get3A_517 = arith.index_cast %scan3A_226 : i32 to index
      %get3A_518 = arith.constant 464 : index
      %get3A_519 = tpu.vector_load %arg9[%get3A_517, %get3A_518] {strides = array<i32>} : memref<16x1024xf32, #tpu.memory_space<vmem>>, vector<16xf32>,
      %get3A_520 = arith.index_cast %scan3A_226 : i32 to index
      %get3A_521 = arith.constant 464 : index
      %get3A_522 = tpu.vector_load %arg11[%get3A_520, %get3A_521] {strides = array<i32>} : memref<16x1024xf32, #tpu.memory_space<vmem>>, vector<16xf32>,
      %add3A_523 = arith.addf %get3A_519, %get3A_522 : vector<16xf32>
      %swap3A_524 = arith.index_cast %scan3A_226 : i32 to index
      %swap3A_525 = arith.constant 464 : index
      %swap3A_526 = tpu.vector_load %arg13[%swap3A_524, %swap3A_525] {strides = array<i32>} : memref<16x1024xf32, #tpu.memory_space<vmem>>, vector<16xf32>,
      tpu.vector_store %arg13[%swap3A_524, %swap3A_525], %add3A_523 {strides = array<i32>} : memref<16x1024xf32, #tpu.memory_space<vmem>>, vector<16xf32>,
      %get3A_527 = arith.index_cast %scan3A_226 : i32 to index
      %get3A_528 = arith.constant 480 : index
      %get3A_529 = tpu.vector_load %arg9[%get3A_527, %get3A_528] {strides = array<i32>} : memref<16x1024xf32, #tpu.memory_space<vmem>>, vector<16xf32>,
      %get3A_530 = arith.index_cast %scan3A_226 : i32 to index
      %get3A_531 = arith.constant 480 : index
      %get3A_532 = tpu.vector_load %arg11[%get3A_530, %get3A_531] {strides = array<i32>} : memref<16x1024xf32, #tpu.memory_space<vmem>>, vector<16xf32>,
      %add3A_533 = arith.addf %get3A_529, %get3A_532 : vector<16xf32>
      %swap3A_534 = arith.index_cast %scan3A_226 : i32 to index
      %swap3A_535 = arith.constant 480 : index
      %swap3A_536 = tpu.vector_load %arg13[%swap3A_534, %swap3A_535] {strides = array<i32>} : memref<16x1024xf32, #tpu.memory_space<vmem>>, vector<16xf32>,
      tpu.vector_store %arg13[%swap3A_534, %swap3A_535], %add3A_533 {strides = array<i32>} : memref<16x1024xf32, #tpu.memory_space<vmem>>, vector<16xf32>,
      %get3A_537 = arith.index_cast %scan3A_226 : i32 to index
      %get3A_538 = arith.constant 496 : index
      %get3A_539 = tpu.vector_load %arg9[%get3A_537, %get3A_538] {strides = array<i32>} : memref<16x1024xf32, #tpu.memory_space<vmem>>, vector<16xf32>,
      %get3A_540 = arith.index_cast %scan3A_226 : i32 to index
      %get3A_541 = arith.constant 496 : index
      %get3A_542 = tpu.vector_load %arg11[%get3A_540, %get3A_541] {strides = array<i32>} : memref<16x1024xf32, #tpu.memory_space<vmem>>, vector<16xf32>,
      %add3A_543 = arith.addf %get3A_539, %get3A_542 : vector<16xf32>
      %swap3A_544 = arith.index_cast %scan3A_226 : i32 to index
      %swap3A_545 = arith.constant 496 : index
      %swap3A_546 = tpu.vector_load %arg13[%swap3A_544, %swap3A_545] {strides = array<i32>} : memref<16x1024xf32, #tpu.memory_space<vmem>>, vector<16xf32>,
      tpu.vector_store %arg13[%swap3A_544, %swap3A_545], %add3A_543 {strides = array<i32>} : memref<16x1024xf32, #tpu.memory_space<vmem>>, vector<16xf32>,
      %get3A_547 = arith.index_cast %scan3A_226 : i32 to index
      %get3A_548 = arith.constant 512 : index
      %get3A_549 = tpu.vector_load %arg9[%get3A_547, %get3A_548] {strides = array<i32>} : memref<16x1024xf32, #tpu.memory_space<vmem>>, vector<16xf32>,
      %get3A_550 = arith.index_cast %scan3A_226 : i32 to index
      %get3A_551 = arith.constant 512 : index
      %get3A_552 = tpu.vector_load %arg11[%get3A_550, %get3A_551] {strides = array<i32>} : memref<16x1024xf32, #tpu.memory_space<vmem>>, vector<16xf32>,
      %add3A_553 = arith.addf %get3A_549, %get3A_552 : vector<16xf32>
      %swap3A_554 = arith.index_cast %scan3A_226 : i32 to index
      %swap3A_555 = arith.constant 512 : index
      %swap3A_556 = tpu.vector_load %arg13[%swap3A_554, %swap3A_555] {strides = array<i32>} : memref<16x1024xf32, #tpu.memory_space<vmem>>, vector<16xf32>,
      tpu.vector_store %arg13[%swap3A_554, %swap3A_555], %add3A_553 {strides = array<i32>} : memref<16x1024xf32, #tpu.memory_space<vmem>>, vector<16xf32>,
      %get3A_557 = arith.index_cast %scan3A_226 : i32 to index
      %get3A_558 = arith.constant 528 : index
      %get3A_559 = tpu.vector_load %arg9[%get3A_557, %get3A_558] {strides = array<i32>} : memref<16x1024xf32, #tpu.memory_space<vmem>>, vector<16xf32>,
      %get3A_560 = arith.index_cast %scan3A_226 : i32 to index
      %get3A_561 = arith.constant 528 : index
      %get3A_562 = tpu.vector_load %arg11[%get3A_560, %get3A_561] {strides = array<i32>} : memref<16x1024xf32, #tpu.memory_space<vmem>>, vector<16xf32>,
      %add3A_563 = arith.addf %get3A_559, %get3A_562 : vector<16xf32>
      %swap3A_564 = arith.index_cast %scan3A_226 : i32 to index
      %swap3A_565 = arith.constant 528 : index
      %swap3A_566 = tpu.vector_load %arg13[%swap3A_564, %swap3A_565] {strides = array<i32>} : memref<16x1024xf32, #tpu.memory_space<vmem>>, vector<16xf32>,
      tpu.vector_store %arg13[%swap3A_564, %swap3A_565], %add3A_563 {strides = array<i32>} : memref<16x1024xf32, #tpu.memory_space<vmem>>, vector<16xf32>,
      %get3A_567 = arith.index_cast %scan3A_226 : i32 to index
      %get3A_568 = arith.constant 544 : index
      %get3A_569 = tpu.vector_load %arg9[%get3A_567, %get3A_568] {strides = array<i32>} : memref<16x1024xf32, #tpu.memory_space<vmem>>, vector<16xf32>,
      %get3A_570 = arith.index_cast %scan3A_226 : i32 to index
      %get3A_571 = arith.constant 544 : index
      %get3A_572 = tpu.vector_load %arg11[%get3A_570, %get3A_571] {strides = array<i32>} : memref<16x1024xf32, #tpu.memory_space<vmem>>, vector<16xf32>,
      %add3A_573 = arith.addf %get3A_569, %get3A_572 : vector<16xf32>
      %swap3A_574 = arith.index_cast %scan3A_226 : i32 to index
      %swap3A_575 = arith.constant 544 : index
      %swap3A_576 = tpu.vector_load %arg13[%swap3A_574, %swap3A_575] {strides = array<i32>} : memref<16x1024xf32, #tpu.memory_space<vmem>>, vector<16xf32>,
      tpu.vector_store %arg13[%swap3A_574, %swap3A_575], %add3A_573 {strides = array<i32>} : memref<16x1024xf32, #tpu.memory_space<vmem>>, vector<16xf32>,
      %get3A_577 = arith.index_cast %scan3A_226 : i32 to index
      %get3A_578 = arith.constant 560 : index
      %get3A_579 = tpu.vector_load %arg9[%get3A_577, %get3A_578] {strides = array<i32>} : memref<16x1024xf32, #tpu.memory_space<vmem>>, vector<16xf32>,
      %get3A_580 = arith.index_cast %scan3A_226 : i32 to index
      %get3A_581 = arith.constant 560 : index
      %get3A_582 = tpu.vector_load %arg11[%get3A_580, %get3A_581] {strides = array<i32>} : memref<16x1024xf32, #tpu.memory_space<vmem>>, vector<16xf32>,
      %add3A_583 = arith.addf %get3A_579, %get3A_582 : vector<16xf32>
      %swap3A_584 = arith.index_cast %scan3A_226 : i32 to index
      %swap3A_585 = arith.constant 560 : index
      %swap3A_586 = tpu.vector_load %arg13[%swap3A_584, %swap3A_585] {strides = array<i32>} : memref<16x1024xf32, #tpu.memory_space<vmem>>, vector<16xf32>,
      tpu.vector_store %arg13[%swap3A_584, %swap3A_585], %add3A_583 {strides = array<i32>} : memref<16x1024xf32, #tpu.memory_space<vmem>>, vector<16xf32>,
      %get3A_587 = arith.index_cast %scan3A_226 : i32 to index
      %get3A_588 = arith.constant 576 : index
      %get3A_589 = tpu.vector_load %arg9[%get3A_587, %get3A_588] {strides = array<i32>} : memref<16x1024xf32, #tpu.memory_space<vmem>>, vector<16xf32>,
      %get3A_590 = arith.index_cast %scan3A_226 : i32 to index
      %get3A_591 = arith.constant 576 : index
      %get3A_592 = tpu.vector_load %arg11[%get3A_590, %get3A_591] {strides = array<i32>} : memref<16x1024xf32, #tpu.memory_space<vmem>>, vector<16xf32>,
      %add3A_593 = arith.addf %get3A_589, %get3A_592 : vector<16xf32>
      %swap3A_594 = arith.index_cast %scan3A_226 : i32 to index
      %swap3A_595 = arith.constant 576 : index
      %swap3A_596 = tpu.vector_load %arg13[%swap3A_594, %swap3A_595] {strides = array<i32>} : memref<16x1024xf32, #tpu.memory_space<vmem>>, vector<16xf32>,
      tpu.vector_store %arg13[%swap3A_594, %swap3A_595], %add3A_593 {strides = array<i32>} : memref<16x1024xf32, #tpu.memory_space<vmem>>, vector<16xf32>,
      %get3A_597 = arith.index_cast %scan3A_226 : i32 to index
      %get3A_598 = arith.constant 592 : index
      %get3A_599 = tpu.vector_load %arg9[%get3A_597, %get3A_598] {strides = array<i32>} : memref<16x1024xf32, #tpu.memory_space<vmem>>, vector<16xf32>,
      %get3A_600 = arith.index_cast %scan3A_226 : i32 to index
      %get3A_601 = arith.constant 592 : index
      %get3A_602 = tpu.vector_load %arg11[%get3A_600, %get3A_601] {strides = array<i32>} : memref<16x1024xf32, #tpu.memory_space<vmem>>, vector<16xf32>,
      %add3A_603 = arith.addf %get3A_599, %get3A_602 : vector<16xf32>
      %swap3A_604 = arith.index_cast %scan3A_226 : i32 to index
      %swap3A_605 = arith.constant 592 : index
      %swap3A_606 = tpu.vector_load %arg13[%swap3A_604, %swap3A_605] {strides = array<i32>} : memref<16x1024xf32, #tpu.memory_space<vmem>>, vector<16xf32>,
      tpu.vector_store %arg13[%swap3A_604, %swap3A_605], %add3A_603 {strides = array<i32>} : memref<16x1024xf32, #tpu.memory_space<vmem>>, vector<16xf32>,
      %get3A_607 = arith.index_cast %scan3A_226 : i32 to index
      %get3A_608 = arith.constant 608 : index
      %get3A_609 = tpu.vector_load %arg9[%get3A_607, %get3A_608] {strides = array<i32>} : memref<16x1024xf32, #tpu.memory_space<vmem>>, vector<16xf32>,
      %get3A_610 = arith.index_cast %scan3A_226 : i32 to index
      %get3A_611 = arith.constant 608 : index
      %get3A_612 = tpu.vector_load %arg11[%get3A_610, %get3A_611] {strides = array<i32>} : memref<16x1024xf32, #tpu.memory_space<vmem>>, vector<16xf32>,
      %add3A_613 = arith.addf %get3A_609, %get3A_612 : vector<16xf32>
      %swap3A_614 = arith.index_cast %scan3A_226 : i32 to index
      %swap3A_615 = arith.constant 608 : index
      %swap3A_616 = tpu.vector_load %arg13[%swap3A_614, %swap3A_615] {strides = array<i32>} : memref<16x1024xf32, #tpu.memory_space<vmem>>, vector<16xf32>,
      tpu.vector_store %arg13[%swap3A_614, %swap3A_615], %add3A_613 {strides = array<i32>} : memref<16x1024xf32, #tpu.memory_space<vmem>>, vector<16xf32>,
      %get3A_617 = arith.index_cast %scan3A_226 : i32 to index
      %get3A_618 = arith.constant 624 : index
      %get3A_619 = tpu.vector_load %arg9[%get3A_617, %get3A_618] {strides = array<i32>} : memref<16x1024xf32, #tpu.memory_space<vmem>>, vector<16xf32>,
      %get3A_620 = arith.index_cast %scan3A_226 : i32 to index
      %get3A_621 = arith.constant 624 : index
      %get3A_622 = tpu.vector_load %arg11[%get3A_620, %get3A_621] {strides = array<i32>} : memref<16x1024xf32, #tpu.memory_space<vmem>>, vector<16xf32>,
      %add3A_623 = arith.addf %get3A_619, %get3A_622 : vector<16xf32>
      %swap3A_624 = arith.index_cast %scan3A_226 : i32 to index
      %swap3A_625 = arith.constant 624 : index
      %swap3A_626 = tpu.vector_load %arg13[%swap3A_624, %swap3A_625] {strides = array<i32>} : memref<16x1024xf32, #tpu.memory_space<vmem>>, vector<16xf32>,
      tpu.vector_store %arg13[%swap3A_624, %swap3A_625], %add3A_623 {strides = array<i32>} : memref<16x1024xf32, #tpu.memory_space<vmem>>, vector<16xf32>,
      %get3A_627 = arith.index_cast %scan3A_226 : i32 to index
      %get3A_628 = arith.constant 640 : index
      %get3A_629 = tpu.vector_load %arg9[%get3A_627, %get3A_628] {strides = array<i32>} : memref<16x1024xf32, #tpu.memory_space<vmem>>, vector<16xf32>,
      %get3A_630 = arith.index_cast %scan3A_226 : i32 to index
      %get3A_631 = arith.constant 640 : index
      %get3A_632 = tpu.vector_load %arg11[%get3A_630, %get3A_631] {strides = array<i32>} : memref<16x1024xf32, #tpu.memory_space<vmem>>, vector<16xf32>,
      %add3A_633 = arith.addf %get3A_629, %get3A_632 : vector<16xf32>
      %swap3A_634 = arith.index_cast %scan3A_226 : i32 to index
      %swap3A_635 = arith.constant 640 : index
      %swap3A_636 = tpu.vector_load %arg13[%swap3A_634, %swap3A_635] {strides = array<i32>} : memref<16x1024xf32, #tpu.memory_space<vmem>>, vector<16xf32>,
      tpu.vector_store %arg13[%swap3A_634, %swap3A_635], %add3A_633 {strides = array<i32>} : memref<16x1024xf32, #tpu.memory_space<vmem>>, vector<16xf32>,
      %get3A_637 = arith.index_cast %scan3A_226 : i32 to index
      %get3A_638 = arith.constant 656 : index
      %get3A_639 = tpu.vector_load %arg9[%get3A_637, %get3A_638] {strides = array<i32>} : memref<16x1024xf32, #tpu.memory_space<vmem>>, vector<16xf32>,
      %get3A_640 = arith.index_cast %scan3A_226 : i32 to index
      %get3A_641 = arith.constant 656 : index
      %get3A_642 = tpu.vector_load %arg11[%get3A_640, %get3A_641] {strides = array<i32>} : memref<16x1024xf32, #tpu.memory_space<vmem>>, vector<16xf32>,
      %add3A_643 = arith.addf %get3A_639, %get3A_642 : vector<16xf32>
      %swap3A_644 = arith.index_cast %scan3A_226 : i32 to index
      %swap3A_645 = arith.constant 656 : index
      %swap3A_646 = tpu.vector_load %arg13[%swap3A_644, %swap3A_645] {strides = array<i32>} : memref<16x1024xf32, #tpu.memory_space<vmem>>, vector<16xf32>,
      tpu.vector_store %arg13[%swap3A_644, %swap3A_645], %add3A_643 {strides = array<i32>} : memref<16x1024xf32, #tpu.memory_space<vmem>>, vector<16xf32>,
      %get3A_647 = arith.index_cast %scan3A_226 : i32 to index
      %get3A_648 = arith.constant 672 : index
      %get3A_649 = tpu.vector_load %arg9[%get3A_647, %get3A_648] {strides = array<i32>} : memref<16x1024xf32, #tpu.memory_space<vmem>>, vector<16xf32>,
      %get3A_650 = arith.index_cast %scan3A_226 : i32 to index
      %get3A_651 = arith.constant 672 : index
      %get3A_652 = tpu.vector_load %arg11[%get3A_650, %get3A_651] {strides = array<i32>} : memref<16x1024xf32, #tpu.memory_space<vmem>>, vector<16xf32>,
      %add3A_653 = arith.addf %get3A_649, %get3A_652 : vector<16xf32>
      %swap3A_654 = arith.index_cast %scan3A_226 : i32 to index
      %swap3A_655 = arith.constant 672 : index
      %swap3A_656 = tpu.vector_load %arg13[%swap3A_654, %swap3A_655] {strides = array<i32>} : memref<16x1024xf32, #tpu.memory_space<vmem>>, vector<16xf32>,
      tpu.vector_store %arg13[%swap3A_654, %swap3A_655], %add3A_653 {strides = array<i32>} : memref<16x1024xf32, #tpu.memory_space<vmem>>, vector<16xf32>,
      %get3A_657 = arith.index_cast %scan3A_226 : i32 to index
      %get3A_658 = arith.constant 688 : index
      %get3A_659 = tpu.vector_load %arg9[%get3A_657, %get3A_658] {strides = array<i32>} : memref<16x1024xf32, #tpu.memory_space<vmem>>, vector<16xf32>,
      %get3A_660 = arith.index_cast %scan3A_226 : i32 to index
      %get3A_661 = arith.constant 688 : index
      %get3A_662 = tpu.vector_load %arg11[%get3A_660, %get3A_661] {strides = array<i32>} : memref<16x1024xf32, #tpu.memory_space<vmem>>, vector<16xf32>,
      %add3A_663 = arith.addf %get3A_659, %get3A_662 : vector<16xf32>
      %swap3A_664 = arith.index_cast %scan3A_226 : i32 to index
      %swap3A_665 = arith.constant 688 : index
      %swap3A_666 = tpu.vector_load %arg13[%swap3A_664, %swap3A_665] {strides = array<i32>} : memref<16x1024xf32, #tpu.memory_space<vmem>>, vector<16xf32>,
      tpu.vector_store %arg13[%swap3A_664, %swap3A_665], %add3A_663 {strides = array<i32>} : memref<16x1024xf32, #tpu.memory_space<vmem>>, vector<16xf32>,
      %get3A_667 = arith.index_cast %scan3A_226 : i32 to index
      %get3A_668 = arith.constant 704 : index
      %get3A_669 = tpu.vector_load %arg9[%get3A_667, %get3A_668] {strides = array<i32>} : memref<16x1024xf32, #tpu.memory_space<vmem>>, vector<16xf32>,
      %get3A_670 = arith.index_cast %scan3A_226 : i32 to index
      %get3A_671 = arith.constant 704 : index
      %get3A_672 = tpu.vector_load %arg11[%get3A_670, %get3A_671] {strides = array<i32>} : memref<16x1024xf32, #tpu.memory_space<vmem>>, vector<16xf32>,
      %add3A_673 = arith.addf %get3A_669, %get3A_672 : vector<16xf32>
      %swap3A_674 = arith.index_cast %scan3A_226 : i32 to index
      %swap3A_675 = arith.constant 704 : index
      %swap3A_676 = tpu.vector_load %arg13[%swap3A_674, %swap3A_675] {strides = array<i32>} : memref<16x1024xf32, #tpu.memory_space<vmem>>, vector<16xf32>,
      tpu.vector_store %arg13[%swap3A_674, %swap3A_675], %add3A_673 {strides = array<i32>} : memref<16x1024xf32, #tpu.memory_space<vmem>>, vector<16xf32>,
      %get3A_677 = arith.index_cast %scan3A_226 : i32 to index
      %get3A_678 = arith.constant 720 : index
      %get3A_679 = tpu.vector_load %arg9[%get3A_677, %get3A_678] {strides = array<i32>} : memref<16x1024xf32, #tpu.memory_space<vmem>>, vector<16xf32>,
      %get3A_680 = arith.index_cast %scan3A_226 : i32 to index
      %get3A_681 = arith.constant 720 : index
      %get3A_682 = tpu.vector_load %arg11[%get3A_680, %get3A_681] {strides = array<i32>} : memref<16x1024xf32, #tpu.memory_space<vmem>>, vector<16xf32>,
      %add3A_683 = arith.addf %get3A_679, %get3A_682 : vector<16xf32>
      %swap3A_684 = arith.index_cast %scan3A_226 : i32 to index
      %swap3A_685 = arith.constant 720 : index
      %swap3A_686 = tpu.vector_load %arg13[%swap3A_684, %swap3A_685] {strides = array<i32>} : memref<16x1024xf32, #tpu.memory_space<vmem>>, vector<16xf32>,
      tpu.vector_store %arg13[%swap3A_684, %swap3A_685], %add3A_683 {strides = array<i32>} : memref<16x1024xf32, #tpu.memory_space<vmem>>, vector<16xf32>,
      %get3A_687 = arith.index_cast %scan3A_226 : i32 to index
      %get3A_688 = arith.constant 736 : index
      %get3A_689 = tpu.vector_load %arg9[%get3A_687, %get3A_688] {strides = array<i32>} : memref<16x1024xf32, #tpu.memory_space<vmem>>, vector<16xf32>,
      %get3A_690 = arith.index_cast %scan3A_226 : i32 to index
      %get3A_691 = arith.constant 736 : index
      %get3A_692 = tpu.vector_load %arg11[%get3A_690, %get3A_691] {strides = array<i32>} : memref<16x1024xf32, #tpu.memory_space<vmem>>, vector<16xf32>,
      %add3A_693 = arith.addf %get3A_689, %get3A_692 : vector<16xf32>
      %swap3A_694 = arith.index_cast %scan3A_226 : i32 to index
      %swap3A_695 = arith.constant 736 : index
      %swap3A_696 = tpu.vector_load %arg13[%swap3A_694, %swap3A_695] {strides = array<i32>} : memref<16x1024xf32, #tpu.memory_space<vmem>>, vector<16xf32>,
      tpu.vector_store %arg13[%swap3A_694, %swap3A_695], %add3A_693 {strides = array<i32>} : memref<16x1024xf32, #tpu.memory_space<vmem>>, vector<16xf32>,
      %get3A_697 = arith.index_cast %scan3A_226 : i32 to index
      %get3A_698 = arith.constant 752 : index
      %get3A_699 = tpu.vector_load %arg9[%get3A_697, %get3A_698] {strides = array<i32>} : memref<16x1024xf32, #tpu.memory_space<vmem>>, vector<16xf32>,
      %get3A_700 = arith.index_cast %scan3A_226 : i32 to index
      %get3A_701 = arith.constant 752 : index
      %get3A_702 = tpu.vector_load %arg11[%get3A_700, %get3A_701] {strides = array<i32>} : memref<16x1024xf32, #tpu.memory_space<vmem>>, vector<16xf32>,
      %add3A_703 = arith.addf %get3A_699, %get3A_702 : vector<16xf32>
      %swap3A_704 = arith.index_cast %scan3A_226 : i32 to index
      %swap3A_705 = arith.constant 752 : index
      %swap3A_706 = tpu.vector_load %arg13[%swap3A_704, %swap3A_705] {strides = array<i32>} : memref<16x1024xf32, #tpu.memory_space<vmem>>, vector<16xf32>,
      tpu.vector_store %arg13[%swap3A_704, %swap3A_705], %add3A_703 {strides = array<i32>} : memref<16x1024xf32, #tpu.memory_space<vmem>>, vector<16xf32>,
      %get3A_707 = arith.index_cast %scan3A_226 : i32 to index
      %get3A_708 = arith.constant 768 : index
      %get3A_709 = tpu.vector_load %arg9[%get3A_707, %get3A_708] {strides = array<i32>} : memref<16x1024xf32, #tpu.memory_space<vmem>>, vector<16xf32>,
      %get3A_710 = arith.index_cast %scan3A_226 : i32 to index
      %get3A_711 = arith.constant 768 : index
      %get3A_712 = tpu.vector_load %arg11[%get3A_710, %get3A_711] {strides = array<i32>} : memref<16x1024xf32, #tpu.memory_space<vmem>>, vector<16xf32>,
      %add3A_713 = arith.addf %get3A_709, %get3A_712 : vector<16xf32>
      %swap3A_714 = arith.index_cast %scan3A_226 : i32 to index
      %swap3A_715 = arith.constant 768 : index
      %swap3A_716 = tpu.vector_load %arg13[%swap3A_714, %swap3A_715] {strides = array<i32>} : memref<16x1024xf32, #tpu.memory_space<vmem>>, vector<16xf32>,
      tpu.vector_store %arg13[%swap3A_714, %swap3A_715], %add3A_713 {strides = array<i32>} : memref<16x1024xf32, #tpu.memory_space<vmem>>, vector<16xf32>,
      %get3A_717 = arith.index_cast %scan3A_226 : i32 to index
      %get3A_718 = arith.constant 784 : index
      %get3A_719 = tpu.vector_load %arg9[%get3A_717, %get3A_718] {strides = array<i32>} : memref<16x1024xf32, #tpu.memory_space<vmem>>, vector<16xf32>,
      %get3A_720 = arith.index_cast %scan3A_226 : i32 to index
      %get3A_721 = arith.constant 784 : index
      %get3A_722 = tpu.vector_load %arg11[%get3A_720, %get3A_721] {strides = array<i32>} : memref<16x1024xf32, #tpu.memory_space<vmem>>, vector<16xf32>,
      %add3A_723 = arith.addf %get3A_719, %get3A_722 : vector<16xf32>
      %swap3A_724 = arith.index_cast %scan3A_226 : i32 to index
      %swap3A_725 = arith.constant 784 : index
      %swap3A_726 = tpu.vector_load %arg13[%swap3A_724, %swap3A_725] {strides = array<i32>} : memref<16x1024xf32, #tpu.memory_space<vmem>>, vector<16xf32>,
      tpu.vector_store %arg13[%swap3A_724, %swap3A_725], %add3A_723 {strides = array<i32>} : memref<16x1024xf32, #tpu.memory_space<vmem>>, vector<16xf32>,
      %get3A_727 = arith.index_cast %scan3A_226 : i32 to index
      %get3A_728 = arith.constant 800 : index
      %get3A_729 = tpu.vector_load %arg9[%get3A_727, %get3A_728] {strides = array<i32>} : memref<16x1024xf32, #tpu.memory_space<vmem>>, vector<16xf32>,
      %get3A_730 = arith.index_cast %scan3A_226 : i32 to index
      %get3A_731 = arith.constant 800 : index
      %get3A_732 = tpu.vector_load %arg11[%get3A_730, %get3A_731] {strides = array<i32>} : memref<16x1024xf32, #tpu.memory_space<vmem>>, vector<16xf32>,
      %add3A_733 = arith.addf %get3A_729, %get3A_732 : vector<16xf32>
      %swap3A_734 = arith.index_cast %scan3A_226 : i32 to index
      %swap3A_735 = arith.constant 800 : index
      %swap3A_736 = tpu.vector_load %arg13[%swap3A_734, %swap3A_735] {strides = array<i32>} : memref<16x1024xf32, #tpu.memory_space<vmem>>, vector<16xf32>,
      tpu.vector_store %arg13[%swap3A_734, %swap3A_735], %add3A_733 {strides = array<i32>} : memref<16x1024xf32, #tpu.memory_space<vmem>>, vector<16xf32>,
      %get3A_737 = arith.index_cast %scan3A_226 : i32 to index
      %get3A_738 = arith.constant 816 : index
      %get3A_739 = tpu.vector_load %arg9[%get3A_737, %get3A_738] {strides = array<i32>} : memref<16x1024xf32, #tpu.memory_space<vmem>>, vector<16xf32>,
      %get3A_740 = arith.index_cast %scan3A_226 : i32 to index
      %get3A_741 = arith.constant 816 : index
      %get3A_742 = tpu.vector_load %arg11[%get3A_740, %get3A_741] {strides = array<i32>} : memref<16x1024xf32, #tpu.memory_space<vmem>>, vector<16xf32>,
      %add3A_743 = arith.addf %get3A_739, %get3A_742 : vector<16xf32>
      %swap3A_744 = arith.index_cast %scan3A_226 : i32 to index
      %swap3A_745 = arith.constant 816 : index
      %swap3A_746 = tpu.vector_load %arg13[%swap3A_744, %swap3A_745] {strides = array<i32>} : memref<16x1024xf32, #tpu.memory_space<vmem>>, vector<16xf32>,
      tpu.vector_store %arg13[%swap3A_744, %swap3A_745], %add3A_743 {strides = array<i32>} : memref<16x1024xf32, #tpu.memory_space<vmem>>, vector<16xf32>,
      %get3A_747 = arith.index_cast %scan3A_226 : i32 to index
      %get3A_748 = arith.constant 832 : index
      %get3A_749 = tpu.vector_load %arg9[%get3A_747, %get3A_748] {strides = array<i32>} : memref<16x1024xf32, #tpu.memory_space<vmem>>, vector<16xf32>,
      %get3A_750 = arith.index_cast %scan3A_226 : i32 to index
      %get3A_751 = arith.constant 832 : index
      %get3A_752 = tpu.vector_load %arg11[%get3A_750, %get3A_751] {strides = array<i32>} : memref<16x1024xf32, #tpu.memory_space<vmem>>, vector<16xf32>,
      %add3A_753 = arith.addf %get3A_749, %get3A_752 : vector<16xf32>
      %swap3A_754 = arith.index_cast %scan3A_226 : i32 to index
      %swap3A_755 = arith.constant 832 : index
      %swap3A_756 = tpu.vector_load %arg13[%swap3A_754, %swap3A_755] {strides = array<i32>} : memref<16x1024xf32, #tpu.memory_space<vmem>>, vector<16xf32>,
      tpu.vector_store %arg13[%swap3A_754, %swap3A_755], %add3A_753 {strides = array<i32>} : memref<16x1024xf32, #tpu.memory_space<vmem>>, vector<16xf32>,
      %get3A_757 = arith.index_cast %scan3A_226 : i32 to index
      %get3A_758 = arith.constant 848 : index
      %get3A_759 = tpu.vector_load %arg9[%get3A_757, %get3A_758] {strides = array<i32>} : memref<16x1024xf32, #tpu.memory_space<vmem>>, vector<16xf32>,
      %get3A_760 = arith.index_cast %scan3A_226 : i32 to index
      %get3A_761 = arith.constant 848 : index
      %get3A_762 = tpu.vector_load %arg11[%get3A_760, %get3A_761] {strides = array<i32>} : memref<16x1024xf32, #tpu.memory_space<vmem>>, vector<16xf32>,
      %add3A_763 = arith.addf %get3A_759, %get3A_762 : vector<16xf32>
      %swap3A_764 = arith.index_cast %scan3A_226 : i32 to index
      %swap3A_765 = arith.constant 848 : index
      %swap3A_766 = tpu.vector_load %arg13[%swap3A_764, %swap3A_765] {strides = array<i32>} : memref<16x1024xf32, #tpu.memory_space<vmem>>, vector<16xf32>,
      tpu.vector_store %arg13[%swap3A_764, %swap3A_765], %add3A_763 {strides = array<i32>} : memref<16x1024xf32, #tpu.memory_space<vmem>>, vector<16xf32>,
      %get3A_767 = arith.index_cast %scan3A_226 : i32 to index
      %get3A_768 = arith.constant 864 : index
      %get3A_769 = tpu.vector_load %arg9[%get3A_767, %get3A_768] {strides = array<i32>} : memref<16x1024xf32, #tpu.memory_space<vmem>>, vector<16xf32>,
      %get3A_770 = arith.index_cast %scan3A_226 : i32 to index
      %get3A_771 = arith.constant 864 : index
      %get3A_772 = tpu.vector_load %arg11[%get3A_770, %get3A_771] {strides = array<i32>} : memref<16x1024xf32, #tpu.memory_space<vmem>>, vector<16xf32>,
      %add3A_773 = arith.addf %get3A_769, %get3A_772 : vector<16xf32>
      %swap3A_774 = arith.index_cast %scan3A_226 : i32 to index
      %swap3A_775 = arith.constant 864 : index
      %swap3A_776 = tpu.vector_load %arg13[%swap3A_774, %swap3A_775] {strides = array<i32>} : memref<16x1024xf32, #tpu.memory_space<vmem>>, vector<16xf32>,
      tpu.vector_store %arg13[%swap3A_774, %swap3A_775], %add3A_773 {strides = array<i32>} : memref<16x1024xf32, #tpu.memory_space<vmem>>, vector<16xf32>,
      %get3A_777 = arith.index_cast %scan3A_226 : i32 to index
      %get3A_778 = arith.constant 880 : index
      %get3A_779 = tpu.vector_load %arg9[%get3A_777, %get3A_778] {strides = array<i32>} : memref<16x1024xf32, #tpu.memory_space<vmem>>, vector<16xf32>,
      %get3A_780 = arith.index_cast %scan3A_226 : i32 to index
      %get3A_781 = arith.constant 880 : index
      %get3A_782 = tpu.vector_load %arg11[%get3A_780, %get3A_781] {strides = array<i32>} : memref<16x1024xf32, #tpu.memory_space<vmem>>, vector<16xf32>,
      %add3A_783 = arith.addf %get3A_779, %get3A_782 : vector<16xf32>
      %swap3A_784 = arith.index_cast %scan3A_226 : i32 to index
      %swap3A_785 = arith.constant 880 : index
      %swap3A_786 = tpu.vector_load %arg13[%swap3A_784, %swap3A_785] {strides = array<i32>} : memref<16x1024xf32, #tpu.memory_space<vmem>>, vector<16xf32>,
      tpu.vector_store %arg13[%swap3A_784, %swap3A_785], %add3A_783 {strides = array<i32>} : memref<16x1024xf32, #tpu.memory_space<vmem>>, vector<16xf32>,
      %get3A_787 = arith.index_cast %scan3A_226 : i32 to index
      %get3A_788 = arith.constant 896 : index
      %get3A_789 = tpu.vector_load %arg9[%get3A_787, %get3A_788] {strides = array<i32>} : memref<16x1024xf32, #tpu.memory_space<vmem>>, vector<16xf32>,
      %get3A_790 = arith.index_cast %scan3A_226 : i32 to index
      %get3A_791 = arith.constant 896 : index
      %get3A_792 = tpu.vector_load %arg11[%get3A_790, %get3A_791] {strides = array<i32>} : memref<16x1024xf32, #tpu.memory_space<vmem>>, vector<16xf32>,
      %add3A_793 = arith.addf %get3A_789, %get3A_792 : vector<16xf32>
      %swap3A_794 = arith.index_cast %scan3A_226 : i32 to index
      %swap3A_795 = arith.constant 896 : index
      %swap3A_796 = tpu.vector_load %arg13[%swap3A_794, %swap3A_795] {strides = array<i32>} : memref<16x1024xf32, #tpu.memory_space<vmem>>, vector<16xf32>,
      tpu.vector_store %arg13[%swap3A_794, %swap3A_795], %add3A_793 {strides = array<i32>} : memref<16x1024xf32, #tpu.memory_space<vmem>>, vector<16xf32>,
      %get3A_797 = arith.index_cast %scan3A_226 : i32 to index
      %get3A_798 = arith.constant 912 : index
      %get3A_799 = tpu.vector_load %arg9[%get3A_797, %get3A_798] {strides = array<i32>} : memref<16x1024xf32, #tpu.memory_space<vmem>>, vector<16xf32>,
      %get3A_800 = arith.index_cast %scan3A_226 : i32 to index
      %get3A_801 = arith.constant 912 : index
      %get3A_802 = tpu.vector_load %arg11[%get3A_800, %get3A_801] {strides = array<i32>} : memref<16x1024xf32, #tpu.memory_space<vmem>>, vector<16xf32>,
      %add3A_803 = arith.addf %get3A_799, %get3A_802 : vector<16xf32>
      %swap3A_804 = arith.index_cast %scan3A_226 : i32 to index
      %swap3A_805 = arith.constant 912 : index
      %swap3A_806 = tpu.vector_load %arg13[%swap3A_804, %swap3A_805] {strides = array<i32>} : memref<16x1024xf32, #tpu.memory_space<vmem>>, vector<16xf32>,
      tpu.vector_store %arg13[%swap3A_804, %swap3A_805], %add3A_803 {strides = array<i32>} : memref<16x1024xf32, #tpu.memory_space<vmem>>, vector<16xf32>,
      %get3A_807 = arith.index_cast %scan3A_226 : i32 to index
      %get3A_808 = arith.constant 928 : index
      %get3A_809 = tpu.vector_load %arg9[%get3A_807, %get3A_808] {strides = array<i32>} : memref<16x1024xf32, #tpu.memory_space<vmem>>, vector<16xf32>,
      %get3A_810 = arith.index_cast %scan3A_226 : i32 to index
      %get3A_811 = arith.constant 928 : index
      %get3A_812 = tpu.vector_load %arg11[%get3A_810, %get3A_811] {strides = array<i32>} : memref<16x1024xf32, #tpu.memory_space<vmem>>, vector<16xf32>,
      %add3A_813 = arith.addf %get3A_809, %get3A_812 : vector<16xf32>
      %swap3A_814 = arith.index_cast %scan3A_226 : i32 to index
      %swap3A_815 = arith.constant 928 : index
      %swap3A_816 = tpu.vector_load %arg13[%swap3A_814, %swap3A_815] {strides = array<i32>} : memref<16x1024xf32, #tpu.memory_space<vmem>>, vector<16xf32>,
      tpu.vector_store %arg13[%swap3A_814, %swap3A_815], %add3A_813 {strides = array<i32>} : memref<16x1024xf32, #tpu.memory_space<vmem>>, vector<16xf32>,
      %get3A_817 = arith.index_cast %scan3A_226 : i32 to index
      %get3A_818 = arith.constant 944 : index
      %get3A_819 = tpu.vector_load %arg9[%get3A_817, %get3A_818] {strides = array<i32>} : memref<16x1024xf32, #tpu.memory_space<vmem>>, vector<16xf32>,
      %get3A_820 = arith.index_cast %scan3A_226 : i32 to index
      %get3A_821 = arith.constant 944 : index
      %get3A_822 = tpu.vector_load %arg11[%get3A_820, %get3A_821] {strides = array<i32>} : memref<16x1024xf32, #tpu.memory_space<vmem>>, vector<16xf32>,
      %add3A_823 = arith.addf %get3A_819, %get3A_822 : vector<16xf32>
      %swap3A_824 = arith.index_cast %scan3A_226 : i32 to index
      %swap3A_825 = arith.constant 944 : index
      %swap3A_826 = tpu.vector_load %arg13[%swap3A_824, %swap3A_825] {strides = array<i32>} : memref<16x1024xf32, #tpu.memory_space<vmem>>, vector<16xf32>,
      tpu.vector_store %arg13[%swap3A_824, %swap3A_825], %add3A_823 {strides = array<i32>} : memref<16x1024xf32, #tpu.memory_space<vmem>>, vector<16xf32>,
      %get3A_827 = arith.index_cast %scan3A_226 : i32 to index
      %get3A_828 = arith.constant 960 : index
      %get3A_829 = tpu.vector_load %arg9[%get3A_827, %get3A_828] {strides = array<i32>} : memref<16x1024xf32, #tpu.memory_space<vmem>>, vector<16xf32>,
      %get3A_830 = arith.index_cast %scan3A_226 : i32 to index
      %get3A_831 = arith.constant 960 : index
      %get3A_832 = tpu.vector_load %arg11[%get3A_830, %get3A_831] {strides = array<i32>} : memref<16x1024xf32, #tpu.memory_space<vmem>>, vector<16xf32>,
      %add3A_833 = arith.addf %get3A_829, %get3A_832 : vector<16xf32>
      %swap3A_834 = arith.index_cast %scan3A_226 : i32 to index
      %swap3A_835 = arith.constant 960 : index
      %swap3A_836 = tpu.vector_load %arg13[%swap3A_834, %swap3A_835] {strides = array<i32>} : memref<16x1024xf32, #tpu.memory_space<vmem>>, vector<16xf32>,
      tpu.vector_store %arg13[%swap3A_834, %swap3A_835], %add3A_833 {strides = array<i32>} : memref<16x1024xf32, #tpu.memory_space<vmem>>, vector<16xf32>,
      %get3A_837 = arith.index_cast %scan3A_226 : i32 to index
      %get3A_838 = arith.constant 976 : index
      %get3A_839 = tpu.vector_load %arg9[%get3A_837, %get3A_838] {strides = array<i32>} : memref<16x1024xf32, #tpu.memory_space<vmem>>, vector<16xf32>,
      %get3A_840 = arith.index_cast %scan3A_226 : i32 to index
      %get3A_841 = arith.constant 976 : index
      %get3A_842 = tpu.vector_load %arg11[%get3A_840, %get3A_841] {strides = array<i32>} : memref<16x1024xf32, #tpu.memory_space<vmem>>, vector<16xf32>,
      %add3A_843 = arith.addf %get3A_839, %get3A_842 : vector<16xf32>
      %swap3A_844 = arith.index_cast %scan3A_226 : i32 to index
      %swap3A_845 = arith.constant 976 : index
      %swap3A_846 = tpu.vector_load %arg13[%swap3A_844, %swap3A_845] {strides = array<i32>} : memref<16x1024xf32, #tpu.memory_space<vmem>>, vector<16xf32>,
      tpu.vector_store %arg13[%swap3A_844, %swap3A_845], %add3A_843 {strides = array<i32>} : memref<16x1024xf32, #tpu.memory_space<vmem>>, vector<16xf32>,
      %get3A_847 = arith.index_cast %scan3A_226 : i32 to index
      %get3A_848 = arith.constant 992 : index
      %get3A_849 = tpu.vector_load %arg9[%get3A_847, %get3A_848] {strides = array<i32>} : memref<16x1024xf32, #tpu.memory_space<vmem>>, vector<16xf32>,
      %get3A_850 = arith.index_cast %scan3A_226 : i32 to index
      %get3A_851 = arith.constant 992 : index
      %get3A_852 = tpu.vector_load %arg11[%get3A_850, %get3A_851] {strides = array<i32>} : memref<16x1024xf32, #tpu.memory_space<vmem>>, vector<16xf32>,
      %add3A_853 = arith.addf %get3A_849, %get3A_852 : vector<16xf32>
      %swap3A_854 = arith.index_cast %scan3A_226 : i32 to index
      %swap3A_855 = arith.constant 992 : index
      %swap3A_856 = tpu.vector_load %arg13[%swap3A_854, %swap3A_855] {strides = array<i32>} : memref<16x1024xf32, #tpu.memory_space<vmem>>, vector<16xf32>,
      tpu.vector_store %arg13[%swap3A_854, %swap3A_855], %add3A_853 {strides = array<i32>} : memref<16x1024xf32, #tpu.memory_space<vmem>>, vector<16xf32>,
      %get3A_857 = arith.index_cast %scan3A_226 : i32 to index
      %get3A_858 = arith.constant 1008 : index
      %get3A_859 = tpu.vector_load %arg9[%get3A_857, %get3A_858] {strides = array<i32>} : memref<16x1024xf32, #tpu.memory_space<vmem>>, vector<16xf32>,
      %get3A_860 = arith.index_cast %scan3A_226 : i32 to index
      %get3A_861 = arith.constant 1008 : index
      %get3A_862 = tpu.vector_load %arg11[%get3A_860, %get3A_861] {strides = array<i32>} : memref<16x1024xf32, #tpu.memory_space<vmem>>, vector<16xf32>,
      %add3A_863 = arith.addf %get3A_859, %get3A_862 : vector<16xf32>
      %swap3A_864 = arith.index_cast %scan3A_226 : i32 to index
      %swap3A_865 = arith.constant 1008 : index
      %swap3A_866 = tpu.vector_load %arg13[%swap3A_864, %swap3A_865] {strides = array<i32>} : memref<16x1024xf32, #tpu.memory_space<vmem>>, vector<16xf32>,
      tpu.vector_store %arg13[%swap3A_864, %swap3A_865], %add3A_863 {strides = array<i32>} : memref<16x1024xf32, #tpu.memory_space<vmem>>, vector<16xf32>,
    }
    %scan3A_117 = arith.constant 16 : i32
    %add3A_118 = arith.constant 0 : i32
    %add3A_119 = arith.addi %mul3A_2, %add3A_118 : i32
    %dma_start3A_120 = arith.constant 0 : i32
    %dma_start3A_121 = tpu.memref_slice %arg4[%add3A_119, %dma_start3A_120] : memref<2048x1024xf32, #tpu.memory_space<hbm>> -> memref<16x1024xf32, #tpu.memory_space<hbm>>
    %dma_start3A_122 = arith.constant 0 : i32
    %dma_start3A_123 = tpu.memref_slice %arg4[%add3A_119, %dma_start3A_122] : memref<2048x1024xf32, #tpu.memory_space<hbm>> -> memref<16x1024xf32, #tpu.memory_space<hbm>>
    tpu.enqueue_dma source(%arg13 : memref<16x1024xf32, #tpu.memory_space<vmem>>) target(%dma_start3A_123 : memref<16x1024xf32, #tpu.memory_space<hbm>>) target_semaphore(%arg19 : memref<!tpu.dma_semaphore, #tpu.memory_space<semaphore_mem>>)
    %dma_wait3A_124 = arith.constant 0 : i32
    %dma_wait3A_125 = tpu.memref_slice %arg4[%add3A_119, %dma_wait3A_124] : memref<2048x1024xf32, #tpu.memory_space<hbm>> -> memref<16x1024xf32, #tpu.memory_space<hbm>>
    %dma_wait3A_126 = arith.constant 0 : i32
    %dma_wait3A_127 = tpu.memref_slice %arg4[%add3A_119, %dma_wait3A_126] : memref<2048x1024xf32, #tpu.memory_space<hbm>> -> memref<16x1024xf32, #tpu.memory_space<hbm>>
    tpu.wait_dma2 semaphore(%arg19 : memref<!tpu.dma_semaphore, #tpu.memory_space<semaphore_mem>>) src(%arg13 : memref<16x1024xf32, #tpu.memory_space<vmem>>) dst(%dma_wait3A_127 : memref<16x1024xf32, #tpu.memory_space<hbm>>)
    %dma_start3A_128 = arith.constant 32 : i32
    %dma_start3A_129 = tpu.memref_slice %arg7[%dma_start3A_128] : memref<64xi32, #tpu.memory_space<vmem>> -> memref<16xi32, #tpu.memory_space<vmem>>
    %dma_start3A_130 = arith.constant 0 : i32
    %dma_start3A_131 = arith.constant 0 : i32
    %dma_start3A_132 = tpu.memref_slice %arg2[%dma_start3A_130, %dma_start3A_131] : memref<4608x1024xf32, #tpu.memory_space<hbm>> -> memref<4608x1024xf32, #tpu.memory_space<hbm>>
    tpu.enqueue_indirect_dma source(%dma_start3A_132 : memref<4608x1024xf32, #tpu.memory_space<hbm>>) target(%arg9 : memref<16x1024xf32, #tpu.memory_space<vmem>>) offsets(%dma_start3A_129 : memref<16xi32, #tpu.memory_space<vmem>>) semaphore(%arg15 : memref<!tpu.dma_semaphore, #tpu.memory_space<semaphore_mem>>)
    %dma_start3A_133 = arith.constant 32 : i32
    %dma_start3A_134 = tpu.memref_slice %arg8[%dma_start3A_133] : memref<64xi32, #tpu.memory_space<vmem>> -> memref<16xi32, #tpu.memory_space<vmem>>
    %dma_start3A_135 = arith.constant 0 : i32
    %dma_start3A_136 = arith.constant 0 : i32
    %dma_start3A_137 = tpu.memref_slice %arg2[%dma_start3A_135, %dma_start3A_136] : memref<4608x1024xf32, #tpu.memory_space<hbm>> -> memref<4608x1024xf32, #tpu.memory_space<hbm>>
    tpu.enqueue_indirect_dma source(%dma_start3A_137 : memref<4608x1024xf32, #tpu.memory_space<hbm>>) target(%arg11 : memref<16x1024xf32, #tpu.memory_space<vmem>>) offsets(%dma_start3A_134 : memref<16xi32, #tpu.memory_space<vmem>>) semaphore(%arg17 : memref<!tpu.dma_semaphore, #tpu.memory_space<semaphore_mem>>)
    %dma_wait3A_138 = arith.constant 16 : i32
    %dma_wait3A_139 = tpu.memref_slice %arg7[%dma_wait3A_138] : memref<64xi32, #tpu.memory_space<vmem>> -> memref<16xi32, #tpu.memory_space<vmem>>
    %dma_wait3A_140 = arith.constant 0 : i32
    %dma_wait3A_141 = arith.constant 0 : i32
    %dma_wait3A_142 = tpu.memref_slice %arg2[%dma_wait3A_140, %dma_wait3A_141] : memref<4608x1024xf32, #tpu.memory_space<hbm>> -> memref<4608x1024xf32, #tpu.memory_space<hbm>>
    tpu.wait_indirect_dma semaphore(%arg16 : memref<!tpu.dma_semaphore, #tpu.memory_space<semaphore_mem>>) src(%dma_wait3A_142 : memref<4608x1024xf32, #tpu.memory_space<hbm>>) dst(%arg10 : memref<16x1024xf32, #tpu.memory_space<vmem>>)
    %dma_wait3A_143 = arith.constant 16 : i32
    %dma_wait3A_144 = tpu.memref_slice %arg8[%dma_wait3A_143] : memref<64xi32, #tpu.memory_space<vmem>> -> memref<16xi32, #tpu.memory_space<vmem>>
    %dma_wait3A_145 = arith.constant 0 : i32
    %dma_wait3A_146 = arith.constant 0 : i32
    %dma_wait3A_147 = tpu.memref_slice %arg2[%dma_wait3A_145, %dma_wait3A_146] : memref<4608x1024xf32, #tpu.memory_space<hbm>> -> memref<4608x1024xf32, #tpu.memory_space<hbm>>
    tpu.wait_indirect_dma semaphore(%arg18 : memref<!tpu.dma_semaphore, #tpu.memory_space<semaphore_mem>>) src(%dma_wait3A_147 : memref<4608x1024xf32, #tpu.memory_space<hbm>>) dst(%arg12 : memref<16x1024xf32, #tpu.memory_space<vmem>>)
    %scan3A_148 = arith.constant 0 : i32
    %scan3A_149 = arith.constant 0 : i32
    %scan3A_150 = arith.constant 16 : i32
    %scan3A_151 = arith.addi %scan3A_149, %scan3A_150 : i32
    %scan3A_152 = arith.constant 1 : i32
    scf.for %scan3A_226 = %scan3A_149 to %scan3A_151 step %scan3A_152  : i32 {
      %get3A_227 = arith.index_cast %scan3A_226 : i32 to index
      %get3A_228 = arith.constant 0 : index
      %get3A_229 = tpu.vector_load %arg10[%get3A_227, %get3A_228] {strides = array<i32>} : memref<16x1024xf32, #tpu.memory_space<vmem>>, vector<16xf32>,
      %get3A_230 = arith.index_cast %scan3A_226 : i32 to index
      %get3A_231 = arith.constant 0 : index
      %get3A_232 = tpu.vector_load %arg12[%get3A_230, %get3A_231] {strides = array<i32>} : memref<16x1024xf32, #tpu.memory_space<vmem>>, vector<16xf32>,
      %add3A_233 = arith.addf %get3A_229, %get3A_232 : vector<16xf32>
      %swap3A_234 = arith.index_cast %scan3A_226 : i32 to index
      %swap3A_235 = arith.constant 0 : index
      %swap3A_236 = tpu.vector_load %arg14[%swap3A_234, %swap3A_235] {strides = array<i32>} : memref<16x1024xf32, #tpu.memory_space<vmem>>, vector<16xf32>,
      tpu.vector_store %arg14[%swap3A_234, %swap3A_235], %add3A_233 {strides = array<i32>} : memref<16x1024xf32, #tpu.memory_space<vmem>>, vector<16xf32>,
      %get3A_237 = arith.index_cast %scan3A_226 : i32 to index
      %get3A_238 = arith.constant 16 : index
      %get3A_239 = tpu.vector_load %arg10[%get3A_237, %get3A_238] {strides = array<i32>} : memref<16x1024xf32, #tpu.memory_space<vmem>>, vector<16xf32>,
      %get3A_240 = arith.index_cast %scan3A_226 : i32 to index
      %get3A_241 = arith.constant 16 : index
      %get3A_242 = tpu.vector_load %arg12[%get3A_240, %get3A_241] {strides = array<i32>} : memref<16x1024xf32, #tpu.memory_space<vmem>>, vector<16xf32>,
      %add3A_243 = arith.addf %get3A_239, %get3A_242 : vector<16xf32>
      %swap3A_244 = arith.index_cast %scan3A_226 : i32 to index
      %swap3A_245 = arith.constant 16 : index
      %swap3A_246 = tpu.vector_load %arg14[%swap3A_244, %swap3A_245] {strides = array<i32>} : memref<16x1024xf32, #tpu.memory_space<vmem>>, vector<16xf32>,
      tpu.vector_store %arg14[%swap3A_244, %swap3A_245], %add3A_243 {strides = array<i32>} : memref<16x1024xf32, #tpu.memory_space<vmem>>, vector<16xf32>,
      %get3A_247 = arith.index_cast %scan3A_226 : i32 to index
      %get3A_248 = arith.constant 32 : index
      %get3A_249 = tpu.vector_load %arg10[%get3A_247, %get3A_248] {strides = array<i32>} : memref<16x1024xf32, #tpu.memory_space<vmem>>, vector<16xf32>,
      %get3A_250 = arith.index_cast %scan3A_226 : i32 to index
      %get3A_251 = arith.constant 32 : index
      %get3A_252 = tpu.vector_load %arg12[%get3A_250, %get3A_251] {strides = array<i32>} : memref<16x1024xf32, #tpu.memory_space<vmem>>, vector<16xf32>,
      %add3A_253 = arith.addf %get3A_249, %get3A_252 : vector<16xf32>
      %swap3A_254 = arith.index_cast %scan3A_226 : i32 to index
      %swap3A_255 = arith.constant 32 : index
      %swap3A_256 = tpu.vector_load %arg14[%swap3A_254, %swap3A_255] {strides = array<i32>} : memref<16x1024xf32, #tpu.memory_space<vmem>>, vector<16xf32>,
      tpu.vector_store %arg14[%swap3A_254, %swap3A_255], %add3A_253 {strides = array<i32>} : memref<16x1024xf32, #tpu.memory_space<vmem>>, vector<16xf32>,
      %get3A_257 = arith.index_cast %scan3A_226 : i32 to index
      %get3A_258 = arith.constant 48 : index
      %get3A_259 = tpu.vector_load %arg10[%get3A_257, %get3A_258] {strides = array<i32>} : memref<16x1024xf32, #tpu.memory_space<vmem>>, vector<16xf32>,
      %get3A_260 = arith.index_cast %scan3A_226 : i32 to index
      %get3A_261 = arith.constant 48 : index
      %get3A_262 = tpu.vector_load %arg12[%get3A_260, %get3A_261] {strides = array<i32>} : memref<16x1024xf32, #tpu.memory_space<vmem>>, vector<16xf32>,
      %add3A_263 = arith.addf %get3A_259, %get3A_262 : vector<16xf32>
      %swap3A_264 = arith.index_cast %scan3A_226 : i32 to index
      %swap3A_265 = arith.constant 48 : index
      %swap3A_266 = tpu.vector_load %arg14[%swap3A_264, %swap3A_265] {strides = array<i32>} : memref<16x1024xf32, #tpu.memory_space<vmem>>, vector<16xf32>,
      tpu.vector_store %arg14[%swap3A_264, %swap3A_265], %add3A_263 {strides = array<i32>} : memref<16x1024xf32, #tpu.memory_space<vmem>>, vector<16xf32>,
      %get3A_267 = arith.index_cast %scan3A_226 : i32 to index
      %get3A_268 = arith.constant 64 : index
      %get3A_269 = tpu.vector_load %arg10[%get3A_267, %get3A_268] {strides = array<i32>} : memref<16x1024xf32, #tpu.memory_space<vmem>>, vector<16xf32>,
      %get3A_270 = arith.index_cast %scan3A_226 : i32 to index
      %get3A_271 = arith.constant 64 : index
      %get3A_272 = tpu.vector_load %arg12[%get3A_270, %get3A_271] {strides = array<i32>} : memref<16x1024xf32, #tpu.memory_space<vmem>>, vector<16xf32>,
      %add3A_273 = arith.addf %get3A_269, %get3A_272 : vector<16xf32>
      %swap3A_274 = arith.index_cast %scan3A_226 : i32 to index
      %swap3A_275 = arith.constant 64 : index
      %swap3A_276 = tpu.vector_load %arg14[%swap3A_274, %swap3A_275] {strides = array<i32>} : memref<16x1024xf32, #tpu.memory_space<vmem>>, vector<16xf32>,
      tpu.vector_store %arg14[%swap3A_274, %swap3A_275], %add3A_273 {strides = array<i32>} : memref<16x1024xf32, #tpu.memory_space<vmem>>, vector<16xf32>,
      %get3A_277 = arith.index_cast %scan3A_226 : i32 to index
      %get3A_278 = arith.constant 80 : index
      %get3A_279 = tpu.vector_load %arg10[%get3A_277, %get3A_278] {strides = array<i32>} : memref<16x1024xf32, #tpu.memory_space<vmem>>, vector<16xf32>,
      %get3A_280 = arith.index_cast %scan3A_226 : i32 to index
      %get3A_281 = arith.constant 80 : index
      %get3A_282 = tpu.vector_load %arg12[%get3A_280, %get3A_281] {strides = array<i32>} : memref<16x1024xf32, #tpu.memory_space<vmem>>, vector<16xf32>,
      %add3A_283 = arith.addf %get3A_279, %get3A_282 : vector<16xf32>
      %swap3A_284 = arith.index_cast %scan3A_226 : i32 to index
      %swap3A_285 = arith.constant 80 : index
      %swap3A_286 = tpu.vector_load %arg14[%swap3A_284, %swap3A_285] {strides = array<i32>} : memref<16x1024xf32, #tpu.memory_space<vmem>>, vector<16xf32>,
      tpu.vector_store %arg14[%swap3A_284, %swap3A_285], %add3A_283 {strides = array<i32>} : memref<16x1024xf32, #tpu.memory_space<vmem>>, vector<16xf32>,
      %get3A_287 = arith.index_cast %scan3A_226 : i32 to index
      %get3A_288 = arith.constant 96 : index
      %get3A_289 = tpu.vector_load %arg10[%get3A_287, %get3A_288] {strides = array<i32>} : memref<16x1024xf32, #tpu.memory_space<vmem>>, vector<16xf32>,
      %get3A_290 = arith.index_cast %scan3A_226 : i32 to index
      %get3A_291 = arith.constant 96 : index
      %get3A_292 = tpu.vector_load %arg12[%get3A_290, %get3A_291] {strides = array<i32>} : memref<16x1024xf32, #tpu.memory_space<vmem>>, vector<16xf32>,
      %add3A_293 = arith.addf %get3A_289, %get3A_292 : vector<16xf32>
      %swap3A_294 = arith.index_cast %scan3A_226 : i32 to index
      %swap3A_295 = arith.constant 96 : index
      %swap3A_296 = tpu.vector_load %arg14[%swap3A_294, %swap3A_295] {strides = array<i32>} : memref<16x1024xf32, #tpu.memory_space<vmem>>, vector<16xf32>,
      tpu.vector_store %arg14[%swap3A_294, %swap3A_295], %add3A_293 {strides = array<i32>} : memref<16x1024xf32, #tpu.memory_space<vmem>>, vector<16xf32>,
      %get3A_297 = arith.index_cast %scan3A_226 : i32 to index
      %get3A_298 = arith.constant 112 : index
      %get3A_299 = tpu.vector_load %arg10[%get3A_297, %get3A_298] {strides = array<i32>} : memref<16x1024xf32, #tpu.memory_space<vmem>>, vector<16xf32>,
      %get3A_300 = arith.index_cast %scan3A_226 : i32 to index
      %get3A_301 = arith.constant 112 : index
      %get3A_302 = tpu.vector_load %arg12[%get3A_300, %get3A_301] {strides = array<i32>} : memref<16x1024xf32, #tpu.memory_space<vmem>>, vector<16xf32>,
      %add3A_303 = arith.addf %get3A_299, %get3A_302 : vector<16xf32>
      %swap3A_304 = arith.index_cast %scan3A_226 : i32 to index
      %swap3A_305 = arith.constant 112 : index
      %swap3A_306 = tpu.vector_load %arg14[%swap3A_304, %swap3A_305] {strides = array<i32>} : memref<16x1024xf32, #tpu.memory_space<vmem>>, vector<16xf32>,
      tpu.vector_store %arg14[%swap3A_304, %swap3A_305], %add3A_303 {strides = array<i32>} : memref<16x1024xf32, #tpu.memory_space<vmem>>, vector<16xf32>,
      %get3A_307 = arith.index_cast %scan3A_226 : i32 to index
      %get3A_308 = arith.constant 128 : index
      %get3A_309 = tpu.vector_load %arg10[%get3A_307, %get3A_308] {strides = array<i32>} : memref<16x1024xf32, #tpu.memory_space<vmem>>, vector<16xf32>,
      %get3A_310 = arith.index_cast %scan3A_226 : i32 to index
      %get3A_311 = arith.constant 128 : index
      %get3A_312 = tpu.vector_load %arg12[%get3A_310, %get3A_311] {strides = array<i32>} : memref<16x1024xf32, #tpu.memory_space<vmem>>, vector<16xf32>,
      %add3A_313 = arith.addf %get3A_309, %get3A_312 : vector<16xf32>
      %swap3A_314 = arith.index_cast %scan3A_226 : i32 to index
      %swap3A_315 = arith.constant 128 : index
      %swap3A_316 = tpu.vector_load %arg14[%swap3A_314, %swap3A_315] {strides = array<i32>} : memref<16x1024xf32, #tpu.memory_space<vmem>>, vector<16xf32>,
      tpu.vector_store %arg14[%swap3A_314, %swap3A_315], %add3A_313 {strides = array<i32>} : memref<16x1024xf32, #tpu.memory_space<vmem>>, vector<16xf32>,
      %get3A_317 = arith.index_cast %scan3A_226 : i32 to index
      %get3A_318 = arith.constant 144 : index
      %get3A_319 = tpu.vector_load %arg10[%get3A_317, %get3A_318] {strides = array<i32>} : memref<16x1024xf32, #tpu.memory_space<vmem>>, vector<16xf32>,
      %get3A_320 = arith.index_cast %scan3A_226 : i32 to index
      %get3A_321 = arith.constant 144 : index
      %get3A_322 = tpu.vector_load %arg12[%get3A_320, %get3A_321] {strides = array<i32>} : memref<16x1024xf32, #tpu.memory_space<vmem>>, vector<16xf32>,
      %add3A_323 = arith.addf %get3A_319, %get3A_322 : vector<16xf32>
      %swap3A_324 = arith.index_cast %scan3A_226 : i32 to index
      %swap3A_325 = arith.constant 144 : index
      %swap3A_326 = tpu.vector_load %arg14[%swap3A_324, %swap3A_325] {strides = array<i32>} : memref<16x1024xf32, #tpu.memory_space<vmem>>, vector<16xf32>,
      tpu.vector_store %arg14[%swap3A_324, %swap3A_325], %add3A_323 {strides = array<i32>} : memref<16x1024xf32, #tpu.memory_space<vmem>>, vector<16xf32>,
      %get3A_327 = arith.index_cast %scan3A_226 : i32 to index
      %get3A_328 = arith.constant 160 : index
      %get3A_329 = tpu.vector_load %arg10[%get3A_327, %get3A_328] {strides = array<i32>} : memref<16x1024xf32, #tpu.memory_space<vmem>>, vector<16xf32>,
      %get3A_330 = arith.index_cast %scan3A_226 : i32 to index
      %get3A_331 = arith.constant 160 : index
      %get3A_332 = tpu.vector_load %arg12[%get3A_330, %get3A_331] {strides = array<i32>} : memref<16x1024xf32, #tpu.memory_space<vmem>>, vector<16xf32>,
      %add3A_333 = arith.addf %get3A_329, %get3A_332 : vector<16xf32>
      %swap3A_334 = arith.index_cast %scan3A_226 : i32 to index
      %swap3A_335 = arith.constant 160 : index
      %swap3A_336 = tpu.vector_load %arg14[%swap3A_334, %swap3A_335] {strides = array<i32>} : memref<16x1024xf32, #tpu.memory_space<vmem>>, vector<16xf32>,
      tpu.vector_store %arg14[%swap3A_334, %swap3A_335], %add3A_333 {strides = array<i32>} : memref<16x1024xf32, #tpu.memory_space<vmem>>, vector<16xf32>,
      %get3A_337 = arith.index_cast %scan3A_226 : i32 to index
      %get3A_338 = arith.constant 176 : index
      %get3A_339 = tpu.vector_load %arg10[%get3A_337, %get3A_338] {strides = array<i32>} : memref<16x1024xf32, #tpu.memory_space<vmem>>, vector<16xf32>,
      %get3A_340 = arith.index_cast %scan3A_226 : i32 to index
      %get3A_341 = arith.constant 176 : index
      %get3A_342 = tpu.vector_load %arg12[%get3A_340, %get3A_341] {strides = array<i32>} : memref<16x1024xf32, #tpu.memory_space<vmem>>, vector<16xf32>,
      %add3A_343 = arith.addf %get3A_339, %get3A_342 : vector<16xf32>
      %swap3A_344 = arith.index_cast %scan3A_226 : i32 to index
      %swap3A_345 = arith.constant 176 : index
      %swap3A_346 = tpu.vector_load %arg14[%swap3A_344, %swap3A_345] {strides = array<i32>} : memref<16x1024xf32, #tpu.memory_space<vmem>>, vector<16xf32>,
      tpu.vector_store %arg14[%swap3A_344, %swap3A_345], %add3A_343 {strides = array<i32>} : memref<16x1024xf32, #tpu.memory_space<vmem>>, vector<16xf32>,
      %get3A_347 = arith.index_cast %scan3A_226 : i32 to index
      %get3A_348 = arith.constant 192 : index
      %get3A_349 = tpu.vector_load %arg10[%get3A_347, %get3A_348] {strides = array<i32>} : memref<16x1024xf32, #tpu.memory_space<vmem>>, vector<16xf32>,
      %get3A_350 = arith.index_cast %scan3A_226 : i32 to index
      %get3A_351 = arith.constant 192 : index
      %get3A_352 = tpu.vector_load %arg12[%get3A_350, %get3A_351] {strides = array<i32>} : memref<16x1024xf32, #tpu.memory_space<vmem>>, vector<16xf32>,
      %add3A_353 = arith.addf %get3A_349, %get3A_352 : vector<16xf32>
      %swap3A_354 = arith.index_cast %scan3A_226 : i32 to index
      %swap3A_355 = arith.constant 192 : index
      %swap3A_356 = tpu.vector_load %arg14[%swap3A_354, %swap3A_355] {strides = array<i32>} : memref<16x1024xf32, #tpu.memory_space<vmem>>, vector<16xf32>,
      tpu.vector_store %arg14[%swap3A_354, %swap3A_355], %add3A_353 {strides = array<i32>} : memref<16x1024xf32, #tpu.memory_space<vmem>>, vector<16xf32>,
      %get3A_357 = arith.index_cast %scan3A_226 : i32 to index
      %get3A_358 = arith.constant 208 : index
      %get3A_359 = tpu.vector_load %arg10[%get3A_357, %get3A_358] {strides = array<i32>} : memref<16x1024xf32, #tpu.memory_space<vmem>>, vector<16xf32>,
      %get3A_360 = arith.index_cast %scan3A_226 : i32 to index
      %get3A_361 = arith.constant 208 : index
      %get3A_362 = tpu.vector_load %arg12[%get3A_360, %get3A_361] {strides = array<i32>} : memref<16x1024xf32, #tpu.memory_space<vmem>>, vector<16xf32>,
      %add3A_363 = arith.addf %get3A_359, %get3A_362 : vector<16xf32>
      %swap3A_364 = arith.index_cast %scan3A_226 : i32 to index
      %swap3A_365 = arith.constant 208 : index
      %swap3A_366 = tpu.vector_load %arg14[%swap3A_364, %swap3A_365] {strides = array<i32>} : memref<16x1024xf32, #tpu.memory_space<vmem>>, vector<16xf32>,
      tpu.vector_store %arg14[%swap3A_364, %swap3A_365], %add3A_363 {strides = array<i32>} : memref<16x1024xf32, #tpu.memory_space<vmem>>, vector<16xf32>,
      %get3A_367 = arith.index_cast %scan3A_226 : i32 to index
      %get3A_368 = arith.constant 224 : index
      %get3A_369 = tpu.vector_load %arg10[%get3A_367, %get3A_368] {strides = array<i32>} : memref<16x1024xf32, #tpu.memory_space<vmem>>, vector<16xf32>,
      %get3A_370 = arith.index_cast %scan3A_226 : i32 to index
      %get3A_371 = arith.constant 224 : index
      %get3A_372 = tpu.vector_load %arg12[%get3A_370, %get3A_371] {strides = array<i32>} : memref<16x1024xf32, #tpu.memory_space<vmem>>, vector<16xf32>,
      %add3A_373 = arith.addf %get3A_369, %get3A_372 : vector<16xf32>
      %swap3A_374 = arith.index_cast %scan3A_226 : i32 to index
      %swap3A_375 = arith.constant 224 : index
      %swap3A_376 = tpu.vector_load %arg14[%swap3A_374, %swap3A_375] {strides = array<i32>} : memref<16x1024xf32, #tpu.memory_space<vmem>>, vector<16xf32>,
      tpu.vector_store %arg14[%swap3A_374, %swap3A_375], %add3A_373 {strides = array<i32>} : memref<16x1024xf32, #tpu.memory_space<vmem>>, vector<16xf32>,
      %get3A_377 = arith.index_cast %scan3A_226 : i32 to index
      %get3A_378 = arith.constant 240 : index
      %get3A_379 = tpu.vector_load %arg10[%get3A_377, %get3A_378] {strides = array<i32>} : memref<16x1024xf32, #tpu.memory_space<vmem>>, vector<16xf32>,
      %get3A_380 = arith.index_cast %scan3A_226 : i32 to index
      %get3A_381 = arith.constant 240 : index
      %get3A_382 = tpu.vector_load %arg12[%get3A_380, %get3A_381] {strides = array<i32>} : memref<16x1024xf32, #tpu.memory_space<vmem>>, vector<16xf32>,
      %add3A_383 = arith.addf %get3A_379, %get3A_382 : vector<16xf32>
      %swap3A_384 = arith.index_cast %scan3A_226 : i32 to index
      %swap3A_385 = arith.constant 240 : index
      %swap3A_386 = tpu.vector_load %arg14[%swap3A_384, %swap3A_385] {strides = array<i32>} : memref<16x1024xf32, #tpu.memory_space<vmem>>, vector<16xf32>,
      tpu.vector_store %arg14[%swap3A_384, %swap3A_385], %add3A_383 {strides = array<i32>} : memref<16x1024xf32, #tpu.memory_space<vmem>>, vector<16xf32>,
      %get3A_387 = arith.index_cast %scan3A_226 : i32 to index
      %get3A_388 = arith.constant 256 : index
      %get3A_389 = tpu.vector_load %arg10[%get3A_387, %get3A_388] {strides = array<i32>} : memref<16x1024xf32, #tpu.memory_space<vmem>>, vector<16xf32>,
      %get3A_390 = arith.index_cast %scan3A_226 : i32 to index
      %get3A_391 = arith.constant 256 : index
      %get3A_392 = tpu.vector_load %arg12[%get3A_390, %get3A_391] {strides = array<i32>} : memref<16x1024xf32, #tpu.memory_space<vmem>>, vector<16xf32>,
      %add3A_393 = arith.addf %get3A_389, %get3A_392 : vector<16xf32>
      %swap3A_394 = arith.index_cast %scan3A_226 : i32 to index
      %swap3A_395 = arith.constant 256 : index
      %swap3A_396 = tpu.vector_load %arg14[%swap3A_394, %swap3A_395] {strides = array<i32>} : memref<16x1024xf32, #tpu.memory_space<vmem>>, vector<16xf32>,
      tpu.vector_store %arg14[%swap3A_394, %swap3A_395], %add3A_393 {strides = array<i32>} : memref<16x1024xf32, #tpu.memory_space<vmem>>, vector<16xf32>,
      %get3A_397 = arith.index_cast %scan3A_226 : i32 to index
      %get3A_398 = arith.constant 272 : index
      %get3A_399 = tpu.vector_load %arg10[%get3A_397, %get3A_398] {strides = array<i32>} : memref<16x1024xf32, #tpu.memory_space<vmem>>, vector<16xf32>,
      %get3A_400 = arith.index_cast %scan3A_226 : i32 to index
      %get3A_401 = arith.constant 272 : index
      %get3A_402 = tpu.vector_load %arg12[%get3A_400, %get3A_401] {strides = array<i32>} : memref<16x1024xf32, #tpu.memory_space<vmem>>, vector<16xf32>,
      %add3A_403 = arith.addf %get3A_399, %get3A_402 : vector<16xf32>
      %swap3A_404 = arith.index_cast %scan3A_226 : i32 to index
      %swap3A_405 = arith.constant 272 : index
      %swap3A_406 = tpu.vector_load %arg14[%swap3A_404, %swap3A_405] {strides = array<i32>} : memref<16x1024xf32, #tpu.memory_space<vmem>>, vector<16xf32>,
      tpu.vector_store %arg14[%swap3A_404, %swap3A_405], %add3A_403 {strides = array<i32>} : memref<16x1024xf32, #tpu.memory_space<vmem>>, vector<16xf32>,
      %get3A_407 = arith.index_cast %scan3A_226 : i32 to index
      %get3A_408 = arith.constant 288 : index
      %get3A_409 = tpu.vector_load %arg10[%get3A_407, %get3A_408] {strides = array<i32>} : memref<16x1024xf32, #tpu.memory_space<vmem>>, vector<16xf32>,
      %get3A_410 = arith.index_cast %scan3A_226 : i32 to index
      %get3A_411 = arith.constant 288 : index
      %get3A_412 = tpu.vector_load %arg12[%get3A_410, %get3A_411] {strides = array<i32>} : memref<16x1024xf32, #tpu.memory_space<vmem>>, vector<16xf32>,
      %add3A_413 = arith.addf %get3A_409, %get3A_412 : vector<16xf32>
      %swap3A_414 = arith.index_cast %scan3A_226 : i32 to index
      %swap3A_415 = arith.constant 288 : index
      %swap3A_416 = tpu.vector_load %arg14[%swap3A_414, %swap3A_415] {strides = array<i32>} : memref<16x1024xf32, #tpu.memory_space<vmem>>, vector<16xf32>,
      tpu.vector_store %arg14[%swap3A_414, %swap3A_415], %add3A_413 {strides = array<i32>} : memref<16x1024xf32, #tpu.memory_space<vmem>>, vector<16xf32>,
      %get3A_417 = arith.index_cast %scan3A_226 : i32 to index
      %get3A_418 = arith.constant 304 : index
      %get3A_419 = tpu.vector_load %arg10[%get3A_417, %get3A_418] {strides = array<i32>} : memref<16x1024xf32, #tpu.memory_space<vmem>>, vector<16xf32>,
      %get3A_420 = arith.index_cast %scan3A_226 : i32 to index
      %get3A_421 = arith.constant 304 : index
      %get3A_422 = tpu.vector_load %arg12[%get3A_420, %get3A_421] {strides = array<i32>} : memref<16x1024xf32, #tpu.memory_space<vmem>>, vector<16xf32>,
      %add3A_423 = arith.addf %get3A_419, %get3A_422 : vector<16xf32>
      %swap3A_424 = arith.index_cast %scan3A_226 : i32 to index
      %swap3A_425 = arith.constant 304 : index
      %swap3A_426 = tpu.vector_load %arg14[%swap3A_424, %swap3A_425] {strides = array<i32>} : memref<16x1024xf32, #tpu.memory_space<vmem>>, vector<16xf32>,
      tpu.vector_store %arg14[%swap3A_424, %swap3A_425], %add3A_423 {strides = array<i32>} : memref<16x1024xf32, #tpu.memory_space<vmem>>, vector<16xf32>,
      %get3A_427 = arith.index_cast %scan3A_226 : i32 to index
      %get3A_428 = arith.constant 320 : index
      %get3A_429 = tpu.vector_load %arg10[%get3A_427, %get3A_428] {strides = array<i32>} : memref<16x1024xf32, #tpu.memory_space<vmem>>, vector<16xf32>,
      %get3A_430 = arith.index_cast %scan3A_226 : i32 to index
      %get3A_431 = arith.constant 320 : index
      %get3A_432 = tpu.vector_load %arg12[%get3A_430, %get3A_431] {strides = array<i32>} : memref<16x1024xf32, #tpu.memory_space<vmem>>, vector<16xf32>,
      %add3A_433 = arith.addf %get3A_429, %get3A_432 : vector<16xf32>
      %swap3A_434 = arith.index_cast %scan3A_226 : i32 to index
      %swap3A_435 = arith.constant 320 : index
      %swap3A_436 = tpu.vector_load %arg14[%swap3A_434, %swap3A_435] {strides = array<i32>} : memref<16x1024xf32, #tpu.memory_space<vmem>>, vector<16xf32>,
      tpu.vector_store %arg14[%swap3A_434, %swap3A_435], %add3A_433 {strides = array<i32>} : memref<16x1024xf32, #tpu.memory_space<vmem>>, vector<16xf32>,
      %get3A_437 = arith.index_cast %scan3A_226 : i32 to index
      %get3A_438 = arith.constant 336 : index
      %get3A_439 = tpu.vector_load %arg10[%get3A_437, %get3A_438] {strides = array<i32>} : memref<16x1024xf32, #tpu.memory_space<vmem>>, vector<16xf32>,
      %get3A_440 = arith.index_cast %scan3A_226 : i32 to index
      %get3A_441 = arith.constant 336 : index
      %get3A_442 = tpu.vector_load %arg12[%get3A_440, %get3A_441] {strides = array<i32>} : memref<16x1024xf32, #tpu.memory_space<vmem>>, vector<16xf32>,
      %add3A_443 = arith.addf %get3A_439, %get3A_442 : vector<16xf32>
      %swap3A_444 = arith.index_cast %scan3A_226 : i32 to index
      %swap3A_445 = arith.constant 336 : index
      %swap3A_446 = tpu.vector_load %arg14[%swap3A_444, %swap3A_445] {strides = array<i32>} : memref<16x1024xf32, #tpu.memory_space<vmem>>, vector<16xf32>,
      tpu.vector_store %arg14[%swap3A_444, %swap3A_445], %add3A_443 {strides = array<i32>} : memref<16x1024xf32, #tpu.memory_space<vmem>>, vector<16xf32>,
      %get3A_447 = arith.index_cast %scan3A_226 : i32 to index
      %get3A_448 = arith.constant 352 : index
      %get3A_449 = tpu.vector_load %arg10[%get3A_447, %get3A_448] {strides = array<i32>} : memref<16x1024xf32, #tpu.memory_space<vmem>>, vector<16xf32>,
      %get3A_450 = arith.index_cast %scan3A_226 : i32 to index
      %get3A_451 = arith.constant 352 : index
      %get3A_452 = tpu.vector_load %arg12[%get3A_450, %get3A_451] {strides = array<i32>} : memref<16x1024xf32, #tpu.memory_space<vmem>>, vector<16xf32>,
      %add3A_453 = arith.addf %get3A_449, %get3A_452 : vector<16xf32>
      %swap3A_454 = arith.index_cast %scan3A_226 : i32 to index
      %swap3A_455 = arith.constant 352 : index
      %swap3A_456 = tpu.vector_load %arg14[%swap3A_454, %swap3A_455] {strides = array<i32>} : memref<16x1024xf32, #tpu.memory_space<vmem>>, vector<16xf32>,
      tpu.vector_store %arg14[%swap3A_454, %swap3A_455], %add3A_453 {strides = array<i32>} : memref<16x1024xf32, #tpu.memory_space<vmem>>, vector<16xf32>,
      %get3A_457 = arith.index_cast %scan3A_226 : i32 to index
      %get3A_458 = arith.constant 368 : index
      %get3A_459 = tpu.vector_load %arg10[%get3A_457, %get3A_458] {strides = array<i32>} : memref<16x1024xf32, #tpu.memory_space<vmem>>, vector<16xf32>,
      %get3A_460 = arith.index_cast %scan3A_226 : i32 to index
      %get3A_461 = arith.constant 368 : index
      %get3A_462 = tpu.vector_load %arg12[%get3A_460, %get3A_461] {strides = array<i32>} : memref<16x1024xf32, #tpu.memory_space<vmem>>, vector<16xf32>,
      %add3A_463 = arith.addf %get3A_459, %get3A_462 : vector<16xf32>
      %swap3A_464 = arith.index_cast %scan3A_226 : i32 to index
      %swap3A_465 = arith.constant 368 : index
      %swap3A_466 = tpu.vector_load %arg14[%swap3A_464, %swap3A_465] {strides = array<i32>} : memref<16x1024xf32, #tpu.memory_space<vmem>>, vector<16xf32>,
      tpu.vector_store %arg14[%swap3A_464, %swap3A_465], %add3A_463 {strides = array<i32>} : memref<16x1024xf32, #tpu.memory_space<vmem>>, vector<16xf32>,
      %get3A_467 = arith.index_cast %scan3A_226 : i32 to index
      %get3A_468 = arith.constant 384 : index
      %get3A_469 = tpu.vector_load %arg10[%get3A_467, %get3A_468] {strides = array<i32>} : memref<16x1024xf32, #tpu.memory_space<vmem>>, vector<16xf32>,
      %get3A_470 = arith.index_cast %scan3A_226 : i32 to index
      %get3A_471 = arith.constant 384 : index
      %get3A_472 = tpu.vector_load %arg12[%get3A_470, %get3A_471] {strides = array<i32>} : memref<16x1024xf32, #tpu.memory_space<vmem>>, vector<16xf32>,
      %add3A_473 = arith.addf %get3A_469, %get3A_472 : vector<16xf32>
      %swap3A_474 = arith.index_cast %scan3A_226 : i32 to index
      %swap3A_475 = arith.constant 384 : index
      %swap3A_476 = tpu.vector_load %arg14[%swap3A_474, %swap3A_475] {strides = array<i32>} : memref<16x1024xf32, #tpu.memory_space<vmem>>, vector<16xf32>,
      tpu.vector_store %arg14[%swap3A_474, %swap3A_475], %add3A_473 {strides = array<i32>} : memref<16x1024xf32, #tpu.memory_space<vmem>>, vector<16xf32>,
      %get3A_477 = arith.index_cast %scan3A_226 : i32 to index
      %get3A_478 = arith.constant 400 : index
      %get3A_479 = tpu.vector_load %arg10[%get3A_477, %get3A_478] {strides = array<i32>} : memref<16x1024xf32, #tpu.memory_space<vmem>>, vector<16xf32>,
      %get3A_480 = arith.index_cast %scan3A_226 : i32 to index
      %get3A_481 = arith.constant 400 : index
      %get3A_482 = tpu.vector_load %arg12[%get3A_480, %get3A_481] {strides = array<i32>} : memref<16x1024xf32, #tpu.memory_space<vmem>>, vector<16xf32>,
      %add3A_483 = arith.addf %get3A_479, %get3A_482 : vector<16xf32>
      %swap3A_484 = arith.index_cast %scan3A_226 : i32 to index
      %swap3A_485 = arith.constant 400 : index
      %swap3A_486 = tpu.vector_load %arg14[%swap3A_484, %swap3A_485] {strides = array<i32>} : memref<16x1024xf32, #tpu.memory_space<vmem>>, vector<16xf32>,
      tpu.vector_store %arg14[%swap3A_484, %swap3A_485], %add3A_483 {strides = array<i32>} : memref<16x1024xf32, #tpu.memory_space<vmem>>, vector<16xf32>,
      %get3A_487 = arith.index_cast %scan3A_226 : i32 to index
      %get3A_488 = arith.constant 416 : index
      %get3A_489 = tpu.vector_load %arg10[%get3A_487, %get3A_488] {strides = array<i32>} : memref<16x1024xf32, #tpu.memory_space<vmem>>, vector<16xf32>,
      %get3A_490 = arith.index_cast %scan3A_226 : i32 to index
      %get3A_491 = arith.constant 416 : index
      %get3A_492 = tpu.vector_load %arg12[%get3A_490, %get3A_491] {strides = array<i32>} : memref<16x1024xf32, #tpu.memory_space<vmem>>, vector<16xf32>,
      %add3A_493 = arith.addf %get3A_489, %get3A_492 : vector<16xf32>
      %swap3A_494 = arith.index_cast %scan3A_226 : i32 to index
      %swap3A_495 = arith.constant 416 : index
      %swap3A_496 = tpu.vector_load %arg14[%swap3A_494, %swap3A_495] {strides = array<i32>} : memref<16x1024xf32, #tpu.memory_space<vmem>>, vector<16xf32>,
      tpu.vector_store %arg14[%swap3A_494, %swap3A_495], %add3A_493 {strides = array<i32>} : memref<16x1024xf32, #tpu.memory_space<vmem>>, vector<16xf32>,
      %get3A_497 = arith.index_cast %scan3A_226 : i32 to index
      %get3A_498 = arith.constant 432 : index
      %get3A_499 = tpu.vector_load %arg10[%get3A_497, %get3A_498] {strides = array<i32>} : memref<16x1024xf32, #tpu.memory_space<vmem>>, vector<16xf32>,
      %get3A_500 = arith.index_cast %scan3A_226 : i32 to index
      %get3A_501 = arith.constant 432 : index
      %get3A_502 = tpu.vector_load %arg12[%get3A_500, %get3A_501] {strides = array<i32>} : memref<16x1024xf32, #tpu.memory_space<vmem>>, vector<16xf32>,
      %add3A_503 = arith.addf %get3A_499, %get3A_502 : vector<16xf32>
      %swap3A_504 = arith.index_cast %scan3A_226 : i32 to index
      %swap3A_505 = arith.constant 432 : index
      %swap3A_506 = tpu.vector_load %arg14[%swap3A_504, %swap3A_505] {strides = array<i32>} : memref<16x1024xf32, #tpu.memory_space<vmem>>, vector<16xf32>,
      tpu.vector_store %arg14[%swap3A_504, %swap3A_505], %add3A_503 {strides = array<i32>} : memref<16x1024xf32, #tpu.memory_space<vmem>>, vector<16xf32>,
      %get3A_507 = arith.index_cast %scan3A_226 : i32 to index
      %get3A_508 = arith.constant 448 : index
      %get3A_509 = tpu.vector_load %arg10[%get3A_507, %get3A_508] {strides = array<i32>} : memref<16x1024xf32, #tpu.memory_space<vmem>>, vector<16xf32>,
      %get3A_510 = arith.index_cast %scan3A_226 : i32 to index
      %get3A_511 = arith.constant 448 : index
      %get3A_512 = tpu.vector_load %arg12[%get3A_510, %get3A_511] {strides = array<i32>} : memref<16x1024xf32, #tpu.memory_space<vmem>>, vector<16xf32>,
      %add3A_513 = arith.addf %get3A_509, %get3A_512 : vector<16xf32>
      %swap3A_514 = arith.index_cast %scan3A_226 : i32 to index
      %swap3A_515 = arith.constant 448 : index
      %swap3A_516 = tpu.vector_load %arg14[%swap3A_514, %swap3A_515] {strides = array<i32>} : memref<16x1024xf32, #tpu.memory_space<vmem>>, vector<16xf32>,
      tpu.vector_store %arg14[%swap3A_514, %swap3A_515], %add3A_513 {strides = array<i32>} : memref<16x1024xf32, #tpu.memory_space<vmem>>, vector<16xf32>,
      %get3A_517 = arith.index_cast %scan3A_226 : i32 to index
      %get3A_518 = arith.constant 464 : index
      %get3A_519 = tpu.vector_load %arg10[%get3A_517, %get3A_518] {strides = array<i32>} : memref<16x1024xf32, #tpu.memory_space<vmem>>, vector<16xf32>,
      %get3A_520 = arith.index_cast %scan3A_226 : i32 to index
      %get3A_521 = arith.constant 464 : index
      %get3A_522 = tpu.vector_load %arg12[%get3A_520, %get3A_521] {strides = array<i32>} : memref<16x1024xf32, #tpu.memory_space<vmem>>, vector<16xf32>,
      %add3A_523 = arith.addf %get3A_519, %get3A_522 : vector<16xf32>
      %swap3A_524 = arith.index_cast %scan3A_226 : i32 to index
      %swap3A_525 = arith.constant 464 : index
      %swap3A_526 = tpu.vector_load %arg14[%swap3A_524, %swap3A_525] {strides = array<i32>} : memref<16x1024xf32, #tpu.memory_space<vmem>>, vector<16xf32>,
      tpu.vector_store %arg14[%swap3A_524, %swap3A_525], %add3A_523 {strides = array<i32>} : memref<16x1024xf32, #tpu.memory_space<vmem>>, vector<16xf32>,
      %get3A_527 = arith.index_cast %scan3A_226 : i32 to index
      %get3A_528 = arith.constant 480 : index
      %get3A_529 = tpu.vector_load %arg10[%get3A_527, %get3A_528] {strides = array<i32>} : memref<16x1024xf32, #tpu.memory_space<vmem>>, vector<16xf32>,
      %get3A_530 = arith.index_cast %scan3A_226 : i32 to index
      %get3A_531 = arith.constant 480 : index
      %get3A_532 = tpu.vector_load %arg12[%get3A_530, %get3A_531] {strides = array<i32>} : memref<16x1024xf32, #tpu.memory_space<vmem>>, vector<16xf32>,
      %add3A_533 = arith.addf %get3A_529, %get3A_532 : vector<16xf32>
      %swap3A_534 = arith.index_cast %scan3A_226 : i32 to index
      %swap3A_535 = arith.constant 480 : index
      %swap3A_536 = tpu.vector_load %arg14[%swap3A_534, %swap3A_535] {strides = array<i32>} : memref<16x1024xf32, #tpu.memory_space<vmem>>, vector<16xf32>,
      tpu.vector_store %arg14[%swap3A_534, %swap3A_535], %add3A_533 {strides = array<i32>} : memref<16x1024xf32, #tpu.memory_space<vmem>>, vector<16xf32>,
      %get3A_537 = arith.index_cast %scan3A_226 : i32 to index
      %get3A_538 = arith.constant 496 : index
      %get3A_539 = tpu.vector_load %arg10[%get3A_537, %get3A_538] {strides = array<i32>} : memref<16x1024xf32, #tpu.memory_space<vmem>>, vector<16xf32>,
      %get3A_540 = arith.index_cast %scan3A_226 : i32 to index
      %get3A_541 = arith.constant 496 : index
      %get3A_542 = tpu.vector_load %arg12[%get3A_540, %get3A_541] {strides = array<i32>} : memref<16x1024xf32, #tpu.memory_space<vmem>>, vector<16xf32>,
      %add3A_543 = arith.addf %get3A_539, %get3A_542 : vector<16xf32>
      %swap3A_544 = arith.index_cast %scan3A_226 : i32 to index
      %swap3A_545 = arith.constant 496 : index
      %swap3A_546 = tpu.vector_load %arg14[%swap3A_544, %swap3A_545] {strides = array<i32>} : memref<16x1024xf32, #tpu.memory_space<vmem>>, vector<16xf32>,
      tpu.vector_store %arg14[%swap3A_544, %swap3A_545], %add3A_543 {strides = array<i32>} : memref<16x1024xf32, #tpu.memory_space<vmem>>, vector<16xf32>,
      %get3A_547 = arith.index_cast %scan3A_226 : i32 to index
      %get3A_548 = arith.constant 512 : index
      %get3A_549 = tpu.vector_load %arg10[%get3A_547, %get3A_548] {strides = array<i32>} : memref<16x1024xf32, #tpu.memory_space<vmem>>, vector<16xf32>,
      %get3A_550 = arith.index_cast %scan3A_226 : i32 to index
      %get3A_551 = arith.constant 512 : index
      %get3A_552 = tpu.vector_load %arg12[%get3A_550, %get3A_551] {strides = array<i32>} : memref<16x1024xf32, #tpu.memory_space<vmem>>, vector<16xf32>,
      %add3A_553 = arith.addf %get3A_549, %get3A_552 : vector<16xf32>
      %swap3A_554 = arith.index_cast %scan3A_226 : i32 to index
      %swap3A_555 = arith.constant 512 : index
      %swap3A_556 = tpu.vector_load %arg14[%swap3A_554, %swap3A_555] {strides = array<i32>} : memref<16x1024xf32, #tpu.memory_space<vmem>>, vector<16xf32>,
      tpu.vector_store %arg14[%swap3A_554, %swap3A_555], %add3A_553 {strides = array<i32>} : memref<16x1024xf32, #tpu.memory_space<vmem>>, vector<16xf32>,
      %get3A_557 = arith.index_cast %scan3A_226 : i32 to index
      %get3A_558 = arith.constant 528 : index
      %get3A_559 = tpu.vector_load %arg10[%get3A_557, %get3A_558] {strides = array<i32>} : memref<16x1024xf32, #tpu.memory_space<vmem>>, vector<16xf32>,
      %get3A_560 = arith.index_cast %scan3A_226 : i32 to index
      %get3A_561 = arith.constant 528 : index
      %get3A_562 = tpu.vector_load %arg12[%get3A_560, %get3A_561] {strides = array<i32>} : memref<16x1024xf32, #tpu.memory_space<vmem>>, vector<16xf32>,
      %add3A_563 = arith.addf %get3A_559, %get3A_562 : vector<16xf32>
      %swap3A_564 = arith.index_cast %scan3A_226 : i32 to index
      %swap3A_565 = arith.constant 528 : index
      %swap3A_566 = tpu.vector_load %arg14[%swap3A_564, %swap3A_565] {strides = array<i32>} : memref<16x1024xf32, #tpu.memory_space<vmem>>, vector<16xf32>,
      tpu.vector_store %arg14[%swap3A_564, %swap3A_565], %add3A_563 {strides = array<i32>} : memref<16x1024xf32, #tpu.memory_space<vmem>>, vector<16xf32>,
      %get3A_567 = arith.index_cast %scan3A_226 : i32 to index
      %get3A_568 = arith.constant 544 : index
      %get3A_569 = tpu.vector_load %arg10[%get3A_567, %get3A_568] {strides = array<i32>} : memref<16x1024xf32, #tpu.memory_space<vmem>>, vector<16xf32>,
      %get3A_570 = arith.index_cast %scan3A_226 : i32 to index
      %get3A_571 = arith.constant 544 : index
      %get3A_572 = tpu.vector_load %arg12[%get3A_570, %get3A_571] {strides = array<i32>} : memref<16x1024xf32, #tpu.memory_space<vmem>>, vector<16xf32>,
      %add3A_573 = arith.addf %get3A_569, %get3A_572 : vector<16xf32>
      %swap3A_574 = arith.index_cast %scan3A_226 : i32 to index
      %swap3A_575 = arith.constant 544 : index
      %swap3A_576 = tpu.vector_load %arg14[%swap3A_574, %swap3A_575] {strides = array<i32>} : memref<16x1024xf32, #tpu.memory_space<vmem>>, vector<16xf32>,
      tpu.vector_store %arg14[%swap3A_574, %swap3A_575], %add3A_573 {strides = array<i32>} : memref<16x1024xf32, #tpu.memory_space<vmem>>, vector<16xf32>,
      %get3A_577 = arith.index_cast %scan3A_226 : i32 to index
      %get3A_578 = arith.constant 560 : index
      %get3A_579 = tpu.vector_load %arg10[%get3A_577, %get3A_578] {strides = array<i32>} : memref<16x1024xf32, #tpu.memory_space<vmem>>, vector<16xf32>,
      %get3A_580 = arith.index_cast %scan3A_226 : i32 to index
      %get3A_581 = arith.constant 560 : index
      %get3A_582 = tpu.vector_load %arg12[%get3A_580, %get3A_581] {strides = array<i32>} : memref<16x1024xf32, #tpu.memory_space<vmem>>, vector<16xf32>,
      %add3A_583 = arith.addf %get3A_579, %get3A_582 : vector<16xf32>
      %swap3A_584 = arith.index_cast %scan3A_226 : i32 to index
      %swap3A_585 = arith.constant 560 : index
      %swap3A_586 = tpu.vector_load %arg14[%swap3A_584, %swap3A_585] {strides = array<i32>} : memref<16x1024xf32, #tpu.memory_space<vmem>>, vector<16xf32>,
      tpu.vector_store %arg14[%swap3A_584, %swap3A_585], %add3A_583 {strides = array<i32>} : memref<16x1024xf32, #tpu.memory_space<vmem>>, vector<16xf32>,
      %get3A_587 = arith.index_cast %scan3A_226 : i32 to index
      %get3A_588 = arith.constant 576 : index
      %get3A_589 = tpu.vector_load %arg10[%get3A_587, %get3A_588] {strides = array<i32>} : memref<16x1024xf32, #tpu.memory_space<vmem>>, vector<16xf32>,
      %get3A_590 = arith.index_cast %scan3A_226 : i32 to index
      %get3A_591 = arith.constant 576 : index
      %get3A_592 = tpu.vector_load %arg12[%get3A_590, %get3A_591] {strides = array<i32>} : memref<16x1024xf32, #tpu.memory_space<vmem>>, vector<16xf32>,
      %add3A_593 = arith.addf %get3A_589, %get3A_592 : vector<16xf32>
      %swap3A_594 = arith.index_cast %scan3A_226 : i32 to index
      %swap3A_595 = arith.constant 576 : index
      %swap3A_596 = tpu.vector_load %arg14[%swap3A_594, %swap3A_595] {strides = array<i32>} : memref<16x1024xf32, #tpu.memory_space<vmem>>, vector<16xf32>,
      tpu.vector_store %arg14[%swap3A_594, %swap3A_595], %add3A_593 {strides = array<i32>} : memref<16x1024xf32, #tpu.memory_space<vmem>>, vector<16xf32>,
      %get3A_597 = arith.index_cast %scan3A_226 : i32 to index
      %get3A_598 = arith.constant 592 : index
      %get3A_599 = tpu.vector_load %arg10[%get3A_597, %get3A_598] {strides = array<i32>} : memref<16x1024xf32, #tpu.memory_space<vmem>>, vector<16xf32>,
      %get3A_600 = arith.index_cast %scan3A_226 : i32 to index
      %get3A_601 = arith.constant 592 : index
      %get3A_602 = tpu.vector_load %arg12[%get3A_600, %get3A_601] {strides = array<i32>} : memref<16x1024xf32, #tpu.memory_space<vmem>>, vector<16xf32>,
      %add3A_603 = arith.addf %get3A_599, %get3A_602 : vector<16xf32>
      %swap3A_604 = arith.index_cast %scan3A_226 : i32 to index
      %swap3A_605 = arith.constant 592 : index
      %swap3A_606 = tpu.vector_load %arg14[%swap3A_604, %swap3A_605] {strides = array<i32>} : memref<16x1024xf32, #tpu.memory_space<vmem>>, vector<16xf32>,
      tpu.vector_store %arg14[%swap3A_604, %swap3A_605], %add3A_603 {strides = array<i32>} : memref<16x1024xf32, #tpu.memory_space<vmem>>, vector<16xf32>,
      %get3A_607 = arith.index_cast %scan3A_226 : i32 to index
      %get3A_608 = arith.constant 608 : index
      %get3A_609 = tpu.vector_load %arg10[%get3A_607, %get3A_608] {strides = array<i32>} : memref<16x1024xf32, #tpu.memory_space<vmem>>, vector<16xf32>,
      %get3A_610 = arith.index_cast %scan3A_226 : i32 to index
      %get3A_611 = arith.constant 608 : index
      %get3A_612 = tpu.vector_load %arg12[%get3A_610, %get3A_611] {strides = array<i32>} : memref<16x1024xf32, #tpu.memory_space<vmem>>, vector<16xf32>,
      %add3A_613 = arith.addf %get3A_609, %get3A_612 : vector<16xf32>
      %swap3A_614 = arith.index_cast %scan3A_226 : i32 to index
      %swap3A_615 = arith.constant 608 : index
      %swap3A_616 = tpu.vector_load %arg14[%swap3A_614, %swap3A_615] {strides = array<i32>} : memref<16x1024xf32, #tpu.memory_space<vmem>>, vector<16xf32>,
      tpu.vector_store %arg14[%swap3A_614, %swap3A_615], %add3A_613 {strides = array<i32>} : memref<16x1024xf32, #tpu.memory_space<vmem>>, vector<16xf32>,
      %get3A_617 = arith.index_cast %scan3A_226 : i32 to index
      %get3A_618 = arith.constant 624 : index
      %get3A_619 = tpu.vector_load %arg10[%get3A_617, %get3A_618] {strides = array<i32>} : memref<16x1024xf32, #tpu.memory_space<vmem>>, vector<16xf32>,
      %get3A_620 = arith.index_cast %scan3A_226 : i32 to index
      %get3A_621 = arith.constant 624 : index
      %get3A_622 = tpu.vector_load %arg12[%get3A_620, %get3A_621] {strides = array<i32>} : memref<16x1024xf32, #tpu.memory_space<vmem>>, vector<16xf32>,
      %add3A_623 = arith.addf %get3A_619, %get3A_622 : vector<16xf32>
      %swap3A_624 = arith.index_cast %scan3A_226 : i32 to index
      %swap3A_625 = arith.constant 624 : index
      %swap3A_626 = tpu.vector_load %arg14[%swap3A_624, %swap3A_625] {strides = array<i32>} : memref<16x1024xf32, #tpu.memory_space<vmem>>, vector<16xf32>,
      tpu.vector_store %arg14[%swap3A_624, %swap3A_625], %add3A_623 {strides = array<i32>} : memref<16x1024xf32, #tpu.memory_space<vmem>>, vector<16xf32>,
      %get3A_627 = arith.index_cast %scan3A_226 : i32 to index
      %get3A_628 = arith.constant 640 : index
      %get3A_629 = tpu.vector_load %arg10[%get3A_627, %get3A_628] {strides = array<i32>} : memref<16x1024xf32, #tpu.memory_space<vmem>>, vector<16xf32>,
      %get3A_630 = arith.index_cast %scan3A_226 : i32 to index
      %get3A_631 = arith.constant 640 : index
      %get3A_632 = tpu.vector_load %arg12[%get3A_630, %get3A_631] {strides = array<i32>} : memref<16x1024xf32, #tpu.memory_space<vmem>>, vector<16xf32>,
      %add3A_633 = arith.addf %get3A_629, %get3A_632 : vector<16xf32>
      %swap3A_634 = arith.index_cast %scan3A_226 : i32 to index
      %swap3A_635 = arith.constant 640 : index
      %swap3A_636 = tpu.vector_load %arg14[%swap3A_634, %swap3A_635] {strides = array<i32>} : memref<16x1024xf32, #tpu.memory_space<vmem>>, vector<16xf32>,
      tpu.vector_store %arg14[%swap3A_634, %swap3A_635], %add3A_633 {strides = array<i32>} : memref<16x1024xf32, #tpu.memory_space<vmem>>, vector<16xf32>,
      %get3A_637 = arith.index_cast %scan3A_226 : i32 to index
      %get3A_638 = arith.constant 656 : index
      %get3A_639 = tpu.vector_load %arg10[%get3A_637, %get3A_638] {strides = array<i32>} : memref<16x1024xf32, #tpu.memory_space<vmem>>, vector<16xf32>,
      %get3A_640 = arith.index_cast %scan3A_226 : i32 to index
      %get3A_641 = arith.constant 656 : index
      %get3A_642 = tpu.vector_load %arg12[%get3A_640, %get3A_641] {strides = array<i32>} : memref<16x1024xf32, #tpu.memory_space<vmem>>, vector<16xf32>,
      %add3A_643 = arith.addf %get3A_639, %get3A_642 : vector<16xf32>
      %swap3A_644 = arith.index_cast %scan3A_226 : i32 to index
      %swap3A_645 = arith.constant 656 : index
      %swap3A_646 = tpu.vector_load %arg14[%swap3A_644, %swap3A_645] {strides = array<i32>} : memref<16x1024xf32, #tpu.memory_space<vmem>>, vector<16xf32>,
      tpu.vector_store %arg14[%swap3A_644, %swap3A_645], %add3A_643 {strides = array<i32>} : memref<16x1024xf32, #tpu.memory_space<vmem>>, vector<16xf32>,
      %get3A_647 = arith.index_cast %scan3A_226 : i32 to index
      %get3A_648 = arith.constant 672 : index
      %get3A_649 = tpu.vector_load %arg10[%get3A_647, %get3A_648] {strides = array<i32>} : memref<16x1024xf32, #tpu.memory_space<vmem>>, vector<16xf32>,
      %get3A_650 = arith.index_cast %scan3A_226 : i32 to index
      %get3A_651 = arith.constant 672 : index
      %get3A_652 = tpu.vector_load %arg12[%get3A_650, %get3A_651] {strides = array<i32>} : memref<16x1024xf32, #tpu.memory_space<vmem>>, vector<16xf32>,
      %add3A_653 = arith.addf %get3A_649, %get3A_652 : vector<16xf32>
      %swap3A_654 = arith.index_cast %scan3A_226 : i32 to index
      %swap3A_655 = arith.constant 672 : index
      %swap3A_656 = tpu.vector_load %arg14[%swap3A_654, %swap3A_655] {strides = array<i32>} : memref<16x1024xf32, #tpu.memory_space<vmem>>, vector<16xf32>,
      tpu.vector_store %arg14[%swap3A_654, %swap3A_655], %add3A_653 {strides = array<i32>} : memref<16x1024xf32, #tpu.memory_space<vmem>>, vector<16xf32>,
      %get3A_657 = arith.index_cast %scan3A_226 : i32 to index
      %get3A_658 = arith.constant 688 : index
      %get3A_659 = tpu.vector_load %arg10[%get3A_657, %get3A_658] {strides = array<i32>} : memref<16x1024xf32, #tpu.memory_space<vmem>>, vector<16xf32>,
      %get3A_660 = arith.index_cast %scan3A_226 : i32 to index
      %get3A_661 = arith.constant 688 : index
      %get3A_662 = tpu.vector_load %arg12[%get3A_660, %get3A_661] {strides = array<i32>} : memref<16x1024xf32, #tpu.memory_space<vmem>>, vector<16xf32>,
      %add3A_663 = arith.addf %get3A_659, %get3A_662 : vector<16xf32>
      %swap3A_664 = arith.index_cast %scan3A_226 : i32 to index
      %swap3A_665 = arith.constant 688 : index
      %swap3A_666 = tpu.vector_load %arg14[%swap3A_664, %swap3A_665] {strides = array<i32>} : memref<16x1024xf32, #tpu.memory_space<vmem>>, vector<16xf32>,
      tpu.vector_store %arg14[%swap3A_664, %swap3A_665], %add3A_663 {strides = array<i32>} : memref<16x1024xf32, #tpu.memory_space<vmem>>, vector<16xf32>,
      %get3A_667 = arith.index_cast %scan3A_226 : i32 to index
      %get3A_668 = arith.constant 704 : index
      %get3A_669 = tpu.vector_load %arg10[%get3A_667, %get3A_668] {strides = array<i32>} : memref<16x1024xf32, #tpu.memory_space<vmem>>, vector<16xf32>,
      %get3A_670 = arith.index_cast %scan3A_226 : i32 to index
      %get3A_671 = arith.constant 704 : index
      %get3A_672 = tpu.vector_load %arg12[%get3A_670, %get3A_671] {strides = array<i32>} : memref<16x1024xf32, #tpu.memory_space<vmem>>, vector<16xf32>,
      %add3A_673 = arith.addf %get3A_669, %get3A_672 : vector<16xf32>
      %swap3A_674 = arith.index_cast %scan3A_226 : i32 to index
      %swap3A_675 = arith.constant 704 : index
      %swap3A_676 = tpu.vector_load %arg14[%swap3A_674, %swap3A_675] {strides = array<i32>} : memref<16x1024xf32, #tpu.memory_space<vmem>>, vector<16xf32>,
      tpu.vector_store %arg14[%swap3A_674, %swap3A_675], %add3A_673 {strides = array<i32>} : memref<16x1024xf32, #tpu.memory_space<vmem>>, vector<16xf32>,
      %get3A_677 = arith.index_cast %scan3A_226 : i32 to index
      %get3A_678 = arith.constant 720 : index
      %get3A_679 = tpu.vector_load %arg10[%get3A_677, %get3A_678] {strides = array<i32>} : memref<16x1024xf32, #tpu.memory_space<vmem>>, vector<16xf32>,
      %get3A_680 = arith.index_cast %scan3A_226 : i32 to index
      %get3A_681 = arith.constant 720 : index
      %get3A_682 = tpu.vector_load %arg12[%get3A_680, %get3A_681] {strides = array<i32>} : memref<16x1024xf32, #tpu.memory_space<vmem>>, vector<16xf32>,
      %add3A_683 = arith.addf %get3A_679, %get3A_682 : vector<16xf32>
      %swap3A_684 = arith.index_cast %scan3A_226 : i32 to index
      %swap3A_685 = arith.constant 720 : index
      %swap3A_686 = tpu.vector_load %arg14[%swap3A_684, %swap3A_685] {strides = array<i32>} : memref<16x1024xf32, #tpu.memory_space<vmem>>, vector<16xf32>,
      tpu.vector_store %arg14[%swap3A_684, %swap3A_685], %add3A_683 {strides = array<i32>} : memref<16x1024xf32, #tpu.memory_space<vmem>>, vector<16xf32>,
      %get3A_687 = arith.index_cast %scan3A_226 : i32 to index
      %get3A_688 = arith.constant 736 : index
      %get3A_689 = tpu.vector_load %arg10[%get3A_687, %get3A_688] {strides = array<i32>} : memref<16x1024xf32, #tpu.memory_space<vmem>>, vector<16xf32>,
      %get3A_690 = arith.index_cast %scan3A_226 : i32 to index
      %get3A_691 = arith.constant 736 : index
      %get3A_692 = tpu.vector_load %arg12[%get3A_690, %get3A_691] {strides = array<i32>} : memref<16x1024xf32, #tpu.memory_space<vmem>>, vector<16xf32>,
      %add3A_693 = arith.addf %get3A_689, %get3A_692 : vector<16xf32>
      %swap3A_694 = arith.index_cast %scan3A_226 : i32 to index
      %swap3A_695 = arith.constant 736 : index
      %swap3A_696 = tpu.vector_load %arg14[%swap3A_694, %swap3A_695] {strides = array<i32>} : memref<16x1024xf32, #tpu.memory_space<vmem>>, vector<16xf32>,
      tpu.vector_store %arg14[%swap3A_694, %swap3A_695], %add3A_693 {strides = array<i32>} : memref<16x1024xf32, #tpu.memory_space<vmem>>, vector<16xf32>,
      %get3A_697 = arith.index_cast %scan3A_226 : i32 to index
      %get3A_698 = arith.constant 752 : index
      %get3A_699 = tpu.vector_load %arg10[%get3A_697, %get3A_698] {strides = array<i32>} : memref<16x1024xf32, #tpu.memory_space<vmem>>, vector<16xf32>,
      %get3A_700 = arith.index_cast %scan3A_226 : i32 to index
      %get3A_701 = arith.constant 752 : index
      %get3A_702 = tpu.vector_load %arg12[%get3A_700, %get3A_701] {strides = array<i32>} : memref<16x1024xf32, #tpu.memory_space<vmem>>, vector<16xf32>,
      %add3A_703 = arith.addf %get3A_699, %get3A_702 : vector<16xf32>
      %swap3A_704 = arith.index_cast %scan3A_226 : i32 to index
      %swap3A_705 = arith.constant 752 : index
      %swap3A_706 = tpu.vector_load %arg14[%swap3A_704, %swap3A_705] {strides = array<i32>} : memref<16x1024xf32, #tpu.memory_space<vmem>>, vector<16xf32>,
      tpu.vector_store %arg14[%swap3A_704, %swap3A_705], %add3A_703 {strides = array<i32>} : memref<16x1024xf32, #tpu.memory_space<vmem>>, vector<16xf32>,
      %get3A_707 = arith.index_cast %scan3A_226 : i32 to index
      %get3A_708 = arith.constant 768 : index
      %get3A_709 = tpu.vector_load %arg10[%get3A_707, %get3A_708] {strides = array<i32>} : memref<16x1024xf32, #tpu.memory_space<vmem>>, vector<16xf32>,
      %get3A_710 = arith.index_cast %scan3A_226 : i32 to index
      %get3A_711 = arith.constant 768 : index
      %get3A_712 = tpu.vector_load %arg12[%get3A_710, %get3A_711] {strides = array<i32>} : memref<16x1024xf32, #tpu.memory_space<vmem>>, vector<16xf32>,
      %add3A_713 = arith.addf %get3A_709, %get3A_712 : vector<16xf32>
      %swap3A_714 = arith.index_cast %scan3A_226 : i32 to index
      %swap3A_715 = arith.constant 768 : index
      %swap3A_716 = tpu.vector_load %arg14[%swap3A_714, %swap3A_715] {strides = array<i32>} : memref<16x1024xf32, #tpu.memory_space<vmem>>, vector<16xf32>,
      tpu.vector_store %arg14[%swap3A_714, %swap3A_715], %add3A_713 {strides = array<i32>} : memref<16x1024xf32, #tpu.memory_space<vmem>>, vector<16xf32>,
      %get3A_717 = arith.index_cast %scan3A_226 : i32 to index
      %get3A_718 = arith.constant 784 : index
      %get3A_719 = tpu.vector_load %arg10[%get3A_717, %get3A_718] {strides = array<i32>} : memref<16x1024xf32, #tpu.memory_space<vmem>>, vector<16xf32>,
      %get3A_720 = arith.index_cast %scan3A_226 : i32 to index
      %get3A_721 = arith.constant 784 : index
      %get3A_722 = tpu.vector_load %arg12[%get3A_720, %get3A_721] {strides = array<i32>} : memref<16x1024xf32, #tpu.memory_space<vmem>>, vector<16xf32>,
      %add3A_723 = arith.addf %get3A_719, %get3A_722 : vector<16xf32>
      %swap3A_724 = arith.index_cast %scan3A_226 : i32 to index
      %swap3A_725 = arith.constant 784 : index
      %swap3A_726 = tpu.vector_load %arg14[%swap3A_724, %swap3A_725] {strides = array<i32>} : memref<16x1024xf32, #tpu.memory_space<vmem>>, vector<16xf32>,
      tpu.vector_store %arg14[%swap3A_724, %swap3A_725], %add3A_723 {strides = array<i32>} : memref<16x1024xf32, #tpu.memory_space<vmem>>, vector<16xf32>,
      %get3A_727 = arith.index_cast %scan3A_226 : i32 to index
      %get3A_728 = arith.constant 800 : index
      %get3A_729 = tpu.vector_load %arg10[%get3A_727, %get3A_728] {strides = array<i32>} : memref<16x1024xf32, #tpu.memory_space<vmem>>, vector<16xf32>,
      %get3A_730 = arith.index_cast %scan3A_226 : i32 to index
      %get3A_731 = arith.constant 800 : index
      %get3A_732 = tpu.vector_load %arg12[%get3A_730, %get3A_731] {strides = array<i32>} : memref<16x1024xf32, #tpu.memory_space<vmem>>, vector<16xf32>,
      %add3A_733 = arith.addf %get3A_729, %get3A_732 : vector<16xf32>
      %swap3A_734 = arith.index_cast %scan3A_226 : i32 to index
      %swap3A_735 = arith.constant 800 : index
      %swap3A_736 = tpu.vector_load %arg14[%swap3A_734, %swap3A_735] {strides = array<i32>} : memref<16x1024xf32, #tpu.memory_space<vmem>>, vector<16xf32>,
      tpu.vector_store %arg14[%swap3A_734, %swap3A_735], %add3A_733 {strides = array<i32>} : memref<16x1024xf32, #tpu.memory_space<vmem>>, vector<16xf32>,
      %get3A_737 = arith.index_cast %scan3A_226 : i32 to index
      %get3A_738 = arith.constant 816 : index
      %get3A_739 = tpu.vector_load %arg10[%get3A_737, %get3A_738] {strides = array<i32>} : memref<16x1024xf32, #tpu.memory_space<vmem>>, vector<16xf32>,
      %get3A_740 = arith.index_cast %scan3A_226 : i32 to index
      %get3A_741 = arith.constant 816 : index
      %get3A_742 = tpu.vector_load %arg12[%get3A_740, %get3A_741] {strides = array<i32>} : memref<16x1024xf32, #tpu.memory_space<vmem>>, vector<16xf32>,
      %add3A_743 = arith.addf %get3A_739, %get3A_742 : vector<16xf32>
      %swap3A_744 = arith.index_cast %scan3A_226 : i32 to index
      %swap3A_745 = arith.constant 816 : index
      %swap3A_746 = tpu.vector_load %arg14[%swap3A_744, %swap3A_745] {strides = array<i32>} : memref<16x1024xf32, #tpu.memory_space<vmem>>, vector<16xf32>,
      tpu.vector_store %arg14[%swap3A_744, %swap3A_745], %add3A_743 {strides = array<i32>} : memref<16x1024xf32, #tpu.memory_space<vmem>>, vector<16xf32>,
      %get3A_747 = arith.index_cast %scan3A_226 : i32 to index
      %get3A_748 = arith.constant 832 : index
      %get3A_749 = tpu.vector_load %arg10[%get3A_747, %get3A_748] {strides = array<i32>} : memref<16x1024xf32, #tpu.memory_space<vmem>>, vector<16xf32>,
      %get3A_750 = arith.index_cast %scan3A_226 : i32 to index
      %get3A_751 = arith.constant 832 : index
      %get3A_752 = tpu.vector_load %arg12[%get3A_750, %get3A_751] {strides = array<i32>} : memref<16x1024xf32, #tpu.memory_space<vmem>>, vector<16xf32>,
      %add3A_753 = arith.addf %get3A_749, %get3A_752 : vector<16xf32>
      %swap3A_754 = arith.index_cast %scan3A_226 : i32 to index
      %swap3A_755 = arith.constant 832 : index
      %swap3A_756 = tpu.vector_load %arg14[%swap3A_754, %swap3A_755] {strides = array<i32>} : memref<16x1024xf32, #tpu.memory_space<vmem>>, vector<16xf32>,
      tpu.vector_store %arg14[%swap3A_754, %swap3A_755], %add3A_753 {strides = array<i32>} : memref<16x1024xf32, #tpu.memory_space<vmem>>, vector<16xf32>,
      %get3A_757 = arith.index_cast %scan3A_226 : i32 to index
      %get3A_758 = arith.constant 848 : index
      %get3A_759 = tpu.vector_load %arg10[%get3A_757, %get3A_758] {strides = array<i32>} : memref<16x1024xf32, #tpu.memory_space<vmem>>, vector<16xf32>,
      %get3A_760 = arith.index_cast %scan3A_226 : i32 to index
      %get3A_761 = arith.constant 848 : index
      %get3A_762 = tpu.vector_load %arg12[%get3A_760, %get3A_761] {strides = array<i32>} : memref<16x1024xf32, #tpu.memory_space<vmem>>, vector<16xf32>,
      %add3A_763 = arith.addf %get3A_759, %get3A_762 : vector<16xf32>
      %swap3A_764 = arith.index_cast %scan3A_226 : i32 to index
      %swap3A_765 = arith.constant 848 : index
      %swap3A_766 = tpu.vector_load %arg14[%swap3A_764, %swap3A_765] {strides = array<i32>} : memref<16x1024xf32, #tpu.memory_space<vmem>>, vector<16xf32>,
      tpu.vector_store %arg14[%swap3A_764, %swap3A_765], %add3A_763 {strides = array<i32>} : memref<16x1024xf32, #tpu.memory_space<vmem>>, vector<16xf32>,
      %get3A_767 = arith.index_cast %scan3A_226 : i32 to index
      %get3A_768 = arith.constant 864 : index
      %get3A_769 = tpu.vector_load %arg10[%get3A_767, %get3A_768] {strides = array<i32>} : memref<16x1024xf32, #tpu.memory_space<vmem>>, vector<16xf32>,
      %get3A_770 = arith.index_cast %scan3A_226 : i32 to index
      %get3A_771 = arith.constant 864 : index
      %get3A_772 = tpu.vector_load %arg12[%get3A_770, %get3A_771] {strides = array<i32>} : memref<16x1024xf32, #tpu.memory_space<vmem>>, vector<16xf32>,
      %add3A_773 = arith.addf %get3A_769, %get3A_772 : vector<16xf32>
      %swap3A_774 = arith.index_cast %scan3A_226 : i32 to index
      %swap3A_775 = arith.constant 864 : index
      %swap3A_776 = tpu.vector_load %arg14[%swap3A_774, %swap3A_775] {strides = array<i32>} : memref<16x1024xf32, #tpu.memory_space<vmem>>, vector<16xf32>,
      tpu.vector_store %arg14[%swap3A_774, %swap3A_775], %add3A_773 {strides = array<i32>} : memref<16x1024xf32, #tpu.memory_space<vmem>>, vector<16xf32>,
      %get3A_777 = arith.index_cast %scan3A_226 : i32 to index
      %get3A_778 = arith.constant 880 : index
      %get3A_779 = tpu.vector_load %arg10[%get3A_777, %get3A_778] {strides = array<i32>} : memref<16x1024xf32, #tpu.memory_space<vmem>>, vector<16xf32>,
      %get3A_780 = arith.index_cast %scan3A_226 : i32 to index
      %get3A_781 = arith.constant 880 : index
      %get3A_782 = tpu.vector_load %arg12[%get3A_780, %get3A_781] {strides = array<i32>} : memref<16x1024xf32, #tpu.memory_space<vmem>>, vector<16xf32>,
      %add3A_783 = arith.addf %get3A_779, %get3A_782 : vector<16xf32>
      %swap3A_784 = arith.index_cast %scan3A_226 : i32 to index
      %swap3A_785 = arith.constant 880 : index
      %swap3A_786 = tpu.vector_load %arg14[%swap3A_784, %swap3A_785] {strides = array<i32>} : memref<16x1024xf32, #tpu.memory_space<vmem>>, vector<16xf32>,
      tpu.vector_store %arg14[%swap3A_784, %swap3A_785], %add3A_783 {strides = array<i32>} : memref<16x1024xf32, #tpu.memory_space<vmem>>, vector<16xf32>,
      %get3A_787 = arith.index_cast %scan3A_226 : i32 to index
      %get3A_788 = arith.constant 896 : index
      %get3A_789 = tpu.vector_load %arg10[%get3A_787, %get3A_788] {strides = array<i32>} : memref<16x1024xf32, #tpu.memory_space<vmem>>, vector<16xf32>,
      %get3A_790 = arith.index_cast %scan3A_226 : i32 to index
      %get3A_791 = arith.constant 896 : index
      %get3A_792 = tpu.vector_load %arg12[%get3A_790, %get3A_791] {strides = array<i32>} : memref<16x1024xf32, #tpu.memory_space<vmem>>, vector<16xf32>,
      %add3A_793 = arith.addf %get3A_789, %get3A_792 : vector<16xf32>
      %swap3A_794 = arith.index_cast %scan3A_226 : i32 to index
      %swap3A_795 = arith.constant 896 : index
      %swap3A_796 = tpu.vector_load %arg14[%swap3A_794, %swap3A_795] {strides = array<i32>} : memref<16x1024xf32, #tpu.memory_space<vmem>>, vector<16xf32>,
      tpu.vector_store %arg14[%swap3A_794, %swap3A_795], %add3A_793 {strides = array<i32>} : memref<16x1024xf32, #tpu.memory_space<vmem>>, vector<16xf32>,
      %get3A_797 = arith.index_cast %scan3A_226 : i32 to index
      %get3A_798 = arith.constant 912 : index
      %get3A_799 = tpu.vector_load %arg10[%get3A_797, %get3A_798] {strides = array<i32>} : memref<16x1024xf32, #tpu.memory_space<vmem>>, vector<16xf32>,
      %get3A_800 = arith.index_cast %scan3A_226 : i32 to index
      %get3A_801 = arith.constant 912 : index
      %get3A_802 = tpu.vector_load %arg12[%get3A_800, %get3A_801] {strides = array<i32>} : memref<16x1024xf32, #tpu.memory_space<vmem>>, vector<16xf32>,
      %add3A_803 = arith.addf %get3A_799, %get3A_802 : vector<16xf32>
      %swap3A_804 = arith.index_cast %scan3A_226 : i32 to index
      %swap3A_805 = arith.constant 912 : index
      %swap3A_806 = tpu.vector_load %arg14[%swap3A_804, %swap3A_805] {strides = array<i32>} : memref<16x1024xf32, #tpu.memory_space<vmem>>, vector<16xf32>,
      tpu.vector_store %arg14[%swap3A_804, %swap3A_805], %add3A_803 {strides = array<i32>} : memref<16x1024xf32, #tpu.memory_space<vmem>>, vector<16xf32>,
      %get3A_807 = arith.index_cast %scan3A_226 : i32 to index
      %get3A_808 = arith.constant 928 : index
      %get3A_809 = tpu.vector_load %arg10[%get3A_807, %get3A_808] {strides = array<i32>} : memref<16x1024xf32, #tpu.memory_space<vmem>>, vector<16xf32>,
      %get3A_810 = arith.index_cast %scan3A_226 : i32 to index
      %get3A_811 = arith.constant 928 : index
      %get3A_812 = tpu.vector_load %arg12[%get3A_810, %get3A_811] {strides = array<i32>} : memref<16x1024xf32, #tpu.memory_space<vmem>>, vector<16xf32>,
      %add3A_813 = arith.addf %get3A_809, %get3A_812 : vector<16xf32>
      %swap3A_814 = arith.index_cast %scan3A_226 : i32 to index
      %swap3A_815 = arith.constant 928 : index
      %swap3A_816 = tpu.vector_load %arg14[%swap3A_814, %swap3A_815] {strides = array<i32>} : memref<16x1024xf32, #tpu.memory_space<vmem>>, vector<16xf32>,
      tpu.vector_store %arg14[%swap3A_814, %swap3A_815], %add3A_813 {strides = array<i32>} : memref<16x1024xf32, #tpu.memory_space<vmem>>, vector<16xf32>,
      %get3A_817 = arith.index_cast %scan3A_226 : i32 to index
      %get3A_818 = arith.constant 944 : index
      %get3A_819 = tpu.vector_load %arg10[%get3A_817, %get3A_818] {strides = array<i32>} : memref<16x1024xf32, #tpu.memory_space<vmem>>, vector<16xf32>,
      %get3A_820 = arith.index_cast %scan3A_226 : i32 to index
      %get3A_821 = arith.constant 944 : index
      %get3A_822 = tpu.vector_load %arg12[%get3A_820, %get3A_821] {strides = array<i32>} : memref<16x1024xf32, #tpu.memory_space<vmem>>, vector<16xf32>,
      %add3A_823 = arith.addf %get3A_819, %get3A_822 : vector<16xf32>
      %swap3A_824 = arith.index_cast %scan3A_226 : i32 to index
      %swap3A_825 = arith.constant 944 : index
      %swap3A_826 = tpu.vector_load %arg14[%swap3A_824, %swap3A_825] {strides = array<i32>} : memref<16x1024xf32, #tpu.memory_space<vmem>>, vector<16xf32>,
      tpu.vector_store %arg14[%swap3A_824, %swap3A_825], %add3A_823 {strides = array<i32>} : memref<16x1024xf32, #tpu.memory_space<vmem>>, vector<16xf32>,
      %get3A_827 = arith.index_cast %scan3A_226 : i32 to index
      %get3A_828 = arith.constant 960 : index
      %get3A_829 = tpu.vector_load %arg10[%get3A_827, %get3A_828] {strides = array<i32>} : memref<16x1024xf32, #tpu.memory_space<vmem>>, vector<16xf32>,
      %get3A_830 = arith.index_cast %scan3A_226 : i32 to index
      %get3A_831 = arith.constant 960 : index
      %get3A_832 = tpu.vector_load %arg12[%get3A_830, %get3A_831] {strides = array<i32>} : memref<16x1024xf32, #tpu.memory_space<vmem>>, vector<16xf32>,
      %add3A_833 = arith.addf %get3A_829, %get3A_832 : vector<16xf32>
      %swap3A_834 = arith.index_cast %scan3A_226 : i32 to index
      %swap3A_835 = arith.constant 960 : index
      %swap3A_836 = tpu.vector_load %arg14[%swap3A_834, %swap3A_835] {strides = array<i32>} : memref<16x1024xf32, #tpu.memory_space<vmem>>, vector<16xf32>,
      tpu.vector_store %arg14[%swap3A_834, %swap3A_835], %add3A_833 {strides = array<i32>} : memref<16x1024xf32, #tpu.memory_space<vmem>>, vector<16xf32>,
      %get3A_837 = arith.index_cast %scan3A_226 : i32 to index
      %get3A_838 = arith.constant 976 : index
      %get3A_839 = tpu.vector_load %arg10[%get3A_837, %get3A_838] {strides = array<i32>} : memref<16x1024xf32, #tpu.memory_space<vmem>>, vector<16xf32>,
      %get3A_840 = arith.index_cast %scan3A_226 : i32 to index
      %get3A_841 = arith.constant 976 : index
      %get3A_842 = tpu.vector_load %arg12[%get3A_840, %get3A_841] {strides = array<i32>} : memref<16x1024xf32, #tpu.memory_space<vmem>>, vector<16xf32>,
      %add3A_843 = arith.addf %get3A_839, %get3A_842 : vector<16xf32>
      %swap3A_844 = arith.index_cast %scan3A_226 : i32 to index
      %swap3A_845 = arith.constant 976 : index
      %swap3A_846 = tpu.vector_load %arg14[%swap3A_844, %swap3A_845] {strides = array<i32>} : memref<16x1024xf32, #tpu.memory_space<vmem>>, vector<16xf32>,
      tpu.vector_store %arg14[%swap3A_844, %swap3A_845], %add3A_843 {strides = array<i32>} : memref<16x1024xf32, #tpu.memory_space<vmem>>, vector<16xf32>,
      %get3A_847 = arith.index_cast %scan3A_226 : i32 to index
      %get3A_848 = arith.constant 992 : index
      %get3A_849 = tpu.vector_load %arg10[%get3A_847, %get3A_848] {strides = array<i32>} : memref<16x1024xf32, #tpu.memory_space<vmem>>, vector<16xf32>,
      %get3A_850 = arith.index_cast %scan3A_226 : i32 to index
      %get3A_851 = arith.constant 992 : index
      %get3A_852 = tpu.vector_load %arg12[%get3A_850, %get3A_851] {strides = array<i32>} : memref<16x1024xf32, #tpu.memory_space<vmem>>, vector<16xf32>,
      %add3A_853 = arith.addf %get3A_849, %get3A_852 : vector<16xf32>
      %swap3A_854 = arith.index_cast %scan3A_226 : i32 to index
      %swap3A_855 = arith.constant 992 : index
      %swap3A_856 = tpu.vector_load %arg14[%swap3A_854, %swap3A_855] {strides = array<i32>} : memref<16x1024xf32, #tpu.memory_space<vmem>>, vector<16xf32>,
      tpu.vector_store %arg14[%swap3A_854, %swap3A_855], %add3A_853 {strides = array<i32>} : memref<16x1024xf32, #tpu.memory_space<vmem>>, vector<16xf32>,
      %get3A_857 = arith.index_cast %scan3A_226 : i32 to index
      %get3A_858 = arith.constant 1008 : index
      %get3A_859 = tpu.vector_load %arg10[%get3A_857, %get3A_858] {strides = array<i32>} : memref<16x1024xf32, #tpu.memory_space<vmem>>, vector<16xf32>,
      %get3A_860 = arith.index_cast %scan3A_226 : i32 to index
      %get3A_861 = arith.constant 1008 : index
      %get3A_862 = tpu.vector_load %arg12[%get3A_860, %get3A_861] {strides = array<i32>} : memref<16x1024xf32, #tpu.memory_space<vmem>>, vector<16xf32>,
      %add3A_863 = arith.addf %get3A_859, %get3A_862 : vector<16xf32>
      %swap3A_864 = arith.index_cast %scan3A_226 : i32 to index
      %swap3A_865 = arith.constant 1008 : index
      %swap3A_866 = tpu.vector_load %arg14[%swap3A_864, %swap3A_865] {strides = array<i32>} : memref<16x1024xf32, #tpu.memory_space<vmem>>, vector<16xf32>,
      tpu.vector_store %arg14[%swap3A_864, %swap3A_865], %add3A_863 {strides = array<i32>} : memref<16x1024xf32, #tpu.memory_space<vmem>>, vector<16xf32>,
    }
    %scan3A_153 = arith.constant 16 : i32
    %add3A_154 = arith.constant 16 : i32
    %add3A_155 = arith.addi %mul3A_2, %add3A_154 : i32
    %dma_start3A_156 = arith.constant 0 : i32
    %dma_start3A_157 = tpu.memref_slice %arg4[%add3A_155, %dma_start3A_156] : memref<2048x1024xf32, #tpu.memory_space<hbm>> -> memref<16x1024xf32, #tpu.memory_space<hbm>>
    %dma_start3A_158 = arith.constant 0 : i32
    %dma_start3A_159 = tpu.memref_slice %arg4[%add3A_155, %dma_start3A_158] : memref<2048x1024xf32, #tpu.memory_space<hbm>> -> memref<16x1024xf32, #tpu.memory_space<hbm>>
    tpu.enqueue_dma source(%arg14 : memref<16x1024xf32, #tpu.memory_space<vmem>>) target(%dma_start3A_159 : memref<16x1024xf32, #tpu.memory_space<hbm>>) target_semaphore(%arg20 : memref<!tpu.dma_semaphore, #tpu.memory_space<semaphore_mem>>)
    %dma_wait3A_160 = arith.constant 0 : i32
    %dma_wait3A_161 = tpu.memref_slice %arg4[%add3A_155, %dma_wait3A_160] : memref<2048x1024xf32, #tpu.memory_space<hbm>> -> memref<16x1024xf32, #tpu.memory_space<hbm>>
    %dma_wait3A_162 = arith.constant 0 : i32
    %dma_wait3A_163 = tpu.memref_slice %arg4[%add3A_155, %dma_wait3A_162] : memref<2048x1024xf32, #tpu.memory_space<hbm>> -> memref<16x1024xf32, #tpu.memory_space<hbm>>
    tpu.wait_dma2 semaphore(%arg20 : memref<!tpu.dma_semaphore, #tpu.memory_space<semaphore_mem>>) src(%arg14 : memref<16x1024xf32, #tpu.memory_space<vmem>>) dst(%dma_wait3A_163 : memref<16x1024xf32, #tpu.memory_space<hbm>>)
    %dma_start3A_164 = arith.constant 48 : i32
    %dma_start3A_165 = tpu.memref_slice %arg7[%dma_start3A_164] : memref<64xi32, #tpu.memory_space<vmem>> -> memref<16xi32, #tpu.memory_space<vmem>>
    %dma_start3A_166 = arith.constant 0 : i32
    %dma_start3A_167 = arith.constant 0 : i32
    %dma_start3A_168 = tpu.memref_slice %arg2[%dma_start3A_166, %dma_start3A_167] : memref<4608x1024xf32, #tpu.memory_space<hbm>> -> memref<4608x1024xf32, #tpu.memory_space<hbm>>
    tpu.enqueue_indirect_dma source(%dma_start3A_168 : memref<4608x1024xf32, #tpu.memory_space<hbm>>) target(%arg10 : memref<16x1024xf32, #tpu.memory_space<vmem>>) offsets(%dma_start3A_165 : memref<16xi32, #tpu.memory_space<vmem>>) semaphore(%arg16 : memref<!tpu.dma_semaphore, #tpu.memory_space<semaphore_mem>>)
    %dma_start3A_169 = arith.constant 48 : i32
    %dma_start3A_170 = tpu.memref_slice %arg8[%dma_start3A_169] : memref<64xi32, #tpu.memory_space<vmem>> -> memref<16xi32, #tpu.memory_space<vmem>>
    %dma_start3A_171 = arith.constant 0 : i32
    %dma_start3A_172 = arith.constant 0 : i32
    %dma_start3A_173 = tpu.memref_slice %arg2[%dma_start3A_171, %dma_start3A_172] : memref<4608x1024xf32, #tpu.memory_space<hbm>> -> memref<4608x1024xf32, #tpu.memory_space<hbm>>
    tpu.enqueue_indirect_dma source(%dma_start3A_173 : memref<4608x1024xf32, #tpu.memory_space<hbm>>) target(%arg12 : memref<16x1024xf32, #tpu.memory_space<vmem>>) offsets(%dma_start3A_170 : memref<16xi32, #tpu.memory_space<vmem>>) semaphore(%arg18 : memref<!tpu.dma_semaphore, #tpu.memory_space<semaphore_mem>>)
    %dma_wait3A_174 = arith.constant 32 : i32
    %dma_wait3A_175 = tpu.memref_slice %arg7[%dma_wait3A_174] : memref<64xi32, #tpu.memory_space<vmem>> -> memref<16xi32, #tpu.memory_space<vmem>>
    %dma_wait3A_176 = arith.constant 0 : i32
    %dma_wait3A_177 = arith.constant 0 : i32
    %dma_wait3A_178 = tpu.memref_slice %arg2[%dma_wait3A_176, %dma_wait3A_177] : memref<4608x1024xf32, #tpu.memory_space<hbm>> -> memref<4608x1024xf32, #tpu.memory_space<hbm>>
    tpu.wait_indirect_dma semaphore(%arg15 : memref<!tpu.dma_semaphore, #tpu.memory_space<semaphore_mem>>) src(%dma_wait3A_178 : memref<4608x1024xf32, #tpu.memory_space<hbm>>) dst(%arg9 : memref<16x1024xf32, #tpu.memory_space<vmem>>)
    %dma_wait3A_179 = arith.constant 32 : i32
    %dma_wait3A_180 = tpu.memref_slice %arg8[%dma_wait3A_179] : memref<64xi32, #tpu.memory_space<vmem>> -> memref<16xi32, #tpu.memory_space<vmem>>
    %dma_wait3A_181 = arith.constant 0 : i32
    %dma_wait3A_182 = arith.constant 0 : i32
    %dma_wait3A_183 = tpu.memref_slice %arg2[%dma_wait3A_181, %dma_wait3A_182] : memref<4608x1024xf32, #tpu.memory_space<hbm>> -> memref<4608x1024xf32, #tpu.memory_space<hbm>>
    tpu.wait_indirect_dma semaphore(%arg17 : memref<!tpu.dma_semaphore, #tpu.memory_space<semaphore_mem>>) src(%dma_wait3A_183 : memref<4608x1024xf32, #tpu.memory_space<hbm>>) dst(%arg11 : memref<16x1024xf32, #tpu.memory_space<vmem>>)
    %scan3A_184 = arith.constant 0 : i32
    %scan3A_185 = arith.constant 0 : i32
    %scan3A_186 = arith.constant 16 : i32
    %scan3A_187 = arith.addi %scan3A_185, %scan3A_186 : i32
    %scan3A_188 = arith.constant 1 : i32
    scf.for %scan3A_226 = %scan3A_185 to %scan3A_187 step %scan3A_188  : i32 {
      %get3A_227 = arith.index_cast %scan3A_226 : i32 to index
      %get3A_228 = arith.constant 0 : index
      %get3A_229 = tpu.vector_load %arg9[%get3A_227, %get3A_228] {strides = array<i32>} : memref<16x1024xf32, #tpu.memory_space<vmem>>, vector<16xf32>,
      %get3A_230 = arith.index_cast %scan3A_226 : i32 to index
      %get3A_231 = arith.constant 0 : index
      %get3A_232 = tpu.vector_load %arg11[%get3A_230, %get3A_231] {strides = array<i32>} : memref<16x1024xf32, #tpu.memory_space<vmem>>, vector<16xf32>,
      %add3A_233 = arith.addf %get3A_229, %get3A_232 : vector<16xf32>
      %swap3A_234 = arith.index_cast %scan3A_226 : i32 to index
      %swap3A_235 = arith.constant 0 : index
      %swap3A_236 = tpu.vector_load %arg13[%swap3A_234, %swap3A_235] {strides = array<i32>} : memref<16x1024xf32, #tpu.memory_space<vmem>>, vector<16xf32>,
      tpu.vector_store %arg13[%swap3A_234, %swap3A_235], %add3A_233 {strides = array<i32>} : memref<16x1024xf32, #tpu.memory_space<vmem>>, vector<16xf32>,
      %get3A_237 = arith.index_cast %scan3A_226 : i32 to index
      %get3A_238 = arith.constant 16 : index
      %get3A_239 = tpu.vector_load %arg9[%get3A_237, %get3A_238] {strides = array<i32>} : memref<16x1024xf32, #tpu.memory_space<vmem>>, vector<16xf32>,
      %get3A_240 = arith.index_cast %scan3A_226 : i32 to index
      %get3A_241 = arith.constant 16 : index
      %get3A_242 = tpu.vector_load %arg11[%get3A_240, %get3A_241] {strides = array<i32>} : memref<16x1024xf32, #tpu.memory_space<vmem>>, vector<16xf32>,
      %add3A_243 = arith.addf %get3A_239, %get3A_242 : vector<16xf32>
      %swap3A_244 = arith.index_cast %scan3A_226 : i32 to index
      %swap3A_245 = arith.constant 16 : index
      %swap3A_246 = tpu.vector_load %arg13[%swap3A_244, %swap3A_245] {strides = array<i32>} : memref<16x1024xf32, #tpu.memory_space<vmem>>, vector<16xf32>,
      tpu.vector_store %arg13[%swap3A_244, %swap3A_245], %add3A_243 {strides = array<i32>} : memref<16x1024xf32, #tpu.memory_space<vmem>>, vector<16xf32>,
      %get3A_247 = arith.index_cast %scan3A_226 : i32 to index
      %get3A_248 = arith.constant 32 : index
      %get3A_249 = tpu.vector_load %arg9[%get3A_247, %get3A_248] {strides = array<i32>} : memref<16x1024xf32, #tpu.memory_space<vmem>>, vector<16xf32>,
      %get3A_250 = arith.index_cast %scan3A_226 : i32 to index
      %get3A_251 = arith.constant 32 : index
      %get3A_252 = tpu.vector_load %arg11[%get3A_250, %get3A_251] {strides = array<i32>} : memref<16x1024xf32, #tpu.memory_space<vmem>>, vector<16xf32>,
      %add3A_253 = arith.addf %get3A_249, %get3A_252 : vector<16xf32>
      %swap3A_254 = arith.index_cast %scan3A_226 : i32 to index
      %swap3A_255 = arith.constant 32 : index
      %swap3A_256 = tpu.vector_load %arg13[%swap3A_254, %swap3A_255] {strides = array<i32>} : memref<16x1024xf32, #tpu.memory_space<vmem>>, vector<16xf32>,
      tpu.vector_store %arg13[%swap3A_254, %swap3A_255], %add3A_253 {strides = array<i32>} : memref<16x1024xf32, #tpu.memory_space<vmem>>, vector<16xf32>,
      %get3A_257 = arith.index_cast %scan3A_226 : i32 to index
      %get3A_258 = arith.constant 48 : index
      %get3A_259 = tpu.vector_load %arg9[%get3A_257, %get3A_258] {strides = array<i32>} : memref<16x1024xf32, #tpu.memory_space<vmem>>, vector<16xf32>,
      %get3A_260 = arith.index_cast %scan3A_226 : i32 to index
      %get3A_261 = arith.constant 48 : index
      %get3A_262 = tpu.vector_load %arg11[%get3A_260, %get3A_261] {strides = array<i32>} : memref<16x1024xf32, #tpu.memory_space<vmem>>, vector<16xf32>,
      %add3A_263 = arith.addf %get3A_259, %get3A_262 : vector<16xf32>
      %swap3A_264 = arith.index_cast %scan3A_226 : i32 to index
      %swap3A_265 = arith.constant 48 : index
      %swap3A_266 = tpu.vector_load %arg13[%swap3A_264, %swap3A_265] {strides = array<i32>} : memref<16x1024xf32, #tpu.memory_space<vmem>>, vector<16xf32>,
      tpu.vector_store %arg13[%swap3A_264, %swap3A_265], %add3A_263 {strides = array<i32>} : memref<16x1024xf32, #tpu.memory_space<vmem>>, vector<16xf32>,
      %get3A_267 = arith.index_cast %scan3A_226 : i32 to index
      %get3A_268 = arith.constant 64 : index
      %get3A_269 = tpu.vector_load %arg9[%get3A_267, %get3A_268] {strides = array<i32>} : memref<16x1024xf32, #tpu.memory_space<vmem>>, vector<16xf32>,
      %get3A_270 = arith.index_cast %scan3A_226 : i32 to index
      %get3A_271 = arith.constant 64 : index
      %get3A_272 = tpu.vector_load %arg11[%get3A_270, %get3A_271] {strides = array<i32>} : memref<16x1024xf32, #tpu.memory_space<vmem>>, vector<16xf32>,
      %add3A_273 = arith.addf %get3A_269, %get3A_272 : vector<16xf32>
      %swap3A_274 = arith.index_cast %scan3A_226 : i32 to index
      %swap3A_275 = arith.constant 64 : index
      %swap3A_276 = tpu.vector_load %arg13[%swap3A_274, %swap3A_275] {strides = array<i32>} : memref<16x1024xf32, #tpu.memory_space<vmem>>, vector<16xf32>,
      tpu.vector_store %arg13[%swap3A_274, %swap3A_275], %add3A_273 {strides = array<i32>} : memref<16x1024xf32, #tpu.memory_space<vmem>>, vector<16xf32>,
      %get3A_277 = arith.index_cast %scan3A_226 : i32 to index
      %get3A_278 = arith.constant 80 : index
      %get3A_279 = tpu.vector_load %arg9[%get3A_277, %get3A_278] {strides = array<i32>} : memref<16x1024xf32, #tpu.memory_space<vmem>>, vector<16xf32>,
      %get3A_280 = arith.index_cast %scan3A_226 : i32 to index
      %get3A_281 = arith.constant 80 : index
      %get3A_282 = tpu.vector_load %arg11[%get3A_280, %get3A_281] {strides = array<i32>} : memref<16x1024xf32, #tpu.memory_space<vmem>>, vector<16xf32>,
      %add3A_283 = arith.addf %get3A_279, %get3A_282 : vector<16xf32>
      %swap3A_284 = arith.index_cast %scan3A_226 : i32 to index
      %swap3A_285 = arith.constant 80 : index
      %swap3A_286 = tpu.vector_load %arg13[%swap3A_284, %swap3A_285] {strides = array<i32>} : memref<16x1024xf32, #tpu.memory_space<vmem>>, vector<16xf32>,
      tpu.vector_store %arg13[%swap3A_284, %swap3A_285], %add3A_283 {strides = array<i32>} : memref<16x1024xf32, #tpu.memory_space<vmem>>, vector<16xf32>,
      %get3A_287 = arith.index_cast %scan3A_226 : i32 to index
      %get3A_288 = arith.constant 96 : index
      %get3A_289 = tpu.vector_load %arg9[%get3A_287, %get3A_288] {strides = array<i32>} : memref<16x1024xf32, #tpu.memory_space<vmem>>, vector<16xf32>,
      %get3A_290 = arith.index_cast %scan3A_226 : i32 to index
      %get3A_291 = arith.constant 96 : index
      %get3A_292 = tpu.vector_load %arg11[%get3A_290, %get3A_291] {strides = array<i32>} : memref<16x1024xf32, #tpu.memory_space<vmem>>, vector<16xf32>,
      %add3A_293 = arith.addf %get3A_289, %get3A_292 : vector<16xf32>
      %swap3A_294 = arith.index_cast %scan3A_226 : i32 to index
      %swap3A_295 = arith.constant 96 : index
      %swap3A_296 = tpu.vector_load %arg13[%swap3A_294, %swap3A_295] {strides = array<i32>} : memref<16x1024xf32, #tpu.memory_space<vmem>>, vector<16xf32>,
      tpu.vector_store %arg13[%swap3A_294, %swap3A_295], %add3A_293 {strides = array<i32>} : memref<16x1024xf32, #tpu.memory_space<vmem>>, vector<16xf32>,
      %get3A_297 = arith.index_cast %scan3A_226 : i32 to index
      %get3A_298 = arith.constant 112 : index
      %get3A_299 = tpu.vector_load %arg9[%get3A_297, %get3A_298] {strides = array<i32>} : memref<16x1024xf32, #tpu.memory_space<vmem>>, vector<16xf32>,
      %get3A_300 = arith.index_cast %scan3A_226 : i32 to index
      %get3A_301 = arith.constant 112 : index
      %get3A_302 = tpu.vector_load %arg11[%get3A_300, %get3A_301] {strides = array<i32>} : memref<16x1024xf32, #tpu.memory_space<vmem>>, vector<16xf32>,
      %add3A_303 = arith.addf %get3A_299, %get3A_302 : vector<16xf32>
      %swap3A_304 = arith.index_cast %scan3A_226 : i32 to index
      %swap3A_305 = arith.constant 112 : index
      %swap3A_306 = tpu.vector_load %arg13[%swap3A_304, %swap3A_305] {strides = array<i32>} : memref<16x1024xf32, #tpu.memory_space<vmem>>, vector<16xf32>,
      tpu.vector_store %arg13[%swap3A_304, %swap3A_305], %add3A_303 {strides = array<i32>} : memref<16x1024xf32, #tpu.memory_space<vmem>>, vector<16xf32>,
      %get3A_307 = arith.index_cast %scan3A_226 : i32 to index
      %get3A_308 = arith.constant 128 : index
      %get3A_309 = tpu.vector_load %arg9[%get3A_307, %get3A_308] {strides = array<i32>} : memref<16x1024xf32, #tpu.memory_space<vmem>>, vector<16xf32>,
      %get3A_310 = arith.index_cast %scan3A_226 : i32 to index
      %get3A_311 = arith.constant 128 : index
      %get3A_312 = tpu.vector_load %arg11[%get3A_310, %get3A_311] {strides = array<i32>} : memref<16x1024xf32, #tpu.memory_space<vmem>>, vector<16xf32>,
      %add3A_313 = arith.addf %get3A_309, %get3A_312 : vector<16xf32>
      %swap3A_314 = arith.index_cast %scan3A_226 : i32 to index
      %swap3A_315 = arith.constant 128 : index
      %swap3A_316 = tpu.vector_load %arg13[%swap3A_314, %swap3A_315] {strides = array<i32>} : memref<16x1024xf32, #tpu.memory_space<vmem>>, vector<16xf32>,
      tpu.vector_store %arg13[%swap3A_314, %swap3A_315], %add3A_313 {strides = array<i32>} : memref<16x1024xf32, #tpu.memory_space<vmem>>, vector<16xf32>,
      %get3A_317 = arith.index_cast %scan3A_226 : i32 to index
      %get3A_318 = arith.constant 144 : index
      %get3A_319 = tpu.vector_load %arg9[%get3A_317, %get3A_318] {strides = array<i32>} : memref<16x1024xf32, #tpu.memory_space<vmem>>, vector<16xf32>,
      %get3A_320 = arith.index_cast %scan3A_226 : i32 to index
      %get3A_321 = arith.constant 144 : index
      %get3A_322 = tpu.vector_load %arg11[%get3A_320, %get3A_321] {strides = array<i32>} : memref<16x1024xf32, #tpu.memory_space<vmem>>, vector<16xf32>,
      %add3A_323 = arith.addf %get3A_319, %get3A_322 : vector<16xf32>
      %swap3A_324 = arith.index_cast %scan3A_226 : i32 to index
      %swap3A_325 = arith.constant 144 : index
      %swap3A_326 = tpu.vector_load %arg13[%swap3A_324, %swap3A_325] {strides = array<i32>} : memref<16x1024xf32, #tpu.memory_space<vmem>>, vector<16xf32>,
      tpu.vector_store %arg13[%swap3A_324, %swap3A_325], %add3A_323 {strides = array<i32>} : memref<16x1024xf32, #tpu.memory_space<vmem>>, vector<16xf32>,
      %get3A_327 = arith.index_cast %scan3A_226 : i32 to index
      %get3A_328 = arith.constant 160 : index
      %get3A_329 = tpu.vector_load %arg9[%get3A_327, %get3A_328] {strides = array<i32>} : memref<16x1024xf32, #tpu.memory_space<vmem>>, vector<16xf32>,
      %get3A_330 = arith.index_cast %scan3A_226 : i32 to index
      %get3A_331 = arith.constant 160 : index
      %get3A_332 = tpu.vector_load %arg11[%get3A_330, %get3A_331] {strides = array<i32>} : memref<16x1024xf32, #tpu.memory_space<vmem>>, vector<16xf32>,
      %add3A_333 = arith.addf %get3A_329, %get3A_332 : vector<16xf32>
      %swap3A_334 = arith.index_cast %scan3A_226 : i32 to index
      %swap3A_335 = arith.constant 160 : index
      %swap3A_336 = tpu.vector_load %arg13[%swap3A_334, %swap3A_335] {strides = array<i32>} : memref<16x1024xf32, #tpu.memory_space<vmem>>, vector<16xf32>,
      tpu.vector_store %arg13[%swap3A_334, %swap3A_335], %add3A_333 {strides = array<i32>} : memref<16x1024xf32, #tpu.memory_space<vmem>>, vector<16xf32>,
      %get3A_337 = arith.index_cast %scan3A_226 : i32 to index
      %get3A_338 = arith.constant 176 : index
      %get3A_339 = tpu.vector_load %arg9[%get3A_337, %get3A_338] {strides = array<i32>} : memref<16x1024xf32, #tpu.memory_space<vmem>>, vector<16xf32>,
      %get3A_340 = arith.index_cast %scan3A_226 : i32 to index
      %get3A_341 = arith.constant 176 : index
      %get3A_342 = tpu.vector_load %arg11[%get3A_340, %get3A_341] {strides = array<i32>} : memref<16x1024xf32, #tpu.memory_space<vmem>>, vector<16xf32>,
      %add3A_343 = arith.addf %get3A_339, %get3A_342 : vector<16xf32>
      %swap3A_344 = arith.index_cast %scan3A_226 : i32 to index
      %swap3A_345 = arith.constant 176 : index
      %swap3A_346 = tpu.vector_load %arg13[%swap3A_344, %swap3A_345] {strides = array<i32>} : memref<16x1024xf32, #tpu.memory_space<vmem>>, vector<16xf32>,
      tpu.vector_store %arg13[%swap3A_344, %swap3A_345], %add3A_343 {strides = array<i32>} : memref<16x1024xf32, #tpu.memory_space<vmem>>, vector<16xf32>,
      %get3A_347 = arith.index_cast %scan3A_226 : i32 to index
      %get3A_348 = arith.constant 192 : index
      %get3A_349 = tpu.vector_load %arg9[%get3A_347, %get3A_348] {strides = array<i32>} : memref<16x1024xf32, #tpu.memory_space<vmem>>, vector<16xf32>,
      %get3A_350 = arith.index_cast %scan3A_226 : i32 to index
      %get3A_351 = arith.constant 192 : index
      %get3A_352 = tpu.vector_load %arg11[%get3A_350, %get3A_351] {strides = array<i32>} : memref<16x1024xf32, #tpu.memory_space<vmem>>, vector<16xf32>,
      %add3A_353 = arith.addf %get3A_349, %get3A_352 : vector<16xf32>
      %swap3A_354 = arith.index_cast %scan3A_226 : i32 to index
      %swap3A_355 = arith.constant 192 : index
      %swap3A_356 = tpu.vector_load %arg13[%swap3A_354, %swap3A_355] {strides = array<i32>} : memref<16x1024xf32, #tpu.memory_space<vmem>>, vector<16xf32>,
      tpu.vector_store %arg13[%swap3A_354, %swap3A_355], %add3A_353 {strides = array<i32>} : memref<16x1024xf32, #tpu.memory_space<vmem>>, vector<16xf32>,
      %get3A_357 = arith.index_cast %scan3A_226 : i32 to index
      %get3A_358 = arith.constant 208 : index
      %get3A_359 = tpu.vector_load %arg9[%get3A_357, %get3A_358] {strides = array<i32>} : memref<16x1024xf32, #tpu.memory_space<vmem>>, vector<16xf32>,
      %get3A_360 = arith.index_cast %scan3A_226 : i32 to index
      %get3A_361 = arith.constant 208 : index
      %get3A_362 = tpu.vector_load %arg11[%get3A_360, %get3A_361] {strides = array<i32>} : memref<16x1024xf32, #tpu.memory_space<vmem>>, vector<16xf32>,
      %add3A_363 = arith.addf %get3A_359, %get3A_362 : vector<16xf32>
      %swap3A_364 = arith.index_cast %scan3A_226 : i32 to index
      %swap3A_365 = arith.constant 208 : index
      %swap3A_366 = tpu.vector_load %arg13[%swap3A_364, %swap3A_365] {strides = array<i32>} : memref<16x1024xf32, #tpu.memory_space<vmem>>, vector<16xf32>,
      tpu.vector_store %arg13[%swap3A_364, %swap3A_365], %add3A_363 {strides = array<i32>} : memref<16x1024xf32, #tpu.memory_space<vmem>>, vector<16xf32>,
      %get3A_367 = arith.index_cast %scan3A_226 : i32 to index
      %get3A_368 = arith.constant 224 : index
      %get3A_369 = tpu.vector_load %arg9[%get3A_367, %get3A_368] {strides = array<i32>} : memref<16x1024xf32, #tpu.memory_space<vmem>>, vector<16xf32>,
      %get3A_370 = arith.index_cast %scan3A_226 : i32 to index
      %get3A_371 = arith.constant 224 : index
      %get3A_372 = tpu.vector_load %arg11[%get3A_370, %get3A_371] {strides = array<i32>} : memref<16x1024xf32, #tpu.memory_space<vmem>>, vector<16xf32>,
      %add3A_373 = arith.addf %get3A_369, %get3A_372 : vector<16xf32>
      %swap3A_374 = arith.index_cast %scan3A_226 : i32 to index
      %swap3A_375 = arith.constant 224 : index
      %swap3A_376 = tpu.vector_load %arg13[%swap3A_374, %swap3A_375] {strides = array<i32>} : memref<16x1024xf32, #tpu.memory_space<vmem>>, vector<16xf32>,
      tpu.vector_store %arg13[%swap3A_374, %swap3A_375], %add3A_373 {strides = array<i32>} : memref<16x1024xf32, #tpu.memory_space<vmem>>, vector<16xf32>,
      %get3A_377 = arith.index_cast %scan3A_226 : i32 to index
      %get3A_378 = arith.constant 240 : index
      %get3A_379 = tpu.vector_load %arg9[%get3A_377, %get3A_378] {strides = array<i32>} : memref<16x1024xf32, #tpu.memory_space<vmem>>, vector<16xf32>,
      %get3A_380 = arith.index_cast %scan3A_226 : i32 to index
      %get3A_381 = arith.constant 240 : index
      %get3A_382 = tpu.vector_load %arg11[%get3A_380, %get3A_381] {strides = array<i32>} : memref<16x1024xf32, #tpu.memory_space<vmem>>, vector<16xf32>,
      %add3A_383 = arith.addf %get3A_379, %get3A_382 : vector<16xf32>
      %swap3A_384 = arith.index_cast %scan3A_226 : i32 to index
      %swap3A_385 = arith.constant 240 : index
      %swap3A_386 = tpu.vector_load %arg13[%swap3A_384, %swap3A_385] {strides = array<i32>} : memref<16x1024xf32, #tpu.memory_space<vmem>>, vector<16xf32>,
      tpu.vector_store %arg13[%swap3A_384, %swap3A_385], %add3A_383 {strides = array<i32>} : memref<16x1024xf32, #tpu.memory_space<vmem>>, vector<16xf32>,
      %get3A_387 = arith.index_cast %scan3A_226 : i32 to index
      %get3A_388 = arith.constant 256 : index
      %get3A_389 = tpu.vector_load %arg9[%get3A_387, %get3A_388] {strides = array<i32>} : memref<16x1024xf32, #tpu.memory_space<vmem>>, vector<16xf32>,
      %get3A_390 = arith.index_cast %scan3A_226 : i32 to index
      %get3A_391 = arith.constant 256 : index
      %get3A_392 = tpu.vector_load %arg11[%get3A_390, %get3A_391] {strides = array<i32>} : memref<16x1024xf32, #tpu.memory_space<vmem>>, vector<16xf32>,
      %add3A_393 = arith.addf %get3A_389, %get3A_392 : vector<16xf32>
      %swap3A_394 = arith.index_cast %scan3A_226 : i32 to index
      %swap3A_395 = arith.constant 256 : index
      %swap3A_396 = tpu.vector_load %arg13[%swap3A_394, %swap3A_395] {strides = array<i32>} : memref<16x1024xf32, #tpu.memory_space<vmem>>, vector<16xf32>,
      tpu.vector_store %arg13[%swap3A_394, %swap3A_395], %add3A_393 {strides = array<i32>} : memref<16x1024xf32, #tpu.memory_space<vmem>>, vector<16xf32>,
      %get3A_397 = arith.index_cast %scan3A_226 : i32 to index
      %get3A_398 = arith.constant 272 : index
      %get3A_399 = tpu.vector_load %arg9[%get3A_397, %get3A_398] {strides = array<i32>} : memref<16x1024xf32, #tpu.memory_space<vmem>>, vector<16xf32>,
      %get3A_400 = arith.index_cast %scan3A_226 : i32 to index
      %get3A_401 = arith.constant 272 : index
      %get3A_402 = tpu.vector_load %arg11[%get3A_400, %get3A_401] {strides = array<i32>} : memref<16x1024xf32, #tpu.memory_space<vmem>>, vector<16xf32>,
      %add3A_403 = arith.addf %get3A_399, %get3A_402 : vector<16xf32>
      %swap3A_404 = arith.index_cast %scan3A_226 : i32 to index
      %swap3A_405 = arith.constant 272 : index
      %swap3A_406 = tpu.vector_load %arg13[%swap3A_404, %swap3A_405] {strides = array<i32>} : memref<16x1024xf32, #tpu.memory_space<vmem>>, vector<16xf32>,
      tpu.vector_store %arg13[%swap3A_404, %swap3A_405], %add3A_403 {strides = array<i32>} : memref<16x1024xf32, #tpu.memory_space<vmem>>, vector<16xf32>,
      %get3A_407 = arith.index_cast %scan3A_226 : i32 to index
      %get3A_408 = arith.constant 288 : index
      %get3A_409 = tpu.vector_load %arg9[%get3A_407, %get3A_408] {strides = array<i32>} : memref<16x1024xf32, #tpu.memory_space<vmem>>, vector<16xf32>,
      %get3A_410 = arith.index_cast %scan3A_226 : i32 to index
      %get3A_411 = arith.constant 288 : index
      %get3A_412 = tpu.vector_load %arg11[%get3A_410, %get3A_411] {strides = array<i32>} : memref<16x1024xf32, #tpu.memory_space<vmem>>, vector<16xf32>,
      %add3A_413 = arith.addf %get3A_409, %get3A_412 : vector<16xf32>
      %swap3A_414 = arith.index_cast %scan3A_226 : i32 to index
      %swap3A_415 = arith.constant 288 : index
      %swap3A_416 = tpu.vector_load %arg13[%swap3A_414, %swap3A_415] {strides = array<i32>} : memref<16x1024xf32, #tpu.memory_space<vmem>>, vector<16xf32>,
      tpu.vector_store %arg13[%swap3A_414, %swap3A_415], %add3A_413 {strides = array<i32>} : memref<16x1024xf32, #tpu.memory_space<vmem>>, vector<16xf32>,
      %get3A_417 = arith.index_cast %scan3A_226 : i32 to index
      %get3A_418 = arith.constant 304 : index
      %get3A_419 = tpu.vector_load %arg9[%get3A_417, %get3A_418] {strides = array<i32>} : memref<16x1024xf32, #tpu.memory_space<vmem>>, vector<16xf32>,
      %get3A_420 = arith.index_cast %scan3A_226 : i32 to index
      %get3A_421 = arith.constant 304 : index
      %get3A_422 = tpu.vector_load %arg11[%get3A_420, %get3A_421] {strides = array<i32>} : memref<16x1024xf32, #tpu.memory_space<vmem>>, vector<16xf32>,
      %add3A_423 = arith.addf %get3A_419, %get3A_422 : vector<16xf32>
      %swap3A_424 = arith.index_cast %scan3A_226 : i32 to index
      %swap3A_425 = arith.constant 304 : index
      %swap3A_426 = tpu.vector_load %arg13[%swap3A_424, %swap3A_425] {strides = array<i32>} : memref<16x1024xf32, #tpu.memory_space<vmem>>, vector<16xf32>,
      tpu.vector_store %arg13[%swap3A_424, %swap3A_425], %add3A_423 {strides = array<i32>} : memref<16x1024xf32, #tpu.memory_space<vmem>>, vector<16xf32>,
      %get3A_427 = arith.index_cast %scan3A_226 : i32 to index
      %get3A_428 = arith.constant 320 : index
      %get3A_429 = tpu.vector_load %arg9[%get3A_427, %get3A_428] {strides = array<i32>} : memref<16x1024xf32, #tpu.memory_space<vmem>>, vector<16xf32>,
      %get3A_430 = arith.index_cast %scan3A_226 : i32 to index
      %get3A_431 = arith.constant 320 : index
      %get3A_432 = tpu.vector_load %arg11[%get3A_430, %get3A_431] {strides = array<i32>} : memref<16x1024xf32, #tpu.memory_space<vmem>>, vector<16xf32>,
      %add3A_433 = arith.addf %get3A_429, %get3A_432 : vector<16xf32>
      %swap3A_434 = arith.index_cast %scan3A_226 : i32 to index
      %swap3A_435 = arith.constant 320 : index
      %swap3A_436 = tpu.vector_load %arg13[%swap3A_434, %swap3A_435] {strides = array<i32>} : memref<16x1024xf32, #tpu.memory_space<vmem>>, vector<16xf32>,
      tpu.vector_store %arg13[%swap3A_434, %swap3A_435], %add3A_433 {strides = array<i32>} : memref<16x1024xf32, #tpu.memory_space<vmem>>, vector<16xf32>,
      %get3A_437 = arith.index_cast %scan3A_226 : i32 to index
      %get3A_438 = arith.constant 336 : index
      %get3A_439 = tpu.vector_load %arg9[%get3A_437, %get3A_438] {strides = array<i32>} : memref<16x1024xf32, #tpu.memory_space<vmem>>, vector<16xf32>,
      %get3A_440 = arith.index_cast %scan3A_226 : i32 to index
      %get3A_441 = arith.constant 336 : index
      %get3A_442 = tpu.vector_load %arg11[%get3A_440, %get3A_441] {strides = array<i32>} : memref<16x1024xf32, #tpu.memory_space<vmem>>, vector<16xf32>,
      %add3A_443 = arith.addf %get3A_439, %get3A_442 : vector<16xf32>
      %swap3A_444 = arith.index_cast %scan3A_226 : i32 to index
      %swap3A_445 = arith.constant 336 : index
      %swap3A_446 = tpu.vector_load %arg13[%swap3A_444, %swap3A_445] {strides = array<i32>} : memref<16x1024xf32, #tpu.memory_space<vmem>>, vector<16xf32>,
      tpu.vector_store %arg13[%swap3A_444, %swap3A_445], %add3A_443 {strides = array<i32>} : memref<16x1024xf32, #tpu.memory_space<vmem>>, vector<16xf32>,
      %get3A_447 = arith.index_cast %scan3A_226 : i32 to index
      %get3A_448 = arith.constant 352 : index
      %get3A_449 = tpu.vector_load %arg9[%get3A_447, %get3A_448] {strides = array<i32>} : memref<16x1024xf32, #tpu.memory_space<vmem>>, vector<16xf32>,
      %get3A_450 = arith.index_cast %scan3A_226 : i32 to index
      %get3A_451 = arith.constant 352 : index
      %get3A_452 = tpu.vector_load %arg11[%get3A_450, %get3A_451] {strides = array<i32>} : memref<16x1024xf32, #tpu.memory_space<vmem>>, vector<16xf32>,
      %add3A_453 = arith.addf %get3A_449, %get3A_452 : vector<16xf32>
      %swap3A_454 = arith.index_cast %scan3A_226 : i32 to index
      %swap3A_455 = arith.constant 352 : index
      %swap3A_456 = tpu.vector_load %arg13[%swap3A_454, %swap3A_455] {strides = array<i32>} : memref<16x1024xf32, #tpu.memory_space<vmem>>, vector<16xf32>,
      tpu.vector_store %arg13[%swap3A_454, %swap3A_455], %add3A_453 {strides = array<i32>} : memref<16x1024xf32, #tpu.memory_space<vmem>>, vector<16xf32>,
      %get3A_457 = arith.index_cast %scan3A_226 : i32 to index
      %get3A_458 = arith.constant 368 : index
      %get3A_459 = tpu.vector_load %arg9[%get3A_457, %get3A_458] {strides = array<i32>} : memref<16x1024xf32, #tpu.memory_space<vmem>>, vector<16xf32>,
      %get3A_460 = arith.index_cast %scan3A_226 : i32 to index
      %get3A_461 = arith.constant 368 : index
      %get3A_462 = tpu.vector_load %arg11[%get3A_460, %get3A_461] {strides = array<i32>} : memref<16x1024xf32, #tpu.memory_space<vmem>>, vector<16xf32>,
      %add3A_463 = arith.addf %get3A_459, %get3A_462 : vector<16xf32>
      %swap3A_464 = arith.index_cast %scan3A_226 : i32 to index
      %swap3A_465 = arith.constant 368 : index
      %swap3A_466 = tpu.vector_load %arg13[%swap3A_464, %swap3A_465] {strides = array<i32>} : memref<16x1024xf32, #tpu.memory_space<vmem>>, vector<16xf32>,
      tpu.vector_store %arg13[%swap3A_464, %swap3A_465], %add3A_463 {strides = array<i32>} : memref<16x1024xf32, #tpu.memory_space<vmem>>, vector<16xf32>,
      %get3A_467 = arith.index_cast %scan3A_226 : i32 to index
      %get3A_468 = arith.constant 384 : index
      %get3A_469 = tpu.vector_load %arg9[%get3A_467, %get3A_468] {strides = array<i32>} : memref<16x1024xf32, #tpu.memory_space<vmem>>, vector<16xf32>,
      %get3A_470 = arith.index_cast %scan3A_226 : i32 to index
      %get3A_471 = arith.constant 384 : index
      %get3A_472 = tpu.vector_load %arg11[%get3A_470, %get3A_471] {strides = array<i32>} : memref<16x1024xf32, #tpu.memory_space<vmem>>, vector<16xf32>,
      %add3A_473 = arith.addf %get3A_469, %get3A_472 : vector<16xf32>
      %swap3A_474 = arith.index_cast %scan3A_226 : i32 to index
      %swap3A_475 = arith.constant 384 : index
      %swap3A_476 = tpu.vector_load %arg13[%swap3A_474, %swap3A_475] {strides = array<i32>} : memref<16x1024xf32, #tpu.memory_space<vmem>>, vector<16xf32>,
      tpu.vector_store %arg13[%swap3A_474, %swap3A_475], %add3A_473 {strides = array<i32>} : memref<16x1024xf32, #tpu.memory_space<vmem>>, vector<16xf32>,
      %get3A_477 = arith.index_cast %scan3A_226 : i32 to index
      %get3A_478 = arith.constant 400 : index
      %get3A_479 = tpu.vector_load %arg9[%get3A_477, %get3A_478] {strides = array<i32>} : memref<16x1024xf32, #tpu.memory_space<vmem>>, vector<16xf32>,
      %get3A_480 = arith.index_cast %scan3A_226 : i32 to index
      %get3A_481 = arith.constant 400 : index
      %get3A_482 = tpu.vector_load %arg11[%get3A_480, %get3A_481] {strides = array<i32>} : memref<16x1024xf32, #tpu.memory_space<vmem>>, vector<16xf32>,
      %add3A_483 = arith.addf %get3A_479, %get3A_482 : vector<16xf32>
      %swap3A_484 = arith.index_cast %scan3A_226 : i32 to index
      %swap3A_485 = arith.constant 400 : index
      %swap3A_486 = tpu.vector_load %arg13[%swap3A_484, %swap3A_485] {strides = array<i32>} : memref<16x1024xf32, #tpu.memory_space<vmem>>, vector<16xf32>,
      tpu.vector_store %arg13[%swap3A_484, %swap3A_485], %add3A_483 {strides = array<i32>} : memref<16x1024xf32, #tpu.memory_space<vmem>>, vector<16xf32>,
      %get3A_487 = arith.index_cast %scan3A_226 : i32 to index
      %get3A_488 = arith.constant 416 : index
      %get3A_489 = tpu.vector_load %arg9[%get3A_487, %get3A_488] {strides = array<i32>} : memref<16x1024xf32, #tpu.memory_space<vmem>>, vector<16xf32>,
      %get3A_490 = arith.index_cast %scan3A_226 : i32 to index
      %get3A_491 = arith.constant 416 : index
      %get3A_492 = tpu.vector_load %arg11[%get3A_490, %get3A_491] {strides = array<i32>} : memref<16x1024xf32, #tpu.memory_space<vmem>>, vector<16xf32>,
      %add3A_493 = arith.addf %get3A_489, %get3A_492 : vector<16xf32>
      %swap3A_494 = arith.index_cast %scan3A_226 : i32 to index
      %swap3A_495 = arith.constant 416 : index
      %swap3A_496 = tpu.vector_load %arg13[%swap3A_494, %swap3A_495] {strides = array<i32>} : memref<16x1024xf32, #tpu.memory_space<vmem>>, vector<16xf32>,
      tpu.vector_store %arg13[%swap3A_494, %swap3A_495], %add3A_493 {strides = array<i32>} : memref<16x1024xf32, #tpu.memory_space<vmem>>, vector<16xf32>,
      %get3A_497 = arith.index_cast %scan3A_226 : i32 to index
      %get3A_498 = arith.constant 432 : index
      %get3A_499 = tpu.vector_load %arg9[%get3A_497, %get3A_498] {strides = array<i32>} : memref<16x1024xf32, #tpu.memory_space<vmem>>, vector<16xf32>,
      %get3A_500 = arith.index_cast %scan3A_226 : i32 to index
      %get3A_501 = arith.constant 432 : index
      %get3A_502 = tpu.vector_load %arg11[%get3A_500, %get3A_501] {strides = array<i32>} : memref<16x1024xf32, #tpu.memory_space<vmem>>, vector<16xf32>,
      %add3A_503 = arith.addf %get3A_499, %get3A_502 : vector<16xf32>
      %swap3A_504 = arith.index_cast %scan3A_226 : i32 to index
      %swap3A_505 = arith.constant 432 : index
      %swap3A_506 = tpu.vector_load %arg13[%swap3A_504, %swap3A_505] {strides = array<i32>} : memref<16x1024xf32, #tpu.memory_space<vmem>>, vector<16xf32>,
      tpu.vector_store %arg13[%swap3A_504, %swap3A_505], %add3A_503 {strides = array<i32>} : memref<16x1024xf32, #tpu.memory_space<vmem>>, vector<16xf32>,
      %get3A_507 = arith.index_cast %scan3A_226 : i32 to index
      %get3A_508 = arith.constant 448 : index
      %get3A_509 = tpu.vector_load %arg9[%get3A_507, %get3A_508] {strides = array<i32>} : memref<16x1024xf32, #tpu.memory_space<vmem>>, vector<16xf32>,
      %get3A_510 = arith.index_cast %scan3A_226 : i32 to index
      %get3A_511 = arith.constant 448 : index
      %get3A_512 = tpu.vector_load %arg11[%get3A_510, %get3A_511] {strides = array<i32>} : memref<16x1024xf32, #tpu.memory_space<vmem>>, vector<16xf32>,
      %add3A_513 = arith.addf %get3A_509, %get3A_512 : vector<16xf32>
      %swap3A_514 = arith.index_cast %scan3A_226 : i32 to index
      %swap3A_515 = arith.constant 448 : index
      %swap3A_516 = tpu.vector_load %arg13[%swap3A_514, %swap3A_515] {strides = array<i32>} : memref<16x1024xf32, #tpu.memory_space<vmem>>, vector<16xf32>,
      tpu.vector_store %arg13[%swap3A_514, %swap3A_515], %add3A_513 {strides = array<i32>} : memref<16x1024xf32, #tpu.memory_space<vmem>>, vector<16xf32>,
      %get3A_517 = arith.index_cast %scan3A_226 : i32 to index
      %get3A_518 = arith.constant 464 : index
      %get3A_519 = tpu.vector_load %arg9[%get3A_517, %get3A_518] {strides = array<i32>} : memref<16x1024xf32, #tpu.memory_space<vmem>>, vector<16xf32>,
      %get3A_520 = arith.index_cast %scan3A_226 : i32 to index
      %get3A_521 = arith.constant 464 : index
      %get3A_522 = tpu.vector_load %arg11[%get3A_520, %get3A_521] {strides = array<i32>} : memref<16x1024xf32, #tpu.memory_space<vmem>>, vector<16xf32>,
      %add3A_523 = arith.addf %get3A_519, %get3A_522 : vector<16xf32>
      %swap3A_524 = arith.index_cast %scan3A_226 : i32 to index
      %swap3A_525 = arith.constant 464 : index
      %swap3A_526 = tpu.vector_load %arg13[%swap3A_524, %swap3A_525] {strides = array<i32>} : memref<16x1024xf32, #tpu.memory_space<vmem>>, vector<16xf32>,
      tpu.vector_store %arg13[%swap3A_524, %swap3A_525], %add3A_523 {strides = array<i32>} : memref<16x1024xf32, #tpu.memory_space<vmem>>, vector<16xf32>,
      %get3A_527 = arith.index_cast %scan3A_226 : i32 to index
      %get3A_528 = arith.constant 480 : index
      %get3A_529 = tpu.vector_load %arg9[%get3A_527, %get3A_528] {strides = array<i32>} : memref<16x1024xf32, #tpu.memory_space<vmem>>, vector<16xf32>,
      %get3A_530 = arith.index_cast %scan3A_226 : i32 to index
      %get3A_531 = arith.constant 480 : index
      %get3A_532 = tpu.vector_load %arg11[%get3A_530, %get3A_531] {strides = array<i32>} : memref<16x1024xf32, #tpu.memory_space<vmem>>, vector<16xf32>,
      %add3A_533 = arith.addf %get3A_529, %get3A_532 : vector<16xf32>
      %swap3A_534 = arith.index_cast %scan3A_226 : i32 to index
      %swap3A_535 = arith.constant 480 : index
      %swap3A_536 = tpu.vector_load %arg13[%swap3A_534, %swap3A_535] {strides = array<i32>} : memref<16x1024xf32, #tpu.memory_space<vmem>>, vector<16xf32>,
      tpu.vector_store %arg13[%swap3A_534, %swap3A_535], %add3A_533 {strides = array<i32>} : memref<16x1024xf32, #tpu.memory_space<vmem>>, vector<16xf32>,
      %get3A_537 = arith.index_cast %scan3A_226 : i32 to index
      %get3A_538 = arith.constant 496 : index
      %get3A_539 = tpu.vector_load %arg9[%get3A_537, %get3A_538] {strides = array<i32>} : memref<16x1024xf32, #tpu.memory_space<vmem>>, vector<16xf32>,
      %get3A_540 = arith.index_cast %scan3A_226 : i32 to index
      %get3A_541 = arith.constant 496 : index
      %get3A_542 = tpu.vector_load %arg11[%get3A_540, %get3A_541] {strides = array<i32>} : memref<16x1024xf32, #tpu.memory_space<vmem>>, vector<16xf32>,
      %add3A_543 = arith.addf %get3A_539, %get3A_542 : vector<16xf32>
      %swap3A_544 = arith.index_cast %scan3A_226 : i32 to index
      %swap3A_545 = arith.constant 496 : index
      %swap3A_546 = tpu.vector_load %arg13[%swap3A_544, %swap3A_545] {strides = array<i32>} : memref<16x1024xf32, #tpu.memory_space<vmem>>, vector<16xf32>,
      tpu.vector_store %arg13[%swap3A_544, %swap3A_545], %add3A_543 {strides = array<i32>} : memref<16x1024xf32, #tpu.memory_space<vmem>>, vector<16xf32>,
      %get3A_547 = arith.index_cast %scan3A_226 : i32 to index
      %get3A_548 = arith.constant 512 : index
      %get3A_549 = tpu.vector_load %arg9[%get3A_547, %get3A_548] {strides = array<i32>} : memref<16x1024xf32, #tpu.memory_space<vmem>>, vector<16xf32>,
      %get3A_550 = arith.index_cast %scan3A_226 : i32 to index
      %get3A_551 = arith.constant 512 : index
      %get3A_552 = tpu.vector_load %arg11[%get3A_550, %get3A_551] {strides = array<i32>} : memref<16x1024xf32, #tpu.memory_space<vmem>>, vector<16xf32>,
      %add3A_553 = arith.addf %get3A_549, %get3A_552 : vector<16xf32>
      %swap3A_554 = arith.index_cast %scan3A_226 : i32 to index
      %swap3A_555 = arith.constant 512 : index
      %swap3A_556 = tpu.vector_load %arg13[%swap3A_554, %swap3A_555] {strides = array<i32>} : memref<16x1024xf32, #tpu.memory_space<vmem>>, vector<16xf32>,
      tpu.vector_store %arg13[%swap3A_554, %swap3A_555], %add3A_553 {strides = array<i32>} : memref<16x1024xf32, #tpu.memory_space<vmem>>, vector<16xf32>,
      %get3A_557 = arith.index_cast %scan3A_226 : i32 to index
      %get3A_558 = arith.constant 528 : index
      %get3A_559 = tpu.vector_load %arg9[%get3A_557, %get3A_558] {strides = array<i32>} : memref<16x1024xf32, #tpu.memory_space<vmem>>, vector<16xf32>,
      %get3A_560 = arith.index_cast %scan3A_226 : i32 to index
      %get3A_561 = arith.constant 528 : index
      %get3A_562 = tpu.vector_load %arg11[%get3A_560, %get3A_561] {strides = array<i32>} : memref<16x1024xf32, #tpu.memory_space<vmem>>, vector<16xf32>,
      %add3A_563 = arith.addf %get3A_559, %get3A_562 : vector<16xf32>
      %swap3A_564 = arith.index_cast %scan3A_226 : i32 to index
      %swap3A_565 = arith.constant 528 : index
      %swap3A_566 = tpu.vector_load %arg13[%swap3A_564, %swap3A_565] {strides = array<i32>} : memref<16x1024xf32, #tpu.memory_space<vmem>>, vector<16xf32>,
      tpu.vector_store %arg13[%swap3A_564, %swap3A_565], %add3A_563 {strides = array<i32>} : memref<16x1024xf32, #tpu.memory_space<vmem>>, vector<16xf32>,
      %get3A_567 = arith.index_cast %scan3A_226 : i32 to index
      %get3A_568 = arith.constant 544 : index
      %get3A_569 = tpu.vector_load %arg9[%get3A_567, %get3A_568] {strides = array<i32>} : memref<16x1024xf32, #tpu.memory_space<vmem>>, vector<16xf32>,
      %get3A_570 = arith.index_cast %scan3A_226 : i32 to index
      %get3A_571 = arith.constant 544 : index
      %get3A_572 = tpu.vector_load %arg11[%get3A_570, %get3A_571] {strides = array<i32>} : memref<16x1024xf32, #tpu.memory_space<vmem>>, vector<16xf32>,
      %add3A_573 = arith.addf %get3A_569, %get3A_572 : vector<16xf32>
      %swap3A_574 = arith.index_cast %scan3A_226 : i32 to index
      %swap3A_575 = arith.constant 544 : index
      %swap3A_576 = tpu.vector_load %arg13[%swap3A_574, %swap3A_575] {strides = array<i32>} : memref<16x1024xf32, #tpu.memory_space<vmem>>, vector<16xf32>,
      tpu.vector_store %arg13[%swap3A_574, %swap3A_575], %add3A_573 {strides = array<i32>} : memref<16x1024xf32, #tpu.memory_space<vmem>>, vector<16xf32>,
      %get3A_577 = arith.index_cast %scan3A_226 : i32 to index
      %get3A_578 = arith.constant 560 : index
      %get3A_579 = tpu.vector_load %arg9[%get3A_577, %get3A_578] {strides = array<i32>} : memref<16x1024xf32, #tpu.memory_space<vmem>>, vector<16xf32>,
      %get3A_580 = arith.index_cast %scan3A_226 : i32 to index
      %get3A_581 = arith.constant 560 : index
      %get3A_582 = tpu.vector_load %arg11[%get3A_580, %get3A_581] {strides = array<i32>} : memref<16x1024xf32, #tpu.memory_space<vmem>>, vector<16xf32>,
      %add3A_583 = arith.addf %get3A_579, %get3A_582 : vector<16xf32>
      %swap3A_584 = arith.index_cast %scan3A_226 : i32 to index
      %swap3A_585 = arith.constant 560 : index
      %swap3A_586 = tpu.vector_load %arg13[%swap3A_584, %swap3A_585] {strides = array<i32>} : memref<16x1024xf32, #tpu.memory_space<vmem>>, vector<16xf32>,
      tpu.vector_store %arg13[%swap3A_584, %swap3A_585], %add3A_583 {strides = array<i32>} : memref<16x1024xf32, #tpu.memory_space<vmem>>, vector<16xf32>,
      %get3A_587 = arith.index_cast %scan3A_226 : i32 to index
      %get3A_588 = arith.constant 576 : index
      %get3A_589 = tpu.vector_load %arg9[%get3A_587, %get3A_588] {strides = array<i32>} : memref<16x1024xf32, #tpu.memory_space<vmem>>, vector<16xf32>,
      %get3A_590 = arith.index_cast %scan3A_226 : i32 to index
      %get3A_591 = arith.constant 576 : index
      %get3A_592 = tpu.vector_load %arg11[%get3A_590, %get3A_591] {strides = array<i32>} : memref<16x1024xf32, #tpu.memory_space<vmem>>, vector<16xf32>,
      %add3A_593 = arith.addf %get3A_589, %get3A_592 : vector<16xf32>
      %swap3A_594 = arith.index_cast %scan3A_226 : i32 to index
      %swap3A_595 = arith.constant 576 : index
      %swap3A_596 = tpu.vector_load %arg13[%swap3A_594, %swap3A_595] {strides = array<i32>} : memref<16x1024xf32, #tpu.memory_space<vmem>>, vector<16xf32>,
      tpu.vector_store %arg13[%swap3A_594, %swap3A_595], %add3A_593 {strides = array<i32>} : memref<16x1024xf32, #tpu.memory_space<vmem>>, vector<16xf32>,
      %get3A_597 = arith.index_cast %scan3A_226 : i32 to index
      %get3A_598 = arith.constant 592 : index
      %get3A_599 = tpu.vector_load %arg9[%get3A_597, %get3A_598] {strides = array<i32>} : memref<16x1024xf32, #tpu.memory_space<vmem>>, vector<16xf32>,
      %get3A_600 = arith.index_cast %scan3A_226 : i32 to index
      %get3A_601 = arith.constant 592 : index
      %get3A_602 = tpu.vector_load %arg11[%get3A_600, %get3A_601] {strides = array<i32>} : memref<16x1024xf32, #tpu.memory_space<vmem>>, vector<16xf32>,
      %add3A_603 = arith.addf %get3A_599, %get3A_602 : vector<16xf32>
      %swap3A_604 = arith.index_cast %scan3A_226 : i32 to index
      %swap3A_605 = arith.constant 592 : index
      %swap3A_606 = tpu.vector_load %arg13[%swap3A_604, %swap3A_605] {strides = array<i32>} : memref<16x1024xf32, #tpu.memory_space<vmem>>, vector<16xf32>,
      tpu.vector_store %arg13[%swap3A_604, %swap3A_605], %add3A_603 {strides = array<i32>} : memref<16x1024xf32, #tpu.memory_space<vmem>>, vector<16xf32>,
      %get3A_607 = arith.index_cast %scan3A_226 : i32 to index
      %get3A_608 = arith.constant 608 : index
      %get3A_609 = tpu.vector_load %arg9[%get3A_607, %get3A_608] {strides = array<i32>} : memref<16x1024xf32, #tpu.memory_space<vmem>>, vector<16xf32>,
      %get3A_610 = arith.index_cast %scan3A_226 : i32 to index
      %get3A_611 = arith.constant 608 : index
      %get3A_612 = tpu.vector_load %arg11[%get3A_610, %get3A_611] {strides = array<i32>} : memref<16x1024xf32, #tpu.memory_space<vmem>>, vector<16xf32>,
      %add3A_613 = arith.addf %get3A_609, %get3A_612 : vector<16xf32>
      %swap3A_614 = arith.index_cast %scan3A_226 : i32 to index
      %swap3A_615 = arith.constant 608 : index
      %swap3A_616 = tpu.vector_load %arg13[%swap3A_614, %swap3A_615] {strides = array<i32>} : memref<16x1024xf32, #tpu.memory_space<vmem>>, vector<16xf32>,
      tpu.vector_store %arg13[%swap3A_614, %swap3A_615], %add3A_613 {strides = array<i32>} : memref<16x1024xf32, #tpu.memory_space<vmem>>, vector<16xf32>,
      %get3A_617 = arith.index_cast %scan3A_226 : i32 to index
      %get3A_618 = arith.constant 624 : index
      %get3A_619 = tpu.vector_load %arg9[%get3A_617, %get3A_618] {strides = array<i32>} : memref<16x1024xf32, #tpu.memory_space<vmem>>, vector<16xf32>,
      %get3A_620 = arith.index_cast %scan3A_226 : i32 to index
      %get3A_621 = arith.constant 624 : index
      %get3A_622 = tpu.vector_load %arg11[%get3A_620, %get3A_621] {strides = array<i32>} : memref<16x1024xf32, #tpu.memory_space<vmem>>, vector<16xf32>,
      %add3A_623 = arith.addf %get3A_619, %get3A_622 : vector<16xf32>
      %swap3A_624 = arith.index_cast %scan3A_226 : i32 to index
      %swap3A_625 = arith.constant 624 : index
      %swap3A_626 = tpu.vector_load %arg13[%swap3A_624, %swap3A_625] {strides = array<i32>} : memref<16x1024xf32, #tpu.memory_space<vmem>>, vector<16xf32>,
      tpu.vector_store %arg13[%swap3A_624, %swap3A_625], %add3A_623 {strides = array<i32>} : memref<16x1024xf32, #tpu.memory_space<vmem>>, vector<16xf32>,
      %get3A_627 = arith.index_cast %scan3A_226 : i32 to index
      %get3A_628 = arith.constant 640 : index
      %get3A_629 = tpu.vector_load %arg9[%get3A_627, %get3A_628] {strides = array<i32>} : memref<16x1024xf32, #tpu.memory_space<vmem>>, vector<16xf32>,
      %get3A_630 = arith.index_cast %scan3A_226 : i32 to index
      %get3A_631 = arith.constant 640 : index
      %get3A_632 = tpu.vector_load %arg11[%get3A_630, %get3A_631] {strides = array<i32>} : memref<16x1024xf32, #tpu.memory_space<vmem>>, vector<16xf32>,
      %add3A_633 = arith.addf %get3A_629, %get3A_632 : vector<16xf32>
      %swap3A_634 = arith.index_cast %scan3A_226 : i32 to index
      %swap3A_635 = arith.constant 640 : index
      %swap3A_636 = tpu.vector_load %arg13[%swap3A_634, %swap3A_635] {strides = array<i32>} : memref<16x1024xf32, #tpu.memory_space<vmem>>, vector<16xf32>,
      tpu.vector_store %arg13[%swap3A_634, %swap3A_635], %add3A_633 {strides = array<i32>} : memref<16x1024xf32, #tpu.memory_space<vmem>>, vector<16xf32>,
      %get3A_637 = arith.index_cast %scan3A_226 : i32 to index
      %get3A_638 = arith.constant 656 : index
      %get3A_639 = tpu.vector_load %arg9[%get3A_637, %get3A_638] {strides = array<i32>} : memref<16x1024xf32, #tpu.memory_space<vmem>>, vector<16xf32>,
      %get3A_640 = arith.index_cast %scan3A_226 : i32 to index
      %get3A_641 = arith.constant 656 : index
      %get3A_642 = tpu.vector_load %arg11[%get3A_640, %get3A_641] {strides = array<i32>} : memref<16x1024xf32, #tpu.memory_space<vmem>>, vector<16xf32>,
      %add3A_643 = arith.addf %get3A_639, %get3A_642 : vector<16xf32>
      %swap3A_644 = arith.index_cast %scan3A_226 : i32 to index
      %swap3A_645 = arith.constant 656 : index
      %swap3A_646 = tpu.vector_load %arg13[%swap3A_644, %swap3A_645] {strides = array<i32>} : memref<16x1024xf32, #tpu.memory_space<vmem>>, vector<16xf32>,
      tpu.vector_store %arg13[%swap3A_644, %swap3A_645], %add3A_643 {strides = array<i32>} : memref<16x1024xf32, #tpu.memory_space<vmem>>, vector<16xf32>,
      %get3A_647 = arith.index_cast %scan3A_226 : i32 to index
      %get3A_648 = arith.constant 672 : index
      %get3A_649 = tpu.vector_load %arg9[%get3A_647, %get3A_648] {strides = array<i32>} : memref<16x1024xf32, #tpu.memory_space<vmem>>, vector<16xf32>,
      %get3A_650 = arith.index_cast %scan3A_226 : i32 to index
      %get3A_651 = arith.constant 672 : index
      %get3A_652 = tpu.vector_load %arg11[%get3A_650, %get3A_651] {strides = array<i32>} : memref<16x1024xf32, #tpu.memory_space<vmem>>, vector<16xf32>,
      %add3A_653 = arith.addf %get3A_649, %get3A_652 : vector<16xf32>
      %swap3A_654 = arith.index_cast %scan3A_226 : i32 to index
      %swap3A_655 = arith.constant 672 : index
      %swap3A_656 = tpu.vector_load %arg13[%swap3A_654, %swap3A_655] {strides = array<i32>} : memref<16x1024xf32, #tpu.memory_space<vmem>>, vector<16xf32>,
      tpu.vector_store %arg13[%swap3A_654, %swap3A_655], %add3A_653 {strides = array<i32>} : memref<16x1024xf32, #tpu.memory_space<vmem>>, vector<16xf32>,
      %get3A_657 = arith.index_cast %scan3A_226 : i32 to index
      %get3A_658 = arith.constant 688 : index
      %get3A_659 = tpu.vector_load %arg9[%get3A_657, %get3A_658] {strides = array<i32>} : memref<16x1024xf32, #tpu.memory_space<vmem>>, vector<16xf32>,
      %get3A_660 = arith.index_cast %scan3A_226 : i32 to index
      %get3A_661 = arith.constant 688 : index
      %get3A_662 = tpu.vector_load %arg11[%get3A_660, %get3A_661] {strides = array<i32>} : memref<16x1024xf32, #tpu.memory_space<vmem>>, vector<16xf32>,
      %add3A_663 = arith.addf %get3A_659, %get3A_662 : vector<16xf32>
      %swap3A_664 = arith.index_cast %scan3A_226 : i32 to index
      %swap3A_665 = arith.constant 688 : index
      %swap3A_666 = tpu.vector_load %arg13[%swap3A_664, %swap3A_665] {strides = array<i32>} : memref<16x1024xf32, #tpu.memory_space<vmem>>, vector<16xf32>,
      tpu.vector_store %arg13[%swap3A_664, %swap3A_665], %add3A_663 {strides = array<i32>} : memref<16x1024xf32, #tpu.memory_space<vmem>>, vector<16xf32>,
      %get3A_667 = arith.index_cast %scan3A_226 : i32 to index
      %get3A_668 = arith.constant 704 : index
      %get3A_669 = tpu.vector_load %arg9[%get3A_667, %get3A_668] {strides = array<i32>} : memref<16x1024xf32, #tpu.memory_space<vmem>>, vector<16xf32>,
      %get3A_670 = arith.index_cast %scan3A_226 : i32 to index
      %get3A_671 = arith.constant 704 : index
      %get3A_672 = tpu.vector_load %arg11[%get3A_670, %get3A_671] {strides = array<i32>} : memref<16x1024xf32, #tpu.memory_space<vmem>>, vector<16xf32>,
      %add3A_673 = arith.addf %get3A_669, %get3A_672 : vector<16xf32>
      %swap3A_674 = arith.index_cast %scan3A_226 : i32 to index
      %swap3A_675 = arith.constant 704 : index
      %swap3A_676 = tpu.vector_load %arg13[%swap3A_674, %swap3A_675] {strides = array<i32>} : memref<16x1024xf32, #tpu.memory_space<vmem>>, vector<16xf32>,
      tpu.vector_store %arg13[%swap3A_674, %swap3A_675], %add3A_673 {strides = array<i32>} : memref<16x1024xf32, #tpu.memory_space<vmem>>, vector<16xf32>,
      %get3A_677 = arith.index_cast %scan3A_226 : i32 to index
      %get3A_678 = arith.constant 720 : index
      %get3A_679 = tpu.vector_load %arg9[%get3A_677, %get3A_678] {strides = array<i32>} : memref<16x1024xf32, #tpu.memory_space<vmem>>, vector<16xf32>,
      %get3A_680 = arith.index_cast %scan3A_226 : i32 to index
      %get3A_681 = arith.constant 720 : index
      %get3A_682 = tpu.vector_load %arg11[%get3A_680, %get3A_681] {strides = array<i32>} : memref<16x1024xf32, #tpu.memory_space<vmem>>, vector<16xf32>,
      %add3A_683 = arith.addf %get3A_679, %get3A_682 : vector<16xf32>
      %swap3A_684 = arith.index_cast %scan3A_226 : i32 to index
      %swap3A_685 = arith.constant 720 : index
      %swap3A_686 = tpu.vector_load %arg13[%swap3A_684, %swap3A_685] {strides = array<i32>} : memref<16x1024xf32, #tpu.memory_space<vmem>>, vector<16xf32>,
      tpu.vector_store %arg13[%swap3A_684, %swap3A_685], %add3A_683 {strides = array<i32>} : memref<16x1024xf32, #tpu.memory_space<vmem>>, vector<16xf32>,
      %get3A_687 = arith.index_cast %scan3A_226 : i32 to index
      %get3A_688 = arith.constant 736 : index
      %get3A_689 = tpu.vector_load %arg9[%get3A_687, %get3A_688] {strides = array<i32>} : memref<16x1024xf32, #tpu.memory_space<vmem>>, vector<16xf32>,
      %get3A_690 = arith.index_cast %scan3A_226 : i32 to index
      %get3A_691 = arith.constant 736 : index
      %get3A_692 = tpu.vector_load %arg11[%get3A_690, %get3A_691] {strides = array<i32>} : memref<16x1024xf32, #tpu.memory_space<vmem>>, vector<16xf32>,
      %add3A_693 = arith.addf %get3A_689, %get3A_692 : vector<16xf32>
      %swap3A_694 = arith.index_cast %scan3A_226 : i32 to index
      %swap3A_695 = arith.constant 736 : index
      %swap3A_696 = tpu.vector_load %arg13[%swap3A_694, %swap3A_695] {strides = array<i32>} : memref<16x1024xf32, #tpu.memory_space<vmem>>, vector<16xf32>,
      tpu.vector_store %arg13[%swap3A_694, %swap3A_695], %add3A_693 {strides = array<i32>} : memref<16x1024xf32, #tpu.memory_space<vmem>>, vector<16xf32>,
      %get3A_697 = arith.index_cast %scan3A_226 : i32 to index
      %get3A_698 = arith.constant 752 : index
      %get3A_699 = tpu.vector_load %arg9[%get3A_697, %get3A_698] {strides = array<i32>} : memref<16x1024xf32, #tpu.memory_space<vmem>>, vector<16xf32>,
      %get3A_700 = arith.index_cast %scan3A_226 : i32 to index
      %get3A_701 = arith.constant 752 : index
      %get3A_702 = tpu.vector_load %arg11[%get3A_700, %get3A_701] {strides = array<i32>} : memref<16x1024xf32, #tpu.memory_space<vmem>>, vector<16xf32>,
      %add3A_703 = arith.addf %get3A_699, %get3A_702 : vector<16xf32>
      %swap3A_704 = arith.index_cast %scan3A_226 : i32 to index
      %swap3A_705 = arith.constant 752 : index
      %swap3A_706 = tpu.vector_load %arg13[%swap3A_704, %swap3A_705] {strides = array<i32>} : memref<16x1024xf32, #tpu.memory_space<vmem>>, vector<16xf32>,
      tpu.vector_store %arg13[%swap3A_704, %swap3A_705], %add3A_703 {strides = array<i32>} : memref<16x1024xf32, #tpu.memory_space<vmem>>, vector<16xf32>,
      %get3A_707 = arith.index_cast %scan3A_226 : i32 to index
      %get3A_708 = arith.constant 768 : index
      %get3A_709 = tpu.vector_load %arg9[%get3A_707, %get3A_708] {strides = array<i32>} : memref<16x1024xf32, #tpu.memory_space<vmem>>, vector<16xf32>,
      %get3A_710 = arith.index_cast %scan3A_226 : i32 to index
      %get3A_711 = arith.constant 768 : index
      %get3A_712 = tpu.vector_load %arg11[%get3A_710, %get3A_711] {strides = array<i32>} : memref<16x1024xf32, #tpu.memory_space<vmem>>, vector<16xf32>,
      %add3A_713 = arith.addf %get3A_709, %get3A_712 : vector<16xf32>
      %swap3A_714 = arith.index_cast %scan3A_226 : i32 to index
      %swap3A_715 = arith.constant 768 : index
      %swap3A_716 = tpu.vector_load %arg13[%swap3A_714, %swap3A_715] {strides = array<i32>} : memref<16x1024xf32, #tpu.memory_space<vmem>>, vector<16xf32>,
      tpu.vector_store %arg13[%swap3A_714, %swap3A_715], %add3A_713 {strides = array<i32>} : memref<16x1024xf32, #tpu.memory_space<vmem>>, vector<16xf32>,
      %get3A_717 = arith.index_cast %scan3A_226 : i32 to index
      %get3A_718 = arith.constant 784 : index
      %get3A_719 = tpu.vector_load %arg9[%get3A_717, %get3A_718] {strides = array<i32>} : memref<16x1024xf32, #tpu.memory_space<vmem>>, vector<16xf32>,
      %get3A_720 = arith.index_cast %scan3A_226 : i32 to index
      %get3A_721 = arith.constant 784 : index
      %get3A_722 = tpu.vector_load %arg11[%get3A_720, %get3A_721] {strides = array<i32>} : memref<16x1024xf32, #tpu.memory_space<vmem>>, vector<16xf32>,
      %add3A_723 = arith.addf %get3A_719, %get3A_722 : vector<16xf32>
      %swap3A_724 = arith.index_cast %scan3A_226 : i32 to index
      %swap3A_725 = arith.constant 784 : index
      %swap3A_726 = tpu.vector_load %arg13[%swap3A_724, %swap3A_725] {strides = array<i32>} : memref<16x1024xf32, #tpu.memory_space<vmem>>, vector<16xf32>,
      tpu.vector_store %arg13[%swap3A_724, %swap3A_725], %add3A_723 {strides = array<i32>} : memref<16x1024xf32, #tpu.memory_space<vmem>>, vector<16xf32>,
      %get3A_727 = arith.index_cast %scan3A_226 : i32 to index
      %get3A_728 = arith.constant 800 : index
      %get3A_729 = tpu.vector_load %arg9[%get3A_727, %get3A_728] {strides = array<i32>} : memref<16x1024xf32, #tpu.memory_space<vmem>>, vector<16xf32>,
      %get3A_730 = arith.index_cast %scan3A_226 : i32 to index
      %get3A_731 = arith.constant 800 : index
      %get3A_732 = tpu.vector_load %arg11[%get3A_730, %get3A_731] {strides = array<i32>} : memref<16x1024xf32, #tpu.memory_space<vmem>>, vector<16xf32>,
      %add3A_733 = arith.addf %get3A_729, %get3A_732 : vector<16xf32>
      %swap3A_734 = arith.index_cast %scan3A_226 : i32 to index
      %swap3A_735 = arith.constant 800 : index
      %swap3A_736 = tpu.vector_load %arg13[%swap3A_734, %swap3A_735] {strides = array<i32>} : memref<16x1024xf32, #tpu.memory_space<vmem>>, vector<16xf32>,
      tpu.vector_store %arg13[%swap3A_734, %swap3A_735], %add3A_733 {strides = array<i32>} : memref<16x1024xf32, #tpu.memory_space<vmem>>, vector<16xf32>,
      %get3A_737 = arith.index_cast %scan3A_226 : i32 to index
      %get3A_738 = arith.constant 816 : index
      %get3A_739 = tpu.vector_load %arg9[%get3A_737, %get3A_738] {strides = array<i32>} : memref<16x1024xf32, #tpu.memory_space<vmem>>, vector<16xf32>,
      %get3A_740 = arith.index_cast %scan3A_226 : i32 to index
      %get3A_741 = arith.constant 816 : index
      %get3A_742 = tpu.vector_load %arg11[%get3A_740, %get3A_741] {strides = array<i32>} : memref<16x1024xf32, #tpu.memory_space<vmem>>, vector<16xf32>,
      %add3A_743 = arith.addf %get3A_739, %get3A_742 : vector<16xf32>
      %swap3A_744 = arith.index_cast %scan3A_226 : i32 to index
      %swap3A_745 = arith.constant 816 : index
      %swap3A_746 = tpu.vector_load %arg13[%swap3A_744, %swap3A_745] {strides = array<i32>} : memref<16x1024xf32, #tpu.memory_space<vmem>>, vector<16xf32>,
      tpu.vector_store %arg13[%swap3A_744, %swap3A_745], %add3A_743 {strides = array<i32>} : memref<16x1024xf32, #tpu.memory_space<vmem>>, vector<16xf32>,
      %get3A_747 = arith.index_cast %scan3A_226 : i32 to index
      %get3A_748 = arith.constant 832 : index
      %get3A_749 = tpu.vector_load %arg9[%get3A_747, %get3A_748] {strides = array<i32>} : memref<16x1024xf32, #tpu.memory_space<vmem>>, vector<16xf32>,
      %get3A_750 = arith.index_cast %scan3A_226 : i32 to index
      %get3A_751 = arith.constant 832 : index
      %get3A_752 = tpu.vector_load %arg11[%get3A_750, %get3A_751] {strides = array<i32>} : memref<16x1024xf32, #tpu.memory_space<vmem>>, vector<16xf32>,
      %add3A_753 = arith.addf %get3A_749, %get3A_752 : vector<16xf32>
      %swap3A_754 = arith.index_cast %scan3A_226 : i32 to index
      %swap3A_755 = arith.constant 832 : index
      %swap3A_756 = tpu.vector_load %arg13[%swap3A_754, %swap3A_755] {strides = array<i32>} : memref<16x1024xf32, #tpu.memory_space<vmem>>, vector<16xf32>,
      tpu.vector_store %arg13[%swap3A_754, %swap3A_755], %add3A_753 {strides = array<i32>} : memref<16x1024xf32, #tpu.memory_space<vmem>>, vector<16xf32>,
      %get3A_757 = arith.index_cast %scan3A_226 : i32 to index
      %get3A_758 = arith.constant 848 : index
      %get3A_759 = tpu.vector_load %arg9[%get3A_757, %get3A_758] {strides = array<i32>} : memref<16x1024xf32, #tpu.memory_space<vmem>>, vector<16xf32>,
      %get3A_760 = arith.index_cast %scan3A_226 : i32 to index
      %get3A_761 = arith.constant 848 : index
      %get3A_762 = tpu.vector_load %arg11[%get3A_760, %get3A_761] {strides = array<i32>} : memref<16x1024xf32, #tpu.memory_space<vmem>>, vector<16xf32>,
      %add3A_763 = arith.addf %get3A_759, %get3A_762 : vector<16xf32>
      %swap3A_764 = arith.index_cast %scan3A_226 : i32 to index
      %swap3A_765 = arith.constant 848 : index
      %swap3A_766 = tpu.vector_load %arg13[%swap3A_764, %swap3A_765] {strides = array<i32>} : memref<16x1024xf32, #tpu.memory_space<vmem>>, vector<16xf32>,
      tpu.vector_store %arg13[%swap3A_764, %swap3A_765], %add3A_763 {strides = array<i32>} : memref<16x1024xf32, #tpu.memory_space<vmem>>, vector<16xf32>,
      %get3A_767 = arith.index_cast %scan3A_226 : i32 to index
      %get3A_768 = arith.constant 864 : index
      %get3A_769 = tpu.vector_load %arg9[%get3A_767, %get3A_768] {strides = array<i32>} : memref<16x1024xf32, #tpu.memory_space<vmem>>, vector<16xf32>,
      %get3A_770 = arith.index_cast %scan3A_226 : i32 to index
      %get3A_771 = arith.constant 864 : index
      %get3A_772 = tpu.vector_load %arg11[%get3A_770, %get3A_771] {strides = array<i32>} : memref<16x1024xf32, #tpu.memory_space<vmem>>, vector<16xf32>,
      %add3A_773 = arith.addf %get3A_769, %get3A_772 : vector<16xf32>
      %swap3A_774 = arith.index_cast %scan3A_226 : i32 to index
      %swap3A_775 = arith.constant 864 : index
      %swap3A_776 = tpu.vector_load %arg13[%swap3A_774, %swap3A_775] {strides = array<i32>} : memref<16x1024xf32, #tpu.memory_space<vmem>>, vector<16xf32>,
      tpu.vector_store %arg13[%swap3A_774, %swap3A_775], %add3A_773 {strides = array<i32>} : memref<16x1024xf32, #tpu.memory_space<vmem>>, vector<16xf32>,
      %get3A_777 = arith.index_cast %scan3A_226 : i32 to index
      %get3A_778 = arith.constant 880 : index
      %get3A_779 = tpu.vector_load %arg9[%get3A_777, %get3A_778] {strides = array<i32>} : memref<16x1024xf32, #tpu.memory_space<vmem>>, vector<16xf32>,
      %get3A_780 = arith.index_cast %scan3A_226 : i32 to index
      %get3A_781 = arith.constant 880 : index
      %get3A_782 = tpu.vector_load %arg11[%get3A_780, %get3A_781] {strides = array<i32>} : memref<16x1024xf32, #tpu.memory_space<vmem>>, vector<16xf32>,
      %add3A_783 = arith.addf %get3A_779, %get3A_782 : vector<16xf32>
      %swap3A_784 = arith.index_cast %scan3A_226 : i32 to index
      %swap3A_785 = arith.constant 880 : index
      %swap3A_786 = tpu.vector_load %arg13[%swap3A_784, %swap3A_785] {strides = array<i32>} : memref<16x1024xf32, #tpu.memory_space<vmem>>, vector<16xf32>,
      tpu.vector_store %arg13[%swap3A_784, %swap3A_785], %add3A_783 {strides = array<i32>} : memref<16x1024xf32, #tpu.memory_space<vmem>>, vector<16xf32>,
      %get3A_787 = arith.index_cast %scan3A_226 : i32 to index
      %get3A_788 = arith.constant 896 : index
      %get3A_789 = tpu.vector_load %arg9[%get3A_787, %get3A_788] {strides = array<i32>} : memref<16x1024xf32, #tpu.memory_space<vmem>>, vector<16xf32>,
      %get3A_790 = arith.index_cast %scan3A_226 : i32 to index
      %get3A_791 = arith.constant 896 : index
      %get3A_792 = tpu.vector_load %arg11[%get3A_790, %get3A_791] {strides = array<i32>} : memref<16x1024xf32, #tpu.memory_space<vmem>>, vector<16xf32>,
      %add3A_793 = arith.addf %get3A_789, %get3A_792 : vector<16xf32>
      %swap3A_794 = arith.index_cast %scan3A_226 : i32 to index
      %swap3A_795 = arith.constant 896 : index
      %swap3A_796 = tpu.vector_load %arg13[%swap3A_794, %swap3A_795] {strides = array<i32>} : memref<16x1024xf32, #tpu.memory_space<vmem>>, vector<16xf32>,
      tpu.vector_store %arg13[%swap3A_794, %swap3A_795], %add3A_793 {strides = array<i32>} : memref<16x1024xf32, #tpu.memory_space<vmem>>, vector<16xf32>,
      %get3A_797 = arith.index_cast %scan3A_226 : i32 to index
      %get3A_798 = arith.constant 912 : index
      %get3A_799 = tpu.vector_load %arg9[%get3A_797, %get3A_798] {strides = array<i32>} : memref<16x1024xf32, #tpu.memory_space<vmem>>, vector<16xf32>,
      %get3A_800 = arith.index_cast %scan3A_226 : i32 to index
      %get3A_801 = arith.constant 912 : index
      %get3A_802 = tpu.vector_load %arg11[%get3A_800, %get3A_801] {strides = array<i32>} : memref<16x1024xf32, #tpu.memory_space<vmem>>, vector<16xf32>,
      %add3A_803 = arith.addf %get3A_799, %get3A_802 : vector<16xf32>
      %swap3A_804 = arith.index_cast %scan3A_226 : i32 to index
      %swap3A_805 = arith.constant 912 : index
      %swap3A_806 = tpu.vector_load %arg13[%swap3A_804, %swap3A_805] {strides = array<i32>} : memref<16x1024xf32, #tpu.memory_space<vmem>>, vector<16xf32>,
      tpu.vector_store %arg13[%swap3A_804, %swap3A_805], %add3A_803 {strides = array<i32>} : memref<16x1024xf32, #tpu.memory_space<vmem>>, vector<16xf32>,
      %get3A_807 = arith.index_cast %scan3A_226 : i32 to index
      %get3A_808 = arith.constant 928 : index
      %get3A_809 = tpu.vector_load %arg9[%get3A_807, %get3A_808] {strides = array<i32>} : memref<16x1024xf32, #tpu.memory_space<vmem>>, vector<16xf32>,
      %get3A_810 = arith.index_cast %scan3A_226 : i32 to index
      %get3A_811 = arith.constant 928 : index
      %get3A_812 = tpu.vector_load %arg11[%get3A_810, %get3A_811] {strides = array<i32>} : memref<16x1024xf32, #tpu.memory_space<vmem>>, vector<16xf32>,
      %add3A_813 = arith.addf %get3A_809, %get3A_812 : vector<16xf32>
      %swap3A_814 = arith.index_cast %scan3A_226 : i32 to index
      %swap3A_815 = arith.constant 928 : index
      %swap3A_816 = tpu.vector_load %arg13[%swap3A_814, %swap3A_815] {strides = array<i32>} : memref<16x1024xf32, #tpu.memory_space<vmem>>, vector<16xf32>,
      tpu.vector_store %arg13[%swap3A_814, %swap3A_815], %add3A_813 {strides = array<i32>} : memref<16x1024xf32, #tpu.memory_space<vmem>>, vector<16xf32>,
      %get3A_817 = arith.index_cast %scan3A_226 : i32 to index
      %get3A_818 = arith.constant 944 : index
      %get3A_819 = tpu.vector_load %arg9[%get3A_817, %get3A_818] {strides = array<i32>} : memref<16x1024xf32, #tpu.memory_space<vmem>>, vector<16xf32>,
      %get3A_820 = arith.index_cast %scan3A_226 : i32 to index
      %get3A_821 = arith.constant 944 : index
      %get3A_822 = tpu.vector_load %arg11[%get3A_820, %get3A_821] {strides = array<i32>} : memref<16x1024xf32, #tpu.memory_space<vmem>>, vector<16xf32>,
      %add3A_823 = arith.addf %get3A_819, %get3A_822 : vector<16xf32>
      %swap3A_824 = arith.index_cast %scan3A_226 : i32 to index
      %swap3A_825 = arith.constant 944 : index
      %swap3A_826 = tpu.vector_load %arg13[%swap3A_824, %swap3A_825] {strides = array<i32>} : memref<16x1024xf32, #tpu.memory_space<vmem>>, vector<16xf32>,
      tpu.vector_store %arg13[%swap3A_824, %swap3A_825], %add3A_823 {strides = array<i32>} : memref<16x1024xf32, #tpu.memory_space<vmem>>, vector<16xf32>,
      %get3A_827 = arith.index_cast %scan3A_226 : i32 to index
      %get3A_828 = arith.constant 960 : index
      %get3A_829 = tpu.vector_load %arg9[%get3A_827, %get3A_828] {strides = array<i32>} : memref<16x1024xf32, #tpu.memory_space<vmem>>, vector<16xf32>,
      %get3A_830 = arith.index_cast %scan3A_226 : i32 to index
      %get3A_831 = arith.constant 960 : index
      %get3A_832 = tpu.vector_load %arg11[%get3A_830, %get3A_831] {strides = array<i32>} : memref<16x1024xf32, #tpu.memory_space<vmem>>, vector<16xf32>,
      %add3A_833 = arith.addf %get3A_829, %get3A_832 : vector<16xf32>
      %swap3A_834 = arith.index_cast %scan3A_226 : i32 to index
      %swap3A_835 = arith.constant 960 : index
      %swap3A_836 = tpu.vector_load %arg13[%swap3A_834, %swap3A_835] {strides = array<i32>} : memref<16x1024xf32, #tpu.memory_space<vmem>>, vector<16xf32>,
      tpu.vector_store %arg13[%swap3A_834, %swap3A_835], %add3A_833 {strides = array<i32>} : memref<16x1024xf32, #tpu.memory_space<vmem>>, vector<16xf32>,
      %get3A_837 = arith.index_cast %scan3A_226 : i32 to index
      %get3A_838 = arith.constant 976 : index
      %get3A_839 = tpu.vector_load %arg9[%get3A_837, %get3A_838] {strides = array<i32>} : memref<16x1024xf32, #tpu.memory_space<vmem>>, vector<16xf32>,
      %get3A_840 = arith.index_cast %scan3A_226 : i32 to index
      %get3A_841 = arith.constant 976 : index
      %get3A_842 = tpu.vector_load %arg11[%get3A_840, %get3A_841] {strides = array<i32>} : memref<16x1024xf32, #tpu.memory_space<vmem>>, vector<16xf32>,
      %add3A_843 = arith.addf %get3A_839, %get3A_842 : vector<16xf32>
      %swap3A_844 = arith.index_cast %scan3A_226 : i32 to index
      %swap3A_845 = arith.constant 976 : index
      %swap3A_846 = tpu.vector_load %arg13[%swap3A_844, %swap3A_845] {strides = array<i32>} : memref<16x1024xf32, #tpu.memory_space<vmem>>, vector<16xf32>,
      tpu.vector_store %arg13[%swap3A_844, %swap3A_845], %add3A_843 {strides = array<i32>} : memref<16x1024xf32, #tpu.memory_space<vmem>>, vector<16xf32>,
      %get3A_847 = arith.index_cast %scan3A_226 : i32 to index
      %get3A_848 = arith.constant 992 : index
      %get3A_849 = tpu.vector_load %arg9[%get3A_847, %get3A_848] {strides = array<i32>} : memref<16x1024xf32, #tpu.memory_space<vmem>>, vector<16xf32>,
      %get3A_850 = arith.index_cast %scan3A_226 : i32 to index
      %get3A_851 = arith.constant 992 : index
      %get3A_852 = tpu.vector_load %arg11[%get3A_850, %get3A_851] {strides = array<i32>} : memref<16x1024xf32, #tpu.memory_space<vmem>>, vector<16xf32>,
      %add3A_853 = arith.addf %get3A_849, %get3A_852 : vector<16xf32>
      %swap3A_854 = arith.index_cast %scan3A_226 : i32 to index
      %swap3A_855 = arith.constant 992 : index
      %swap3A_856 = tpu.vector_load %arg13[%swap3A_854, %swap3A_855] {strides = array<i32>} : memref<16x1024xf32, #tpu.memory_space<vmem>>, vector<16xf32>,
      tpu.vector_store %arg13[%swap3A_854, %swap3A_855], %add3A_853 {strides = array<i32>} : memref<16x1024xf32, #tpu.memory_space<vmem>>, vector<16xf32>,
      %get3A_857 = arith.index_cast %scan3A_226 : i32 to index
      %get3A_858 = arith.constant 1008 : index
      %get3A_859 = tpu.vector_load %arg9[%get3A_857, %get3A_858] {strides = array<i32>} : memref<16x1024xf32, #tpu.memory_space<vmem>>, vector<16xf32>,
      %get3A_860 = arith.index_cast %scan3A_226 : i32 to index
      %get3A_861 = arith.constant 1008 : index
      %get3A_862 = tpu.vector_load %arg11[%get3A_860, %get3A_861] {strides = array<i32>} : memref<16x1024xf32, #tpu.memory_space<vmem>>, vector<16xf32>,
      %add3A_863 = arith.addf %get3A_859, %get3A_862 : vector<16xf32>
      %swap3A_864 = arith.index_cast %scan3A_226 : i32 to index
      %swap3A_865 = arith.constant 1008 : index
      %swap3A_866 = tpu.vector_load %arg13[%swap3A_864, %swap3A_865] {strides = array<i32>} : memref<16x1024xf32, #tpu.memory_space<vmem>>, vector<16xf32>,
      tpu.vector_store %arg13[%swap3A_864, %swap3A_865], %add3A_863 {strides = array<i32>} : memref<16x1024xf32, #tpu.memory_space<vmem>>, vector<16xf32>,
    }
    %scan3A_189 = arith.constant 16 : i32
    %add3A_190 = arith.constant 32 : i32
    %add3A_191 = arith.addi %mul3A_2, %add3A_190 : i32
    %dma_start3A_192 = arith.constant 0 : i32
    %dma_start3A_193 = tpu.memref_slice %arg4[%add3A_191, %dma_start3A_192] : memref<2048x1024xf32, #tpu.memory_space<hbm>> -> memref<16x1024xf32, #tpu.memory_space<hbm>>
    %dma_start3A_194 = arith.constant 0 : i32
    %dma_start3A_195 = tpu.memref_slice %arg4[%add3A_191, %dma_start3A_194] : memref<2048x1024xf32, #tpu.memory_space<hbm>> -> memref<16x1024xf32, #tpu.memory_space<hbm>>
    tpu.enqueue_dma source(%arg13 : memref<16x1024xf32, #tpu.memory_space<vmem>>) target(%dma_start3A_195 : memref<16x1024xf32, #tpu.memory_space<hbm>>) target_semaphore(%arg19 : memref<!tpu.dma_semaphore, #tpu.memory_space<semaphore_mem>>)
    %dma_wait3A_196 = arith.constant 48 : i32
    %dma_wait3A_197 = tpu.memref_slice %arg7[%dma_wait3A_196] : memref<64xi32, #tpu.memory_space<vmem>> -> memref<16xi32, #tpu.memory_space<vmem>>
    %dma_wait3A_198 = arith.constant 0 : i32
    %dma_wait3A_199 = arith.constant 0 : i32
    %dma_wait3A_200 = tpu.memref_slice %arg2[%dma_wait3A_198, %dma_wait3A_199] : memref<4608x1024xf32, #tpu.memory_space<hbm>> -> memref<4608x1024xf32, #tpu.memory_space<hbm>>
    tpu.wait_indirect_dma semaphore(%arg16 : memref<!tpu.dma_semaphore, #tpu.memory_space<semaphore_mem>>) src(%dma_wait3A_200 : memref<4608x1024xf32, #tpu.memory_space<hbm>>) dst(%arg10 : memref<16x1024xf32, #tpu.memory_space<vmem>>)
    %dma_wait3A_201 = arith.constant 48 : i32
    %dma_wait3A_202 = tpu.memref_slice %arg8[%dma_wait3A_201] : memref<64xi32, #tpu.memory_space<vmem>> -> memref<16xi32, #tpu.memory_space<vmem>>
    %dma_wait3A_203 = arith.constant 0 : i32
    %dma_wait3A_204 = arith.constant 0 : i32
    %dma_wait3A_205 = tpu.memref_slice %arg2[%dma_wait3A_203, %dma_wait3A_204] : memref<4608x1024xf32, #tpu.memory_space<hbm>> -> memref<4608x1024xf32, #tpu.memory_space<hbm>>
    tpu.wait_indirect_dma semaphore(%arg18 : memref<!tpu.dma_semaphore, #tpu.memory_space<semaphore_mem>>) src(%dma_wait3A_205 : memref<4608x1024xf32, #tpu.memory_space<hbm>>) dst(%arg12 : memref<16x1024xf32, #tpu.memory_space<vmem>>)
    %scan3A_206 = arith.constant 0 : i32
    %scan3A_207 = arith.constant 0 : i32
    %scan3A_208 = arith.constant 16 : i32
    %scan3A_209 = arith.addi %scan3A_207, %scan3A_208 : i32
    %scan3A_210 = arith.constant 1 : i32
    scf.for %scan3A_226 = %scan3A_207 to %scan3A_209 step %scan3A_210  : i32 {
      %get3A_227 = arith.index_cast %scan3A_226 : i32 to index
      %get3A_228 = arith.constant 0 : index
      %get3A_229 = tpu.vector_load %arg10[%get3A_227, %get3A_228] {strides = array<i32>} : memref<16x1024xf32, #tpu.memory_space<vmem>>, vector<16xf32>,
      %get3A_230 = arith.index_cast %scan3A_226 : i32 to index
      %get3A_231 = arith.constant 0 : index
      %get3A_232 = tpu.vector_load %arg12[%get3A_230, %get3A_231] {strides = array<i32>} : memref<16x1024xf32, #tpu.memory_space<vmem>>, vector<16xf32>,
      %add3A_233 = arith.addf %get3A_229, %get3A_232 : vector<16xf32>
      %swap3A_234 = arith.index_cast %scan3A_226 : i32 to index
      %swap3A_235 = arith.constant 0 : index
      %swap3A_236 = tpu.vector_load %arg14[%swap3A_234, %swap3A_235] {strides = array<i32>} : memref<16x1024xf32, #tpu.memory_space<vmem>>, vector<16xf32>,
      tpu.vector_store %arg14[%swap3A_234, %swap3A_235], %add3A_233 {strides = array<i32>} : memref<16x1024xf32, #tpu.memory_space<vmem>>, vector<16xf32>,
      %get3A_237 = arith.index_cast %scan3A_226 : i32 to index
      %get3A_238 = arith.constant 16 : index
      %get3A_239 = tpu.vector_load %arg10[%get3A_237, %get3A_238] {strides = array<i32>} : memref<16x1024xf32, #tpu.memory_space<vmem>>, vector<16xf32>,
      %get3A_240 = arith.index_cast %scan3A_226 : i32 to index
      %get3A_241 = arith.constant 16 : index
      %get3A_242 = tpu.vector_load %arg12[%get3A_240, %get3A_241] {strides = array<i32>} : memref<16x1024xf32, #tpu.memory_space<vmem>>, vector<16xf32>,
      %add3A_243 = arith.addf %get3A_239, %get3A_242 : vector<16xf32>
      %swap3A_244 = arith.index_cast %scan3A_226 : i32 to index
      %swap3A_245 = arith.constant 16 : index
      %swap3A_246 = tpu.vector_load %arg14[%swap3A_244, %swap3A_245] {strides = array<i32>} : memref<16x1024xf32, #tpu.memory_space<vmem>>, vector<16xf32>,
      tpu.vector_store %arg14[%swap3A_244, %swap3A_245], %add3A_243 {strides = array<i32>} : memref<16x1024xf32, #tpu.memory_space<vmem>>, vector<16xf32>,
      %get3A_247 = arith.index_cast %scan3A_226 : i32 to index
      %get3A_248 = arith.constant 32 : index
      %get3A_249 = tpu.vector_load %arg10[%get3A_247, %get3A_248] {strides = array<i32>} : memref<16x1024xf32, #tpu.memory_space<vmem>>, vector<16xf32>,
      %get3A_250 = arith.index_cast %scan3A_226 : i32 to index
      %get3A_251 = arith.constant 32 : index
      %get3A_252 = tpu.vector_load %arg12[%get3A_250, %get3A_251] {strides = array<i32>} : memref<16x1024xf32, #tpu.memory_space<vmem>>, vector<16xf32>,
      %add3A_253 = arith.addf %get3A_249, %get3A_252 : vector<16xf32>
      %swap3A_254 = arith.index_cast %scan3A_226 : i32 to index
      %swap3A_255 = arith.constant 32 : index
      %swap3A_256 = tpu.vector_load %arg14[%swap3A_254, %swap3A_255] {strides = array<i32>} : memref<16x1024xf32, #tpu.memory_space<vmem>>, vector<16xf32>,
      tpu.vector_store %arg14[%swap3A_254, %swap3A_255], %add3A_253 {strides = array<i32>} : memref<16x1024xf32, #tpu.memory_space<vmem>>, vector<16xf32>,
      %get3A_257 = arith.index_cast %scan3A_226 : i32 to index
      %get3A_258 = arith.constant 48 : index
      %get3A_259 = tpu.vector_load %arg10[%get3A_257, %get3A_258] {strides = array<i32>} : memref<16x1024xf32, #tpu.memory_space<vmem>>, vector<16xf32>,
      %get3A_260 = arith.index_cast %scan3A_226 : i32 to index
      %get3A_261 = arith.constant 48 : index
      %get3A_262 = tpu.vector_load %arg12[%get3A_260, %get3A_261] {strides = array<i32>} : memref<16x1024xf32, #tpu.memory_space<vmem>>, vector<16xf32>,
      %add3A_263 = arith.addf %get3A_259, %get3A_262 : vector<16xf32>
      %swap3A_264 = arith.index_cast %scan3A_226 : i32 to index
      %swap3A_265 = arith.constant 48 : index
      %swap3A_266 = tpu.vector_load %arg14[%swap3A_264, %swap3A_265] {strides = array<i32>} : memref<16x1024xf32, #tpu.memory_space<vmem>>, vector<16xf32>,
      tpu.vector_store %arg14[%swap3A_264, %swap3A_265], %add3A_263 {strides = array<i32>} : memref<16x1024xf32, #tpu.memory_space<vmem>>, vector<16xf32>,
      %get3A_267 = arith.index_cast %scan3A_226 : i32 to index
      %get3A_268 = arith.constant 64 : index
      %get3A_269 = tpu.vector_load %arg10[%get3A_267, %get3A_268] {strides = array<i32>} : memref<16x1024xf32, #tpu.memory_space<vmem>>, vector<16xf32>,
      %get3A_270 = arith.index_cast %scan3A_226 : i32 to index
      %get3A_271 = arith.constant 64 : index
      %get3A_272 = tpu.vector_load %arg12[%get3A_270, %get3A_271] {strides = array<i32>} : memref<16x1024xf32, #tpu.memory_space<vmem>>, vector<16xf32>,
      %add3A_273 = arith.addf %get3A_269, %get3A_272 : vector<16xf32>
      %swap3A_274 = arith.index_cast %scan3A_226 : i32 to index
      %swap3A_275 = arith.constant 64 : index
      %swap3A_276 = tpu.vector_load %arg14[%swap3A_274, %swap3A_275] {strides = array<i32>} : memref<16x1024xf32, #tpu.memory_space<vmem>>, vector<16xf32>,
      tpu.vector_store %arg14[%swap3A_274, %swap3A_275], %add3A_273 {strides = array<i32>} : memref<16x1024xf32, #tpu.memory_space<vmem>>, vector<16xf32>,
      %get3A_277 = arith.index_cast %scan3A_226 : i32 to index
      %get3A_278 = arith.constant 80 : index
      %get3A_279 = tpu.vector_load %arg10[%get3A_277, %get3A_278] {strides = array<i32>} : memref<16x1024xf32, #tpu.memory_space<vmem>>, vector<16xf32>,
      %get3A_280 = arith.index_cast %scan3A_226 : i32 to index
      %get3A_281 = arith.constant 80 : index
      %get3A_282 = tpu.vector_load %arg12[%get3A_280, %get3A_281] {strides = array<i32>} : memref<16x1024xf32, #tpu.memory_space<vmem>>, vector<16xf32>,
      %add3A_283 = arith.addf %get3A_279, %get3A_282 : vector<16xf32>
      %swap3A_284 = arith.index_cast %scan3A_226 : i32 to index
      %swap3A_285 = arith.constant 80 : index
      %swap3A_286 = tpu.vector_load %arg14[%swap3A_284, %swap3A_285] {strides = array<i32>} : memref<16x1024xf32, #tpu.memory_space<vmem>>, vector<16xf32>,
      tpu.vector_store %arg14[%swap3A_284, %swap3A_285], %add3A_283 {strides = array<i32>} : memref<16x1024xf32, #tpu.memory_space<vmem>>, vector<16xf32>,
      %get3A_287 = arith.index_cast %scan3A_226 : i32 to index
      %get3A_288 = arith.constant 96 : index
      %get3A_289 = tpu.vector_load %arg10[%get3A_287, %get3A_288] {strides = array<i32>} : memref<16x1024xf32, #tpu.memory_space<vmem>>, vector<16xf32>,
      %get3A_290 = arith.index_cast %scan3A_226 : i32 to index
      %get3A_291 = arith.constant 96 : index
      %get3A_292 = tpu.vector_load %arg12[%get3A_290, %get3A_291] {strides = array<i32>} : memref<16x1024xf32, #tpu.memory_space<vmem>>, vector<16xf32>,
      %add3A_293 = arith.addf %get3A_289, %get3A_292 : vector<16xf32>
      %swap3A_294 = arith.index_cast %scan3A_226 : i32 to index
      %swap3A_295 = arith.constant 96 : index
      %swap3A_296 = tpu.vector_load %arg14[%swap3A_294, %swap3A_295] {strides = array<i32>} : memref<16x1024xf32, #tpu.memory_space<vmem>>, vector<16xf32>,
      tpu.vector_store %arg14[%swap3A_294, %swap3A_295], %add3A_293 {strides = array<i32>} : memref<16x1024xf32, #tpu.memory_space<vmem>>, vector<16xf32>,
      %get3A_297 = arith.index_cast %scan3A_226 : i32 to index
      %get3A_298 = arith.constant 112 : index
      %get3A_299 = tpu.vector_load %arg10[%get3A_297, %get3A_298] {strides = array<i32>} : memref<16x1024xf32, #tpu.memory_space<vmem>>, vector<16xf32>,
      %get3A_300 = arith.index_cast %scan3A_226 : i32 to index
      %get3A_301 = arith.constant 112 : index
      %get3A_302 = tpu.vector_load %arg12[%get3A_300, %get3A_301] {strides = array<i32>} : memref<16x1024xf32, #tpu.memory_space<vmem>>, vector<16xf32>,
      %add3A_303 = arith.addf %get3A_299, %get3A_302 : vector<16xf32>
      %swap3A_304 = arith.index_cast %scan3A_226 : i32 to index
      %swap3A_305 = arith.constant 112 : index
      %swap3A_306 = tpu.vector_load %arg14[%swap3A_304, %swap3A_305] {strides = array<i32>} : memref<16x1024xf32, #tpu.memory_space<vmem>>, vector<16xf32>,
      tpu.vector_store %arg14[%swap3A_304, %swap3A_305], %add3A_303 {strides = array<i32>} : memref<16x1024xf32, #tpu.memory_space<vmem>>, vector<16xf32>,
      %get3A_307 = arith.index_cast %scan3A_226 : i32 to index
      %get3A_308 = arith.constant 128 : index
      %get3A_309 = tpu.vector_load %arg10[%get3A_307, %get3A_308] {strides = array<i32>} : memref<16x1024xf32, #tpu.memory_space<vmem>>, vector<16xf32>,
      %get3A_310 = arith.index_cast %scan3A_226 : i32 to index
      %get3A_311 = arith.constant 128 : index
      %get3A_312 = tpu.vector_load %arg12[%get3A_310, %get3A_311] {strides = array<i32>} : memref<16x1024xf32, #tpu.memory_space<vmem>>, vector<16xf32>,
      %add3A_313 = arith.addf %get3A_309, %get3A_312 : vector<16xf32>
      %swap3A_314 = arith.index_cast %scan3A_226 : i32 to index
      %swap3A_315 = arith.constant 128 : index
      %swap3A_316 = tpu.vector_load %arg14[%swap3A_314, %swap3A_315] {strides = array<i32>} : memref<16x1024xf32, #tpu.memory_space<vmem>>, vector<16xf32>,
      tpu.vector_store %arg14[%swap3A_314, %swap3A_315], %add3A_313 {strides = array<i32>} : memref<16x1024xf32, #tpu.memory_space<vmem>>, vector<16xf32>,
      %get3A_317 = arith.index_cast %scan3A_226 : i32 to index
      %get3A_318 = arith.constant 144 : index
      %get3A_319 = tpu.vector_load %arg10[%get3A_317, %get3A_318] {strides = array<i32>} : memref<16x1024xf32, #tpu.memory_space<vmem>>, vector<16xf32>,
      %get3A_320 = arith.index_cast %scan3A_226 : i32 to index
      %get3A_321 = arith.constant 144 : index
      %get3A_322 = tpu.vector_load %arg12[%get3A_320, %get3A_321] {strides = array<i32>} : memref<16x1024xf32, #tpu.memory_space<vmem>>, vector<16xf32>,
      %add3A_323 = arith.addf %get3A_319, %get3A_322 : vector<16xf32>
      %swap3A_324 = arith.index_cast %scan3A_226 : i32 to index
      %swap3A_325 = arith.constant 144 : index
      %swap3A_326 = tpu.vector_load %arg14[%swap3A_324, %swap3A_325] {strides = array<i32>} : memref<16x1024xf32, #tpu.memory_space<vmem>>, vector<16xf32>,
      tpu.vector_store %arg14[%swap3A_324, %swap3A_325], %add3A_323 {strides = array<i32>} : memref<16x1024xf32, #tpu.memory_space<vmem>>, vector<16xf32>,
      %get3A_327 = arith.index_cast %scan3A_226 : i32 to index
      %get3A_328 = arith.constant 160 : index
      %get3A_329 = tpu.vector_load %arg10[%get3A_327, %get3A_328] {strides = array<i32>} : memref<16x1024xf32, #tpu.memory_space<vmem>>, vector<16xf32>,
      %get3A_330 = arith.index_cast %scan3A_226 : i32 to index
      %get3A_331 = arith.constant 160 : index
      %get3A_332 = tpu.vector_load %arg12[%get3A_330, %get3A_331] {strides = array<i32>} : memref<16x1024xf32, #tpu.memory_space<vmem>>, vector<16xf32>,
      %add3A_333 = arith.addf %get3A_329, %get3A_332 : vector<16xf32>
      %swap3A_334 = arith.index_cast %scan3A_226 : i32 to index
      %swap3A_335 = arith.constant 160 : index
      %swap3A_336 = tpu.vector_load %arg14[%swap3A_334, %swap3A_335] {strides = array<i32>} : memref<16x1024xf32, #tpu.memory_space<vmem>>, vector<16xf32>,
      tpu.vector_store %arg14[%swap3A_334, %swap3A_335], %add3A_333 {strides = array<i32>} : memref<16x1024xf32, #tpu.memory_space<vmem>>, vector<16xf32>,
      %get3A_337 = arith.index_cast %scan3A_226 : i32 to index
      %get3A_338 = arith.constant 176 : index
      %get3A_339 = tpu.vector_load %arg10[%get3A_337, %get3A_338] {strides = array<i32>} : memref<16x1024xf32, #tpu.memory_space<vmem>>, vector<16xf32>,
      %get3A_340 = arith.index_cast %scan3A_226 : i32 to index
      %get3A_341 = arith.constant 176 : index
      %get3A_342 = tpu.vector_load %arg12[%get3A_340, %get3A_341] {strides = array<i32>} : memref<16x1024xf32, #tpu.memory_space<vmem>>, vector<16xf32>,
      %add3A_343 = arith.addf %get3A_339, %get3A_342 : vector<16xf32>
      %swap3A_344 = arith.index_cast %scan3A_226 : i32 to index
      %swap3A_345 = arith.constant 176 : index
      %swap3A_346 = tpu.vector_load %arg14[%swap3A_344, %swap3A_345] {strides = array<i32>} : memref<16x1024xf32, #tpu.memory_space<vmem>>, vector<16xf32>,
      tpu.vector_store %arg14[%swap3A_344, %swap3A_345], %add3A_343 {strides = array<i32>} : memref<16x1024xf32, #tpu.memory_space<vmem>>, vector<16xf32>,
      %get3A_347 = arith.index_cast %scan3A_226 : i32 to index
      %get3A_348 = arith.constant 192 : index
      %get3A_349 = tpu.vector_load %arg10[%get3A_347, %get3A_348] {strides = array<i32>} : memref<16x1024xf32, #tpu.memory_space<vmem>>, vector<16xf32>,
      %get3A_350 = arith.index_cast %scan3A_226 : i32 to index
      %get3A_351 = arith.constant 192 : index
      %get3A_352 = tpu.vector_load %arg12[%get3A_350, %get3A_351] {strides = array<i32>} : memref<16x1024xf32, #tpu.memory_space<vmem>>, vector<16xf32>,
      %add3A_353 = arith.addf %get3A_349, %get3A_352 : vector<16xf32>
      %swap3A_354 = arith.index_cast %scan3A_226 : i32 to index
      %swap3A_355 = arith.constant 192 : index
      %swap3A_356 = tpu.vector_load %arg14[%swap3A_354, %swap3A_355] {strides = array<i32>} : memref<16x1024xf32, #tpu.memory_space<vmem>>, vector<16xf32>,
      tpu.vector_store %arg14[%swap3A_354, %swap3A_355], %add3A_353 {strides = array<i32>} : memref<16x1024xf32, #tpu.memory_space<vmem>>, vector<16xf32>,
      %get3A_357 = arith.index_cast %scan3A_226 : i32 to index
      %get3A_358 = arith.constant 208 : index
      %get3A_359 = tpu.vector_load %arg10[%get3A_357, %get3A_358] {strides = array<i32>} : memref<16x1024xf32, #tpu.memory_space<vmem>>, vector<16xf32>,
      %get3A_360 = arith.index_cast %scan3A_226 : i32 to index
      %get3A_361 = arith.constant 208 : index
      %get3A_362 = tpu.vector_load %arg12[%get3A_360, %get3A_361] {strides = array<i32>} : memref<16x1024xf32, #tpu.memory_space<vmem>>, vector<16xf32>,
      %add3A_363 = arith.addf %get3A_359, %get3A_362 : vector<16xf32>
      %swap3A_364 = arith.index_cast %scan3A_226 : i32 to index
      %swap3A_365 = arith.constant 208 : index
      %swap3A_366 = tpu.vector_load %arg14[%swap3A_364, %swap3A_365] {strides = array<i32>} : memref<16x1024xf32, #tpu.memory_space<vmem>>, vector<16xf32>,
      tpu.vector_store %arg14[%swap3A_364, %swap3A_365], %add3A_363 {strides = array<i32>} : memref<16x1024xf32, #tpu.memory_space<vmem>>, vector<16xf32>,
      %get3A_367 = arith.index_cast %scan3A_226 : i32 to index
      %get3A_368 = arith.constant 224 : index
      %get3A_369 = tpu.vector_load %arg10[%get3A_367, %get3A_368] {strides = array<i32>} : memref<16x1024xf32, #tpu.memory_space<vmem>>, vector<16xf32>,
      %get3A_370 = arith.index_cast %scan3A_226 : i32 to index
      %get3A_371 = arith.constant 224 : index
      %get3A_372 = tpu.vector_load %arg12[%get3A_370, %get3A_371] {strides = array<i32>} : memref<16x1024xf32, #tpu.memory_space<vmem>>, vector<16xf32>,
      %add3A_373 = arith.addf %get3A_369, %get3A_372 : vector<16xf32>
      %swap3A_374 = arith.index_cast %scan3A_226 : i32 to index
      %swap3A_375 = arith.constant 224 : index
      %swap3A_376 = tpu.vector_load %arg14[%swap3A_374, %swap3A_375] {strides = array<i32>} : memref<16x1024xf32, #tpu.memory_space<vmem>>, vector<16xf32>,
      tpu.vector_store %arg14[%swap3A_374, %swap3A_375], %add3A_373 {strides = array<i32>} : memref<16x1024xf32, #tpu.memory_space<vmem>>, vector<16xf32>,
      %get3A_377 = arith.index_cast %scan3A_226 : i32 to index
      %get3A_378 = arith.constant 240 : index
      %get3A_379 = tpu.vector_load %arg10[%get3A_377, %get3A_378] {strides = array<i32>} : memref<16x1024xf32, #tpu.memory_space<vmem>>, vector<16xf32>,
      %get3A_380 = arith.index_cast %scan3A_226 : i32 to index
      %get3A_381 = arith.constant 240 : index
      %get3A_382 = tpu.vector_load %arg12[%get3A_380, %get3A_381] {strides = array<i32>} : memref<16x1024xf32, #tpu.memory_space<vmem>>, vector<16xf32>,
      %add3A_383 = arith.addf %get3A_379, %get3A_382 : vector<16xf32>
      %swap3A_384 = arith.index_cast %scan3A_226 : i32 to index
      %swap3A_385 = arith.constant 240 : index
      %swap3A_386 = tpu.vector_load %arg14[%swap3A_384, %swap3A_385] {strides = array<i32>} : memref<16x1024xf32, #tpu.memory_space<vmem>>, vector<16xf32>,
      tpu.vector_store %arg14[%swap3A_384, %swap3A_385], %add3A_383 {strides = array<i32>} : memref<16x1024xf32, #tpu.memory_space<vmem>>, vector<16xf32>,
      %get3A_387 = arith.index_cast %scan3A_226 : i32 to index
      %get3A_388 = arith.constant 256 : index
      %get3A_389 = tpu.vector_load %arg10[%get3A_387, %get3A_388] {strides = array<i32>} : memref<16x1024xf32, #tpu.memory_space<vmem>>, vector<16xf32>,
      %get3A_390 = arith.index_cast %scan3A_226 : i32 to index
      %get3A_391 = arith.constant 256 : index
      %get3A_392 = tpu.vector_load %arg12[%get3A_390, %get3A_391] {strides = array<i32>} : memref<16x1024xf32, #tpu.memory_space<vmem>>, vector<16xf32>,
      %add3A_393 = arith.addf %get3A_389, %get3A_392 : vector<16xf32>
      %swap3A_394 = arith.index_cast %scan3A_226 : i32 to index
      %swap3A_395 = arith.constant 256 : index
      %swap3A_396 = tpu.vector_load %arg14[%swap3A_394, %swap3A_395] {strides = array<i32>} : memref<16x1024xf32, #tpu.memory_space<vmem>>, vector<16xf32>,
      tpu.vector_store %arg14[%swap3A_394, %swap3A_395], %add3A_393 {strides = array<i32>} : memref<16x1024xf32, #tpu.memory_space<vmem>>, vector<16xf32>,
      %get3A_397 = arith.index_cast %scan3A_226 : i32 to index
      %get3A_398 = arith.constant 272 : index
      %get3A_399 = tpu.vector_load %arg10[%get3A_397, %get3A_398] {strides = array<i32>} : memref<16x1024xf32, #tpu.memory_space<vmem>>, vector<16xf32>,
      %get3A_400 = arith.index_cast %scan3A_226 : i32 to index
      %get3A_401 = arith.constant 272 : index
      %get3A_402 = tpu.vector_load %arg12[%get3A_400, %get3A_401] {strides = array<i32>} : memref<16x1024xf32, #tpu.memory_space<vmem>>, vector<16xf32>,
      %add3A_403 = arith.addf %get3A_399, %get3A_402 : vector<16xf32>
      %swap3A_404 = arith.index_cast %scan3A_226 : i32 to index
      %swap3A_405 = arith.constant 272 : index
      %swap3A_406 = tpu.vector_load %arg14[%swap3A_404, %swap3A_405] {strides = array<i32>} : memref<16x1024xf32, #tpu.memory_space<vmem>>, vector<16xf32>,
      tpu.vector_store %arg14[%swap3A_404, %swap3A_405], %add3A_403 {strides = array<i32>} : memref<16x1024xf32, #tpu.memory_space<vmem>>, vector<16xf32>,
      %get3A_407 = arith.index_cast %scan3A_226 : i32 to index
      %get3A_408 = arith.constant 288 : index
      %get3A_409 = tpu.vector_load %arg10[%get3A_407, %get3A_408] {strides = array<i32>} : memref<16x1024xf32, #tpu.memory_space<vmem>>, vector<16xf32>,
      %get3A_410 = arith.index_cast %scan3A_226 : i32 to index
      %get3A_411 = arith.constant 288 : index
      %get3A_412 = tpu.vector_load %arg12[%get3A_410, %get3A_411] {strides = array<i32>} : memref<16x1024xf32, #tpu.memory_space<vmem>>, vector<16xf32>,
      %add3A_413 = arith.addf %get3A_409, %get3A_412 : vector<16xf32>
      %swap3A_414 = arith.index_cast %scan3A_226 : i32 to index
      %swap3A_415 = arith.constant 288 : index
      %swap3A_416 = tpu.vector_load %arg14[%swap3A_414, %swap3A_415] {strides = array<i32>} : memref<16x1024xf32, #tpu.memory_space<vmem>>, vector<16xf32>,
      tpu.vector_store %arg14[%swap3A_414, %swap3A_415], %add3A_413 {strides = array<i32>} : memref<16x1024xf32, #tpu.memory_space<vmem>>, vector<16xf32>,
      %get3A_417 = arith.index_cast %scan3A_226 : i32 to index
      %get3A_418 = arith.constant 304 : index
      %get3A_419 = tpu.vector_load %arg10[%get3A_417, %get3A_418] {strides = array<i32>} : memref<16x1024xf32, #tpu.memory_space<vmem>>, vector<16xf32>,
      %get3A_420 = arith.index_cast %scan3A_226 : i32 to index
      %get3A_421 = arith.constant 304 : index
      %get3A_422 = tpu.vector_load %arg12[%get3A_420, %get3A_421] {strides = array<i32>} : memref<16x1024xf32, #tpu.memory_space<vmem>>, vector<16xf32>,
      %add3A_423 = arith.addf %get3A_419, %get3A_422 : vector<16xf32>
      %swap3A_424 = arith.index_cast %scan3A_226 : i32 to index
      %swap3A_425 = arith.constant 304 : index
      %swap3A_426 = tpu.vector_load %arg14[%swap3A_424, %swap3A_425] {strides = array<i32>} : memref<16x1024xf32, #tpu.memory_space<vmem>>, vector<16xf32>,
      tpu.vector_store %arg14[%swap3A_424, %swap3A_425], %add3A_423 {strides = array<i32>} : memref<16x1024xf32, #tpu.memory_space<vmem>>, vector<16xf32>,
      %get3A_427 = arith.index_cast %scan3A_226 : i32 to index
      %get3A_428 = arith.constant 320 : index
      %get3A_429 = tpu.vector_load %arg10[%get3A_427, %get3A_428] {strides = array<i32>} : memref<16x1024xf32, #tpu.memory_space<vmem>>, vector<16xf32>,
      %get3A_430 = arith.index_cast %scan3A_226 : i32 to index
      %get3A_431 = arith.constant 320 : index
      %get3A_432 = tpu.vector_load %arg12[%get3A_430, %get3A_431] {strides = array<i32>} : memref<16x1024xf32, #tpu.memory_space<vmem>>, vector<16xf32>,
      %add3A_433 = arith.addf %get3A_429, %get3A_432 : vector<16xf32>
      %swap3A_434 = arith.index_cast %scan3A_226 : i32 to index
      %swap3A_435 = arith.constant 320 : index
      %swap3A_436 = tpu.vector_load %arg14[%swap3A_434, %swap3A_435] {strides = array<i32>} : memref<16x1024xf32, #tpu.memory_space<vmem>>, vector<16xf32>,
      tpu.vector_store %arg14[%swap3A_434, %swap3A_435], %add3A_433 {strides = array<i32>} : memref<16x1024xf32, #tpu.memory_space<vmem>>, vector<16xf32>,
      %get3A_437 = arith.index_cast %scan3A_226 : i32 to index
      %get3A_438 = arith.constant 336 : index
      %get3A_439 = tpu.vector_load %arg10[%get3A_437, %get3A_438] {strides = array<i32>} : memref<16x1024xf32, #tpu.memory_space<vmem>>, vector<16xf32>,
      %get3A_440 = arith.index_cast %scan3A_226 : i32 to index
      %get3A_441 = arith.constant 336 : index
      %get3A_442 = tpu.vector_load %arg12[%get3A_440, %get3A_441] {strides = array<i32>} : memref<16x1024xf32, #tpu.memory_space<vmem>>, vector<16xf32>,
      %add3A_443 = arith.addf %get3A_439, %get3A_442 : vector<16xf32>
      %swap3A_444 = arith.index_cast %scan3A_226 : i32 to index
      %swap3A_445 = arith.constant 336 : index
      %swap3A_446 = tpu.vector_load %arg14[%swap3A_444, %swap3A_445] {strides = array<i32>} : memref<16x1024xf32, #tpu.memory_space<vmem>>, vector<16xf32>,
      tpu.vector_store %arg14[%swap3A_444, %swap3A_445], %add3A_443 {strides = array<i32>} : memref<16x1024xf32, #tpu.memory_space<vmem>>, vector<16xf32>,
      %get3A_447 = arith.index_cast %scan3A_226 : i32 to index
      %get3A_448 = arith.constant 352 : index
      %get3A_449 = tpu.vector_load %arg10[%get3A_447, %get3A_448] {strides = array<i32>} : memref<16x1024xf32, #tpu.memory_space<vmem>>, vector<16xf32>,
      %get3A_450 = arith.index_cast %scan3A_226 : i32 to index
      %get3A_451 = arith.constant 352 : index
      %get3A_452 = tpu.vector_load %arg12[%get3A_450, %get3A_451] {strides = array<i32>} : memref<16x1024xf32, #tpu.memory_space<vmem>>, vector<16xf32>,
      %add3A_453 = arith.addf %get3A_449, %get3A_452 : vector<16xf32>
      %swap3A_454 = arith.index_cast %scan3A_226 : i32 to index
      %swap3A_455 = arith.constant 352 : index
      %swap3A_456 = tpu.vector_load %arg14[%swap3A_454, %swap3A_455] {strides = array<i32>} : memref<16x1024xf32, #tpu.memory_space<vmem>>, vector<16xf32>,
      tpu.vector_store %arg14[%swap3A_454, %swap3A_455], %add3A_453 {strides = array<i32>} : memref<16x1024xf32, #tpu.memory_space<vmem>>, vector<16xf32>,
      %get3A_457 = arith.index_cast %scan3A_226 : i32 to index
      %get3A_458 = arith.constant 368 : index
      %get3A_459 = tpu.vector_load %arg10[%get3A_457, %get3A_458] {strides = array<i32>} : memref<16x1024xf32, #tpu.memory_space<vmem>>, vector<16xf32>,
      %get3A_460 = arith.index_cast %scan3A_226 : i32 to index
      %get3A_461 = arith.constant 368 : index
      %get3A_462 = tpu.vector_load %arg12[%get3A_460, %get3A_461] {strides = array<i32>} : memref<16x1024xf32, #tpu.memory_space<vmem>>, vector<16xf32>,
      %add3A_463 = arith.addf %get3A_459, %get3A_462 : vector<16xf32>
      %swap3A_464 = arith.index_cast %scan3A_226 : i32 to index
      %swap3A_465 = arith.constant 368 : index
      %swap3A_466 = tpu.vector_load %arg14[%swap3A_464, %swap3A_465] {strides = array<i32>} : memref<16x1024xf32, #tpu.memory_space<vmem>>, vector<16xf32>,
      tpu.vector_store %arg14[%swap3A_464, %swap3A_465], %add3A_463 {strides = array<i32>} : memref<16x1024xf32, #tpu.memory_space<vmem>>, vector<16xf32>,
      %get3A_467 = arith.index_cast %scan3A_226 : i32 to index
      %get3A_468 = arith.constant 384 : index
      %get3A_469 = tpu.vector_load %arg10[%get3A_467, %get3A_468] {strides = array<i32>} : memref<16x1024xf32, #tpu.memory_space<vmem>>, vector<16xf32>,
      %get3A_470 = arith.index_cast %scan3A_226 : i32 to index
      %get3A_471 = arith.constant 384 : index
      %get3A_472 = tpu.vector_load %arg12[%get3A_470, %get3A_471] {strides = array<i32>} : memref<16x1024xf32, #tpu.memory_space<vmem>>, vector<16xf32>,
      %add3A_473 = arith.addf %get3A_469, %get3A_472 : vector<16xf32>
      %swap3A_474 = arith.index_cast %scan3A_226 : i32 to index
      %swap3A_475 = arith.constant 384 : index
      %swap3A_476 = tpu.vector_load %arg14[%swap3A_474, %swap3A_475] {strides = array<i32>} : memref<16x1024xf32, #tpu.memory_space<vmem>>, vector<16xf32>,
      tpu.vector_store %arg14[%swap3A_474, %swap3A_475], %add3A_473 {strides = array<i32>} : memref<16x1024xf32, #tpu.memory_space<vmem>>, vector<16xf32>,
      %get3A_477 = arith.index_cast %scan3A_226 : i32 to index
      %get3A_478 = arith.constant 400 : index
      %get3A_479 = tpu.vector_load %arg10[%get3A_477, %get3A_478] {strides = array<i32>} : memref<16x1024xf32, #tpu.memory_space<vmem>>, vector<16xf32>,
      %get3A_480 = arith.index_cast %scan3A_226 : i32 to index
      %get3A_481 = arith.constant 400 : index
      %get3A_482 = tpu.vector_load %arg12[%get3A_480, %get3A_481] {strides = array<i32>} : memref<16x1024xf32, #tpu.memory_space<vmem>>, vector<16xf32>,
      %add3A_483 = arith.addf %get3A_479, %get3A_482 : vector<16xf32>
      %swap3A_484 = arith.index_cast %scan3A_226 : i32 to index
      %swap3A_485 = arith.constant 400 : index
      %swap3A_486 = tpu.vector_load %arg14[%swap3A_484, %swap3A_485] {strides = array<i32>} : memref<16x1024xf32, #tpu.memory_space<vmem>>, vector<16xf32>,
      tpu.vector_store %arg14[%swap3A_484, %swap3A_485], %add3A_483 {strides = array<i32>} : memref<16x1024xf32, #tpu.memory_space<vmem>>, vector<16xf32>,
      %get3A_487 = arith.index_cast %scan3A_226 : i32 to index
      %get3A_488 = arith.constant 416 : index
      %get3A_489 = tpu.vector_load %arg10[%get3A_487, %get3A_488] {strides = array<i32>} : memref<16x1024xf32, #tpu.memory_space<vmem>>, vector<16xf32>,
      %get3A_490 = arith.index_cast %scan3A_226 : i32 to index
      %get3A_491 = arith.constant 416 : index
      %get3A_492 = tpu.vector_load %arg12[%get3A_490, %get3A_491] {strides = array<i32>} : memref<16x1024xf32, #tpu.memory_space<vmem>>, vector<16xf32>,
      %add3A_493 = arith.addf %get3A_489, %get3A_492 : vector<16xf32>
      %swap3A_494 = arith.index_cast %scan3A_226 : i32 to index
      %swap3A_495 = arith.constant 416 : index
      %swap3A_496 = tpu.vector_load %arg14[%swap3A_494, %swap3A_495] {strides = array<i32>} : memref<16x1024xf32, #tpu.memory_space<vmem>>, vector<16xf32>,
      tpu.vector_store %arg14[%swap3A_494, %swap3A_495], %add3A_493 {strides = array<i32>} : memref<16x1024xf32, #tpu.memory_space<vmem>>, vector<16xf32>,
      %get3A_497 = arith.index_cast %scan3A_226 : i32 to index
      %get3A_498 = arith.constant 432 : index
      %get3A_499 = tpu.vector_load %arg10[%get3A_497, %get3A_498] {strides = array<i32>} : memref<16x1024xf32, #tpu.memory_space<vmem>>, vector<16xf32>,
      %get3A_500 = arith.index_cast %scan3A_226 : i32 to index
      %get3A_501 = arith.constant 432 : index
      %get3A_502 = tpu.vector_load %arg12[%get3A_500, %get3A_501] {strides = array<i32>} : memref<16x1024xf32, #tpu.memory_space<vmem>>, vector<16xf32>,
      %add3A_503 = arith.addf %get3A_499, %get3A_502 : vector<16xf32>
      %swap3A_504 = arith.index_cast %scan3A_226 : i32 to index
      %swap3A_505 = arith.constant 432 : index
      %swap3A_506 = tpu.vector_load %arg14[%swap3A_504, %swap3A_505] {strides = array<i32>} : memref<16x1024xf32, #tpu.memory_space<vmem>>, vector<16xf32>,
      tpu.vector_store %arg14[%swap3A_504, %swap3A_505], %add3A_503 {strides = array<i32>} : memref<16x1024xf32, #tpu.memory_space<vmem>>, vector<16xf32>,
      %get3A_507 = arith.index_cast %scan3A_226 : i32 to index
      %get3A_508 = arith.constant 448 : index
      %get3A_509 = tpu.vector_load %arg10[%get3A_507, %get3A_508] {strides = array<i32>} : memref<16x1024xf32, #tpu.memory_space<vmem>>, vector<16xf32>,
      %get3A_510 = arith.index_cast %scan3A_226 : i32 to index
      %get3A_511 = arith.constant 448 : index
      %get3A_512 = tpu.vector_load %arg12[%get3A_510, %get3A_511] {strides = array<i32>} : memref<16x1024xf32, #tpu.memory_space<vmem>>, vector<16xf32>,
      %add3A_513 = arith.addf %get3A_509, %get3A_512 : vector<16xf32>
      %swap3A_514 = arith.index_cast %scan3A_226 : i32 to index
      %swap3A_515 = arith.constant 448 : index
      %swap3A_516 = tpu.vector_load %arg14[%swap3A_514, %swap3A_515] {strides = array<i32>} : memref<16x1024xf32, #tpu.memory_space<vmem>>, vector<16xf32>,
      tpu.vector_store %arg14[%swap3A_514, %swap3A_515], %add3A_513 {strides = array<i32>} : memref<16x1024xf32, #tpu.memory_space<vmem>>, vector<16xf32>,
      %get3A_517 = arith.index_cast %scan3A_226 : i32 to index
      %get3A_518 = arith.constant 464 : index
      %get3A_519 = tpu.vector_load %arg10[%get3A_517, %get3A_518] {strides = array<i32>} : memref<16x1024xf32, #tpu.memory_space<vmem>>, vector<16xf32>,
      %get3A_520 = arith.index_cast %scan3A_226 : i32 to index
      %get3A_521 = arith.constant 464 : index
      %get3A_522 = tpu.vector_load %arg12[%get3A_520, %get3A_521] {strides = array<i32>} : memref<16x1024xf32, #tpu.memory_space<vmem>>, vector<16xf32>,
      %add3A_523 = arith.addf %get3A_519, %get3A_522 : vector<16xf32>
      %swap3A_524 = arith.index_cast %scan3A_226 : i32 to index
      %swap3A_525 = arith.constant 464 : index
      %swap3A_526 = tpu.vector_load %arg14[%swap3A_524, %swap3A_525] {strides = array<i32>} : memref<16x1024xf32, #tpu.memory_space<vmem>>, vector<16xf32>,
      tpu.vector_store %arg14[%swap3A_524, %swap3A_525], %add3A_523 {strides = array<i32>} : memref<16x1024xf32, #tpu.memory_space<vmem>>, vector<16xf32>,
      %get3A_527 = arith.index_cast %scan3A_226 : i32 to index
      %get3A_528 = arith.constant 480 : index
      %get3A_529 = tpu.vector_load %arg10[%get3A_527, %get3A_528] {strides = array<i32>} : memref<16x1024xf32, #tpu.memory_space<vmem>>, vector<16xf32>,
      %get3A_530 = arith.index_cast %scan3A_226 : i32 to index
      %get3A_531 = arith.constant 480 : index
      %get3A_532 = tpu.vector_load %arg12[%get3A_530, %get3A_531] {strides = array<i32>} : memref<16x1024xf32, #tpu.memory_space<vmem>>, vector<16xf32>,
      %add3A_533 = arith.addf %get3A_529, %get3A_532 : vector<16xf32>
      %swap3A_534 = arith.index_cast %scan3A_226 : i32 to index
      %swap3A_535 = arith.constant 480 : index
      %swap3A_536 = tpu.vector_load %arg14[%swap3A_534, %swap3A_535] {strides = array<i32>} : memref<16x1024xf32, #tpu.memory_space<vmem>>, vector<16xf32>,
      tpu.vector_store %arg14[%swap3A_534, %swap3A_535], %add3A_533 {strides = array<i32>} : memref<16x1024xf32, #tpu.memory_space<vmem>>, vector<16xf32>,
      %get3A_537 = arith.index_cast %scan3A_226 : i32 to index
      %get3A_538 = arith.constant 496 : index
      %get3A_539 = tpu.vector_load %arg10[%get3A_537, %get3A_538] {strides = array<i32>} : memref<16x1024xf32, #tpu.memory_space<vmem>>, vector<16xf32>,
      %get3A_540 = arith.index_cast %scan3A_226 : i32 to index
      %get3A_541 = arith.constant 496 : index
      %get3A_542 = tpu.vector_load %arg12[%get3A_540, %get3A_541] {strides = array<i32>} : memref<16x1024xf32, #tpu.memory_space<vmem>>, vector<16xf32>,
      %add3A_543 = arith.addf %get3A_539, %get3A_542 : vector<16xf32>
      %swap3A_544 = arith.index_cast %scan3A_226 : i32 to index
      %swap3A_545 = arith.constant 496 : index
      %swap3A_546 = tpu.vector_load %arg14[%swap3A_544, %swap3A_545] {strides = array<i32>} : memref<16x1024xf32, #tpu.memory_space<vmem>>, vector<16xf32>,
      tpu.vector_store %arg14[%swap3A_544, %swap3A_545], %add3A_543 {strides = array<i32>} : memref<16x1024xf32, #tpu.memory_space<vmem>>, vector<16xf32>,
      %get3A_547 = arith.index_cast %scan3A_226 : i32 to index
      %get3A_548 = arith.constant 512 : index
      %get3A_549 = tpu.vector_load %arg10[%get3A_547, %get3A_548] {strides = array<i32>} : memref<16x1024xf32, #tpu.memory_space<vmem>>, vector<16xf32>,
      %get3A_550 = arith.index_cast %scan3A_226 : i32 to index
      %get3A_551 = arith.constant 512 : index
      %get3A_552 = tpu.vector_load %arg12[%get3A_550, %get3A_551] {strides = array<i32>} : memref<16x1024xf32, #tpu.memory_space<vmem>>, vector<16xf32>,
      %add3A_553 = arith.addf %get3A_549, %get3A_552 : vector<16xf32>
      %swap3A_554 = arith.index_cast %scan3A_226 : i32 to index
      %swap3A_555 = arith.constant 512 : index
      %swap3A_556 = tpu.vector_load %arg14[%swap3A_554, %swap3A_555] {strides = array<i32>} : memref<16x1024xf32, #tpu.memory_space<vmem>>, vector<16xf32>,
      tpu.vector_store %arg14[%swap3A_554, %swap3A_555], %add3A_553 {strides = array<i32>} : memref<16x1024xf32, #tpu.memory_space<vmem>>, vector<16xf32>,
      %get3A_557 = arith.index_cast %scan3A_226 : i32 to index
      %get3A_558 = arith.constant 528 : index
      %get3A_559 = tpu.vector_load %arg10[%get3A_557, %get3A_558] {strides = array<i32>} : memref<16x1024xf32, #tpu.memory_space<vmem>>, vector<16xf32>,
      %get3A_560 = arith.index_cast %scan3A_226 : i32 to index
      %get3A_561 = arith.constant 528 : index
      %get3A_562 = tpu.vector_load %arg12[%get3A_560, %get3A_561] {strides = array<i32>} : memref<16x1024xf32, #tpu.memory_space<vmem>>, vector<16xf32>,
      %add3A_563 = arith.addf %get3A_559, %get3A_562 : vector<16xf32>
      %swap3A_564 = arith.index_cast %scan3A_226 : i32 to index
      %swap3A_565 = arith.constant 528 : index
      %swap3A_566 = tpu.vector_load %arg14[%swap3A_564, %swap3A_565] {strides = array<i32>} : memref<16x1024xf32, #tpu.memory_space<vmem>>, vector<16xf32>,
      tpu.vector_store %arg14[%swap3A_564, %swap3A_565], %add3A_563 {strides = array<i32>} : memref<16x1024xf32, #tpu.memory_space<vmem>>, vector<16xf32>,
      %get3A_567 = arith.index_cast %scan3A_226 : i32 to index
      %get3A_568 = arith.constant 544 : index
      %get3A_569 = tpu.vector_load %arg10[%get3A_567, %get3A_568] {strides = array<i32>} : memref<16x1024xf32, #tpu.memory_space<vmem>>, vector<16xf32>,
      %get3A_570 = arith.index_cast %scan3A_226 : i32 to index
      %get3A_571 = arith.constant 544 : index
      %get3A_572 = tpu.vector_load %arg12[%get3A_570, %get3A_571] {strides = array<i32>} : memref<16x1024xf32, #tpu.memory_space<vmem>>, vector<16xf32>,
      %add3A_573 = arith.addf %get3A_569, %get3A_572 : vector<16xf32>
      %swap3A_574 = arith.index_cast %scan3A_226 : i32 to index
      %swap3A_575 = arith.constant 544 : index
      %swap3A_576 = tpu.vector_load %arg14[%swap3A_574, %swap3A_575] {strides = array<i32>} : memref<16x1024xf32, #tpu.memory_space<vmem>>, vector<16xf32>,
      tpu.vector_store %arg14[%swap3A_574, %swap3A_575], %add3A_573 {strides = array<i32>} : memref<16x1024xf32, #tpu.memory_space<vmem>>, vector<16xf32>,
      %get3A_577 = arith.index_cast %scan3A_226 : i32 to index
      %get3A_578 = arith.constant 560 : index
      %get3A_579 = tpu.vector_load %arg10[%get3A_577, %get3A_578] {strides = array<i32>} : memref<16x1024xf32, #tpu.memory_space<vmem>>, vector<16xf32>,
      %get3A_580 = arith.index_cast %scan3A_226 : i32 to index
      %get3A_581 = arith.constant 560 : index
      %get3A_582 = tpu.vector_load %arg12[%get3A_580, %get3A_581] {strides = array<i32>} : memref<16x1024xf32, #tpu.memory_space<vmem>>, vector<16xf32>,
      %add3A_583 = arith.addf %get3A_579, %get3A_582 : vector<16xf32>
      %swap3A_584 = arith.index_cast %scan3A_226 : i32 to index
      %swap3A_585 = arith.constant 560 : index
      %swap3A_586 = tpu.vector_load %arg14[%swap3A_584, %swap3A_585] {strides = array<i32>} : memref<16x1024xf32, #tpu.memory_space<vmem>>, vector<16xf32>,
      tpu.vector_store %arg14[%swap3A_584, %swap3A_585], %add3A_583 {strides = array<i32>} : memref<16x1024xf32, #tpu.memory_space<vmem>>, vector<16xf32>,
      %get3A_587 = arith.index_cast %scan3A_226 : i32 to index
      %get3A_588 = arith.constant 576 : index
      %get3A_589 = tpu.vector_load %arg10[%get3A_587, %get3A_588] {strides = array<i32>} : memref<16x1024xf32, #tpu.memory_space<vmem>>, vector<16xf32>,
      %get3A_590 = arith.index_cast %scan3A_226 : i32 to index
      %get3A_591 = arith.constant 576 : index
      %get3A_592 = tpu.vector_load %arg12[%get3A_590, %get3A_591] {strides = array<i32>} : memref<16x1024xf32, #tpu.memory_space<vmem>>, vector<16xf32>,
      %add3A_593 = arith.addf %get3A_589, %get3A_592 : vector<16xf32>
      %swap3A_594 = arith.index_cast %scan3A_226 : i32 to index
      %swap3A_595 = arith.constant 576 : index
      %swap3A_596 = tpu.vector_load %arg14[%swap3A_594, %swap3A_595] {strides = array<i32>} : memref<16x1024xf32, #tpu.memory_space<vmem>>, vector<16xf32>,
      tpu.vector_store %arg14[%swap3A_594, %swap3A_595], %add3A_593 {strides = array<i32>} : memref<16x1024xf32, #tpu.memory_space<vmem>>, vector<16xf32>,
      %get3A_597 = arith.index_cast %scan3A_226 : i32 to index
      %get3A_598 = arith.constant 592 : index
      %get3A_599 = tpu.vector_load %arg10[%get3A_597, %get3A_598] {strides = array<i32>} : memref<16x1024xf32, #tpu.memory_space<vmem>>, vector<16xf32>,
      %get3A_600 = arith.index_cast %scan3A_226 : i32 to index
      %get3A_601 = arith.constant 592 : index
      %get3A_602 = tpu.vector_load %arg12[%get3A_600, %get3A_601] {strides = array<i32>} : memref<16x1024xf32, #tpu.memory_space<vmem>>, vector<16xf32>,
      %add3A_603 = arith.addf %get3A_599, %get3A_602 : vector<16xf32>
      %swap3A_604 = arith.index_cast %scan3A_226 : i32 to index
      %swap3A_605 = arith.constant 592 : index
      %swap3A_606 = tpu.vector_load %arg14[%swap3A_604, %swap3A_605] {strides = array<i32>} : memref<16x1024xf32, #tpu.memory_space<vmem>>, vector<16xf32>,
      tpu.vector_store %arg14[%swap3A_604, %swap3A_605], %add3A_603 {strides = array<i32>} : memref<16x1024xf32, #tpu.memory_space<vmem>>, vector<16xf32>,
      %get3A_607 = arith.index_cast %scan3A_226 : i32 to index
      %get3A_608 = arith.constant 608 : index
      %get3A_609 = tpu.vector_load %arg10[%get3A_607, %get3A_608] {strides = array<i32>} : memref<16x1024xf32, #tpu.memory_space<vmem>>, vector<16xf32>,
      %get3A_610 = arith.index_cast %scan3A_226 : i32 to index
      %get3A_611 = arith.constant 608 : index
      %get3A_612 = tpu.vector_load %arg12[%get3A_610, %get3A_611] {strides = array<i32>} : memref<16x1024xf32, #tpu.memory_space<vmem>>, vector<16xf32>,
      %add3A_613 = arith.addf %get3A_609, %get3A_612 : vector<16xf32>
      %swap3A_614 = arith.index_cast %scan3A_226 : i32 to index
      %swap3A_615 = arith.constant 608 : index
      %swap3A_616 = tpu.vector_load %arg14[%swap3A_614, %swap3A_615] {strides = array<i32>} : memref<16x1024xf32, #tpu.memory_space<vmem>>, vector<16xf32>,
      tpu.vector_store %arg14[%swap3A_614, %swap3A_615], %add3A_613 {strides = array<i32>} : memref<16x1024xf32, #tpu.memory_space<vmem>>, vector<16xf32>,
      %get3A_617 = arith.index_cast %scan3A_226 : i32 to index
      %get3A_618 = arith.constant 624 : index
      %get3A_619 = tpu.vector_load %arg10[%get3A_617, %get3A_618] {strides = array<i32>} : memref<16x1024xf32, #tpu.memory_space<vmem>>, vector<16xf32>,
      %get3A_620 = arith.index_cast %scan3A_226 : i32 to index
      %get3A_621 = arith.constant 624 : index
      %get3A_622 = tpu.vector_load %arg12[%get3A_620, %get3A_621] {strides = array<i32>} : memref<16x1024xf32, #tpu.memory_space<vmem>>, vector<16xf32>,
      %add3A_623 = arith.addf %get3A_619, %get3A_622 : vector<16xf32>
      %swap3A_624 = arith.index_cast %scan3A_226 : i32 to index
      %swap3A_625 = arith.constant 624 : index
      %swap3A_626 = tpu.vector_load %arg14[%swap3A_624, %swap3A_625] {strides = array<i32>} : memref<16x1024xf32, #tpu.memory_space<vmem>>, vector<16xf32>,
      tpu.vector_store %arg14[%swap3A_624, %swap3A_625], %add3A_623 {strides = array<i32>} : memref<16x1024xf32, #tpu.memory_space<vmem>>, vector<16xf32>,
      %get3A_627 = arith.index_cast %scan3A_226 : i32 to index
      %get3A_628 = arith.constant 640 : index
      %get3A_629 = tpu.vector_load %arg10[%get3A_627, %get3A_628] {strides = array<i32>} : memref<16x1024xf32, #tpu.memory_space<vmem>>, vector<16xf32>,
      %get3A_630 = arith.index_cast %scan3A_226 : i32 to index
      %get3A_631 = arith.constant 640 : index
      %get3A_632 = tpu.vector_load %arg12[%get3A_630, %get3A_631] {strides = array<i32>} : memref<16x1024xf32, #tpu.memory_space<vmem>>, vector<16xf32>,
      %add3A_633 = arith.addf %get3A_629, %get3A_632 : vector<16xf32>
      %swap3A_634 = arith.index_cast %scan3A_226 : i32 to index
      %swap3A_635 = arith.constant 640 : index
      %swap3A_636 = tpu.vector_load %arg14[%swap3A_634, %swap3A_635] {strides = array<i32>} : memref<16x1024xf32, #tpu.memory_space<vmem>>, vector<16xf32>,
      tpu.vector_store %arg14[%swap3A_634, %swap3A_635], %add3A_633 {strides = array<i32>} : memref<16x1024xf32, #tpu.memory_space<vmem>>, vector<16xf32>,
      %get3A_637 = arith.index_cast %scan3A_226 : i32 to index
      %get3A_638 = arith.constant 656 : index
      %get3A_639 = tpu.vector_load %arg10[%get3A_637, %get3A_638] {strides = array<i32>} : memref<16x1024xf32, #tpu.memory_space<vmem>>, vector<16xf32>,
      %get3A_640 = arith.index_cast %scan3A_226 : i32 to index
      %get3A_641 = arith.constant 656 : index
      %get3A_642 = tpu.vector_load %arg12[%get3A_640, %get3A_641] {strides = array<i32>} : memref<16x1024xf32, #tpu.memory_space<vmem>>, vector<16xf32>,
      %add3A_643 = arith.addf %get3A_639, %get3A_642 : vector<16xf32>
      %swap3A_644 = arith.index_cast %scan3A_226 : i32 to index
      %swap3A_645 = arith.constant 656 : index
      %swap3A_646 = tpu.vector_load %arg14[%swap3A_644, %swap3A_645] {strides = array<i32>} : memref<16x1024xf32, #tpu.memory_space<vmem>>, vector<16xf32>,
      tpu.vector_store %arg14[%swap3A_644, %swap3A_645], %add3A_643 {strides = array<i32>} : memref<16x1024xf32, #tpu.memory_space<vmem>>, vector<16xf32>,
      %get3A_647 = arith.index_cast %scan3A_226 : i32 to index
      %get3A_648 = arith.constant 672 : index
      %get3A_649 = tpu.vector_load %arg10[%get3A_647, %get3A_648] {strides = array<i32>} : memref<16x1024xf32, #tpu.memory_space<vmem>>, vector<16xf32>,
      %get3A_650 = arith.index_cast %scan3A_226 : i32 to index
      %get3A_651 = arith.constant 672 : index
      %get3A_652 = tpu.vector_load %arg12[%get3A_650, %get3A_651] {strides = array<i32>} : memref<16x1024xf32, #tpu.memory_space<vmem>>, vector<16xf32>,
      %add3A_653 = arith.addf %get3A_649, %get3A_652 : vector<16xf32>
      %swap3A_654 = arith.index_cast %scan3A_226 : i32 to index
      %swap3A_655 = arith.constant 672 : index
      %swap3A_656 = tpu.vector_load %arg14[%swap3A_654, %swap3A_655] {strides = array<i32>} : memref<16x1024xf32, #tpu.memory_space<vmem>>, vector<16xf32>,
      tpu.vector_store %arg14[%swap3A_654, %swap3A_655], %add3A_653 {strides = array<i32>} : memref<16x1024xf32, #tpu.memory_space<vmem>>, vector<16xf32>,
      %get3A_657 = arith.index_cast %scan3A_226 : i32 to index
      %get3A_658 = arith.constant 688 : index
      %get3A_659 = tpu.vector_load %arg10[%get3A_657, %get3A_658] {strides = array<i32>} : memref<16x1024xf32, #tpu.memory_space<vmem>>, vector<16xf32>,
      %get3A_660 = arith.index_cast %scan3A_226 : i32 to index
      %get3A_661 = arith.constant 688 : index
      %get3A_662 = tpu.vector_load %arg12[%get3A_660, %get3A_661] {strides = array<i32>} : memref<16x1024xf32, #tpu.memory_space<vmem>>, vector<16xf32>,
      %add3A_663 = arith.addf %get3A_659, %get3A_662 : vector<16xf32>
      %swap3A_664 = arith.index_cast %scan3A_226 : i32 to index
      %swap3A_665 = arith.constant 688 : index
      %swap3A_666 = tpu.vector_load %arg14[%swap3A_664, %swap3A_665] {strides = array<i32>} : memref<16x1024xf32, #tpu.memory_space<vmem>>, vector<16xf32>,
      tpu.vector_store %arg14[%swap3A_664, %swap3A_665], %add3A_663 {strides = array<i32>} : memref<16x1024xf32, #tpu.memory_space<vmem>>, vector<16xf32>,
      %get3A_667 = arith.index_cast %scan3A_226 : i32 to index
      %get3A_668 = arith.constant 704 : index
      %get3A_669 = tpu.vector_load %arg10[%get3A_667, %get3A_668] {strides = array<i32>} : memref<16x1024xf32, #tpu.memory_space<vmem>>, vector<16xf32>,
      %get3A_670 = arith.index_cast %scan3A_226 : i32 to index
      %get3A_671 = arith.constant 704 : index
      %get3A_672 = tpu.vector_load %arg12[%get3A_670, %get3A_671] {strides = array<i32>} : memref<16x1024xf32, #tpu.memory_space<vmem>>, vector<16xf32>,
      %add3A_673 = arith.addf %get3A_669, %get3A_672 : vector<16xf32>
      %swap3A_674 = arith.index_cast %scan3A_226 : i32 to index
      %swap3A_675 = arith.constant 704 : index
      %swap3A_676 = tpu.vector_load %arg14[%swap3A_674, %swap3A_675] {strides = array<i32>} : memref<16x1024xf32, #tpu.memory_space<vmem>>, vector<16xf32>,
      tpu.vector_store %arg14[%swap3A_674, %swap3A_675], %add3A_673 {strides = array<i32>} : memref<16x1024xf32, #tpu.memory_space<vmem>>, vector<16xf32>,
      %get3A_677 = arith.index_cast %scan3A_226 : i32 to index
      %get3A_678 = arith.constant 720 : index
      %get3A_679 = tpu.vector_load %arg10[%get3A_677, %get3A_678] {strides = array<i32>} : memref<16x1024xf32, #tpu.memory_space<vmem>>, vector<16xf32>,
      %get3A_680 = arith.index_cast %scan3A_226 : i32 to index
      %get3A_681 = arith.constant 720 : index
      %get3A_682 = tpu.vector_load %arg12[%get3A_680, %get3A_681] {strides = array<i32>} : memref<16x1024xf32, #tpu.memory_space<vmem>>, vector<16xf32>,
      %add3A_683 = arith.addf %get3A_679, %get3A_682 : vector<16xf32>
      %swap3A_684 = arith.index_cast %scan3A_226 : i32 to index
      %swap3A_685 = arith.constant 720 : index
      %swap3A_686 = tpu.vector_load %arg14[%swap3A_684, %swap3A_685] {strides = array<i32>} : memref<16x1024xf32, #tpu.memory_space<vmem>>, vector<16xf32>,
      tpu.vector_store %arg14[%swap3A_684, %swap3A_685], %add3A_683 {strides = array<i32>} : memref<16x1024xf32, #tpu.memory_space<vmem>>, vector<16xf32>,
      %get3A_687 = arith.index_cast %scan3A_226 : i32 to index
      %get3A_688 = arith.constant 736 : index
      %get3A_689 = tpu.vector_load %arg10[%get3A_687, %get3A_688] {strides = array<i32>} : memref<16x1024xf32, #tpu.memory_space<vmem>>, vector<16xf32>,
      %get3A_690 = arith.index_cast %scan3A_226 : i32 to index
      %get3A_691 = arith.constant 736 : index
      %get3A_692 = tpu.vector_load %arg12[%get3A_690, %get3A_691] {strides = array<i32>} : memref<16x1024xf32, #tpu.memory_space<vmem>>, vector<16xf32>,
      %add3A_693 = arith.addf %get3A_689, %get3A_692 : vector<16xf32>
      %swap3A_694 = arith.index_cast %scan3A_226 : i32 to index
      %swap3A_695 = arith.constant 736 : index
      %swap3A_696 = tpu.vector_load %arg14[%swap3A_694, %swap3A_695] {strides = array<i32>} : memref<16x1024xf32, #tpu.memory_space<vmem>>, vector<16xf32>,
      tpu.vector_store %arg14[%swap3A_694, %swap3A_695], %add3A_693 {strides = array<i32>} : memref<16x1024xf32, #tpu.memory_space<vmem>>, vector<16xf32>,
      %get3A_697 = arith.index_cast %scan3A_226 : i32 to index
      %get3A_698 = arith.constant 752 : index
      %get3A_699 = tpu.vector_load %arg10[%get3A_697, %get3A_698] {strides = array<i32>} : memref<16x1024xf32, #tpu.memory_space<vmem>>, vector<16xf32>,
      %get3A_700 = arith.index_cast %scan3A_226 : i32 to index
      %get3A_701 = arith.constant 752 : index
      %get3A_702 = tpu.vector_load %arg12[%get3A_700, %get3A_701] {strides = array<i32>} : memref<16x1024xf32, #tpu.memory_space<vmem>>, vector<16xf32>,
      %add3A_703 = arith.addf %get3A_699, %get3A_702 : vector<16xf32>
      %swap3A_704 = arith.index_cast %scan3A_226 : i32 to index
      %swap3A_705 = arith.constant 752 : index
      %swap3A_706 = tpu.vector_load %arg14[%swap3A_704, %swap3A_705] {strides = array<i32>} : memref<16x1024xf32, #tpu.memory_space<vmem>>, vector<16xf32>,
      tpu.vector_store %arg14[%swap3A_704, %swap3A_705], %add3A_703 {strides = array<i32>} : memref<16x1024xf32, #tpu.memory_space<vmem>>, vector<16xf32>,
      %get3A_707 = arith.index_cast %scan3A_226 : i32 to index
      %get3A_708 = arith.constant 768 : index
      %get3A_709 = tpu.vector_load %arg10[%get3A_707, %get3A_708] {strides = array<i32>} : memref<16x1024xf32, #tpu.memory_space<vmem>>, vector<16xf32>,
      %get3A_710 = arith.index_cast %scan3A_226 : i32 to index
      %get3A_711 = arith.constant 768 : index
      %get3A_712 = tpu.vector_load %arg12[%get3A_710, %get3A_711] {strides = array<i32>} : memref<16x1024xf32, #tpu.memory_space<vmem>>, vector<16xf32>,
      %add3A_713 = arith.addf %get3A_709, %get3A_712 : vector<16xf32>
      %swap3A_714 = arith.index_cast %scan3A_226 : i32 to index
      %swap3A_715 = arith.constant 768 : index
      %swap3A_716 = tpu.vector_load %arg14[%swap3A_714, %swap3A_715] {strides = array<i32>} : memref<16x1024xf32, #tpu.memory_space<vmem>>, vector<16xf32>,
      tpu.vector_store %arg14[%swap3A_714, %swap3A_715], %add3A_713 {strides = array<i32>} : memref<16x1024xf32, #tpu.memory_space<vmem>>, vector<16xf32>,
      %get3A_717 = arith.index_cast %scan3A_226 : i32 to index
      %get3A_718 = arith.constant 784 : index
      %get3A_719 = tpu.vector_load %arg10[%get3A_717, %get3A_718] {strides = array<i32>} : memref<16x1024xf32, #tpu.memory_space<vmem>>, vector<16xf32>,
      %get3A_720 = arith.index_cast %scan3A_226 : i32 to index
      %get3A_721 = arith.constant 784 : index
      %get3A_722 = tpu.vector_load %arg12[%get3A_720, %get3A_721] {strides = array<i32>} : memref<16x1024xf32, #tpu.memory_space<vmem>>, vector<16xf32>,
      %add3A_723 = arith.addf %get3A_719, %get3A_722 : vector<16xf32>
      %swap3A_724 = arith.index_cast %scan3A_226 : i32 to index
      %swap3A_725 = arith.constant 784 : index
      %swap3A_726 = tpu.vector_load %arg14[%swap3A_724, %swap3A_725] {strides = array<i32>} : memref<16x1024xf32, #tpu.memory_space<vmem>>, vector<16xf32>,
      tpu.vector_store %arg14[%swap3A_724, %swap3A_725], %add3A_723 {strides = array<i32>} : memref<16x1024xf32, #tpu.memory_space<vmem>>, vector<16xf32>,
      %get3A_727 = arith.index_cast %scan3A_226 : i32 to index
      %get3A_728 = arith.constant 800 : index
      %get3A_729 = tpu.vector_load %arg10[%get3A_727, %get3A_728] {strides = array<i32>} : memref<16x1024xf32, #tpu.memory_space<vmem>>, vector<16xf32>,
      %get3A_730 = arith.index_cast %scan3A_226 : i32 to index
      %get3A_731 = arith.constant 800 : index
      %get3A_732 = tpu.vector_load %arg12[%get3A_730, %get3A_731] {strides = array<i32>} : memref<16x1024xf32, #tpu.memory_space<vmem>>, vector<16xf32>,
      %add3A_733 = arith.addf %get3A_729, %get3A_732 : vector<16xf32>
      %swap3A_734 = arith.index_cast %scan3A_226 : i32 to index
      %swap3A_735 = arith.constant 800 : index
      %swap3A_736 = tpu.vector_load %arg14[%swap3A_734, %swap3A_735] {strides = array<i32>} : memref<16x1024xf32, #tpu.memory_space<vmem>>, vector<16xf32>,
      tpu.vector_store %arg14[%swap3A_734, %swap3A_735], %add3A_733 {strides = array<i32>} : memref<16x1024xf32, #tpu.memory_space<vmem>>, vector<16xf32>,
      %get3A_737 = arith.index_cast %scan3A_226 : i32 to index
      %get3A_738 = arith.constant 816 : index
      %get3A_739 = tpu.vector_load %arg10[%get3A_737, %get3A_738] {strides = array<i32>} : memref<16x1024xf32, #tpu.memory_space<vmem>>, vector<16xf32>,
      %get3A_740 = arith.index_cast %scan3A_226 : i32 to index
      %get3A_741 = arith.constant 816 : index
      %get3A_742 = tpu.vector_load %arg12[%get3A_740, %get3A_741] {strides = array<i32>} : memref<16x1024xf32, #tpu.memory_space<vmem>>, vector<16xf32>,
      %add3A_743 = arith.addf %get3A_739, %get3A_742 : vector<16xf32>
      %swap3A_744 = arith.index_cast %scan3A_226 : i32 to index
      %swap3A_745 = arith.constant 816 : index
      %swap3A_746 = tpu.vector_load %arg14[%swap3A_744, %swap3A_745] {strides = array<i32>} : memref<16x1024xf32, #tpu.memory_space<vmem>>, vector<16xf32>,
      tpu.vector_store %arg14[%swap3A_744, %swap3A_745], %add3A_743 {strides = array<i32>} : memref<16x1024xf32, #tpu.memory_space<vmem>>, vector<16xf32>,
      %get3A_747 = arith.index_cast %scan3A_226 : i32 to index
      %get3A_748 = arith.constant 832 : index
      %get3A_749 = tpu.vector_load %arg10[%get3A_747, %get3A_748] {strides = array<i32>} : memref<16x1024xf32, #tpu.memory_space<vmem>>, vector<16xf32>,
      %get3A_750 = arith.index_cast %scan3A_226 : i32 to index
      %get3A_751 = arith.constant 832 : index
      %get3A_752 = tpu.vector_load %arg12[%get3A_750, %get3A_751] {strides = array<i32>} : memref<16x1024xf32, #tpu.memory_space<vmem>>, vector<16xf32>,
      %add3A_753 = arith.addf %get3A_749, %get3A_752 : vector<16xf32>
      %swap3A_754 = arith.index_cast %scan3A_226 : i32 to index
      %swap3A_755 = arith.constant 832 : index
      %swap3A_756 = tpu.vector_load %arg14[%swap3A_754, %swap3A_755] {strides = array<i32>} : memref<16x1024xf32, #tpu.memory_space<vmem>>, vector<16xf32>,
      tpu.vector_store %arg14[%swap3A_754, %swap3A_755], %add3A_753 {strides = array<i32>} : memref<16x1024xf32, #tpu.memory_space<vmem>>, vector<16xf32>,
      %get3A_757 = arith.index_cast %scan3A_226 : i32 to index
      %get3A_758 = arith.constant 848 : index
      %get3A_759 = tpu.vector_load %arg10[%get3A_757, %get3A_758] {strides = array<i32>} : memref<16x1024xf32, #tpu.memory_space<vmem>>, vector<16xf32>,
      %get3A_760 = arith.index_cast %scan3A_226 : i32 to index
      %get3A_761 = arith.constant 848 : index
      %get3A_762 = tpu.vector_load %arg12[%get3A_760, %get3A_761] {strides = array<i32>} : memref<16x1024xf32, #tpu.memory_space<vmem>>, vector<16xf32>,
      %add3A_763 = arith.addf %get3A_759, %get3A_762 : vector<16xf32>
      %swap3A_764 = arith.index_cast %scan3A_226 : i32 to index
      %swap3A_765 = arith.constant 848 : index
      %swap3A_766 = tpu.vector_load %arg14[%swap3A_764, %swap3A_765] {strides = array<i32>} : memref<16x1024xf32, #tpu.memory_space<vmem>>, vector<16xf32>,
      tpu.vector_store %arg14[%swap3A_764, %swap3A_765], %add3A_763 {strides = array<i32>} : memref<16x1024xf32, #tpu.memory_space<vmem>>, vector<16xf32>,
      %get3A_767 = arith.index_cast %scan3A_226 : i32 to index
      %get3A_768 = arith.constant 864 : index
      %get3A_769 = tpu.vector_load %arg10[%get3A_767, %get3A_768] {strides = array<i32>} : memref<16x1024xf32, #tpu.memory_space<vmem>>, vector<16xf32>,
      %get3A_770 = arith.index_cast %scan3A_226 : i32 to index
      %get3A_771 = arith.constant 864 : index
      %get3A_772 = tpu.vector_load %arg12[%get3A_770, %get3A_771] {strides = array<i32>} : memref<16x1024xf32, #tpu.memory_space<vmem>>, vector<16xf32>,
      %add3A_773 = arith.addf %get3A_769, %get3A_772 : vector<16xf32>
      %swap3A_774 = arith.index_cast %scan3A_226 : i32 to index
      %swap3A_775 = arith.constant 864 : index
      %swap3A_776 = tpu.vector_load %arg14[%swap3A_774, %swap3A_775] {strides = array<i32>} : memref<16x1024xf32, #tpu.memory_space<vmem>>, vector<16xf32>,
      tpu.vector_store %arg14[%swap3A_774, %swap3A_775], %add3A_773 {strides = array<i32>} : memref<16x1024xf32, #tpu.memory_space<vmem>>, vector<16xf32>,
      %get3A_777 = arith.index_cast %scan3A_226 : i32 to index
      %get3A_778 = arith.constant 880 : index
      %get3A_779 = tpu.vector_load %arg10[%get3A_777, %get3A_778] {strides = array<i32>} : memref<16x1024xf32, #tpu.memory_space<vmem>>, vector<16xf32>,
      %get3A_780 = arith.index_cast %scan3A_226 : i32 to index
      %get3A_781 = arith.constant 880 : index
      %get3A_782 = tpu.vector_load %arg12[%get3A_780, %get3A_781] {strides = array<i32>} : memref<16x1024xf32, #tpu.memory_space<vmem>>, vector<16xf32>,
      %add3A_783 = arith.addf %get3A_779, %get3A_782 : vector<16xf32>
      %swap3A_784 = arith.index_cast %scan3A_226 : i32 to index
      %swap3A_785 = arith.constant 880 : index
      %swap3A_786 = tpu.vector_load %arg14[%swap3A_784, %swap3A_785] {strides = array<i32>} : memref<16x1024xf32, #tpu.memory_space<vmem>>, vector<16xf32>,
      tpu.vector_store %arg14[%swap3A_784, %swap3A_785], %add3A_783 {strides = array<i32>} : memref<16x1024xf32, #tpu.memory_space<vmem>>, vector<16xf32>,
      %get3A_787 = arith.index_cast %scan3A_226 : i32 to index
      %get3A_788 = arith.constant 896 : index
      %get3A_789 = tpu.vector_load %arg10[%get3A_787, %get3A_788] {strides = array<i32>} : memref<16x1024xf32, #tpu.memory_space<vmem>>, vector<16xf32>,
      %get3A_790 = arith.index_cast %scan3A_226 : i32 to index
      %get3A_791 = arith.constant 896 : index
      %get3A_792 = tpu.vector_load %arg12[%get3A_790, %get3A_791] {strides = array<i32>} : memref<16x1024xf32, #tpu.memory_space<vmem>>, vector<16xf32>,
      %add3A_793 = arith.addf %get3A_789, %get3A_792 : vector<16xf32>
      %swap3A_794 = arith.index_cast %scan3A_226 : i32 to index
      %swap3A_795 = arith.constant 896 : index
      %swap3A_796 = tpu.vector_load %arg14[%swap3A_794, %swap3A_795] {strides = array<i32>} : memref<16x1024xf32, #tpu.memory_space<vmem>>, vector<16xf32>,
      tpu.vector_store %arg14[%swap3A_794, %swap3A_795], %add3A_793 {strides = array<i32>} : memref<16x1024xf32, #tpu.memory_space<vmem>>, vector<16xf32>,
      %get3A_797 = arith.index_cast %scan3A_226 : i32 to index
      %get3A_798 = arith.constant 912 : index
      %get3A_799 = tpu.vector_load %arg10[%get3A_797, %get3A_798] {strides = array<i32>} : memref<16x1024xf32, #tpu.memory_space<vmem>>, vector<16xf32>,
      %get3A_800 = arith.index_cast %scan3A_226 : i32 to index
      %get3A_801 = arith.constant 912 : index
      %get3A_802 = tpu.vector_load %arg12[%get3A_800, %get3A_801] {strides = array<i32>} : memref<16x1024xf32, #tpu.memory_space<vmem>>, vector<16xf32>,
      %add3A_803 = arith.addf %get3A_799, %get3A_802 : vector<16xf32>
      %swap3A_804 = arith.index_cast %scan3A_226 : i32 to index
      %swap3A_805 = arith.constant 912 : index
      %swap3A_806 = tpu.vector_load %arg14[%swap3A_804, %swap3A_805] {strides = array<i32>} : memref<16x1024xf32, #tpu.memory_space<vmem>>, vector<16xf32>,
      tpu.vector_store %arg14[%swap3A_804, %swap3A_805], %add3A_803 {strides = array<i32>} : memref<16x1024xf32, #tpu.memory_space<vmem>>, vector<16xf32>,
      %get3A_807 = arith.index_cast %scan3A_226 : i32 to index
      %get3A_808 = arith.constant 928 : index
      %get3A_809 = tpu.vector_load %arg10[%get3A_807, %get3A_808] {strides = array<i32>} : memref<16x1024xf32, #tpu.memory_space<vmem>>, vector<16xf32>,
      %get3A_810 = arith.index_cast %scan3A_226 : i32 to index
      %get3A_811 = arith.constant 928 : index
      %get3A_812 = tpu.vector_load %arg12[%get3A_810, %get3A_811] {strides = array<i32>} : memref<16x1024xf32, #tpu.memory_space<vmem>>, vector<16xf32>,
      %add3A_813 = arith.addf %get3A_809, %get3A_812 : vector<16xf32>
      %swap3A_814 = arith.index_cast %scan3A_226 : i32 to index
      %swap3A_815 = arith.constant 928 : index
      %swap3A_816 = tpu.vector_load %arg14[%swap3A_814, %swap3A_815] {strides = array<i32>} : memref<16x1024xf32, #tpu.memory_space<vmem>>, vector<16xf32>,
      tpu.vector_store %arg14[%swap3A_814, %swap3A_815], %add3A_813 {strides = array<i32>} : memref<16x1024xf32, #tpu.memory_space<vmem>>, vector<16xf32>,
      %get3A_817 = arith.index_cast %scan3A_226 : i32 to index
      %get3A_818 = arith.constant 944 : index
      %get3A_819 = tpu.vector_load %arg10[%get3A_817, %get3A_818] {strides = array<i32>} : memref<16x1024xf32, #tpu.memory_space<vmem>>, vector<16xf32>,
      %get3A_820 = arith.index_cast %scan3A_226 : i32 to index
      %get3A_821 = arith.constant 944 : index
      %get3A_822 = tpu.vector_load %arg12[%get3A_820, %get3A_821] {strides = array<i32>} : memref<16x1024xf32, #tpu.memory_space<vmem>>, vector<16xf32>,
      %add3A_823 = arith.addf %get3A_819, %get3A_822 : vector<16xf32>
      %swap3A_824 = arith.index_cast %scan3A_226 : i32 to index
      %swap3A_825 = arith.constant 944 : index
      %swap3A_826 = tpu.vector_load %arg14[%swap3A_824, %swap3A_825] {strides = array<i32>} : memref<16x1024xf32, #tpu.memory_space<vmem>>, vector<16xf32>,
      tpu.vector_store %arg14[%swap3A_824, %swap3A_825], %add3A_823 {strides = array<i32>} : memref<16x1024xf32, #tpu.memory_space<vmem>>, vector<16xf32>,
      %get3A_827 = arith.index_cast %scan3A_226 : i32 to index
      %get3A_828 = arith.constant 960 : index
      %get3A_829 = tpu.vector_load %arg10[%get3A_827, %get3A_828] {strides = array<i32>} : memref<16x1024xf32, #tpu.memory_space<vmem>>, vector<16xf32>,
      %get3A_830 = arith.index_cast %scan3A_226 : i32 to index
      %get3A_831 = arith.constant 960 : index
      %get3A_832 = tpu.vector_load %arg12[%get3A_830, %get3A_831] {strides = array<i32>} : memref<16x1024xf32, #tpu.memory_space<vmem>>, vector<16xf32>,
      %add3A_833 = arith.addf %get3A_829, %get3A_832 : vector<16xf32>
      %swap3A_834 = arith.index_cast %scan3A_226 : i32 to index
      %swap3A_835 = arith.constant 960 : index
      %swap3A_836 = tpu.vector_load %arg14[%swap3A_834, %swap3A_835] {strides = array<i32>} : memref<16x1024xf32, #tpu.memory_space<vmem>>, vector<16xf32>,
      tpu.vector_store %arg14[%swap3A_834, %swap3A_835], %add3A_833 {strides = array<i32>} : memref<16x1024xf32, #tpu.memory_space<vmem>>, vector<16xf32>,
      %get3A_837 = arith.index_cast %scan3A_226 : i32 to index
      %get3A_838 = arith.constant 976 : index
      %get3A_839 = tpu.vector_load %arg10[%get3A_837, %get3A_838] {strides = array<i32>} : memref<16x1024xf32, #tpu.memory_space<vmem>>, vector<16xf32>,
      %get3A_840 = arith.index_cast %scan3A_226 : i32 to index
      %get3A_841 = arith.constant 976 : index
      %get3A_842 = tpu.vector_load %arg12[%get3A_840, %get3A_841] {strides = array<i32>} : memref<16x1024xf32, #tpu.memory_space<vmem>>, vector<16xf32>,
      %add3A_843 = arith.addf %get3A_839, %get3A_842 : vector<16xf32>
      %swap3A_844 = arith.index_cast %scan3A_226 : i32 to index
      %swap3A_845 = arith.constant 976 : index
      %swap3A_846 = tpu.vector_load %arg14[%swap3A_844, %swap3A_845] {strides = array<i32>} : memref<16x1024xf32, #tpu.memory_space<vmem>>, vector<16xf32>,
      tpu.vector_store %arg14[%swap3A_844, %swap3A_845], %add3A_843 {strides = array<i32>} : memref<16x1024xf32, #tpu.memory_space<vmem>>, vector<16xf32>,
      %get3A_847 = arith.index_cast %scan3A_226 : i32 to index
      %get3A_848 = arith.constant 992 : index
      %get3A_849 = tpu.vector_load %arg10[%get3A_847, %get3A_848] {strides = array<i32>} : memref<16x1024xf32, #tpu.memory_space<vmem>>, vector<16xf32>,
      %get3A_850 = arith.index_cast %scan3A_226 : i32 to index
      %get3A_851 = arith.constant 992 : index
      %get3A_852 = tpu.vector_load %arg12[%get3A_850, %get3A_851] {strides = array<i32>} : memref<16x1024xf32, #tpu.memory_space<vmem>>, vector<16xf32>,
      %add3A_853 = arith.addf %get3A_849, %get3A_852 : vector<16xf32>
      %swap3A_854 = arith.index_cast %scan3A_226 : i32 to index
      %swap3A_855 = arith.constant 992 : index
      %swap3A_856 = tpu.vector_load %arg14[%swap3A_854, %swap3A_855] {strides = array<i32>} : memref<16x1024xf32, #tpu.memory_space<vmem>>, vector<16xf32>,
      tpu.vector_store %arg14[%swap3A_854, %swap3A_855], %add3A_853 {strides = array<i32>} : memref<16x1024xf32, #tpu.memory_space<vmem>>, vector<16xf32>,
      %get3A_857 = arith.index_cast %scan3A_226 : i32 to index
      %get3A_858 = arith.constant 1008 : index
      %get3A_859 = tpu.vector_load %arg10[%get3A_857, %get3A_858] {strides = array<i32>} : memref<16x1024xf32, #tpu.memory_space<vmem>>, vector<16xf32>,
      %get3A_860 = arith.index_cast %scan3A_226 : i32 to index
      %get3A_861 = arith.constant 1008 : index
      %get3A_862 = tpu.vector_load %arg12[%get3A_860, %get3A_861] {strides = array<i32>} : memref<16x1024xf32, #tpu.memory_space<vmem>>, vector<16xf32>,
      %add3A_863 = arith.addf %get3A_859, %get3A_862 : vector<16xf32>
      %swap3A_864 = arith.index_cast %scan3A_226 : i32 to index
      %swap3A_865 = arith.constant 1008 : index
      %swap3A_866 = tpu.vector_load %arg14[%swap3A_864, %swap3A_865] {strides = array<i32>} : memref<16x1024xf32, #tpu.memory_space<vmem>>, vector<16xf32>,
      tpu.vector_store %arg14[%swap3A_864, %swap3A_865], %add3A_863 {strides = array<i32>} : memref<16x1024xf32, #tpu.memory_space<vmem>>, vector<16xf32>,
    }
    %scan3A_211 = arith.constant 16 : i32
    %add3A_212 = arith.constant 48 : i32
    %add3A_213 = arith.addi %mul3A_2, %add3A_212 : i32
    %dma_start3A_214 = arith.constant 0 : i32
    %dma_start3A_215 = tpu.memref_slice %arg4[%add3A_213, %dma_start3A_214] : memref<2048x1024xf32, #tpu.memory_space<hbm>> -> memref<16x1024xf32, #tpu.memory_space<hbm>>
    %dma_start3A_216 = arith.constant 0 : i32
    %dma_start3A_217 = tpu.memref_slice %arg4[%add3A_213, %dma_start3A_216] : memref<2048x1024xf32, #tpu.memory_space<hbm>> -> memref<16x1024xf32, #tpu.memory_space<hbm>>
    tpu.enqueue_dma source(%arg14 : memref<16x1024xf32, #tpu.memory_space<vmem>>) target(%dma_start3A_217 : memref<16x1024xf32, #tpu.memory_space<hbm>>) target_semaphore(%arg20 : memref<!tpu.dma_semaphore, #tpu.memory_space<semaphore_mem>>)
    %dma_wait3A_218 = arith.constant 0 : i32
    %dma_wait3A_219 = tpu.memref_slice %arg4[%add3A_191, %dma_wait3A_218] : memref<2048x1024xf32, #tpu.memory_space<hbm>> -> memref<16x1024xf32, #tpu.memory_space<hbm>>
    %dma_wait3A_220 = arith.constant 0 : i32
    %dma_wait3A_221 = tpu.memref_slice %arg4[%add3A_191, %dma_wait3A_220] : memref<2048x1024xf32, #tpu.memory_space<hbm>> -> memref<16x1024xf32, #tpu.memory_space<hbm>>
    tpu.wait_dma2 semaphore(%arg19 : memref<!tpu.dma_semaphore, #tpu.memory_space<semaphore_mem>>) src(%arg13 : memref<16x1024xf32, #tpu.memory_space<vmem>>) dst(%dma_wait3A_221 : memref<16x1024xf32, #tpu.memory_space<hbm>>)
    %dma_wait3A_222 = arith.constant 0 : i32
    %dma_wait3A_223 = tpu.memref_slice %arg4[%add3A_213, %dma_wait3A_222] : memref<2048x1024xf32, #tpu.memory_space<hbm>> -> memref<16x1024xf32, #tpu.memory_space<hbm>>
    %dma_wait3A_224 = arith.constant 0 : i32
    %dma_wait3A_225 = tpu.memref_slice %arg4[%add3A_213, %dma_wait3A_224] : memref<2048x1024xf32, #tpu.memory_space<hbm>> -> memref<16x1024xf32, #tpu.memory_space<hbm>>
    tpu.wait_dma2 semaphore(%arg20 : memref<!tpu.dma_semaphore, #tpu.memory_space<semaphore_mem>>) src(%arg14 : memref<16x1024xf32, #tpu.memory_space<vmem>>) dst(%dma_wait3A_225 : memref<16x1024xf32, #tpu.memory_space<hbm>>)
    return
  }
}

module attributes {stable_mosaic.version = 14 : i64} {
  func.func @_ffn_body(%arg0: i32, %arg1: i32, %arg2: memref<512x1024xf32, #tpu.memory_space<vmem>>, %arg3: memref<1x512x1xf32, #tpu.memory_space<vmem>>, %arg4: memref<1x1024x1024xf32, #tpu.memory_space<vmem>>, %arg5: memref<1x1024x1024xf32, #tpu.memory_space<vmem>>, %arg6: memref<1x1024x1024xf32, #tpu.memory_space<vmem>>, %arg7: memref<512x1024xf32, #tpu.memory_space<vmem>>, %arg8: memref<512x1024xbf16, #tpu.memory_space<vmem>>, %arg9: memref<512x1024xf32, #tpu.memory_space<vmem>>) attributes {dimension_semantics = [#tpu.dimension_semantics<arbitrary>, #tpu.dimension_semantics<arbitrary>], iteration_bounds = array<i64: 9, 4>, scalar_prefetch = 0 : i64, scratch_operands = 2 : i64, tpu.core_type = #tpu.core_type<tc>, window_params = [{transform_indices = @transform_0, window_bounds = array<i64: 512, 1024>}, {transform_indices = @transform_1, window_bounds = array<i64: 1, 512, 1>}, {transform_indices = @transform_2, window_bounds = array<i64: 1, 1024, 1024>}, {transform_indices = @transform_3, window_bounds = array<i64: 1, 1024, 1024>}, {transform_indices = @transform_4, window_bounds = array<i64: 1, 1024, 1024>}, {transform_indices = @transform_5, window_bounds = array<i64: 512, 1024>}]} {
    %lt3A = arith.constant 8 : i32
    %lt3A_0 = arith.cmpi slt, %arg0, %lt3A : i32
    %eq3A = arith.constant 0 : i32
    %eq3A_1 = arith.cmpi eq, %arg1, %eq3A : i32
    %and3A = arith.andi %lt3A_0, %eq3A_1 : i1
    %convert_element_type3A = arith.extui %and3A : i1 to i32
    %cond3A = arith.constant 0 : i32
    %cond3A_2 = arith.cmpi ne, %convert_element_type3A, %cond3A : i32
    scf.if %cond3A_2 {
      %get3A = arith.constant 0 : index
      %get3A_13 = arith.constant 0 : index
      %get3A_14 = vector.load %arg2[%get3A, %get3A_13] : memref<512x1024xf32, #tpu.memory_space<vmem>>, vector<512x1024xf32>
      %convert_element_type3A_15 = arith.truncf %get3A_14 : vector<512x1024xf32> to vector<512x1024xbf16>
      %swap3A = arith.constant 0 : index
      %swap3A_16 = arith.constant 0 : index
      %swap3A_17 = vector.load %arg8[%swap3A, %swap3A_16] : memref<512x1024xbf16, #tpu.memory_space<vmem>>, vector<512x1024xbf16>
      tpu.vector_store %arg8[%swap3A, %swap3A_16], %convert_element_type3A_15 {strides = array<i32>} : memref<512x1024xbf16, #tpu.memory_space<vmem>>, vector<512x1024xbf16>,
    } else {
    }
    %lt3A_3 = arith.constant 8 : i32
    %lt3A_4 = arith.cmpi slt, %arg0, %lt3A_3 : i32
    %convert_element_type3A_5 = arith.extui %lt3A_4 : i1 to i32
    %cond3A_6 = arith.constant 0 : i32
    %cond3A_7 = arith.cmpi ne, %convert_element_type3A_5, %cond3A_6 : i32
    scf.if %cond3A_7 {
      %get3A = arith.constant 0 : index
      %get3A_13 = arith.constant 0 : index
      %get3A_14 = vector.load %arg8[%get3A, %get3A_13] : memref<512x1024xbf16, #tpu.memory_space<vmem>>, vector<512x1024xbf16>
      %get3A_15 = arith.constant 0 : index
      %get3A_16 = arith.constant 0 : index
      %get3A_17 = arith.constant 0 : index
      %get3A_18 = vector.load %arg4[%get3A_15, %get3A_16, %get3A_17] : memref<1x1024x1024xf32, #tpu.memory_space<vmem>>, vector<1x1024x1024xf32>
      %get3A_19 = vector.shape_cast %get3A_18 : vector<1x1024x1024xf32> to vector<1024x1024xf32>
      %convert_element_type3A_20 = arith.truncf %get3A_19 : vector<1024x1024xf32> to vector<1024x1024xbf16>
      %get3A_21 = arith.constant 0 : index
      %get3A_22 = arith.constant 0 : index
      %get3A_23 = arith.constant 0 : index
      %get3A_24 = vector.load %arg5[%get3A_21, %get3A_22, %get3A_23] : memref<1x1024x1024xf32, #tpu.memory_space<vmem>>, vector<1x1024x1024xf32>
      %get3A_25 = vector.shape_cast %get3A_24 : vector<1x1024x1024xf32> to vector<1024x1024xf32>
      %convert_element_type3A_26 = arith.truncf %get3A_25 : vector<1024x1024xf32> to vector<1024x1024xbf16>
      %dot_general3A = arith.constant dense<0.000000e+00> : vector<512x1024xf32>
      %dot_general3A_27 = tpu.matmul %get3A_14, %convert_element_type3A_20, %dot_general3A {dimension_numbers = #tpu.dot_dimension_numbers<[1], [1], [0], [0], [0, 0, 1, 0], [], []>, transpose_lhs_hint = false} : vector<512x1024xbf16>, vector<1024x1024xbf16>, vector<512x1024xf32> -> vector<512x1024xf32>
      %dot_general3A_28 = arith.constant dense<0.000000e+00> : vector<512x1024xf32>
      %dot_general3A_29 = tpu.matmul %get3A_14, %convert_element_type3A_26, %dot_general3A_28 {dimension_numbers = #tpu.dot_dimension_numbers<[1], [1], [0], [0], [0, 0, 1, 0], [], []>, transpose_lhs_hint = false} : vector<512x1024xbf16>, vector<1024x1024xbf16>, vector<512x1024xf32> -> vector<512x1024xf32>
      %neg3A = arith.constant 0.000000e+00 : f32
      %neg3A_30 = vector.broadcast %neg3A : f32 to vector<512x1024xf32>
      %neg3A_31 = arith.subf %neg3A_30, %dot_general3A_27 : vector<512x1024xf32>
      %exp3A = math.exp %neg3A_31 : vector<512x1024xf32>
      %add3A = arith.constant 1.000000e+00 : f32
      %add3A_32 = vector.broadcast %add3A : f32 to vector<512x1024xf32>
      %add3A_33 = arith.addf %add3A_32, %exp3A : vector<512x1024xf32>
      %div3A = arith.divf %dot_general3A_27, %add3A_33 : vector<512x1024xf32>
      %mul3A = arith.mulf %div3A, %dot_general3A_29 : vector<512x1024xf32>
      %convert_element_type3A_34 = arith.truncf %mul3A : vector<512x1024xf32> to vector<512x1024xbf16>
      %get3A_35 = arith.constant 0 : index
      %get3A_36 = arith.constant 0 : index
      %get3A_37 = arith.constant 0 : index
      %get3A_38 = vector.load %arg6[%get3A_35, %get3A_36, %get3A_37] : memref<1x1024x1024xf32, #tpu.memory_space<vmem>>, vector<1x1024x1024xf32>
      %get3A_39 = vector.shape_cast %get3A_38 : vector<1x1024x1024xf32> to vector<1024x1024xf32>
      %convert_element_type3A_40 = arith.truncf %get3A_39 : vector<1024x1024xf32> to vector<1024x1024xbf16>
      %dot_general3A_41 = arith.constant dense<0.000000e+00> : vector<512x1024xf32>
      %dot_general3A_42 = tpu.matmul %convert_element_type3A_34, %convert_element_type3A_40, %dot_general3A_41 {dimension_numbers = #tpu.dot_dimension_numbers<[1], [1], [0], [0], [0, 0, 1, 0], [], []>, transpose_lhs_hint = false} : vector<512x1024xbf16>, vector<1024x1024xbf16>, vector<512x1024xf32> -> vector<512x1024xf32>
      %eq3A_43 = arith.constant 0 : i32
      %eq3A_44 = arith.cmpi eq, %arg1, %eq3A_43 : i32
      %convert_element_type3A_45 = arith.extui %eq3A_44 : i1 to i32
      %cond3A_46 = arith.constant 0 : i32
      %cond3A_47 = arith.cmpi ne, %convert_element_type3A_45, %cond3A_46 : i32
      scf.if %cond3A_47 {
        %swap3A = arith.constant 0 : index
        %swap3A_52 = arith.constant 0 : index
        %swap3A_53 = vector.load %arg9[%swap3A, %swap3A_52] : memref<512x1024xf32, #tpu.memory_space<vmem>>, vector<512x1024xf32>
        tpu.vector_store %arg9[%swap3A, %swap3A_52], %dot_general3A_42 {strides = array<i32>} : memref<512x1024xf32, #tpu.memory_space<vmem>>, vector<512x1024xf32>,
      } else {
      }
      %gt3A = arith.constant 0 : i32
      %gt3A_48 = arith.cmpi sgt, %arg1, %gt3A : i32
      %convert_element_type3A_49 = arith.extui %gt3A_48 : i1 to i32
      %cond3A_50 = arith.constant 0 : i32
      %cond3A_51 = arith.cmpi ne, %convert_element_type3A_49, %cond3A_50 : i32
      scf.if %cond3A_51 {
        %get3A_52 = arith.constant 0 : index
        %get3A_53 = arith.constant 0 : index
        %get3A_54 = vector.load %arg9[%get3A_52, %get3A_53] : memref<512x1024xf32, #tpu.memory_space<vmem>>, vector<512x1024xf32>
        %add3A_55 = arith.addf %get3A_54, %dot_general3A_42 : vector<512x1024xf32>
        %swap3A = arith.constant 0 : index
        %swap3A_56 = arith.constant 0 : index
        %swap3A_57 = vector.load %arg9[%swap3A, %swap3A_56] : memref<512x1024xf32, #tpu.memory_space<vmem>>, vector<512x1024xf32>
        tpu.vector_store %arg9[%swap3A, %swap3A_56], %add3A_55 {strides = array<i32>} : memref<512x1024xf32, #tpu.memory_space<vmem>>, vector<512x1024xf32>,
      } else {
      }
    } else {
    }
    %eq3A_8 = arith.constant 3 : i32
    %eq3A_9 = arith.cmpi eq, %arg1, %eq3A_8 : i32
    %convert_element_type3A_10 = arith.extui %eq3A_9 : i1 to i32
    %cond3A_11 = arith.constant 0 : i32
    %cond3A_12 = arith.cmpi ne, %convert_element_type3A_10, %cond3A_11 : i32
    scf.if %cond3A_12 {
      %get3A = arith.constant 0 : index
      %get3A_13 = arith.constant 0 : index
      %get3A_14 = vector.load %arg9[%get3A, %get3A_13] : memref<512x1024xf32, #tpu.memory_space<vmem>>, vector<512x1024xf32>
      %get3A_15 = arith.constant 0 : index
      %get3A_16 = arith.constant 0 : index
      %get3A_17 = arith.constant 0 : index
      %get3A_18 = vector.load %arg3[%get3A_15, %get3A_16, %get3A_17] : memref<1x512x1xf32, #tpu.memory_space<vmem>>, vector<1x512x1xf32>
      %get3A_19 = vector.shape_cast %get3A_18 : vector<1x512x1xf32> to vector<512x1xf32>
      %mul3A = vector.broadcast %get3A_19 : vector<512x1xf32> to vector<512x1024xf32>
      %mul3A_20 = arith.mulf %get3A_14, %mul3A : vector<512x1024xf32>
      %lt3A_21 = arith.constant 8 : i32
      %lt3A_22 = arith.cmpi slt, %arg0, %lt3A_21 : i32
      %jit3A = arith.constant 0.000000e+00 : f32
      %broadcast_in_dim3A = vector.broadcast %jit3A : f32 to vector<512x1024xf32>
      %select_n3A = arith.select %lt3A_22, %mul3A_20, %broadcast_in_dim3A : vector<512x1024xf32>
      %swap3A = arith.constant 0 : index
      %swap3A_23 = arith.constant 0 : index
      %swap3A_24 = vector.load %arg7[%swap3A, %swap3A_23] : memref<512x1024xf32, #tpu.memory_space<vmem>>, vector<512x1024xf32>
      tpu.vector_store %arg7[%swap3A, %swap3A_23], %select_n3A {strides = array<i32>} : memref<512x1024xf32, #tpu.memory_space<vmem>>, vector<512x1024xf32>,
    } else {
    }
    return
  }
  func.func @transform_0(%arg0: i32, %arg1: i32) -> (i32, i32) {
    %min3A = arith.constant 7 : i32
    %min3A_0 = arith.minsi %arg0, %min3A : i32
    %c0_i32 = arith.constant 0 : i32
    %c0_i32_1 = arith.constant 0 : i32
    return %min3A_0, %c0_i32 : i32, i32
  }
  func.func @transform_1(%arg0: i32, %arg1: i32) -> (i32, i32, i32) {
    %min3A = arith.constant 7 : i32
    %min3A_0 = arith.minsi %arg0, %min3A : i32
    %c0_i32 = arith.constant 0 : i32
    %c0_i32_1 = arith.constant 0 : i32
    %c0_i32_2 = arith.constant 0 : i32
    return %min3A_0, %c0_i32, %c0_i32_1 : i32, i32, i32
  }
  func.func @transform_2(%arg0: i32, %arg1: i32) -> (i32, i32, i32) {
    %min3A = arith.constant 7 : i32
    %min3A_0 = arith.minsi %arg0, %min3A : i32
    %lt3A = arith.constant 8 : i32
    %lt3A_1 = arith.cmpi slt, %arg0, %lt3A : i32
    %jit3A = arith.constant 3 : i32
    %select_n3A = arith.select %lt3A_1, %arg1, %jit3A : i32
    %c0_i32 = arith.constant 0 : i32
    %c0_i32_2 = arith.constant 0 : i32
    return %min3A_0, %select_n3A, %c0_i32 : i32, i32, i32
  }
  func.func @transform_3(%arg0: i32, %arg1: i32) -> (i32, i32, i32) {
    %min3A = arith.constant 7 : i32
    %min3A_0 = arith.minsi %arg0, %min3A : i32
    %lt3A = arith.constant 8 : i32
    %lt3A_1 = arith.cmpi slt, %arg0, %lt3A : i32
    %jit3A = arith.constant 3 : i32
    %select_n3A = arith.select %lt3A_1, %arg1, %jit3A : i32
    %c0_i32 = arith.constant 0 : i32
    %c0_i32_2 = arith.constant 0 : i32
    return %min3A_0, %select_n3A, %c0_i32 : i32, i32, i32
  }
  func.func @transform_4(%arg0: i32, %arg1: i32) -> (i32, i32, i32) {
    %min3A = arith.constant 7 : i32
    %min3A_0 = arith.minsi %arg0, %min3A : i32
    %lt3A = arith.constant 8 : i32
    %lt3A_1 = arith.cmpi slt, %arg0, %lt3A : i32
    %jit3A = arith.constant 3 : i32
    %select_n3A = arith.select %lt3A_1, %arg1, %jit3A : i32
    %c0_i32 = arith.constant 0 : i32
    %c0_i32_2 = arith.constant 0 : i32
    return %min3A_0, %c0_i32, %select_n3A : i32, i32, i32
  }
  func.func @transform_5(%arg0: i32, %arg1: i32) -> (i32, i32) {
    %c0_i32 = arith.constant 0 : i32
    %c0_i32_0 = arith.constant 0 : i32
    return %arg0, %c0_i32 : i32, i32
  }
}

module attributes {stable_mosaic.version = 14 : i64} {
  func.func @_router_body(%arg0: memref<2048x1024xf32, #tpu.memory_space<vmem>>, %arg1: memref<8x1024xf32, #tpu.memory_space<vmem>>, %arg2: memref<8x2048xf32, #tpu.memory_space<vmem>>, %arg3: memref<8x2048xf32, #tpu.memory_space<vmem>>, %arg4: memref<8x2048xf32, #tpu.memory_space<vmem>>, %arg5: memref<1x128xf32, #tpu.memory_space<vmem>>, %arg6: memref<1x128xi32, #tpu.memory_space<vmem>>) attributes {dimension_semantics = [], scalar_prefetch = 0 : i64, scratch_operands = 0 : i64, tpu.core_type = #tpu.core_type<tc>} {
    %get3A = arith.constant 0 : index
    %get3A_0 = arith.constant 0 : index
    %get3A_1 = vector.load %arg0[%get3A, %get3A_0] : memref<2048x1024xf32, #tpu.memory_space<vmem>>, vector<2048x1024xf32>
    %get3A_2 = arith.constant 0 : index
    %get3A_3 = arith.constant 0 : index
    %get3A_4 = vector.load %arg1[%get3A_2, %get3A_3] : memref<8x1024xf32, #tpu.memory_space<vmem>>, vector<8x1024xf32>
    %dot_general3A = arith.constant dense<0.000000e+00> : vector<2048x8xf32>
    %dot_general3A_5 = tpu.matmul %get3A_1, %get3A_4, %dot_general3A {dimension_numbers = #tpu.dot_dimension_numbers<[1], [1], [0], [0], [0, 0, 1, 0], [], []>, transpose_lhs_hint = false} : vector<2048x1024xf32>, vector<8x1024xf32>, vector<2048x8xf32> -> vector<2048x8xf32>
    %iota3A = tpu.iota {dimensions = array<i32: 1>} : vector<2048x8xi32>
    %reduce_max3A = arith.constant dense<0xFF800000> : vector<2048xf32>
    %reduce_max3A_6 = vector.multi_reduction <maximumf>, %dot_general3A_5, %reduce_max3A [1] : vector<2048x8xf32> to vector<2048xf32>
    %broadcast_in_dim3A = vector.shape_cast %reduce_max3A_6 : vector<2048xf32> to vector<2048x1xf32>
    %eq3A = vector.broadcast %broadcast_in_dim3A : vector<2048x1xf32> to vector<2048x8xf32>
    %eq3A_7 = arith.cmpf oeq, %dot_general3A_5, %eq3A : vector<2048x8xf32>
    %jit3A = arith.constant 8 : i32
    %broadcast_in_dim3A_8 = vector.broadcast %jit3A : i32 to vector<2048x8xi32>
    %select_n3A = arith.select %eq3A_7, %iota3A, %broadcast_in_dim3A_8 : vector<2048x8xi1>, vector<2048x8xi32>
    %reduce_min3A = arith.constant dense<2147483647> : vector<2048xi32>
    %reduce_min3A_9 = vector.multi_reduction <minsi>, %select_n3A, %reduce_min3A [1] : vector<2048x8xi32> to vector<2048xi32>
    %broadcast_in_dim3A_10 = vector.shape_cast %reduce_min3A_9 : vector<2048xi32> to vector<2048x1xi32>
    %eq3A_11 = vector.broadcast %broadcast_in_dim3A_10 : vector<2048x1xi32> to vector<2048x8xi32>
    %eq3A_12 = arith.cmpi eq, %iota3A, %eq3A_11 : vector<2048x8xi32>
    %jit3A_13 = arith.constant -1.000000e+30 : f32
    %broadcast_in_dim3A_14 = vector.broadcast %jit3A_13 : f32 to vector<2048x8xf32>
    %select_n3A_15 = arith.select %eq3A_12, %broadcast_in_dim3A_14, %dot_general3A_5 : vector<2048x8xi1>, vector<2048x8xf32>
    %reduce_max3A_16 = arith.constant dense<0xFF800000> : vector<2048xf32>
    %reduce_max3A_17 = vector.multi_reduction <maximumf>, %select_n3A_15, %reduce_max3A_16 [1] : vector<2048x8xf32> to vector<2048xf32>
    %broadcast_in_dim3A_18 = vector.shape_cast %reduce_max3A_17 : vector<2048xf32> to vector<2048x1xf32>
    %eq3A_19 = vector.broadcast %broadcast_in_dim3A_18 : vector<2048x1xf32> to vector<2048x8xf32>
    %eq3A_20 = arith.cmpf oeq, %select_n3A_15, %eq3A_19 : vector<2048x8xf32>
    %jit3A_21 = arith.constant 8 : i32
    %broadcast_in_dim3A_22 = vector.broadcast %jit3A_21 : i32 to vector<2048x8xi32>
    %select_n3A_23 = arith.select %eq3A_20, %iota3A, %broadcast_in_dim3A_22 : vector<2048x8xi1>, vector<2048x8xi32>
    %reduce_min3A_24 = arith.constant dense<2147483647> : vector<2048xi32>
    %reduce_min3A_25 = vector.multi_reduction <minsi>, %select_n3A_23, %reduce_min3A_24 [1] : vector<2048x8xi32> to vector<2048xi32>
    %broadcast_in_dim3A_26 = vector.shape_cast %reduce_min3A_25 : vector<2048xi32> to vector<2048x1xi32>
    %sub3A = arith.subf %broadcast_in_dim3A_18, %broadcast_in_dim3A : vector<2048x1xf32>
    %exp3A = math.exp %sub3A : vector<2048x1xf32>
    %add3A = arith.constant 1.000000e+00 : f32
    %add3A_27 = vector.broadcast %add3A : f32 to vector<2048x1xf32>
    %add3A_28 = arith.addf %add3A_27, %exp3A : vector<2048x1xf32>
    %div3A = arith.constant 1.000000e+00 : f32
    %div3A_29 = vector.broadcast %div3A : f32 to vector<2048x1xf32>
    %div3A_30 = arith.divf %div3A_29, %add3A_28 : vector<2048x1xf32>
    %add3A_31 = arith.constant 1.000000e+00 : f32
    %add3A_32 = vector.broadcast %add3A_31 : f32 to vector<2048x1xf32>
    %add3A_33 = arith.addf %add3A_32, %exp3A : vector<2048x1xf32>
    %div3A_34 = arith.divf %exp3A, %add3A_33 : vector<2048x1xf32>
    %eq3A_35 = vector.broadcast %broadcast_in_dim3A_10 : vector<2048x1xi32> to vector<2048x8xi32>
    %eq3A_36 = arith.cmpi eq, %iota3A, %eq3A_35 : vector<2048x8xi32>
    %eq3A_37 = vector.broadcast %broadcast_in_dim3A_26 : vector<2048x1xi32> to vector<2048x8xi32>
    %eq3A_38 = arith.cmpi eq, %iota3A, %eq3A_37 : vector<2048x8xi32>
    %or3A = arith.ori %eq3A_36, %eq3A_38 : vector<2048x8xi1>
    %convert_element_type3A = arith.extui %or3A : vector<2048x8xi1> to vector<2048x8xi32>
    %convert_element_type3A_39 = arith.sitofp %convert_element_type3A : vector<2048x8xi32> to vector<2048x8xf32>
    %broadcast_in_dim3A_40 = arith.constant 0.000000e+00 : f32
    %broadcast_in_dim3A_41 = vector.broadcast %broadcast_in_dim3A_40 : f32 to vector<1x8xf32>
    %slice3A = vector.extract_strided_slice %convert_element_type3A_39 {offsets = [0, 0], sizes = [2047, 8], strides = [1, 1]} : vector<2048x8xf32> to vector<2047x8xf32>
    %concatenate3A = tpu.concatenate %broadcast_in_dim3A_41, %slice3A in 0 : vector<1x8xf32>, vector<2047x8xf32> -> vector<2048x8xf32>
    %add3A_42 = arith.addf %convert_element_type3A_39, %concatenate3A : vector<2048x8xf32>
    %broadcast_in_dim3A_43 = arith.constant 0.000000e+00 : f32
    %broadcast_in_dim3A_44 = vector.broadcast %broadcast_in_dim3A_43 : f32 to vector<2x8xf32>
    %slice3A_45 = vector.extract_strided_slice %add3A_42 {offsets = [0, 0], sizes = [2046, 8], strides = [1, 1]} : vector<2048x8xf32> to vector<2046x8xf32>
    %concatenate3A_46 = tpu.concatenate %broadcast_in_dim3A_44, %slice3A_45 in 0 : vector<2x8xf32>, vector<2046x8xf32> -> vector<2048x8xf32>
    %add3A_47 = arith.addf %add3A_42, %concatenate3A_46 : vector<2048x8xf32>
    %broadcast_in_dim3A_48 = arith.constant 0.000000e+00 : f32
    %broadcast_in_dim3A_49 = vector.broadcast %broadcast_in_dim3A_48 : f32 to vector<4x8xf32>
    %slice3A_50 = vector.extract_strided_slice %add3A_47 {offsets = [0, 0], sizes = [2044, 8], strides = [1, 1]} : vector<2048x8xf32> to vector<2044x8xf32>
    %concatenate3A_51 = tpu.concatenate %broadcast_in_dim3A_49, %slice3A_50 in 0 : vector<4x8xf32>, vector<2044x8xf32> -> vector<2048x8xf32>
    %add3A_52 = arith.addf %add3A_47, %concatenate3A_51 : vector<2048x8xf32>
    %broadcast_in_dim3A_53 = arith.constant 0.000000e+00 : f32
    %broadcast_in_dim3A_54 = vector.broadcast %broadcast_in_dim3A_53 : f32 to vector<8x8xf32>
    %slice3A_55 = vector.extract_strided_slice %add3A_52 {offsets = [0, 0], sizes = [2040, 8], strides = [1, 1]} : vector<2048x8xf32> to vector<2040x8xf32>
    %concatenate3A_56 = tpu.concatenate %broadcast_in_dim3A_54, %slice3A_55 in 0 : vector<8x8xf32>, vector<2040x8xf32> -> vector<2048x8xf32>
    %add3A_57 = arith.addf %add3A_52, %concatenate3A_56 : vector<2048x8xf32>
    %broadcast_in_dim3A_58 = arith.constant 0.000000e+00 : f32
    %broadcast_in_dim3A_59 = vector.broadcast %broadcast_in_dim3A_58 : f32 to vector<16x8xf32>
    %slice3A_60 = vector.extract_strided_slice %add3A_57 {offsets = [0, 0], sizes = [2032, 8], strides = [1, 1]} : vector<2048x8xf32> to vector<2032x8xf32>
    %concatenate3A_61 = tpu.concatenate %broadcast_in_dim3A_59, %slice3A_60 in 0 : vector<16x8xf32>, vector<2032x8xf32> -> vector<2048x8xf32>
    %add3A_62 = arith.addf %add3A_57, %concatenate3A_61 : vector<2048x8xf32>
    %broadcast_in_dim3A_63 = arith.constant 0.000000e+00 : f32
    %broadcast_in_dim3A_64 = vector.broadcast %broadcast_in_dim3A_63 : f32 to vector<32x8xf32>
    %slice3A_65 = vector.extract_strided_slice %add3A_62 {offsets = [0, 0], sizes = [2016, 8], strides = [1, 1]} : vector<2048x8xf32> to vector<2016x8xf32>
    %concatenate3A_66 = tpu.concatenate %broadcast_in_dim3A_64, %slice3A_65 in 0 : vector<32x8xf32>, vector<2016x8xf32> -> vector<2048x8xf32>
    %add3A_67 = arith.addf %add3A_62, %concatenate3A_66 : vector<2048x8xf32>
    %broadcast_in_dim3A_68 = arith.constant 0.000000e+00 : f32
    %broadcast_in_dim3A_69 = vector.broadcast %broadcast_in_dim3A_68 : f32 to vector<64x8xf32>
    %slice3A_70 = vector.extract_strided_slice %add3A_67 {offsets = [0, 0], sizes = [1984, 8], strides = [1, 1]} : vector<2048x8xf32> to vector<1984x8xf32>
    %concatenate3A_71 = tpu.concatenate %broadcast_in_dim3A_69, %slice3A_70 in 0 : vector<64x8xf32>, vector<1984x8xf32> -> vector<2048x8xf32>
    %add3A_72 = arith.addf %add3A_67, %concatenate3A_71 : vector<2048x8xf32>
    %broadcast_in_dim3A_73 = arith.constant 0.000000e+00 : f32
    %broadcast_in_dim3A_74 = vector.broadcast %broadcast_in_dim3A_73 : f32 to vector<128x8xf32>
    %slice3A_75 = vector.extract_strided_slice %add3A_72 {offsets = [0, 0], sizes = [1920, 8], strides = [1, 1]} : vector<2048x8xf32> to vector<1920x8xf32>
    %concatenate3A_76 = tpu.concatenate %broadcast_in_dim3A_74, %slice3A_75 in 0 : vector<128x8xf32>, vector<1920x8xf32> -> vector<2048x8xf32>
    %add3A_77 = arith.addf %add3A_72, %concatenate3A_76 : vector<2048x8xf32>
    %broadcast_in_dim3A_78 = arith.constant 0.000000e+00 : f32
    %broadcast_in_dim3A_79 = vector.broadcast %broadcast_in_dim3A_78 : f32 to vector<256x8xf32>
    %slice3A_80 = vector.extract_strided_slice %add3A_77 {offsets = [0, 0], sizes = [1792, 8], strides = [1, 1]} : vector<2048x8xf32> to vector<1792x8xf32>
    %concatenate3A_81 = tpu.concatenate %broadcast_in_dim3A_79, %slice3A_80 in 0 : vector<256x8xf32>, vector<1792x8xf32> -> vector<2048x8xf32>
    %add3A_82 = arith.addf %add3A_77, %concatenate3A_81 : vector<2048x8xf32>
    %broadcast_in_dim3A_83 = arith.constant 0.000000e+00 : f32
    %broadcast_in_dim3A_84 = vector.broadcast %broadcast_in_dim3A_83 : f32 to vector<512x8xf32>
    %slice3A_85 = vector.extract_strided_slice %add3A_82 {offsets = [0, 0], sizes = [1536, 8], strides = [1, 1]} : vector<2048x8xf32> to vector<1536x8xf32>
    %concatenate3A_86 = tpu.concatenate %broadcast_in_dim3A_84, %slice3A_85 in 0 : vector<512x8xf32>, vector<1536x8xf32> -> vector<2048x8xf32>
    %add3A_87 = arith.addf %add3A_82, %concatenate3A_86 : vector<2048x8xf32>
    %broadcast_in_dim3A_88 = arith.constant 0.000000e+00 : f32
    %broadcast_in_dim3A_89 = vector.broadcast %broadcast_in_dim3A_88 : f32 to vector<1024x8xf32>
    %slice3A_90 = vector.extract_strided_slice %add3A_87 {offsets = [0, 0], sizes = [1024, 8], strides = [1, 1]} : vector<2048x8xf32> to vector<1024x8xf32>
    %concatenate3A_91 = tpu.concatenate %broadcast_in_dim3A_89, %slice3A_90 in 0 : vector<1024x8xf32>, vector<1024x8xf32> -> vector<2048x8xf32>
    %add3A_92 = arith.addf %add3A_87, %concatenate3A_91 : vector<2048x8xf32>
    %sub3A_93 = arith.subf %add3A_92, %convert_element_type3A_39 : vector<2048x8xf32>
    %gt3A = arith.constant 0.000000e+00 : f32
    %gt3A_94 = vector.broadcast %gt3A : f32 to vector<2048x8xf32>
    %gt3A_95 = arith.cmpf ogt, %convert_element_type3A_39, %gt3A_94 : vector<2048x8xf32>
    %lt3A = arith.constant 5.120000e+02 : f32
    %lt3A_96 = vector.broadcast %lt3A : f32 to vector<2048x8xf32>
    %lt3A_97 = arith.cmpf olt, %sub3A_93, %lt3A_96 : vector<2048x8xf32>
    %and3A = arith.andi %gt3A_95, %lt3A_97 : vector<2048x8xi1>
    %jit3A_98 = arith.constant -1.000000e+00 : f32
    %broadcast_in_dim3A_99 = vector.broadcast %jit3A_98 : f32 to vector<2048x8xf32>
    %select_n3A_100 = arith.select %and3A, %sub3A_93, %broadcast_in_dim3A_99 : vector<2048x8xi1>, vector<2048x8xf32>
    %eq3A_101 = vector.broadcast %broadcast_in_dim3A_10 : vector<2048x1xi32> to vector<2048x8xi32>
    %eq3A_102 = arith.cmpi eq, %iota3A, %eq3A_101 : vector<2048x8xi32>
    %broadcast_in_dim3A_103 = vector.shape_cast %div3A_30 : vector<2048x1xf32> to vector<2048x1xf32>
    %broadcast_in_dim3A_104 = vector.broadcast %broadcast_in_dim3A_103 : vector<2048x1xf32> to vector<2048x8xf32>
    %broadcast_in_dim3A_105 = vector.shape_cast %div3A_34 : vector<2048x1xf32> to vector<2048x1xf32>
    %broadcast_in_dim3A_106 = vector.broadcast %broadcast_in_dim3A_105 : vector<2048x1xf32> to vector<2048x8xf32>
    %select_n3A_107 = arith.select %eq3A_102, %broadcast_in_dim3A_104, %broadcast_in_dim3A_106 : vector<2048x8xi1>, vector<2048x8xf32>
    %jit3A_108 = arith.constant 0.000000e+00 : f32
    %broadcast_in_dim3A_109 = vector.broadcast %jit3A_108 : f32 to vector<2048x8xf32>
    %select_n3A_110 = arith.select %and3A, %select_n3A_107, %broadcast_in_dim3A_109 : vector<2048x8xi1>, vector<2048x8xf32>
    %transpose3A = tpu.transpose %select_n3A_100, [1, 0] : vector<2048x8xf32> -> vector<8x2048xf32>
    %swap3A = arith.constant 0 : index
    %swap3A_111 = arith.constant 0 : index
    %swap3A_112 = vector.load %arg2[%swap3A, %swap3A_111] : memref<8x2048xf32, #tpu.memory_space<vmem>>, vector<8x2048xf32>
    tpu.vector_store %arg2[%swap3A, %swap3A_111], %transpose3A {strides = array<i32>} : memref<8x2048xf32, #tpu.memory_space<vmem>>, vector<8x2048xf32>,
    %transpose3A_113 = tpu.transpose %select_n3A_110, [1, 0] : vector<2048x8xf32> -> vector<8x2048xf32>
    %swap3A_114 = arith.constant 0 : index
    %swap3A_115 = arith.constant 0 : index
    %swap3A_116 = vector.load %arg3[%swap3A_114, %swap3A_115] : memref<8x2048xf32, #tpu.memory_space<vmem>>, vector<8x2048xf32>
    tpu.vector_store %arg3[%swap3A_114, %swap3A_115], %transpose3A_113 {strides = array<i32>} : memref<8x2048xf32, #tpu.memory_space<vmem>>, vector<8x2048xf32>,
    %eq3A_117 = vector.broadcast %broadcast_in_dim3A_10 : vector<2048x1xi32> to vector<2048x8xi32>
    %eq3A_118 = arith.cmpi eq, %iota3A, %eq3A_117 : vector<2048x8xi32>
    %eq3A_119 = vector.broadcast %broadcast_in_dim3A_26 : vector<2048x1xi32> to vector<2048x8xi32>
    %eq3A_120 = arith.cmpi eq, %iota3A, %eq3A_119 : vector<2048x8xi32>
    %jit3A_121 = arith.constant 0.000000e+00 : f32
    %broadcast_in_dim3A_122 = vector.broadcast %jit3A_121 : f32 to vector<2048x8xf32>
    %select_n3A_123 = arith.select %eq3A_118, %sub3A_93, %broadcast_in_dim3A_122 : vector<2048x8xi1>, vector<2048x8xf32>
    %reduce_sum3A = arith.constant dense<0.000000e+00> : vector<2048xf32>
    %reduce_sum3A_124 = vector.multi_reduction <add>, %select_n3A_123, %reduce_sum3A [1] : vector<2048x8xf32> to vector<2048xf32>
    %broadcast_in_dim3A_125 = vector.shape_cast %reduce_sum3A_124 : vector<2048xf32> to vector<2048x1xf32>
    %jit3A_126 = arith.constant 0.000000e+00 : f32
    %broadcast_in_dim3A_127 = vector.broadcast %jit3A_126 : f32 to vector<2048x8xf32>
    %select_n3A_128 = arith.select %eq3A_120, %sub3A_93, %broadcast_in_dim3A_127 : vector<2048x8xi1>, vector<2048x8xf32>
    %reduce_sum3A_129 = arith.constant dense<0.000000e+00> : vector<2048xf32>
    %reduce_sum3A_130 = vector.multi_reduction <add>, %select_n3A_128, %reduce_sum3A_129 [1] : vector<2048x8xf32> to vector<2048xf32>
    %broadcast_in_dim3A_131 = vector.shape_cast %reduce_sum3A_130 : vector<2048xf32> to vector<2048x1xf32>
    %convert_element_type3A_132 = arith.sitofp %broadcast_in_dim3A_10 : vector<2048x1xi32> to vector<2048x1xf32>
    %convert_element_type3A_133 = arith.sitofp %broadcast_in_dim3A_26 : vector<2048x1xi32> to vector<2048x1xf32>
    %lt3A_134 = arith.constant 5.120000e+02 : f32
    %lt3A_135 = vector.broadcast %lt3A_134 : f32 to vector<2048x1xf32>
    %lt3A_136 = arith.cmpf olt, %broadcast_in_dim3A_125, %lt3A_135 : vector<2048x1xf32>
    %mul3A = arith.constant 5.120000e+02 : f32
    %mul3A_137 = vector.broadcast %mul3A : f32 to vector<2048x1xf32>
    %mul3A_138 = arith.mulf %convert_element_type3A_132, %mul3A_137 : vector<2048x1xf32>
    %add3A_139 = arith.addf %mul3A_138, %broadcast_in_dim3A_125 : vector<2048x1xf32>
    %jit3A_140 = arith.constant -1.000000e+00 : f32
    %broadcast_in_dim3A_141 = vector.broadcast %jit3A_140 : f32 to vector<2048x1xf32>
    %select_n3A_142 = arith.select %lt3A_136, %add3A_139, %broadcast_in_dim3A_141 : vector<2048x1xi1>, vector<2048x1xf32>
    %lt3A_143 = arith.constant 5.120000e+02 : f32
    %lt3A_144 = vector.broadcast %lt3A_143 : f32 to vector<2048x1xf32>
    %lt3A_145 = arith.cmpf olt, %broadcast_in_dim3A_131, %lt3A_144 : vector<2048x1xf32>
    %mul3A_146 = arith.constant 5.120000e+02 : f32
    %mul3A_147 = vector.broadcast %mul3A_146 : f32 to vector<2048x1xf32>
    %mul3A_148 = arith.mulf %convert_element_type3A_133, %mul3A_147 : vector<2048x1xf32>
    %add3A_149 = arith.addf %mul3A_148, %broadcast_in_dim3A_131 : vector<2048x1xf32>
    %jit3A_150 = arith.constant -1.000000e+00 : f32
    %broadcast_in_dim3A_151 = vector.broadcast %jit3A_150 : f32 to vector<2048x1xf32>
    %select_n3A_152 = arith.select %lt3A_145, %add3A_149, %broadcast_in_dim3A_151 : vector<2048x1xi1>, vector<2048x1xf32>
    %eq3A_153 = arith.constant 0 : i32
    %eq3A_154 = vector.broadcast %eq3A_153 : i32 to vector<2048x8xi32>
    %eq3A_155 = arith.cmpi eq, %iota3A, %eq3A_154 : vector<2048x8xi32>
    %eq3A_156 = arith.constant 1 : i32
    %eq3A_157 = vector.broadcast %eq3A_156 : i32 to vector<2048x8xi32>
    %eq3A_158 = arith.cmpi eq, %iota3A, %eq3A_157 : vector<2048x8xi32>
    %jit3A_159 = arith.constant 0.000000e+00 : f32
    %broadcast_in_dim3A_160 = vector.shape_cast %select_n3A_152 : vector<2048x1xf32> to vector<2048x1xf32>
    %broadcast_in_dim3A_161 = vector.broadcast %broadcast_in_dim3A_160 : vector<2048x1xf32> to vector<2048x8xf32>
    %broadcast_in_dim3A_162 = vector.broadcast %jit3A_159 : f32 to vector<2048x8xf32>
    %select_n3A_163 = arith.select %eq3A_158, %broadcast_in_dim3A_161, %broadcast_in_dim3A_162 : vector<2048x8xi1>, vector<2048x8xf32>
    %broadcast_in_dim3A_164 = vector.shape_cast %select_n3A_142 : vector<2048x1xf32> to vector<2048x1xf32>
    %broadcast_in_dim3A_165 = vector.broadcast %broadcast_in_dim3A_164 : vector<2048x1xf32> to vector<2048x8xf32>
    %select_n3A_166 = arith.select %eq3A_155, %broadcast_in_dim3A_165, %select_n3A_163 : vector<2048x8xi1>, vector<2048x8xf32>
    %transpose3A_167 = tpu.transpose %select_n3A_166, [1, 0] : vector<2048x8xf32> -> vector<8x2048xf32>
    %swap3A_168 = arith.constant 0 : index
    %swap3A_169 = arith.constant 0 : index
    %swap3A_170 = vector.load %arg4[%swap3A_168, %swap3A_169] : memref<8x2048xf32, #tpu.memory_space<vmem>>, vector<8x2048xf32>
    tpu.vector_store %arg4[%swap3A_168, %swap3A_169], %transpose3A_167 {strides = array<i32>} : memref<8x2048xf32, #tpu.memory_space<vmem>>, vector<8x2048xf32>,
    %reduce_sum3A_171 = arith.constant dense<0.000000e+00> : vector<8xf32>
    %reduce_sum3A_172 = vector.multi_reduction <add>, %convert_element_type3A_39, %reduce_sum3A_171 [0] : vector<2048x8xf32> to vector<8xf32>
    %broadcast_in_dim3A_173 = vector.shape_cast %reduce_sum3A_172 : vector<8xf32> to vector<1x8xf32>
    %div3A_174 = arith.constant 2.048000e+03 : f32
    %div3A_175 = vector.broadcast %div3A_174 : f32 to vector<1x8xf32>
    %div3A_176 = arith.divf %broadcast_in_dim3A_173, %div3A_175 : vector<1x8xf32>
    %reduce_sum3A_177 = arith.constant dense<0.000000e+00> : vector<1xf32>
    %reduce_sum3A_178 = vector.multi_reduction <add>, %div3A_176, %reduce_sum3A_177 [1] : vector<1x8xf32> to vector<1xf32>
    %broadcast_in_dim3A_179 = vector.shape_cast %reduce_sum3A_178 : vector<1xf32> to vector<1x1xf32>
    %div3A_180 = arith.constant 8.000000e+00 : f32
    %div3A_181 = vector.broadcast %div3A_180 : f32 to vector<1x1xf32>
    %div3A_182 = arith.divf %broadcast_in_dim3A_179, %div3A_181 : vector<1x1xf32>
    %sub3A_183 = vector.broadcast %div3A_182 : vector<1x1xf32> to vector<1x8xf32>
    %sub3A_184 = arith.subf %div3A_176, %sub3A_183 : vector<1x8xf32>
    %integer_pow3A = arith.mulf %sub3A_184, %sub3A_184 : vector<1x8xf32>
    %reduce_sum3A_185 = arith.constant dense<0.000000e+00> : vector<1xf32>
    %reduce_sum3A_186 = vector.multi_reduction <add>, %integer_pow3A, %reduce_sum3A_185 [1] : vector<1x8xf32> to vector<1xf32>
    %broadcast_in_dim3A_187 = vector.shape_cast %reduce_sum3A_186 : vector<1xf32> to vector<1x1xf32>
    %div3A_188 = arith.constant 7.000000e+00 : f32
    %div3A_189 = vector.broadcast %div3A_188 : f32 to vector<1x1xf32>
    %div3A_190 = arith.divf %broadcast_in_dim3A_187, %div3A_189 : vector<1x1xf32>
    %mul3A_191 = arith.constant 8.000000e+00 : f32
    %mul3A_192 = vector.broadcast %mul3A_191 : f32 to vector<1x1xf32>
    %mul3A_193 = arith.mulf %div3A_190, %mul3A_192 : vector<1x1xf32>
    %broadcast_in_dim3A_194 = vector.shape_cast %mul3A_193 : vector<1x1xf32> to vector<1x1xf32>
    %broadcast_in_dim3A_195 = vector.broadcast %broadcast_in_dim3A_194 : vector<1x1xf32> to vector<1x128xf32>
    %swap3A_196 = arith.constant 0 : index
    %swap3A_197 = arith.constant 0 : index
    %swap3A_198 = vector.load %arg5[%swap3A_196, %swap3A_197] : memref<1x128xf32, #tpu.memory_space<vmem>>, vector<1x128xf32>
    tpu.vector_store %arg5[%swap3A_196, %swap3A_197], %broadcast_in_dim3A_195 {strides = array<i32>} : memref<1x128xf32, #tpu.memory_space<vmem>>, vector<1x128xf32>,
    %gt3A_199 = arith.constant 0.000000e+00 : f32
    %gt3A_200 = vector.broadcast %gt3A_199 : f32 to vector<1x8xf32>
    %gt3A_201 = arith.cmpf ogt, %broadcast_in_dim3A_173, %gt3A_200 : vector<1x8xf32>
    %convert_element_type3A_202 = arith.extui %gt3A_201 : vector<1x8xi1> to vector<1x8xi32>
    %reduce_sum3A_203 = arith.constant dense<0> : vector<1xi32>
    %reduce_sum3A_204 = vector.multi_reduction <add>, %convert_element_type3A_202, %reduce_sum3A_203 [1] : vector<1x8xi32> to vector<1xi32>
    %broadcast_in_dim3A_205 = vector.shape_cast %reduce_sum3A_204 : vector<1xi32> to vector<1x1xi32>
    %broadcast_in_dim3A_206 = vector.shape_cast %broadcast_in_dim3A_205 : vector<1x1xi32> to vector<1x1xi32>
    %broadcast_in_dim3A_207 = vector.broadcast %broadcast_in_dim3A_206 : vector<1x1xi32> to vector<1x128xi32>
    %swap3A_208 = arith.constant 0 : index
    %swap3A_209 = arith.constant 0 : index
    %swap3A_210 = vector.load %arg6[%swap3A_208, %swap3A_209] : memref<1x128xi32, #tpu.memory_space<vmem>>, vector<1x128xi32>
    tpu.vector_store %arg6[%swap3A_208, %swap3A_209], %broadcast_in_dim3A_207 {strides = array<i32>} : memref<1x128xi32, #tpu.memory_space<vmem>>, vector<1x128xi32>,
    return
  }
}

</mosaic_0001>

<sc_bundles>
// kernel: kernel.6.cloned.1.call-start
scs
__scs_entry_jumppad:
0x0: {  	(pc) =	sbr.rel $0x88, $3  }
0x1: {  	(tag) =	ssettag $0x0;
	lr =	simm.s32 $0x1  }
0x2: {  	[smem:$0x3F9C] =	sst lr;
	_ =	strace $0xD0000000  }
0x3: {  	_ = 	snop  }
0x4: {  	_ = 	snop  }
0x5: {  	_ = 	snop  }
0x6: {  	_ = 	snop  }
0x7: {  	_ = 	snop  }
__scs_overlays_trampoline_lowered:
0x8: {  	[smem:$0x3FAB] =	sst s0  }
0x9: {  	[smem:$0x3FAC] =	sst s1  }
0xa: {  	[smem:$0x3FAD] =	sst s2  }
0xb: {  	[smem:$0x3FAE] =	sst s3  }
0xc: {  	[smem:$0x3FAF] =	sst s4  }
0xd: {  	[smem:$0x3FB0] =	sst s5  }
0xe: {  	[smem:$0x3FB1] =	sst s6  }
0xf: {  	[smem:$0x3FB2] =	sst s7  }
0x10: {  	[smem:$0x3FB3] =	sst s8  }
0x11: {  	[smem:$0x3FB4] =	sst s9;
	s0 =	simm.s32 @!p0 $0x0  }
0x12: {  	s1 =	sld [smem:$0x3F9A];
	s0 =	simm.s32 @p0 $0x1  }
0x13: {  	[smem:$0x3FB5] =	sst s0;
	s0 =	simm.s32 @!p1 $0x0  }
0x14: {  	s2 =	sld [smem:$0x3F99];
	s0 =	simm.s32 @p1 $0x1  }
0x15: {  	[smem:$0x3FB6] =	sst s0;
	s0 =	simm.s32 @!p2 $0x0  }
0x16: {  	s3 =	sld [smem:$0x3FDB];
	s0 =	simm.s32 @p2 $0x1  }
0x17: {  	s4 =	simm.s32 $0x1BF5;
	[smem:$0x3FB8] =	sst s0  }
0x18: {  	s0 =	sld [smem:$0x3F9B];
	_ =	swait.ge [sflag:s4], $0x0  }
0x19: {  	s7 =	sld [smem:$0x3F9C]  }
0x1a: {  	s8 =	sadd.s32 $0xFFFFE003, lr  }
0x1b: {  	s9 =	sadd.s32 $0xFFFFFEF7, lr;
	s5 =	simm.s32 $0xFFFFFFFF;
	p2 =	slt.u32 s8, $0xFFFFF086  }
0x1c: {  	p1 =	slt.u32 s9, $0xF7A;
	s5 =	simm.s32 @!p2 $0x0  }
0x1d: {  	s5 =	simm.s32 @p1 $0x1;
	p0 =	seq.s32 s7, s2  }
0x1e: {  	s7 =	smul.u32 @!p0 $0xF7A, s2;
	p2 =	seq.s32 @!p0 s5, $0x0  }
0x1f: {  	s9 =	smul.u32 $0xF7A, s1;
	s8 =	simm.s32 @!p0 $0x1BF5;
	p2 =	por !p2, p0  }
0x20: {  	[sflag:s8] =	ssyncset.s32 @!p0 $0xFFFFF086;
	s6 =	sadd.s32 @!p0 s3, s7;
	s7 =	simm.s32 @!p0 $0x108  }
0x21: {  	s3 =	sadd.s32 s3, s9;
	s6 =	sadd.s32 @!p0 $0x88, s6;
	s7 =	simm.s32 @p2 $0x1082  }
0x22: {  	[simem:s7], [sflag:s8] =	dma.local @!p0 [hbm:s6], $0xF7A  }
0x23: {  	s9 =	sor.u32 $0xD0000000, s2;
	s6 =	simm.s32 $0x108;
	_ =	swait.ge @!p0 [sflag:s8], $0x0  }
0x24: {  	s3 =	sadd.s32 $0x88, s3;
	s6 =	simm.s32 @!p1 $0x1082;
	[sflag:s4] =	ssyncset.s32 $0xFFFFF086  }
0x25: {  	[simem:s6], [sflag:s4] =	dma.local [hbm:s3], $0xF7A  }
0x26: {  	[smem:$0x3F9C] =	sst s1;
	(tag) =	ssettag s2;
	_ =	strace s9  }
0x27: {  	s1 =	sld [smem:$0x3FAC]  }
0x28: {  	s2 =	sld [smem:$0x3FAD]  }
0x29: {  	s4 =	sld [smem:$0x3FAF]  }
0x2a: {  	p0 =	seq.s32 s5, $0x0;
	s5 =	sld [smem:$0x3FB0]  }
0x2b: {  	s6 =	sld [smem:$0x3FB1]  }
0x2c: {  	s7 =	sld [smem:$0x3FB2]  }
0x2d: {  	s3 =	simm.s32 $0x108;
	s8 =	sld [smem:$0x3FB3]  }
0x2e: {  	s3 =	simm.s32 @!p0 $0x1082;
	s9 =	sld [smem:$0x3FB4]  }
0x2f: {  	lr =	sadd.s32 s0, s3;
	s0 =	sld [smem:$0x3FAB]  }
0x30: {  	s3 =	sld [smem:$0x3FAE]  }
0x31: {  	[smem:$0x3FB7] =	sst s10  }
0x32: {  	s10 =	sld [smem:$0x3FB5];
	_ =	sdelay $0x3  }
0x33: {  	p0 =	seq.s32 s10, $0x1;
	s10 =	sld [smem:$0x3FB7];
	_ =	sdelay $0x3  }
0x34: {  	[smem:$0x3FB7] =	sst s10  }
0x35: {  	s10 =	sld [smem:$0x3FB6];
	_ =	sdelay $0x3  }
0x36: {  	p1 =	seq.s32 s10, $0x1;
	s10 =	sld [smem:$0x3FB7];
	_ =	sdelay $0x3  }
0x37: {  	[smem:$0x3FB7] =	sst s10  }
0x38: {  	s10 =	sld [smem:$0x3FB8]  }
0x39: {  	_ = 	snop;
	(pc) =	sbr.ind lr, $3  }
0x3a: {  	_ = 	snop  }
0x3b: {  	_ = 	snop  }
0x3c: {  	p2 =	seq.s32 s10, $0x1;
	s10 =	sld [smem:$0x3FB7]  }
0x3d: {  	_ =	shalt  }
0x3e: {  	_ =	shalt  }
0x3f: {  	_ =	shalt  }
0x40: {  	_ =	shalt  }
0x41: {  	_ =	shalt  }
0x42: {  	_ =	shalt  }
0x43: {  	_ =	shalt  }
0x44: {  	_ =	shalt  }
0x45: {  	_ =	shalt  }
0x46: {  	_ =	shalt  }
0x47: {  	_ =	shalt  }
0x48: {  	_ =	shalt  }
0x49: {  	_ =	shalt  }
0x4a: {  	_ =	shalt  }
0x4b: {  	_ =	shalt  }
0x4c: {  	_ =	shalt  }
0x4d: {  	_ =	shalt  }
0x4e: {  	_ =	shalt  }
0x4f: {  	_ =	shalt  }
0x50: {  	_ =	shalt  }
0x51: {  	_ =	shalt  }
0x52: {  	_ =	shalt  }
0x53: {  	_ =	shalt  }
0x54: {  	_ =	shalt  }
0x55: {  	_ =	shalt  }
0x56: {  	_ =	shalt  }
0x57: {  	_ =	shalt  }
0x58: {  	_ =	shalt  }
0x59: {  	_ =	shalt  }
0x5a: {  	_ =	shalt  }
0x5b: {  	_ =	shalt  }
0x5c: {  	_ =	shalt  }
0x5d: {  	_ =	shalt  }
0x5e: {  	_ =	shalt  }
0x5f: {  	_ =	shalt  }
0x60: {  	_ =	shalt  }
0x61: {  	_ =	shalt  }
0x62: {  	_ =	shalt  }
0x63: {  	_ =	shalt  }
0x64: {  	_ =	shalt  }
0x65: {  	_ =	shalt  }
0x66: {  	_ =	shalt  }
0x67: {  	_ =	shalt  }
0x68: {  	_ =	shalt  }
0x69: {  	_ =	shalt  }
0x6a: {  	_ =	shalt  }
0x6b: {  	_ =	shalt  }
0x6c: {  	_ =	shalt  }
0x6d: {  	_ =	shalt  }
0x6e: {  	_ =	shalt  }
0x6f: {  	_ =	shalt  }
0x70: {  	_ =	shalt  }
0x71: {  	_ =	shalt  }
0x72: {  	_ =	shalt  }
0x73: {  	_ =	shalt  }
0x74: {  	_ =	shalt  }
0x75: {  	_ =	shalt  }
0x76: {  	_ =	shalt  }
0x77: {  	_ =	shalt  }
0x78: {  	_ =	shalt  }
0x79: {  	_ =	shalt  }
0x7a: {  	_ =	shalt  }
0x7b: {  	_ =	shalt  }
0x7c: {  	_ =	shalt  }
0x7d: {  	_ =	shalt  }
0x7e: {  	_ =	shalt  }
0x7f: {  	_ =	shalt  }
0x80: {  	_ =	shalt  }
0x81: {  	_ =	shalt  }
0x82: {  	_ =	shalt  }
0x83: {  	_ =	shalt  }
0x84: {  	_ =	shalt  }
0x85: {  	_ =	shalt  }
0x86: {  	_ =	shalt  }
0x87: {  	_ =	shalt  }
.Lfunc_end0:
.L_simem_size_0:
called_computation_lowered:
.L_overlay_start_0:
0x88: {  	s2 =	sld [smem:$0x3FD9]  }
0x89: {  	s3 =	sld [smem:$0x3FFE];
	_ =	sdelay $0x1  }
0x8a: {  	s1 =	srdreg.scid  }
0x8b: {  	s0 =	sand.u32 $0x1, s1  }
0x8c: {  	s14 =	sshll.u32 s0, $0xA;
	s2 =	sadd.s32 s3, s2  }
0x8d: {  	s2 =	sadd.s32 s2, s14  }
0x8e: {  	[smem:$0x3FC3] =	sst s2  }
0x8f: {  	_ = 	snop  }
0x90: {  	s2 =	sld [smem:$0x3FD0];
	_ =	sdelay $0x2  }
0x91: {  	s4 =	simm.s32 $0xA;
	s5 =	simm.s32 $0x10;
	s15 =	sld [smem:$0x3FC9]  }
0x92: {  	[smem:s5], [sflag:s4] =	dma.local [hbm:s2], $0x1  }
0x93: {  	_ =	swait.eq [sflag:s4], $0x1  }
0x94: {  	[sflag:s4] =	ssyncset.done $0x0  }
0x95: {  	[sflag:s4] =	ssyncadd.s32 $0xFFFFFFFF  }
0x96: {  	s16 =	sld [smem:$0x10];
	(tm) =	ssettm $0x1  }
0x97: {  	s17 =	sld [smem:$0x3FFB];
	_ =	sdelay $0x3  }
0x98: {  	_ =	strace s17  }
0x99: {  	s4 =	sld [smem:$0x3FFC];
	_ =	sdelay $0x3  }
0x9a: {  	_ =	strace s4  }
0x9b: {  	s4 =	sld [smem:$0x3FFD];
	_ =	sdelay $0x3  }
0x9c: {  	_ =	strace s4  }
0x9d: {  	_ =	strace $0x8FFFFFFF  }
0x9e: {  	s18 =	sld [smem:$0x3FDB];
	_ =	sdelay $0x1  }
0x9f: {  	s19 =	simm.s32 $_scs_section_size  }
0xa0: {  	s6 =	simm.s32 $_size__tile_overlayer_lowered;
	s7 =	simm.s32 $_tile_overlayer_lowered  }
0xa1: {  	s22 =	simm.s32 $0x1BFF;
	s21 =	sshll.u32 s7, $0x1;
	s4 =	sadd.s32 s19, s18  }
0xa2: {  	s8 =	simm.s32 $0x0;
	s20 =	sshll.u32 s6, $0x1;
	s6 =	sadd.s32 s21, s4  }
0xa3: {  	[timem:s8], [sflag:s22] =	dma.local [hbm:s6], s20  }
0xa4: {  	_ =	swait.ge [sflag:s22], s20  }
0xa5: {  	s5 =	ssub.s32 $0x0, s20;
	[sflag:s22] =	ssyncset.done $0x0  }
0xa6: {  	[sflag:s22] =	ssyncadd.s32 s5;
	_ =	sdelay $0x1  }
0xa7: {  	s23 =	simm.s32 $0x1B8B  }
0xa8: {  	_ =	swait.ge [sflag:s23], $0x1  }
0xa9: {  	[sflag:s23] =	ssyncset.done $0x0  }
0xaa: {  	s25 =	simm.s32 $0x1B8E;
	s24 =	sld [smem:$0x3FFE];
	[sflag:s23] =	ssyncadd.s32 $0xFFFFFFFF  }
0xab: {  	s26 =	simm.s32 $execute0_lowered;
	[smem:$0x3FD2] =	sst s25  }
0xac: {  	s6 =	sshll.u32 s26, $0x1;
	_ =	strace $0x80000046;
	[dreg:$0x1] =	wrdreg $0xFFFFFFFF  }
0xad: {  	s28 =	simm.s32 $_size_execute0_lowered;
	s4 =	sadd.s32 s4, s6;
	[dreg:$0x0] =	wrdreg $0x0  }
0xae: {  	s6 =	sshll.u32 s28, $0x1;
	[dreg:$0x2] =	wrdreg s4  }
0xaf: {  	[dreg:$0x3] =	wrdreg s6  }
0xb0: {  	[dreg:$0x4] =	wrdreg $0xC0  }
0xb1: {  	_ =	task [dreg:s8], $0x5FFFF  }
0xb2: {  	[dreg:$0x1] =	wrdreg $0xFFFFFFFF  }
0xb3: {  	[dreg:$0x0] =	wrdreg $0x60  }
0xb4: {  	[dreg:$0x2] =	wrdreg s15  }
0xb5: {  	[dreg:$0x3] =	wrdreg s16  }
0xb6: {  	[dreg:$0x4] =	wrdreg s24  }
0xb7: {  	[dreg:$0x5] =	wrdreg $0x9  }
0xb8: {  	_ =	task.clear_ibuf [dreg:s8], $0x6FFFF;
	_ =	strace $0x90000046  }
0xb9: {  	s29 =	simm.s32 $0x9;
	_ =	strace $0x80000048  }
0xba: {  	_ =	swait.ge [sflag:s29], $0x1  }
0xbb: {  	[sflag:s29] =	ssyncadd.s32 $0xFFFFFFFF  }
0xbc: {  	_ =	strace $0x90000048  }
0xbd: {  	_ =	sfence  }
0xbe: {  	s30 =	sld [smem:$0x0];
	_ =	sdelay $0x2  }
0xbf: {  	s31 =	sshll.u32 s1, $0xD;
	s1 =	sshrl.u32 s1, $0x2  }
0xc0: {  	s3 =	sand.u32 $0x4000, s31;
	s1 =	sadd.s32 s1, s30  }
0xc1: {  	s0 =	sor.u32 s3, s0;
	s1 =	sshll.u32 s1, $0x11  }
0xc2: {  	s0 =	sor.u32 s1, s0  }
0xc3: {  	s0 =	sadd.s32 $0x8F2B, s0  }
0xc4: {  	[sflag:s0] =	ssyncadd.remote.s32 $0x1  }
0xc5: {  	_ =	sfence.sel $0xFFFF  }
0xc6: {  	[dreg:$0x0] =	wrdreg $0xFFFFFFFF;
	(pc) =	sbr.abs _section_cstart, $3  }
0xc7: {  	[dreg:$0x1] =	wrdreg $0xFFFFFFFF  }
0xc8: {  	_ =	task.clear_ibuf [dreg:s8], $0x2FFFF;
	_ =	strace $0x9FFFFFFF  }
0xc9: {  	(tm) =	ssettm $0x7FFFFFFF  }
tec
execute0_lowered:
.L_overlay_start_1:
0x0: {  	(tag) =	ssettag $0x1  }
0x1: {  	s18 =	rddreg [dreg:$0x0]  }
0x2: {  	s0 =	rddreg [dreg:$0x1]  }
0x3: {  	s2 =	rddreg [dreg:$0x2];
	s4 =	srdreg.scid;
	s3 =	simm.s32 $0x0  }
0x4: {  	s7 =	stileid.u32;
	s12 =	simm.s32 $0x7400;
	s14 =	simm.s32 $0x7C00  }
0x5: {  	s15 =	simm.s32 $0x8400;
	s5 =	sand.u32 $0x1, s4;
	[smem:$0x7FF] =	sst s3  }
0x6: {  	s6 =	sshrl.u32 s7, $0x2;
	s16 =	sshll.u32 s7, $0x7;
	s13 =	sadd.s32 $0x2A00, s2  }
0x7: {  	s7 =	simm.s32 $0x5400;
	s4 =	sshll.u32 s5, $0x2;
	_ =	strace $0x80000047  }
0x8: {  	s5 =	ssub.s32 $0x2, s5;
	s6 =	sor.u32 s6, s4;
	s4 =	sand.u32 $0x180, s16  }
0x9: {  	s10 =	sshrl.u32 s5, $0x1;
	s16 =	simm.s32 $0x6C00;
	s17 =	sshll.u32 s6, $0x4  }
0xa: {  	s6 =	sshll.u32 s6, $0x9;
	s5 =	ssub.s32 s5, s10;
	s21 =	sor.u32 $0x1200, s4  }
0xb: {  	s10 =	sadd.s32 $0x200, s18;
	s23 =	sor.u32 $0x20, s4;
	[dreg:$0x10] =	wrdreg s4  }
0xc: {  	s25 =	sor.u32 $0x40, s4;
	s26 =	sor.u32 $0x60, s4;
	[dreg:$0x7] =	wrdreg s21  }
0xd: {  	s8 =	sadd.s32 s17, s2;
	s11 =	sor.u32 s4, s6;
	[dreg:$0xd] =	wrdreg s23  }
0xe: {  	s0 =	sadd.s32 s0, s17;
	s24 =	sor.u32 s23, s6;
	[dreg:$0xe] =	wrdreg s25  }
0xf: {  	[dreg:$0xf] =	wrdreg s26;
	s31 =	smax.u32 s5, $0x1;
	s23 =	simm.s32 $0x1000  }
0x10: {  	s17 =	simm.s32 $0x1400;
	s21 =	simm.s32 $0x8C00;
	s9 =	sshrl.u32 s11, $0x3  }
0x11: {  	[dreg:$0x4] =	wrdreg s0;
	s19 =	sadd.s32 $0x2000, s8;
	s22 =	sshll.u32 s11, $0x7  }
0x12: {  	s11 =	sadd.s32 $0x300, s18;
	[dreg:$0xc] =	wrdreg s31;
	s8 =	simm.s32 $0x5C00  }
0x13: {  	s2 =	sadd.s32 s9, s2;
	[dreg:$0x5] =	wrdreg s19;
	s9 =	sadd.s32 $0x100, s18  }
0x14: {  	s0 =	sadd.s32 s13, s22;
	s19 =	simm.s32 $0x3C00;
	s22 =	simm.s32 $0xBC00  }
0x15: {  	s20 =	sadd.s32 $0x2800, s2;
	[dreg:$0x8] =	wrdreg s0;
	s0 =	sshll.u32 s24, $0x7  }
0x16: {  	s2 =	sor.u32 s25, s6;
	s6 =	sor.u32 s26, s6;
	s24 =	simm.s32 $0x1200  }
0x17: {  	s26 =	simm.s32 $0x0;
	s25 =	simm.s32 $0x9C00;
	[dreg:$0x6] =	wrdreg s20  }
0x18: {  	s0 =	sadd.s32 s13, s0;
	s28 =	sshll.u32 s2, $0x7;
	s29 =	sshll.u32 s6, $0x7  }
0x19: {  	v0 =	vimm.s32 $0x0;
	v1 =	vlaneseq.u32;
	s20 =	simm.s32 $0x9400;
	[dreg:$0x9] =	wrdreg s0;
	s0 =	sadd.s32 s13, s28  }
0x1a: {  	v2 =	vimm.f32 $0.0e+00;
	vm0 =	vmmov $0xffff;
	v4 =	vshrl.u32 v1, $0x3;
	s2 =	simm.s32 $0x2;
	s30 =	sadd.s32 s13, s29;
	[dreg:$0xa] =	wrdreg s0  }
0x1b: {  	v3 =	vand.u32 $0x7, v1;
	v5 =	vor.u32 $0x8, v1;
	v4 =	vmul.u32 $0x8, v4;
	s13 =	simm.s32 $0x6400;
	[dreg:$0xb] =	wrdreg s30;
	s0 =	simm.s32 $0x5  }
.LBB2_1:
0x1c: {  	s28 =	rddreg [dreg:$0x4];
	s30 =	simm.s32 $0x80;
	s31 =	simm.s32 $0x400  }
0x1d: {  	[tilespmem:s3], [sflag:$0x5] =	stream.strided.gather [hbm4b:s28+s30], $0x800, s31, s30, $0x38;
	[tilespmem:$0x11400] =	vst v63  }
0x1e: {  	_ =	swait.ge [sflag:s0], $0x800  }
0x1f: {  	[sflag:s0] =	ssyncset.done $0x0  }
0x20: {  	s28 =	simm.s32 $0x800;
	s29 =	rddreg [dreg:$0x5];
	[sflag:s0] =	ssyncadd.s32 $0xFFFFF800  }
0x21: {  	[tilespmem:s28], [sflag:$0x5] =	stream.strided.gather [hbm4b:s29+s30], $0x800, s31, s30, $0x38;
	[tilespmem:$0x11400] =	vst v63  }
0x22: {  	_ =	swait.ge [sflag:s0], $0x800  }
0x23: {  	[sflag:s0] =	ssyncset.done $0x0  }
0x24: {  	[sflag:s0] =	ssyncadd.s32 $0xFFFFF800  }
0x25: {  	[tilespmem:$0x1000] =	vst v0  }
0x26: {  	[tilespmem:$0x1200] =	vst v2  }
0x27: {  	[tilespmem:$0x1010] =	vst v0  }
0x28: {  	[tilespmem:$0x1210] =	vst v2  }
0x29: {  	[tilespmem:$0x1020] =	vst v0  }
0x2a: {  	[tilespmem:$0x1220] =	vst v2  }
0x2b: {  	[tilespmem:$0x1030] =	vst v0  }
0x2c: {  	[tilespmem:$0x1230] =	vst v2  }
0x2d: {  	[tilespmem:$0x1040] =	vst v0  }
0x2e: {  	[tilespmem:$0x1240] =	vst v2  }
0x2f: {  	[tilespmem:$0x1050] =	vst v0  }
0x30: {  	[tilespmem:$0x1250] =	vst v2  }
0x31: {  	[tilespmem:$0x1060] =	vst v0  }
0x32: {  	[tilespmem:$0x1260] =	vst v2  }
0x33: {  	[tilespmem:$0x1070] =	vst v0  }
0x34: {  	[tilespmem:$0x1270] =	vst v2  }
0x35: {  	[tilespmem:$0x1080] =	vst v0  }
0x36: {  	[tilespmem:$0x1280] =	vst v2  }
0x37: {  	[tilespmem:$0x1090] =	vst v0  }
0x38: {  	[tilespmem:$0x1290] =	vst v2  }
0x39: {  	[tilespmem:$0x10A0] =	vst v0  }
0x3a: {  	[tilespmem:$0x12A0] =	vst v2  }
0x3b: {  	[tilespmem:$0x10B0] =	vst v0  }
0x3c: {  	[tilespmem:$0x12B0] =	vst v2  }
0x3d: {  	[tilespmem:$0x10C0] =	vst v0  }
0x3e: {  	[tilespmem:$0x12C0] =	vst v2  }
0x3f: {  	[tilespmem:$0x10D0] =	vst v0  }
0x40: {  	[tilespmem:$0x12D0] =	vst v2  }
0x41: {  	[tilespmem:$0x10E0] =	vst v0  }
0x42: {  	[tilespmem:$0x12E0] =	vst v2  }
0x43: {  	[tilespmem:$0x10F0] =	vst v0  }
0x44: {  	[tilespmem:$0x12F0] =	vst v2  }
0x45: {  	[tilespmem:$0x1100] =	vst v0  }
0x46: {  	[tilespmem:$0x1300] =	vst v2  }
0x47: {  	[tilespmem:$0x1110] =	vst v0  }
0x48: {  	[tilespmem:$0x1310] =	vst v2  }
0x49: {  	[tilespmem:$0x1120] =	vst v0  }
0x4a: {  	[tilespmem:$0x1320] =	vst v2  }
0x4b: {  	[tilespmem:$0x1130] =	vst v0  }
0x4c: {  	[tilespmem:$0x1330] =	vst v2  }
0x4d: {  	[tilespmem:$0x1140] =	vst v0  }
0x4e: {  	[tilespmem:$0x1340] =	vst v2  }
0x4f: {  	[tilespmem:$0x1150] =	vst v0  }
0x50: {  	[tilespmem:$0x1350] =	vst v2  }
0x51: {  	[tilespmem:$0x1160] =	vst v0  }
0x52: {  	[tilespmem:$0x1360] =	vst v2  }
0x53: {  	[tilespmem:$0x1170] =	vst v0  }
0x54: {  	[tilespmem:$0x1370] =	vst v2  }
0x55: {  	[tilespmem:$0x1180] =	vst v0  }
0x56: {  	[tilespmem:$0x1380] =	vst v2  }
0x57: {  	[tilespmem:$0x1190] =	vst v0  }
0x58: {  	[tilespmem:$0x1390] =	vst v2  }
0x59: {  	[tilespmem:$0x11A0] =	vst v0  }
0x5a: {  	[tilespmem:$0x13A0] =	vst v2  }
0x5b: {  	[tilespmem:$0x11B0] =	vst v0  }
0x5c: {  	[tilespmem:$0x13B0] =	vst v2  }
0x5d: {  	[tilespmem:$0x11C0] =	vst v0  }
0x5e: {  	[tilespmem:$0x13C0] =	vst v2  }
0x5f: {  	[tilespmem:$0x11D0] =	vst v0  }
0x60: {  	[tilespmem:$0x13D0] =	vst v2  }
0x61: {  	[tilespmem:$0x11E0] =	vst v0  }
0x62: {  	[tilespmem:$0x13E0] =	vst v2  }
0x63: {  	[tilespmem:$0x11F0] =	vst v0  }
0x64: {  	[tilespmem:$0x13F0] =	vst v2  }
0x65: {  	v6 =	vld [tilespmem:s3+$0x0];
	_ =	sdelay $0x4  }
0x66: {  	v7 =	vtrunc.f32 v6  }
0x67: {  	vm1 =	vge.f32 v6, $0.0e+00;
	v7 =	vcvt.f32.s32 v7;
	_ =	sdelay $0x1  }
0x68: {  	v6 =	vld [tilespmem:s28+$0x0];
	_ =	sdelay $0x2  }
0x69: {  	v8 =	vor.u32 s3, v1  }
0x6a: {  	[tilespmem:v7+s23+$0x0] =	vst.idx.msk vm1, v8  }
0x6b: {  	s29 =	simm.s32 $0x10;
	[tilespmem:v7+s24+$0x0] =	vst.idx.msk vm1, v6  }
0x6c: {  	v6 =	vld [tilespmem:s29+$0x0]  }
0x6d: {  	s30 =	simm.s32 $0x20;
	s31 =	simm.s32 $0x10  }
.LBB2_2:
0x6e: {  	p0 =	sne.s32 s30, $0x7F0;
	_ =	sdelay $0x2  }
0x6f: {  	v7 =	vtrunc.f32 v6  }
0x70: {  	vm1 =	vge.f32 v6, $0.0e+00;
	v7 =	vcvt.f32.s32 v7  }
0x71: {  	s28 =	sadd.s32 $0x10, s28  }
0x72: {  	v6 =	vld [tilespmem:s28+$0x0];
	_ =	sdelay $0x2  }
.Ltmp0:
0x73: {  	v8 =	vor.u32 s29, v1;
	s29 =	smov.u32 s30;
	(pc) =	sbr.rel @p0 .LBB2_2-.Ltmp0, $4  }
0x74: {  	[tilespmem:v7+s23+$0x0] =	vst.idx.msk vm1, v8  }
0x75: {  	s31 =	sadd.s32 $0x10, s31;
	[tilespmem:v7+s24+$0x0] =	vst.idx.msk vm1, v6  }
0x76: {  	v6 =	vld [tilespmem:s31+$0x0]  }
0x77: {  	s30 =	sadd.s32 $0x10, s30  }
0x78: {  	_ =	sdelay $0x2  }
0x79: {  	v7 =	vtrunc.f32 v6  }
0x7a: {  	vm1 =	vge.f32 v6, $0.0e+00;
	v7 =	vcvt.f32.s32 v7  }
0x7b: {  	s28 =	sadd.s32 $0x10, s28  }
0x7c: {  	v6 =	vld [tilespmem:s28+$0x0];
	_ =	sdelay $0x2  }
0x7d: {  	v8 =	vor.u32 s29, v1  }
0x7e: {  	s31 =	rddreg [dreg:$0x6];
	[tilespmem:v7+s23+$0x0] =	vst.idx.msk vm1, v8  }
0x7f: {  	s1 =	rddreg [dreg:$0x7];
	[tilespmem:v7+s24+$0x0] =	vst.idx.msk vm1, v6  }
0x80: {  	[hbm4b:s31+s3] =	stream.linear.scatter [tilespmem:s1], [sflag:$0x5], $0x80, $0x38;
	[tilespmem:$0x11400] =	vst v63  }
0x81: {  	_ =	swait.ge [sflag:s0], $0x80  }
0x82: {  	[sflag:s0] =	ssyncset.done $0x0  }
0x83: {  	s4 =	rddreg [dreg:$0x10];
	[sflag:s0] =	ssyncadd.s32 $0xFFFFFF80  }
0x84: {  	v6 =	vld [tilespmem:s4+$0x1000];
	_ =	sdelay $0x4  }
0x85: {  	v7 =	vshll.u32 v6, $0x3  }
0x86: {  	v6 =	vand.u32 $0x7, v6;
	v7 =	vand.u32 $0xFFFFFFC0, v7  }
0x87: {  	v6 =	vor.u32 v6, v7  }
0x88: {  	v7 =	vperm.xlane v6, v3;
	_ =	sdelay $0x1  }
0x89: {  	v7 =	vadd.s32 v4, v7;
	_ =	sdelay $0x4  }
0x8a: {  	[tilespmem:s17], [sflag:$0x1] =	stream.indirect_vreg.gather [hbm4b:s18+s3], $0x80, v7, vm0, $0xb8;
	[tilespmem:$0x11400] =	vst v63  }
0x8b: {  	s29 =	simm.s32 $0x1C00;
	v6 =	vperm.xlane v6, v5  }
0x8c: {  	[tilespmem:s29], [sflag:$0x1] =	stream.indirect_vreg.gather [hbm4b:s9+s3], $0x80, v7, vm0, $0xb8;
	[tilespmem:$0x11400] =	vst v63  }
0x8d: {  	s30 =	simm.s32 $0x2400;
	v6 =	vadd.s32 v4, v6  }
0x8e: {  	[tilespmem:s30], [sflag:$0x1] =	stream.indirect_vreg.gather [hbm4b:s10+s3], $0x80, v7, vm0, $0xb8;
	[tilespmem:$0x11400] =	vst v63  }
0x8f: {  	s31 =	simm.s32 $0x2C00  }
0x90: {  	[tilespmem:s31], [sflag:$0x1] =	stream.indirect_vreg.gather [hbm4b:s11+s3], $0x80, v7, vm0, $0xb8;
	[tilespmem:$0x11400] =	vst v63  }
0x91: {  	s0 =	simm.s32 $0x3400  }
0x92: {  	[tilespmem:s0], [sflag:$0x1] =	stream.indirect_vreg.gather [hbm4b:s18+s3], $0x80, v6, vm0, $0xb8;
	[tilespmem:$0x11400] =	vst v63  }
0x93: {  	_ = 	snop  }
0x94: {  	[tilespmem:s19], [sflag:$0x1] =	stream.indirect_vreg.gather [hbm4b:s9+s3], $0x80, v6, vm0, $0xb8;
	[tilespmem:$0x11400] =	vst v63  }
0x95: {  	s5 =	simm.s32 $0x4400  }
0x96: {  	[tilespmem:s5], [sflag:$0x1] =	stream.indirect_vreg.gather [hbm4b:s10+s3], $0x80, v6, vm0, $0xb8;
	[tilespmem:$0x11400] =	vst v63  }
0x97: {  	s6 =	simm.s32 $0x4C00  }
0x98: {  	[tilespmem:s6], [sflag:$0x1] =	stream.indirect_vreg.gather [hbm4b:s11+s3], $0x80, v6, vm0, $0xb8;
	[tilespmem:$0x11400] =	vst v63  }
0x99: {  	v6 =	vld [tilespmem:s4+$0x1010];
	_ =	sdelay $0x4  }
0x9a: {  	v7 =	vshll.u32 v6, $0x3  }
0x9b: {  	v6 =	vand.u32 $0x7, v6;
	v7 =	vand.u32 $0xFFFFFFC0, v7  }
0x9c: {  	v6 =	vor.u32 v6, v7  }
0x9d: {  	v7 =	vperm.xlane v6, v3;
	_ =	sdelay $0x1  }
0x9e: {  	v7 =	vadd.s32 v4, v7;
	_ =	sdelay $0x4  }
0x9f: {  	[tilespmem:s7], [sflag:$0x1] =	stream.indirect_vreg.gather [hbm4b:s18+s3], $0x80, v7, vm0, $0xb8;
	[tilespmem:$0x11400] =	vst v63  }
0xa0: {  	v6 =	vperm.xlane v6, v5  }
0xa1: {  	[tilespmem:s8], [sflag:$0x1] =	stream.indirect_vreg.gather [hbm4b:s9+s3], $0x80, v7, vm0, $0xb8;
	[tilespmem:$0x11400] =	vst v63  }
0xa2: {  	v6 =	vadd.s32 v4, v6  }
0xa3: {  	[tilespmem:s13], [sflag:$0x1] =	stream.indirect_vreg.gather [hbm4b:s10+s3], $0x80, v7, vm0, $0xb8;
	[tilespmem:$0x11400] =	vst v63  }
0xa4: {  	_ = 	snop  }
0xa5: {  	[tilespmem:s16], [sflag:$0x1] =	stream.indirect_vreg.gather [hbm4b:s11+s3], $0x80, v7, vm0, $0xb8;
	[tilespmem:$0x11400] =	vst v63  }
0xa6: {  	_ = 	snop  }
0xa7: {  	[tilespmem:s12], [sflag:$0x1] =	stream.indirect_vreg.gather [hbm4b:s18+s3], $0x80, v6, vm0, $0xb8;
	[tilespmem:$0x11400] =	vst v63  }
0xa8: {  	_ = 	snop  }
0xa9: {  	[tilespmem:s14], [sflag:$0x1] =	stream.indirect_vreg.gather [hbm4b:s9+s3], $0x80, v6, vm0, $0xb8;
	[tilespmem:$0x11400] =	vst v63  }
0xaa: {  	_ = 	snop  }
0xab: {  	[tilespmem:s15], [sflag:$0x1] =	stream.indirect_vreg.gather [hbm4b:s10+s3], $0x80, v6, vm0, $0xb8;
	[tilespmem:$0x11400] =	vst v63  }
0xac: {  	s28 =	rddreg [dreg:$0xd]  }
0xad: {  	[tilespmem:s21], [sflag:$0x1] =	stream.indirect_vreg.gather [hbm4b:s11+s3], $0x80, v6, vm0, $0xb8;
	[tilespmem:$0x11400] =	vst v63  }
0xae: {  	v6 =	vld [tilespmem:s28+$0x1000];
	_ =	sdelay $0x4  }
0xaf: {  	v7 =	vshll.u32 v6, $0x3  }
0xb0: {  	v6 =	vand.u32 $0x7, v6;
	v7 =	vand.u32 $0xFFFFFFC0, v7  }
0xb1: {  	v6 =	vor.u32 v6, v7  }
0xb2: {  	v7 =	vperm.xlane v6, v3;
	_ =	sdelay $0x1  }
0xb3: {  	v7 =	vadd.s32 v4, v7;
	_ =	sdelay $0x4  }
0xb4: {  	[tilespmem:s20], [sflag:$0x2] =	stream.indirect_vreg.gather [hbm4b:s18+s3], $0x80, v7, vm0, $0xb8;
	[tilespmem:$0x11400] =	vst v63  }
0xb5: {  	v6 =	vperm.xlane v6, v5  }
0xb6: {  	[tilespmem:s25], [sflag:$0x2] =	stream.indirect_vreg.gather [hbm4b:s9+s3], $0x80, v7, vm0, $0xb8;
	[tilespmem:$0x11400] =	vst v63  }
0xb7: {  	s1 =	simm.s32 $0xA400;
	v6 =	vadd.s32 v4, v6  }
0xb8: {  	[tilespmem:s1], [sflag:$0x2] =	stream.indirect_vreg.gather [hbm4b:s10+s3], $0x80, v7, vm0, $0xb8;
	[tilespmem:$0x11400] =	vst v63  }
0xb9: {  	s4 =	simm.s32 $0xAC00  }
0xba: {  	[tilespmem:s4], [sflag:$0x2] =	stream.indirect_vreg.gather [hbm4b:s11+s3], $0x80, v7, vm0, $0xb8;
	[tilespmem:$0x11400] =	vst v63  }
0xbb: {  	s4 =	simm.s32 $0xB400  }
0xbc: {  	[tilespmem:s4], [sflag:$0x2] =	stream.indirect_vreg.gather [hbm4b:s18+s3], $0x80, v6, vm0, $0xb8;
	[tilespmem:$0x11400] =	vst v63  }
0xbd: {  	_ = 	snop  }
0xbe: {  	[tilespmem:s22], [sflag:$0x2] =	stream.indirect_vreg.gather [hbm4b:s9+s3], $0x80, v6, vm0, $0xb8;
	[tilespmem:$0x11400] =	vst v63  }
0xbf: {  	s4 =	simm.s32 $0xC400  }
0xc0: {  	[tilespmem:s4], [sflag:$0x2] =	stream.indirect_vreg.gather [hbm4b:s10+s3], $0x80, v6, vm0, $0xb8;
	[tilespmem:$0x11400] =	vst v63  }
0xc1: {  	s4 =	simm.s32 $0xCC00  }
0xc2: {  	[tilespmem:s4], [sflag:$0x2] =	stream.indirect_vreg.gather [hbm4b:s11+s3], $0x80, v6, vm0, $0xb8;
	[tilespmem:$0x11400] =	vst v63  }
0xc3: {  	v6 =	vld [tilespmem:s28+$0x1010];
	_ =	sdelay $0x4  }
0xc4: {  	v7 =	vshll.u32 v6, $0x3  }
0xc5: {  	v6 =	vand.u32 $0x7, v6;
	v7 =	vand.u32 $0xFFFFFFC0, v7  }
0xc6: {  	v6 =	vor.u32 v6, v7  }
0xc7: {  	v7 =	vperm.xlane v6, v3;
	_ =	sdelay $0x1  }
0xc8: {  	v7 =	vadd.s32 v4, v7;
	_ =	sdelay $0x3  }
0xc9: {  	s4 =	simm.s32 $0xD400  }
0xca: {  	[tilespmem:s4], [sflag:$0x2] =	stream.indirect_vreg.gather [hbm4b:s18+s3], $0x80, v7, vm0, $0xb8;
	[tilespmem:$0x11400] =	vst v63  }
0xcb: {  	s28 =	simm.s32 $0xDC00;
	v6 =	vperm.xlane v6, v5  }
0xcc: {  	[tilespmem:s28], [sflag:$0x2] =	stream.indirect_vreg.gather [hbm4b:s9+s3], $0x80, v7, vm0, $0xb8;
	[tilespmem:$0x11400] =	vst v63  }
0xcd: {  	v6 =	vadd.s32 v4, v6;
	s4 =	simm.s32 $0xE400  }
0xce: {  	[tilespmem:s4], [sflag:$0x2] =	stream.indirect_vreg.gather [hbm4b:s10+s3], $0x80, v7, vm0, $0xb8;
	[tilespmem:$0x11400] =	vst v63  }
0xcf: {  	s28 =	simm.s32 $0xEC00  }
0xd0: {  	[tilespmem:s28], [sflag:$0x2] =	stream.indirect_vreg.gather [hbm4b:s11+s3], $0x80, v7, vm0, $0xb8;
	[tilespmem:$0x11400] =	vst v63  }
0xd1: {  	s4 =	simm.s32 $0xF400  }
0xd2: {  	[tilespmem:s4], [sflag:$0x2] =	stream.indirect_vreg.gather [hbm4b:s18+s3], $0x80, v6, vm0, $0xb8;
	[tilespmem:$0x11400] =	vst v63  }
0xd3: {  	s28 =	simm.s32 $0xFC00  }
0xd4: {  	[tilespmem:s28], [sflag:$0x2] =	stream.indirect_vreg.gather [hbm4b:s9+s3], $0x80, v6, vm0, $0xb8;
	[tilespmem:$0x11400] =	vst v63  }
0xd5: {  	s4 =	simm.s32 $0x10400  }
0xd6: {  	[tilespmem:s4], [sflag:$0x2] =	stream.indirect_vreg.gather [hbm4b:s10+s3], $0x80, v6, vm0, $0xb8;
	[tilespmem:$0x11400] =	vst v63  }
0xd7: {  	s1 =	simm.s32 $0x1;
	s28 =	simm.s32 $0x10C00  }
0xd8: {  	[tilespmem:s28], [sflag:$0x2] =	stream.indirect_vreg.gather [hbm4b:s11+s3], $0x80, v6, vm0, $0xb8;
	[tilespmem:$0x11400] =	vst v63  }
0xd9: {  	_ =	swait.ge [sflag:s1], $0x8000  }
0xda: {  	[sflag:s1] =	ssyncset.done $0x0  }
0xdb: {  	s4 =	rddreg [dreg:$0x8];
	[sflag:s1] =	ssyncadd.s32 $0xFFFF8000  }
0xdc: {  	[hbm4b:s4+s3] =	stream.linear.scatter [tilespmem:s17], [sflag:$0x3], $0x8000, $0x38;
	[tilespmem:$0x11400] =	vst v63  }
0xdd: {  	_ =	swait.ge [sflag:s2], $0x8000  }
0xde: {  	[sflag:s2] =	ssyncset.done $0x0  }
0xdf: {  	s4 =	rddreg [dreg:$0x9];
	[sflag:s2] =	ssyncadd.s32 $0xFFFF8000  }
0xe0: {  	[hbm4b:s4+s3] =	stream.linear.scatter [tilespmem:s20], [sflag:$0x4], $0x8000, $0x38;
	[tilespmem:$0x11400] =	vst v63  }
0xe1: {  	s4 =	simm.s32 $0x3  }
0xe2: {  	_ =	swait.ge [sflag:s4], $0x8000  }
0xe3: {  	[sflag:s4] =	ssyncset.done $0x0  }
0xe4: {  	s28 =	rddreg [dreg:$0xe];
	[sflag:s4] =	ssyncadd.s32 $0xFFFF8000  }
0xe5: {  	v6 =	vld [tilespmem:s28+$0x1000];
	_ =	sdelay $0x4  }
0xe6: {  	v7 =	vshll.u32 v6, $0x3  }
0xe7: {  	v6 =	vand.u32 $0x7, v6;
	v7 =	vand.u32 $0xFFFFFFC0, v7  }
0xe8: {  	v6 =	vor.u32 v6, v7  }
0xe9: {  	v7 =	vperm.xlane v6, v3;
	_ =	sdelay $0x1  }
0xea: {  	v7 =	vadd.s32 v4, v7;
	_ =	sdelay $0x4  }
0xeb: {  	[tilespmem:s17], [sflag:$0x1] =	stream.indirect_vreg.gather [hbm4b:s18+s3], $0x80, v7, vm0, $0xb8;
	[tilespmem:$0x11400] =	vst v63  }
0xec: {  	v6 =	vperm.xlane v6, v5  }
0xed: {  	[tilespmem:s29], [sflag:$0x1] =	stream.indirect_vreg.gather [hbm4b:s9+s3], $0x80, v7, vm0, $0xb8;
	[tilespmem:$0x11400] =	vst v63  }
0xee: {  	v6 =	vadd.s32 v4, v6  }
0xef: {  	[tilespmem:s30], [sflag:$0x1] =	stream.indirect_vreg.gather [hbm4b:s10+s3], $0x80, v7, vm0, $0xb8;
	[tilespmem:$0x11400] =	vst v63  }
0xf0: {  	_ = 	snop  }
0xf1: {  	[tilespmem:s31], [sflag:$0x1] =	stream.indirect_vreg.gather [hbm4b:s11+s3], $0x80, v7, vm0, $0xb8;
	[tilespmem:$0x11400] =	vst v63  }
0xf2: {  	_ = 	snop  }
0xf3: {  	[tilespmem:s0], [sflag:$0x1] =	stream.indirect_vreg.gather [hbm4b:s18+s3], $0x80, v6, vm0, $0xb8;
	[tilespmem:$0x11400] =	vst v63  }
0xf4: {  	_ = 	snop  }
0xf5: {  	[tilespmem:s19], [sflag:$0x1] =	stream.indirect_vreg.gather [hbm4b:s9+s3], $0x80, v6, vm0, $0xb8;
	[tilespmem:$0x11400] =	vst v63  }
0xf6: {  	_ = 	snop  }
0xf7: {  	[tilespmem:s5], [sflag:$0x1] =	stream.indirect_vreg.gather [hbm4b:s10+s3], $0x80, v6, vm0, $0xb8;
	[tilespmem:$0x11400] =	vst v63  }
0xf8: {  	_ = 	snop  }
0xf9: {  	[tilespmem:s6], [sflag:$0x1] =	stream.indirect_vreg.gather [hbm4b:s11+s3], $0x80, v6, vm0, $0xb8;
	[tilespmem:$0x11400] =	vst v63  }
0xfa: {  	v6 =	vld [tilespmem:s28+$0x1010];
	_ =	sdelay $0x4  }
0xfb: {  	v7 =	vshll.u32 v6, $0x3  }
0xfc: {  	v6 =	vand.u32 $0x7, v6;
	v7 =	vand.u32 $0xFFFFFFC0, v7  }
0xfd: {  	v6 =	vor.u32 v6, v7  }
0xfe: {  	v7 =	vperm.xlane v6, v3;
	_ =	sdelay $0x1  }
0xff: {  	v7 =	vadd.s32 v4, v7;
	_ =	sdelay $0x4  }
0x100: {  	[tilespmem:s7], [sflag:$0x1] =	stream.indirect_vreg.gather [hbm4b:s18+s3], $0x80, v7, vm0, $0xb8;
	[tilespmem:$0x11400] =	vst v63  }
0x101: {  	v6 =	vperm.xlane v6, v5  }
0x102: {  	[tilespmem:s8], [sflag:$0x1] =	stream.indirect_vreg.gather [hbm4b:s9+s3], $0x80, v7, vm0, $0xb8;
	[tilespmem:$0x11400] =	vst v63  }
0x103: {  	v6 =	vadd.s32 v4, v6  }
0x104: {  	[tilespmem:s13], [sflag:$0x1] =	stream.indirect_vreg.gather [hbm4b:s10+s3], $0x80, v7, vm0, $0xb8;
	[tilespmem:$0x11400] =	vst v63  }
0x105: {  	_ = 	snop  }
0x106: {  	[tilespmem:s16], [sflag:$0x1] =	stream.indirect_vreg.gather [hbm4b:s11+s3], $0x80, v7, vm0, $0xb8;
	[tilespmem:$0x11400] =	vst v63  }
0x107: {  	_ = 	snop  }
0x108: {  	[tilespmem:s12], [sflag:$0x1] =	stream.indirect_vreg.gather [hbm4b:s18+s3], $0x80, v6, vm0, $0xb8;
	[tilespmem:$0x11400] =	vst v63  }
0x109: {  	_ = 	snop  }
0x10a: {  	[tilespmem:s14], [sflag:$0x1] =	stream.indirect_vreg.gather [hbm4b:s9+s3], $0x80, v6, vm0, $0xb8;
	[tilespmem:$0x11400] =	vst v63  }
0x10b: {  	_ = 	snop  }
0x10c: {  	[tilespmem:s15], [sflag:$0x1] =	stream.indirect_vreg.gather [hbm4b:s10+s3], $0x80, v6, vm0, $0xb8;
	[tilespmem:$0x11400] =	vst v63  }
0x10d: {  	s5 =	simm.s32 $0x4  }
0x10e: {  	[tilespmem:s21], [sflag:$0x1] =	stream.indirect_vreg.gather [hbm4b:s11+s3], $0x80, v6, vm0, $0xb8;
	[tilespmem:$0x11400] =	vst v63  }
0x10f: {  	_ =	swait.ge [sflag:s5], $0x8000  }
0x110: {  	[sflag:s5] =	ssyncset.done $0x0  }
0x111: {  	s0 =	rddreg [dreg:$0xf];
	[sflag:s5] =	ssyncadd.s32 $0xFFFF8000  }
0x112: {  	v6 =	vld [tilespmem:s0+$0x1000];
	_ =	sdelay $0x4  }
0x113: {  	v7 =	vshll.u32 v6, $0x3  }
0x114: {  	v6 =	vand.u32 $0x7, v6;
	v7 =	vand.u32 $0xFFFFFFC0, v7  }
0x115: {  	v6 =	vor.u32 v6, v7  }
0x116: {  	v7 =	vperm.xlane v6, v3;
	_ =	sdelay $0x1  }
0x117: {  	v7 =	vadd.s32 v4, v7;
	_ =	sdelay $0x4  }
0x118: {  	[tilespmem:s20], [sflag:$0x2] =	stream.indirect_vreg.gather [hbm4b:s18+s3], $0x80, v7, vm0, $0xb8;
	[tilespmem:$0x11400] =	vst v63  }
0x119: {  	v6 =	vperm.xlane v6, v5  }
0x11a: {  	[tilespmem:s25], [sflag:$0x2] =	stream.indirect_vreg.gather [hbm4b:s9+s3], $0x80, v7, vm0, $0xb8;
	[tilespmem:$0x11400] =	vst v63  }
0x11b: {  	s28 =	simm.s32 $0xA400;
	v6 =	vadd.s32 v4, v6  }
0x11c: {  	[tilespmem:s28], [sflag:$0x2] =	stream.indirect_vreg.gather [hbm4b:s10+s3], $0x80, v7, vm0, $0xb8;
	[tilespmem:$0x11400] =	vst v63  }
0x11d: {  	s29 =	simm.s32 $0xAC00  }
0x11e: {  	[tilespmem:s29], [sflag:$0x2] =	stream.indirect_vreg.gather [hbm4b:s11+s3], $0x80, v7, vm0, $0xb8;
	[tilespmem:$0x11400] =	vst v63  }
0x11f: {  	s30 =	simm.s32 $0xB400  }
0x120: {  	[tilespmem:s30], [sflag:$0x2] =	stream.indirect_vreg.gather [hbm4b:s18+s3], $0x80, v6, vm0, $0xb8;
	[tilespmem:$0x11400] =	vst v63  }
0x121: {  	_ = 	snop  }
0x122: {  	[tilespmem:s22], [sflag:$0x2] =	stream.indirect_vreg.gather [hbm4b:s9+s3], $0x80, v6, vm0, $0xb8;
	[tilespmem:$0x11400] =	vst v63  }
0x123: {  	s31 =	simm.s32 $0xC400  }
0x124: {  	[tilespmem:s31], [sflag:$0x2] =	stream.indirect_vreg.gather [hbm4b:s10+s3], $0x80, v6, vm0, $0xb8;
	[tilespmem:$0x11400] =	vst v63  }
0x125: {  	s28 =	simm.s32 $0xCC00  }
0x126: {  	[tilespmem:s28], [sflag:$0x2] =	stream.indirect_vreg.gather [hbm4b:s11+s3], $0x80, v6, vm0, $0xb8;
	[tilespmem:$0x11400] =	vst v63  }
0x127: {  	v6 =	vld [tilespmem:s0+$0x1010];
	_ =	sdelay $0x4  }
0x128: {  	v7 =	vshll.u32 v6, $0x3  }
0x129: {  	v6 =	vand.u32 $0x7, v6;
	v7 =	vand.u32 $0xFFFFFFC0, v7  }
0x12a: {  	v6 =	vor.u32 v6, v7  }
0x12b: {  	v7 =	vperm.xlane v6, v3;
	_ =	sdelay $0x1  }
0x12c: {  	v7 =	vadd.s32 v4, v7;
	_ =	sdelay $0x3  }
0x12d: {  	s29 =	simm.s32 $0xD400  }
0x12e: {  	[tilespmem:s29], [sflag:$0x2] =	stream.indirect_vreg.gather [hbm4b:s18+s3], $0x80, v7, vm0, $0xb8;
	[tilespmem:$0x11400] =	vst v63  }
0x12f: {  	s30 =	simm.s32 $0xDC00;
	v6 =	vperm.xlane v6, v5  }
0x130: {  	[tilespmem:s30], [sflag:$0x2] =	stream.indirect_vreg.gather [hbm4b:s9+s3], $0x80, v7, vm0, $0xb8;
	[tilespmem:$0x11400] =	vst v63  }
0x131: {  	s31 =	simm.s32 $0xE400;
	v6 =	vadd.s32 v4, v6  }
0x132: {  	[tilespmem:s31], [sflag:$0x2] =	stream.indirect_vreg.gather [hbm4b:s10+s3], $0x80, v7, vm0, $0xb8;
	[tilespmem:$0x11400] =	vst v63  }
0x133: {  	s28 =	simm.s32 $0xEC00  }
0x134: {  	[tilespmem:s28], [sflag:$0x2] =	stream.indirect_vreg.gather [hbm4b:s11+s3], $0x80, v7, vm0, $0xb8;
	[tilespmem:$0x11400] =	vst v63  }
0x135: {  	s29 =	simm.s32 $0xF400  }
0x136: {  	[tilespmem:s29], [sflag:$0x2] =	stream.indirect_vreg.gather [hbm4b:s18+s3], $0x80, v6, vm0, $0xb8;
	[tilespmem:$0x11400] =	vst v63  }
0x137: {  	s30 =	simm.s32 $0xFC00  }
0x138: {  	[tilespmem:s30], [sflag:$0x2] =	stream.indirect_vreg.gather [hbm4b:s9+s3], $0x80, v6, vm0, $0xb8;
	[tilespmem:$0x11400] =	vst v63  }
0x139: {  	s31 =	simm.s32 $0x10400  }
0x13a: {  	[tilespmem:s31], [sflag:$0x2] =	stream.indirect_vreg.gather [hbm4b:s10+s3], $0x80, v6, vm0, $0xb8;
	[tilespmem:$0x11400] =	vst v63  }
0x13b: {  	s28 =	simm.s32 $0x10C00  }
0x13c: {  	[tilespmem:s28], [sflag:$0x2] =	stream.indirect_vreg.gather [hbm4b:s11+s3], $0x80, v6, vm0, $0xb8;
	[tilespmem:$0x11400] =	vst v63  }
0x13d: {  	_ =	swait.ge [sflag:s1], $0x8000  }
0x13e: {  	[sflag:s1] =	ssyncset.done $0x0  }
0x13f: {  	s29 =	rddreg [dreg:$0xa];
	[sflag:s1] =	ssyncadd.s32 $0xFFFF8000  }
0x140: {  	[hbm4b:s29+s3] =	stream.linear.scatter [tilespmem:s17], [sflag:$0x3], $0x8000, $0x38;
	[tilespmem:$0x11400] =	vst v63  }
0x141: {  	_ =	swait.ge [sflag:s2], $0x8000  }
0x142: {  	[sflag:s2] =	ssyncset.done $0x0  }
0x143: {  	s30 =	rddreg [dreg:$0xb];
	[sflag:s2] =	ssyncadd.s32 $0xFFFF8000  }
0x144: {  	[hbm4b:s30+s3] =	stream.linear.scatter [tilespmem:s20], [sflag:$0x4], $0x8000, $0x38;
	[tilespmem:$0x11400] =	vst v63  }
0x145: {  	_ =	swait.ge [sflag:s4], $0x8000  }
0x146: {  	[sflag:s4] =	ssyncset.done $0x0  }
0x147: {  	[sflag:s4] =	ssyncadd.s32 $0xFFFF8000  }
0x148: {  	_ =	swait.ge [sflag:s5], $0x8000  }
0x149: {  	s26 =	sadd.s32 $0x1, s26;
	s31 =	rddreg [dreg:$0xc]  }
0x14a: {  	p0 =	sne.s32 s26, s31  }
.Ltmp1:
0x14b: {  	_ = 	snop;
	(pc) =	sbr.rel @p0 .LBB2_1-.Ltmp1, $3  }
0x14c: {  	_ =	sdelay $0x1  }
0x14d: {  	[sflag:s5] =	ssyncset.done $0x0  }
0x14e: {  	s0 =	simm.s32 $0x5;
	[sflag:s5] =	ssyncadd.s32 $0xFFFF8000  }
0x14f: {  	_ =	sfence.sel $0x180000  }
0x150: {  	[bflag:$0x0] =	sbarrier.arrive $0xFFFF  }
0x151: {  	_ =	strace $0x90000047  }
0x152: {  	s0 =	stileid.u32;
	[bflag:$0x2] =	sbarrier.arrive $0xFFFF  }
0x153: {  	p0 =	sne.s32 s0, $0x0;
	s0 =	rddreg [dreg:$0x3]  }
0x154: {  	s0 =	sadd.s32 @!p0 $0x100000, s0  }
0x155: {  	[sflag:s0] =	ssyncadd.tile.s32 @!p0 $0x1;
	_ =	shalt  }
.Lfunc_end2:
_tile_overlayer_lowered:
.L_overlay_start_2:
0x156: {  	(tag) =	ssettag $0x2  }
0x157: {  	s0 =	rddreg [dreg:$0x0];
	s2 =	stileid.u32  }
0x158: {  	s1 =	rddreg [dreg:$0x1];
	p0 =	sne.s32 s2, $0x0  }
0x159: {  	s3 =	rddreg [dreg:$0x2];
	[bflag:$0x3] =	sbarrier.arrive $0xFFFF;
	s2 =	simm.s32 @!p0 $0x1C05  }
0x15a: {  	[timem:s3], [sflag:s2] =	dma.local @!p0 [hbm:s0], s1  }
0x15b: {  	s0 =	simm.s32 @!p0 $0x5  }
0x15c: {  	_ =	swait.ge @!p0 [sflag:s0], s1  }
0x15d: {  	s1 =	ssub.s32 @!p0 $0x0, s1;
	[sflag:s0] =	ssyncset.done @!p0 $0x0  }
0x15e: {  	[sflag:s0] =	ssyncadd.s32 @!p0 s1  }
0x15f: {  	[bflag:$0x3] =	sbarrier.arrive $0xFFFF  }
0x160: {  	_ =	shalt  }

// kernel: kernel.9.cloned.1.call-start
scs
__scs_entry_jumppad:
0x0: {  	(pc) =	sbr.rel $0x88, $3  }
0x1: {  	(tag) =	ssettag $0x0;
	lr =	simm.s32 $0x1  }
0x2: {  	[smem:$0x3F9C] =	sst lr;
	_ =	strace $0xD0000000  }
0x3: {  	_ = 	snop  }
0x4: {  	_ = 	snop  }
0x5: {  	_ = 	snop  }
0x6: {  	_ = 	snop  }
0x7: {  	_ = 	snop  }
__scs_overlays_trampoline_lowered:
0x8: {  	[smem:$0x3FAB] =	sst s0  }
0x9: {  	[smem:$0x3FAC] =	sst s1  }
0xa: {  	[smem:$0x3FAD] =	sst s2  }
0xb: {  	[smem:$0x3FAE] =	sst s3  }
0xc: {  	[smem:$0x3FAF] =	sst s4  }
0xd: {  	[smem:$0x3FB0] =	sst s5  }
0xe: {  	[smem:$0x3FB1] =	sst s6  }
0xf: {  	[smem:$0x3FB2] =	sst s7  }
0x10: {  	[smem:$0x3FB3] =	sst s8  }
0x11: {  	[smem:$0x3FB4] =	sst s9;
	s0 =	simm.s32 @!p0 $0x0  }
0x12: {  	s1 =	sld [smem:$0x3F9A];
	s0 =	simm.s32 @p0 $0x1  }
0x13: {  	[smem:$0x3FB5] =	sst s0;
	s0 =	simm.s32 @!p1 $0x0  }
0x14: {  	s2 =	sld [smem:$0x3F99];
	s0 =	simm.s32 @p1 $0x1  }
0x15: {  	[smem:$0x3FB6] =	sst s0;
	s0 =	simm.s32 @!p2 $0x0  }
0x16: {  	s3 =	sld [smem:$0x3FDB];
	s0 =	simm.s32 @p2 $0x1  }
0x17: {  	s4 =	simm.s32 $0x1BF5;
	[smem:$0x3FB8] =	sst s0  }
0x18: {  	s0 =	sld [smem:$0x3F9B];
	_ =	swait.ge [sflag:s4], $0x0  }
0x19: {  	s7 =	sld [smem:$0x3F9C]  }
0x1a: {  	s8 =	sadd.s32 $0xFFFFE003, lr  }
0x1b: {  	s9 =	sadd.s32 $0xFFFFFEF7, lr;
	s5 =	simm.s32 $0xFFFFFFFF;
	p2 =	slt.u32 s8, $0xFFFFF086  }
0x1c: {  	p1 =	slt.u32 s9, $0xF7A;
	s5 =	simm.s32 @!p2 $0x0  }
0x1d: {  	s5 =	simm.s32 @p1 $0x1;
	p0 =	seq.s32 s7, s2  }
0x1e: {  	s7 =	smul.u32 @!p0 $0xF7A, s2;
	p2 =	seq.s32 @!p0 s5, $0x0  }
0x1f: {  	s9 =	smul.u32 $0xF7A, s1;
	s8 =	simm.s32 @!p0 $0x1BF5;
	p2 =	por !p2, p0  }
0x20: {  	[sflag:s8] =	ssyncset.s32 @!p0 $0xFFFFF086;
	s6 =	sadd.s32 @!p0 s3, s7;
	s7 =	simm.s32 @!p0 $0x108  }
0x21: {  	s3 =	sadd.s32 s3, s9;
	s6 =	sadd.s32 @!p0 $0x88, s6;
	s7 =	simm.s32 @p2 $0x1082  }
0x22: {  	[simem:s7], [sflag:s8] =	dma.local @!p0 [hbm:s6], $0xF7A  }
0x23: {  	s9 =	sor.u32 $0xD0000000, s2;
	s6 =	simm.s32 $0x108;
	_ =	swait.ge @!p0 [sflag:s8], $0x0  }
0x24: {  	s3 =	sadd.s32 $0x88, s3;
	s6 =	simm.s32 @!p1 $0x1082;
	[sflag:s4] =	ssyncset.s32 $0xFFFFF086  }
0x25: {  	[simem:s6], [sflag:s4] =	dma.local [hbm:s3], $0xF7A  }
0x26: {  	[smem:$0x3F9C] =	sst s1;
	(tag) =	ssettag s2;
	_ =	strace s9  }
0x27: {  	s1 =	sld [smem:$0x3FAC]  }
0x28: {  	s2 =	sld [smem:$0x3FAD]  }
0x29: {  	s4 =	sld [smem:$0x3FAF]  }
0x2a: {  	p0 =	seq.s32 s5, $0x0;
	s5 =	sld [smem:$0x3FB0]  }
0x2b: {  	s6 =	sld [smem:$0x3FB1]  }
0x2c: {  	s7 =	sld [smem:$0x3FB2]  }
0x2d: {  	s3 =	simm.s32 $0x108;
	s8 =	sld [smem:$0x3FB3]  }
0x2e: {  	s3 =	simm.s32 @!p0 $0x1082;
	s9 =	sld [smem:$0x3FB4]  }
0x2f: {  	lr =	sadd.s32 s0, s3;
	s0 =	sld [smem:$0x3FAB]  }
0x30: {  	s3 =	sld [smem:$0x3FAE]  }
0x31: {  	[smem:$0x3FB7] =	sst s10  }
0x32: {  	s10 =	sld [smem:$0x3FB5];
	_ =	sdelay $0x3  }
0x33: {  	p0 =	seq.s32 s10, $0x1;
	s10 =	sld [smem:$0x3FB7];
	_ =	sdelay $0x3  }
0x34: {  	[smem:$0x3FB7] =	sst s10  }
0x35: {  	s10 =	sld [smem:$0x3FB6];
	_ =	sdelay $0x3  }
0x36: {  	p1 =	seq.s32 s10, $0x1;
	s10 =	sld [smem:$0x3FB7];
	_ =	sdelay $0x3  }
0x37: {  	[smem:$0x3FB7] =	sst s10  }
0x38: {  	s10 =	sld [smem:$0x3FB8]  }
0x39: {  	_ = 	snop;
	(pc) =	sbr.ind lr, $3  }
0x3a: {  	_ = 	snop  }
0x3b: {  	_ = 	snop  }
0x3c: {  	p2 =	seq.s32 s10, $0x1;
	s10 =	sld [smem:$0x3FB7]  }
0x3d: {  	_ =	shalt  }
0x3e: {  	_ =	shalt  }
0x3f: {  	_ =	shalt  }
0x40: {  	_ =	shalt  }
0x41: {  	_ =	shalt  }
0x42: {  	_ =	shalt  }
0x43: {  	_ =	shalt  }
0x44: {  	_ =	shalt  }
0x45: {  	_ =	shalt  }
0x46: {  	_ =	shalt  }
0x47: {  	_ =	shalt  }
0x48: {  	_ =	shalt  }
0x49: {  	_ =	shalt  }
0x4a: {  	_ =	shalt  }
0x4b: {  	_ =	shalt  }
0x4c: {  	_ =	shalt  }
0x4d: {  	_ =	shalt  }
0x4e: {  	_ =	shalt  }
0x4f: {  	_ =	shalt  }
0x50: {  	_ =	shalt  }
0x51: {  	_ =	shalt  }
0x52: {  	_ =	shalt  }
0x53: {  	_ =	shalt  }
0x54: {  	_ =	shalt  }
0x55: {  	_ =	shalt  }
0x56: {  	_ =	shalt  }
0x57: {  	_ =	shalt  }
0x58: {  	_ =	shalt  }
0x59: {  	_ =	shalt  }
0x5a: {  	_ =	shalt  }
0x5b: {  	_ =	shalt  }
0x5c: {  	_ =	shalt  }
0x5d: {  	_ =	shalt  }
0x5e: {  	_ =	shalt  }
0x5f: {  	_ =	shalt  }
0x60: {  	_ =	shalt  }
0x61: {  	_ =	shalt  }
0x62: {  	_ =	shalt  }
0x63: {  	_ =	shalt  }
0x64: {  	_ =	shalt  }
0x65: {  	_ =	shalt  }
0x66: {  	_ =	shalt  }
0x67: {  	_ =	shalt  }
0x68: {  	_ =	shalt  }
0x69: {  	_ =	shalt  }
0x6a: {  	_ =	shalt  }
0x6b: {  	_ =	shalt  }
0x6c: {  	_ =	shalt  }
0x6d: {  	_ =	shalt  }
0x6e: {  	_ =	shalt  }
0x6f: {  	_ =	shalt  }
0x70: {  	_ =	shalt  }
0x71: {  	_ =	shalt  }
0x72: {  	_ =	shalt  }
0x73: {  	_ =	shalt  }
0x74: {  	_ =	shalt  }
0x75: {  	_ =	shalt  }
0x76: {  	_ =	shalt  }
0x77: {  	_ =	shalt  }
0x78: {  	_ =	shalt  }
0x79: {  	_ =	shalt  }
0x7a: {  	_ =	shalt  }
0x7b: {  	_ =	shalt  }
0x7c: {  	_ =	shalt  }
0x7d: {  	_ =	shalt  }
0x7e: {  	_ =	shalt  }
0x7f: {  	_ =	shalt  }
0x80: {  	_ =	shalt  }
0x81: {  	_ =	shalt  }
0x82: {  	_ =	shalt  }
0x83: {  	_ =	shalt  }
0x84: {  	_ =	shalt  }
0x85: {  	_ =	shalt  }
0x86: {  	_ =	shalt  }
0x87: {  	_ =	shalt  }
.Lfunc_end0:
.L_simem_size_0:
called_computation.1_lowered:
.L_overlay_start_0:
0x88: {  	s2 =	sld [smem:$0x3FD9]  }
0x89: {  	s3 =	sld [smem:$0x3FFE];
	_ =	sdelay $0x1  }
0x8a: {  	s1 =	srdreg.scid  }
0x8b: {  	s0 =	sand.u32 $0x1, s1  }
0x8c: {  	s14 =	sshll.u32 s0, $0xA;
	s2 =	sadd.s32 s3, s2  }
0x8d: {  	s2 =	sadd.s32 s2, s14  }
0x8e: {  	[smem:$0x3FC3] =	sst s2  }
0x8f: {  	_ = 	snop  }
0x90: {  	s2 =	sld [smem:$0x3FD0];
	_ =	sdelay $0x2  }
0x91: {  	s15 =	simm.s32 $0xA;
	s4 =	simm.s32 $0x10  }
0x92: {  	[smem:s4], [sflag:s15] =	dma.local [hbm:s2], $0x1  }
0x93: {  	_ =	swait.eq [sflag:s15], $0x1  }
0x94: {  	[sflag:s15] =	ssyncset.done $0x0  }
0x95: {  	[sflag:s15] =	ssyncadd.s32 $0xFFFFFFFF  }
0x96: {  	s16 =	sld [smem:$0x10];
	(tm) =	ssettm $0x1  }
0x97: {  	s17 =	sld [smem:$0x3FFB];
	_ =	sdelay $0x3  }
0x98: {  	_ =	strace s17  }
0x99: {  	s3 =	sld [smem:$0x3FFC];
	_ =	sdelay $0x3  }
0x9a: {  	_ =	strace s3  }
0x9b: {  	s3 =	sld [smem:$0x3FFD];
	_ =	sdelay $0x3  }
0x9c: {  	_ =	strace s3  }
0x9d: {  	_ =	strace $0x8FFFFFFF  }
0x9e: {  	s18 =	sld [smem:$0x3FDB];
	_ =	sdelay $0x1  }
0x9f: {  	s19 =	simm.s32 $_scs_section_size  }
0xa0: {  	s5 =	simm.s32 $_size__tile_overlayer_lowered;
	s6 =	simm.s32 $_tile_overlayer_lowered  }
0xa1: {  	s22 =	simm.s32 $0x1BFF;
	s21 =	sshll.u32 s6, $0x1;
	s3 =	sadd.s32 s19, s18  }
0xa2: {  	s7 =	simm.s32 $0x0;
	s20 =	sshll.u32 s5, $0x1;
	s5 =	sadd.s32 s21, s3  }
0xa3: {  	[timem:s7], [sflag:s22] =	dma.local [hbm:s5], s20  }
0xa4: {  	_ =	swait.ge [sflag:s22], s20  }
0xa5: {  	s4 =	ssub.s32 $0x0, s20;
	[sflag:s22] =	ssyncset.done $0x0  }
0xa6: {  	[sflag:s22] =	ssyncadd.s32 s4;
	_ =	sdelay $0x1  }
0xa7: {  	s23 =	simm.s32 $0x1B8B  }
0xa8: {  	_ =	swait.ge [sflag:s23], $0x1  }
0xa9: {  	[sflag:s23] =	ssyncset.done $0x0  }
0xaa: {  	s25 =	simm.s32 $0x1B8E;
	s24 =	sld [smem:$0x3FFE];
	[sflag:s23] =	ssyncadd.s32 $0xFFFFFFFF  }
0xab: {  	s26 =	simm.s32 $execute0_lowered;
	[smem:$0x3FD2] =	sst s25  }
0xac: {  	s5 =	sshll.u32 s26, $0x1;
	_ =	strace $0x80000049;
	[dreg:$0x1] =	wrdreg $0xFFFFFFFF  }
0xad: {  	s28 =	simm.s32 $_size_execute0_lowered;
	s3 =	sadd.s32 s3, s5;
	[dreg:$0x0] =	wrdreg $0x0  }
0xae: {  	s5 =	sshll.u32 s28, $0x1;
	[dreg:$0x2] =	wrdreg s3  }
0xaf: {  	[dreg:$0x3] =	wrdreg s5  }
0xb0: {  	[dreg:$0x4] =	wrdreg $0xC0  }
0xb1: {  	_ =	task [dreg:s7], $0x5FFFF  }
0xb2: {  	[dreg:$0x1] =	wrdreg $0xFFFFFFFF  }
0xb3: {  	[dreg:$0x0] =	wrdreg $0x60  }
0xb4: {  	[dreg:$0x2] =	wrdreg s24  }
0xb5: {  	[dreg:$0x3] =	wrdreg s16  }
0xb6: {  	[dreg:$0x4] =	wrdreg $0x9  }
0xb7: {  	_ =	task.clear_ibuf [dreg:s7], $0x5FFFF;
	_ =	strace $0x90000049  }
0xb8: {  	s29 =	simm.s32 $0x9;
	_ =	strace $0x8000004B  }
0xb9: {  	_ =	swait.ge [sflag:s29], $0x1  }
0xba: {  	[sflag:s29] =	ssyncadd.s32 $0xFFFFFFFF  }
0xbb: {  	_ =	strace $0x9000004B  }
0xbc: {  	_ =	sfence  }
0xbd: {  	s30 =	sld [smem:$0x0];
	_ =	sdelay $0x2  }
0xbe: {  	s31 =	sshll.u32 s1, $0xD;
	s1 =	sshrl.u32 s1, $0x2  }
0xbf: {  	s3 =	sand.u32 $0x4000, s31;
	s1 =	sadd.s32 s1, s30  }
0xc0: {  	s0 =	sor.u32 s3, s0;
	s1 =	sshll.u32 s1, $0x11  }
0xc1: {  	s0 =	sor.u32 s1, s0  }
0xc2: {  	s0 =	sadd.s32 $0x8F2B, s0  }
0xc3: {  	[sflag:s0] =	ssyncadd.remote.s32 $0x1  }
0xc4: {  	_ =	sfence.sel $0xFFFF  }
0xc5: {  	[dreg:$0x0] =	wrdreg $0xFFFFFFFF;
	(pc) =	sbr.abs _section_cstart, $3  }
0xc6: {  	[dreg:$0x1] =	wrdreg $0xFFFFFFFF  }
0xc7: {  	_ =	task.clear_ibuf [dreg:s7], $0x2FFFF;
	_ =	strace $0x9FFFFFFF  }
0xc8: {  	(tm) =	ssettm $0x7FFFFFFF  }
0xc9: {  	_ =	shalt  }
tec
execute0_lowered:
.L_overlay_start_1:
0x0: {  	(tag) =	ssettag $0x1  }
0x1: {  	s0 =	rddreg [dreg:$0x0]  }
0x2: {  	s1 =	rddreg [dreg:$0x1];
	s3 =	srdreg.scid  }
0x3: {  	s2 =	simm.s32 $0x0;
	s8 =	stileid.u32;
	s14 =	simm.s32 $0x7  }
0x4: {  	s28 =	simm.s32 $0xFA00;
	s29 =	simm.s32 $0x1;
	s30 =	simm.s32 $0x3  }
0x5: {  	s31 =	simm.s32 $0x10200;
	s11 =	simm.s32 $0x14200;
	s15 =	simm.s32 $0x6  }
0x6: {  	s12 =	simm.s32 $0x0;
	s4 =	sand.u32 $0x1, s3;
	[smem:$0x7FF] =	sst s2  }
0x7: {  	s5 =	sshll.u32 s8, $0x7;
	s21 =	sshll.u32 s8, $0xE;
	s9 =	sadd.s32 $0x82D00, s0  }
0x8: {  	s3 =	sshll.u32 s4, $0x3;
	_ =	strace $0x8000004A;
	s6 =	ssub.s32 $0x2, s4  }
0x9: {  	s4 =	sshll.u32 s4, $0xD;
	s5 =	sor.u32 s3, s5;
	s3 =	sadd.s32 $0x82A00, s0  }
0xa: {  	s7 =	sshrl.u32 s6, $0x1;
	s4 =	sor.u32 s4, s21;
	s5 =	sadd.s32 s5, s0  }
0xb: {  	s21 =	simm.s32 $0x7A00;
	s10 =	ssub.s32 s6, s7;
	s22 =	sadd.s32 $0x1800, s5  }
0xc: {  	s8 =	sadd.s32 s1, s4;
	s5 =	sadd.s32 $0x1810, s5;
	[dreg:$0x3] =	wrdreg s22  }
0xd: {  	s6 =	sadd.s32 $0x82B00, s0;
	s23 =	sadd.s32 $0x800, s8;
	[dreg:$0x4] =	wrdreg s5  }
0xe: {  	s7 =	sadd.s32 $0x82C00, s0;
	s24 =	sadd.s32 $0x1000, s8;
	[dreg:$0x5] =	wrdreg s23  }
0xf: {  	s4 =	simm.s32 $0xE200;
	s25 =	sadd.s32 $0x1800, s8;
	[dreg:$0x6] =	wrdreg s24  }
0x10: {  	s0 =	simm.s32 $0x5;
	s26 =	smax.u32 s10, $0x1;
	[dreg:$0x7] =	wrdreg s25  }
0x11: {  	v2 =	vlaneseq.u32;
	s1 =	simm.s32 $0x4;
	s10 =	simm.s32 $0x2;
	[dreg:$0x8] =	wrdreg s26  }
0x12: {  	vm0 =	vmmov $0xffff;
	v1 =	vshrl.u32 v2, $0x3;
	s22 =	simm.s32 $0xC200;
	s23 =	simm.s32 $0xCA00;
	s24 =	simm.s32 $0xD200  }
0x13: {  	v0 =	vand.u32 $0x7, v2;
	v2 =	vor.u32 $0x8, v2;
	v1 =	vmul.u32 $0x8, v1;
	s25 =	simm.s32 $0xDA00;
	s26 =	simm.s32 $0xEA00;
	s5 =	simm.s32 $0xF200  }
.LBB2_1:
0x14: {  	s13 =	rddreg [dreg:$0x3]  }
0x15: {  	[tilespmem:s2], [sflag:$0x7] =	stream.linear.gather [hbm4b:s13+s2], $0x40, $0x38;
	[tilespmem:$0x18200] =	vst v63  }
0x16: {  	_ =	swait.ge [sflag:s14], $0x40  }
0x17: {  	[sflag:s14] =	ssyncset.done $0x0  }
0x18: {  	s16 =	simm.s32 $0x80;
	s17 =	rddreg [dreg:$0x4];
	[sflag:s14] =	ssyncadd.s32 $0xFFFFFFC0  }
0x19: {  	[tilespmem:s16], [sflag:$0x7] =	stream.linear.gather [hbm4b:s17+s2], $0x40, $0x38;
	[tilespmem:$0x18200] =	vst v63  }
0x1a: {  	_ =	swait.ge [sflag:s14], $0x40  }
0x1b: {  	[sflag:s14] =	ssyncset.done $0x0  }
0x1c: {  	[sflag:s14] =	ssyncadd.s32 $0xFFFFFFC0  }
0x1d: {  	v3 =	vld [tilespmem:$0x0];
	_ =	sdelay $0x4  }
0x1e: {  	v4 =	vld [tilespmem:$0x80];
	vm1 =	vge.f32 v3, $0.0e+00  }
0x1f: {  	v3 =	vnsel vm1, $0x45800000, v3  }
0x20: {  	v5 =	vld [tilespmem:$0x10];
	v3 =	vtrunc.f32 v3  }
0x21: {  	v6 =	vld [tilespmem:$0x90];
	v3 =	vcvt.f32.s32 v3  }
0x22: {  	v7 =	vld [tilespmem:$0x20]  }
0x23: {  	v8 =	vld [tilespmem:$0xA0];
	vm1 =	vge.f32 v4, $0.0e+00;
	[tilespmem:$0x100] =	vst v3  }
0x24: {  	v4 =	vnsel vm1, $0x45800000, v4;
	v3 =	vld [tilespmem:$0x100]  }
0x25: {  	vm1 =	vge.f32 v5, $0.0e+00;
	v4 =	vtrunc.f32 v4  }
0x26: {  	v10 =	vld [tilespmem:$0x30];
	v5 =	vnsel vm1, $0x45800000, v5;
	vm1 =	vge.f32 v6, $0.0e+00;
	v4 =	vcvt.f32.s32 v4  }
0x27: {  	v55 =	vld [tilespmem:$0xB0];
	v5 =	vtrunc.f32 v5;
	v6 =	vnsel vm1, $0x45800000, v6;
	vm1 =	vge.f32 v7, $0.0e+00  }
0x28: {  	v5 =	vcvt.f32.s32 v5;
	v6 =	vtrunc.f32 v6;
	v7 =	vnsel vm1, $0x45800000, v7  }
0x29: {  	vm1 =	vge.f32 v8, $0.0e+00;
	v6 =	vcvt.f32.s32 v6;
	v9 =	vshll.u32 v3, $0x3  }
0x2a: {  	v7 =	vtrunc.f32 v7;
	v3 =	vand.u32 $0x7, v3;
	v9 =	vand.u32 $0xFFFFFFC0, v9  }
0x2b: {  	v8 =	vnsel vm1, $0x45800000, v8;
	vm1 =	vge.f32 v10, $0.0e+00;
	v3 =	vor.u32 v3, v9  }
0x2c: {  	[tilespmem:$0x180] =	vst v4;
	v56 =	vnsel vm1, $0x45800000, v10;
	vm1 =	vge.f32 v55, $0.0e+00;
	v57 =	vperm.xlane v3, v0  }
0x2d: {  	[tilespmem:$0x110] =	vst v5;
	v7 =	vcvt.f32.s32 v7;
	v8 =	vtrunc.f32 v8;
	v58 =	vnsel vm1, $0x45800000, v55  }
0x2e: {  	[tilespmem:$0x190] =	vst v6;
	v59 =	vcvt.f32.s32 v8;
	v4 =	vtrunc.f32 v56;
	v60 =	vadd.s32 v1, v57  }
0x2f: {  	[tilespmem:$0x120] =	vst v7;
	v4 =	vcvt.f32.s32 v4;
	v5 =	vtrunc.f32 v58  }
0x30: {  	[tilespmem:$0x1A0] =	vst v59;
	v5 =	vcvt.f32.s32 v5  }
0x31: {  	[tilespmem:$0x130] =	vst v4  }
0x32: {  	s18 =	simm.s32 $0x200;
	[tilespmem:$0x1B0] =	vst v5  }
0x33: {  	[tilespmem:s18], [sflag:$0x1] =	stream.indirect_vreg.gather [hbm4b:s3+s2], $0x80, v60, vm0, $0xb8;
	[tilespmem:$0x18200] =	vst v63  }
0x34: {  	s19 =	simm.s32 $0xA00;
	v3 =	vperm.xlane v3, v2  }
0x35: {  	[tilespmem:s19], [sflag:$0x1] =	stream.indirect_vreg.gather [hbm4b:s6+s2], $0x80, v60, vm0, $0xb8;
	[tilespmem:$0x18200] =	vst v63  }
0x36: {  	s20 =	simm.s32 $0x1200;
	v3 =	vadd.s32 v1, v3  }
0x37: {  	[tilespmem:s20], [sflag:$0x1] =	stream.indirect_vreg.gather [hbm4b:s7+s2], $0x80, v60, vm0, $0xb8;
	[tilespmem:$0x18200] =	vst v63  }
0x38: {  	s16 =	simm.s32 $0x1A00  }
0x39: {  	[tilespmem:s16], [sflag:$0x1] =	stream.indirect_vreg.gather [hbm4b:s9+s2], $0x80, v60, vm0, $0xb8;
	[tilespmem:$0x18200] =	vst v63  }
0x3a: {  	s17 =	simm.s32 $0x2200  }
0x3b: {  	[tilespmem:s17], [sflag:$0x1] =	stream.indirect_vreg.gather [hbm4b:s3+s2], $0x80, v3, vm0, $0xb8;
	[tilespmem:$0x18200] =	vst v63  }
0x3c: {  	s18 =	simm.s32 $0x2A00  }
0x3d: {  	[tilespmem:s18], [sflag:$0x1] =	stream.indirect_vreg.gather [hbm4b:s6+s2], $0x80, v3, vm0, $0xb8;
	[tilespmem:$0x18200] =	vst v63  }
0x3e: {  	s19 =	simm.s32 $0x3200  }
0x3f: {  	[tilespmem:s19], [sflag:$0x1] =	stream.indirect_vreg.gather [hbm4b:s7+s2], $0x80, v3, vm0, $0xb8;
	[tilespmem:$0x18200] =	vst v63  }
0x40: {  	s20 =	simm.s32 $0x3A00  }
0x41: {  	[tilespmem:s20], [sflag:$0x1] =	stream.indirect_vreg.gather [hbm4b:s9+s2], $0x80, v3, vm0, $0xb8;
	[tilespmem:$0x18200] =	vst v63  }
0x42: {  	v3 =	vld [tilespmem:$0x180];
	_ =	sdelay $0x4  }
0x43: {  	v61 =	vshll.u32 v3, $0x3  }
0x44: {  	v3 =	vand.u32 $0x7, v3;
	v4 =	vand.u32 $0xFFFFFFC0, v61  }
0x45: {  	v3 =	vor.u32 v3, v4  }
0x46: {  	v4 =	vperm.xlane v3, v0;
	_ =	sdelay $0x1  }
0x47: {  	v4 =	vadd.s32 v1, v4;
	_ =	sdelay $0x3  }
0x48: {  	s16 =	simm.s32 $0x8200  }
0x49: {  	[tilespmem:s16], [sflag:$0x3] =	stream.indirect_vreg.gather [hbm4b:s3+s2], $0x80, v4, vm0, $0xb8;
	[tilespmem:$0x18200] =	vst v63  }
0x4a: {  	s17 =	simm.s32 $0x8A00;
	v3 =	vperm.xlane v3, v2  }
0x4b: {  	[tilespmem:s17], [sflag:$0x3] =	stream.indirect_vreg.gather [hbm4b:s6+s2], $0x80, v4, vm0, $0xb8;
	[tilespmem:$0x18200] =	vst v63  }
0x4c: {  	s18 =	simm.s32 $0x9200;
	v3 =	vadd.s32 v1, v3  }
0x4d: {  	[tilespmem:s18], [sflag:$0x3] =	stream.indirect_vreg.gather [hbm4b:s7+s2], $0x80, v4, vm0, $0xb8;
	[tilespmem:$0x18200] =	vst v63  }
0x4e: {  	s19 =	simm.s32 $0x9A00  }
0x4f: {  	[tilespmem:s19], [sflag:$0x3] =	stream.indirect_vreg.gather [hbm4b:s9+s2], $0x80, v4, vm0, $0xb8;
	[tilespmem:$0x18200] =	vst v63  }
0x50: {  	s20 =	simm.s32 $0xA200  }
0x51: {  	[tilespmem:s20], [sflag:$0x3] =	stream.indirect_vreg.gather [hbm4b:s3+s2], $0x80, v3, vm0, $0xb8;
	[tilespmem:$0x18200] =	vst v63  }
0x52: {  	s16 =	simm.s32 $0xAA00  }
0x53: {  	[tilespmem:s16], [sflag:$0x3] =	stream.indirect_vreg.gather [hbm4b:s6+s2], $0x80, v3, vm0, $0xb8;
	[tilespmem:$0x18200] =	vst v63  }
0x54: {  	s17 =	simm.s32 $0xB200  }
0x55: {  	[tilespmem:s17], [sflag:$0x3] =	stream.indirect_vreg.gather [hbm4b:s7+s2], $0x80, v3, vm0, $0xb8;
	[tilespmem:$0x18200] =	vst v63  }
0x56: {  	s18 =	simm.s32 $0xBA00  }
0x57: {  	[tilespmem:s18], [sflag:$0x3] =	stream.indirect_vreg.gather [hbm4b:s9+s2], $0x80, v3, vm0, $0xb8;
	[tilespmem:$0x18200] =	vst v63  }
0x58: {  	v3 =	vld [tilespmem:$0x110];
	_ =	sdelay $0x4  }
0x59: {  	v62 =	vshll.u32 v3, $0x3  }
0x5a: {  	v3 =	vand.u32 $0x7, v3;
	v4 =	vand.u32 $0xFFFFFFC0, v62  }
0x5b: {  	v3 =	vor.u32 v3, v4  }
0x5c: {  	v4 =	vperm.xlane v3, v0;
	_ =	sdelay $0x1  }
0x5d: {  	v4 =	vadd.s32 v1, v4;
	_ =	sdelay $0x3  }
0x5e: {  	s19 =	simm.s32 $0x4200  }
0x5f: {  	[tilespmem:s19], [sflag:$0x2] =	stream.indirect_vreg.gather [hbm4b:s3+s2], $0x80, v4, vm0, $0xb8;
	[tilespmem:$0x18200] =	vst v63  }
0x60: {  	s20 =	simm.s32 $0x4A00;
	v3 =	vperm.xlane v3, v2  }
0x61: {  	[tilespmem:s20], [sflag:$0x2] =	stream.indirect_vreg.gather [hbm4b:s6+s2], $0x80, v4, vm0, $0xb8;
	[tilespmem:$0x18200] =	vst v63  }
0x62: {  	s16 =	simm.s32 $0x5200;
	v3 =	vadd.s32 v1, v3  }
0x63: {  	[tilespmem:s16], [sflag:$0x2] =	stream.indirect_vreg.gather [hbm4b:s7+s2], $0x80, v4, vm0, $0xb8;
	[tilespmem:$0x18200] =	vst v63  }
0x64: {  	s17 =	simm.s32 $0x5A00  }
0x65: {  	[tilespmem:s17], [sflag:$0x2] =	stream.indirect_vreg.gather [hbm4b:s9+s2], $0x80, v4, vm0, $0xb8;
	[tilespmem:$0x18200] =	vst v63  }
0x66: {  	s18 =	simm.s32 $0x6200  }
0x67: {  	[tilespmem:s18], [sflag:$0x2] =	stream.indirect_vreg.gather [hbm4b:s3+s2], $0x80, v3, vm0, $0xb8;
	[tilespmem:$0x18200] =	vst v63  }
0x68: {  	s19 =	simm.s32 $0x6A00  }
0x69: {  	[tilespmem:s19], [sflag:$0x2] =	stream.indirect_vreg.gather [hbm4b:s6+s2], $0x80, v3, vm0, $0xb8;
	[tilespmem:$0x18200] =	vst v63  }
0x6a: {  	s20 =	simm.s32 $0x7200  }
0x6b: {  	[tilespmem:s20], [sflag:$0x2] =	stream.indirect_vreg.gather [hbm4b:s7+s2], $0x80, v3, vm0, $0xb8;
	[tilespmem:$0x18200] =	vst v63  }
0x6c: {  	_ = 	snop  }
0x6d: {  	[tilespmem:s21], [sflag:$0x2] =	stream.indirect_vreg.gather [hbm4b:s9+s2], $0x80, v3, vm0, $0xb8;
	[tilespmem:$0x18200] =	vst v63  }
0x6e: {  	v3 =	vld [tilespmem:$0x190];
	_ =	sdelay $0x4  }
0x6f: {  	v63 =	vshll.u32 v3, $0x3  }
0x70: {  	v3 =	vand.u32 $0x7, v3;
	v4 =	vand.u32 $0xFFFFFFC0, v63  }
0x71: {  	v3 =	vor.u32 v3, v4  }
0x72: {  	v4 =	vperm.xlane v3, v0;
	_ =	sdelay $0x1  }
0x73: {  	v4 =	vadd.s32 v1, v4;
	_ =	sdelay $0x4  }
0x74: {  	[tilespmem:s22], [sflag:$0x4] =	stream.indirect_vreg.gather [hbm4b:s3+s2], $0x80, v4, vm0, $0xb8;
	[tilespmem:$0x18200] =	vst v63  }
0x75: {  	v3 =	vperm.xlane v3, v2  }
0x76: {  	[tilespmem:s23], [sflag:$0x4] =	stream.indirect_vreg.gather [hbm4b:s6+s2], $0x80, v4, vm0, $0xb8;
	[tilespmem:$0x18200] =	vst v63  }
0x77: {  	v3 =	vadd.s32 v1, v3  }
0x78: {  	[tilespmem:s24], [sflag:$0x4] =	stream.indirect_vreg.gather [hbm4b:s7+s2], $0x80, v4, vm0, $0xb8;
	[tilespmem:$0x18200] =	vst v63  }
0x79: {  	_ = 	snop  }
0x7a: {  	[tilespmem:s25], [sflag:$0x4] =	stream.indirect_vreg.gather [hbm4b:s9+s2], $0x80, v4, vm0, $0xb8;
	[tilespmem:$0x18200] =	vst v63  }
0x7b: {  	_ = 	snop  }
0x7c: {  	[tilespmem:s4], [sflag:$0x4] =	stream.indirect_vreg.gather [hbm4b:s3+s2], $0x80, v3, vm0, $0xb8;
	[tilespmem:$0x18200] =	vst v63  }
0x7d: {  	_ = 	snop  }
0x7e: {  	[tilespmem:s26], [sflag:$0x4] =	stream.indirect_vreg.gather [hbm4b:s6+s2], $0x80, v3, vm0, $0xb8;
	[tilespmem:$0x18200] =	vst v63  }
0x7f: {  	_ = 	snop  }
0x80: {  	[tilespmem:s5], [sflag:$0x4] =	stream.indirect_vreg.gather [hbm4b:s7+s2], $0x80, v3, vm0, $0xb8;
	[tilespmem:$0x18200] =	vst v63  }
0x81: {  	_ = 	snop  }
0x82: {  	[tilespmem:s28], [sflag:$0x4] =	stream.indirect_vreg.gather [hbm4b:s9+s2], $0x80, v3, vm0, $0xb8;
	[tilespmem:$0x18200] =	vst v63  }
0x83: {  	_ =	swait.ge [sflag:s29], $0x4000  }
0x84: {  	[sflag:s29] =	ssyncset.done $0x0  }
0x85: {  	[sflag:s29] =	ssyncadd.s32 $0xFFFFC000  }
0x86: {  	_ =	swait.ge [sflag:s30], $0x4000  }
0x87: {  	s13 =	simm.s32 $0x0;
	s16 =	simm.s32 $0xFFFFC000;
	[sflag:s30] =	ssyncset.done $0x0  }
0x88: {  	s17 =	simm.s32 $0x0;
	s18 =	simm.s32 $0x0;
	[sflag:s30] =	ssyncadd.s32 $0xFFFFC000  }
.LBB2_2:
0x89: {  	s19 =	sadd.s32 $0x4000, s16  }
0x8a: {  	s20 =	sand.u32 $0x380, s18;
	s19 =	sand.u32 $0x2000, s19  }
0x8b: {  	s19 =	sor.u32 s20, s19  }
0x8c: {  	v3 =	vld [tilespmem:s19+$0x200]  }
0x8d: {  	v4 =	vld [tilespmem:s19+$0x8200]  }
0x8e: {  	v5 =	vld [tilespmem:s19+$0x210]  }
0x8f: {  	v6 =	vld [tilespmem:s19+$0x8210]  }
0x90: {  	v7 =	vld [tilespmem:s19+$0x220]  }
0x91: {  	v8 =	vld [tilespmem:s19+$0x8220]  }
0x92: {  	v9 =	vld [tilespmem:s19+$0x230]  }
0x93: {  	v10 =	vld [tilespmem:s19+$0x8230]  }
0x94: {  	v11 =	vld [tilespmem:s19+$0x240]  }
0x95: {  	v12 =	vld [tilespmem:s19+$0x8240]  }
0x96: {  	v13 =	vld [tilespmem:s19+$0x250]  }
0x97: {  	v14 =	vld [tilespmem:s19+$0x8250]  }
0x98: {  	v15 =	vld [tilespmem:s19+$0x260]  }
0x99: {  	v16 =	vld [tilespmem:s19+$0x8260]  }
0x9a: {  	v17 =	vld [tilespmem:s19+$0x270]  }
0x9b: {  	v18 =	vld [tilespmem:s19+$0x8270]  }
0x9c: {  	v19 =	vld [tilespmem:s19+$0x600]  }
0x9d: {  	v20 =	vld [tilespmem:s19+$0x8600]  }
0x9e: {  	v21 =	vld [tilespmem:s19+$0x610]  }
0x9f: {  	v22 =	vld [tilespmem:s19+$0x8610]  }
0xa0: {  	v23 =	vld [tilespmem:s19+$0x620]  }
0xa1: {  	v24 =	vld [tilespmem:s19+$0x8620]  }
0xa2: {  	v25 =	vld [tilespmem:s19+$0x630]  }
0xa3: {  	v26 =	vld [tilespmem:s19+$0x8630]  }
0xa4: {  	v27 =	vld [tilespmem:s19+$0x640]  }
0xa5: {  	v28 =	vld [tilespmem:s19+$0x8640]  }
0xa6: {  	v29 =	vld [tilespmem:s19+$0x650]  }
0xa7: {  	v30 =	vld [tilespmem:s19+$0x8650]  }
0xa8: {  	v31 =	vld [tilespmem:s19+$0x660]  }
0xa9: {  	v32 =	vld [tilespmem:s19+$0x8660]  }
0xaa: {  	v33 =	vld [tilespmem:s19+$0x670]  }
0xab: {  	v34 =	vld [tilespmem:s19+$0x8670]  }
0xac: {  	v35 =	vld [tilespmem:s19+$0xA00]  }
0xad: {  	v36 =	vld [tilespmem:s19+$0x8A00]  }
0xae: {  	v37 =	vld [tilespmem:s19+$0xA10]  }
0xaf: {  	v38 =	vld [tilespmem:s19+$0x8A10]  }
0xb0: {  	v39 =	vld [tilespmem:s19+$0xA20]  }
0xb1: {  	v40 =	vld [tilespmem:s19+$0x8A20]  }
0xb2: {  	v41 =	vld [tilespmem:s19+$0xA30]  }
0xb3: {  	v42 =	vld [tilespmem:s19+$0x8A30]  }
0xb4: {  	v43 =	vld [tilespmem:s19+$0xA40]  }
0xb5: {  	v44 =	vld [tilespmem:s19+$0x8A40]  }
0xb6: {  	v45 =	vld [tilespmem:s19+$0xA50]  }
0xb7: {  	v46 =	vld [tilespmem:s19+$0x8A50]  }
0xb8: {  	v47 =	vld [tilespmem:s19+$0xA60]  }
0xb9: {  	v48 =	vld [tilespmem:s19+$0x8A60]  }
0xba: {  	v49 =	vld [tilespmem:s19+$0xA70]  }
0xbb: {  	v50 =	vld [tilespmem:s19+$0x8A70]  }
0xbc: {  	v51 =	vld [tilespmem:s19+$0xE00]  }
0xbd: {  	v52 =	vld [tilespmem:s19+$0x8E00]  }
0xbe: {  	v53 =	vld [tilespmem:s19+$0xE10]  }
0xbf: {  	v54 =	vld [tilespmem:s19+$0x8E10]  }
0xc0: {  	v55 =	vld [tilespmem:s19+$0xE20]  }
0xc1: {  	v56 =	vld [tilespmem:s19+$0x8E20]  }
0xc2: {  	v57 =	vld [tilespmem:s19+$0xE30]  }
0xc3: {  	v58 =	vld [tilespmem:s19+$0x8E30]  }
0xc4: {  	v59 =	vld [tilespmem:s19+$0xE40]  }
0xc5: {  	v60 =	vld [tilespmem:s19+$0x8E40]  }
0xc6: {  	v61 =	vld [tilespmem:s19+$0xE50]  }
0xc7: {  	v62 =	vld [tilespmem:s19+$0x8E50]  }
0xc8: {  	v63 =	vld [tilespmem:s19+$0xE60]  }
0xc9: {  	v3 =	vadd.f32 v4, v3;
	v4 =	vld [tilespmem:s19+$0x8E60]  }
0xca: {  	v5 =	vadd.f32 v6, v5;
	v6 =	vld [tilespmem:s19+$0xE70]  }
0xcb: {  	v14 =	vadd.f32 v14, v13;
	v13 =	vld [tilespmem:s19+$0x9220];
	[tilespmem:s19+$0x10200] =	vst v3  }
0xcc: {  	v18 =	vadd.f32 v18, v17;
	v17 =	vld [tilespmem:s19+$0x9240];
	v3 =	vadd.f32 v8, v7;
	[tilespmem:s19+$0x10210] =	vst v5  }
0xcd: {  	v22 =	vadd.f32 v22, v21;
	v21 =	vld [tilespmem:s19+$0x9260];
	[tilespmem:s19+$0x10250] =	vst v14  }
0xce: {  	v7 =	vld [tilespmem:s19+$0x8E70];
	[tilespmem:s19+$0x10220] =	vst v3;
	v3 =	vadd.f32 v12, v11  }
0xcf: {  	v8 =	vld [tilespmem:s19+$0x1200];
	[tilespmem:s19+$0x10270] =	vst v18  }
0xd0: {  	v5 =	vadd.f32 v10, v9;
	v9 =	vld [tilespmem:s19+$0x9200];
	[tilespmem:s19+$0x10240] =	vst v3;
	v3 =	vadd.f32 v16, v15  }
0xd1: {  	v26 =	vadd.f32 v26, v25;
	v10 =	vld [tilespmem:s19+$0x1210];
	[tilespmem:s19+$0x10610] =	vst v22  }
0xd2: {  	v14 =	vld [tilespmem:s19+$0x1230];
	[tilespmem:s19+$0x10260] =	vst v3;
	v3 =	vadd.f32 v20, v19  }
0xd3: {  	v30 =	vadd.f32 v30, v29;
	[tilespmem:s19+$0x10630] =	vst v26;
	v18 =	vld [tilespmem:s19+$0x1250]  }
0xd4: {  	v19 =	vld [tilespmem:s19+$0x9250];
	[tilespmem:s19+$0x10600] =	vst v3;
	v3 =	vadd.f32 v24, v23  }
0xd5: {  	v34 =	vadd.f32 v34, v33;
	[tilespmem:s19+$0x10650] =	vst v30;
	v22 =	vld [tilespmem:s19+$0x1270]  }
0xd6: {  	v11 =	vld [tilespmem:s19+$0x9210];
	[tilespmem:s19+$0x10620] =	vst v3;
	v3 =	vadd.f32 v28, v27  }
0xd7: {  	[tilespmem:s19+$0x10670] =	vst v34;
	v12 =	vld [tilespmem:s19+$0x1220]  }
0xd8: {  	v15 =	vld [tilespmem:s19+$0x9230];
	[tilespmem:s19+$0x10640] =	vst v3;
	v3 =	vadd.f32 v32, v31  }
0xd9: {  	[tilespmem:s19+$0x10230] =	vst v5;
	v16 =	vld [tilespmem:s19+$0x1240];
	v19 =	vadd.f32 v19, v18  }
0xda: {  	v20 =	vld [tilespmem:s19+$0x1260];
	[tilespmem:s19+$0x10660] =	vst v3;
	v3 =	vadd.f32 v36, v35  }
0xdb: {  	v24 =	vld [tilespmem:s19+$0x1600];
	[tilespmem:s19+$0x11250] =	vst v19;
	v36 =	vadd.f32 v38, v37  }
0xdc: {  	v37 =	vld [tilespmem:s19+$0x9270];
	[tilespmem:s19+$0x10A00] =	vst v3;
	v3 =	vadd.f32 v40, v39  }
0xdd: {  	v38 =	vadd.f32 v42, v41;
	v41 =	vld [tilespmem:s19+$0x1610];
	[tilespmem:s19+$0x10A10] =	vst v36  }
0xde: {  	v42 =	vld [tilespmem:s19+$0x9610];
	[tilespmem:s19+$0x10A20] =	vst v3;
	v3 =	vadd.f32 v44, v43  }
0xdf: {  	v35 =	vld [tilespmem:s19+$0x1A10];
	[tilespmem:s19+$0x10A30] =	vst v38;
	v40 =	vadd.f32 v46, v45  }
0xe0: {  	v39 =	vld [tilespmem:s19+$0x9600];
	[tilespmem:s19+$0x10A40] =	vst v3;
	v3 =	vadd.f32 v48, v47  }
0xe1: {  	v45 =	vld [tilespmem:s19+$0x9620];
	v46 =	vadd.f32 v54, v53;
	[tilespmem:s19+$0x10A50] =	vst v40  }
0xe2: {  	v53 =	vld [tilespmem:s19+$0x1650];
	[tilespmem:s19+$0x10A60] =	vst v3;
	v3 =	vadd.f32 v52, v51  }
0xe3: {  	v54 =	vld [tilespmem:s19+$0x9650];
	v43 =	vadd.f32 v50, v49;
	[tilespmem:s19+$0x10E10] =	vst v46  }
0xe4: {  	v36 =	vld [tilespmem:s19+$0x9A10];
	[tilespmem:s19+$0x10E00] =	vst v3;
	v3 =	vadd.f32 v56, v55  }
0xe5: {  	v38 =	vld [tilespmem:s19+$0x1A20];
	v49 =	vadd.f32 v58, v57;
	[tilespmem:s19+$0x10A70] =	vst v43  }
0xe6: {  	v44 =	vld [tilespmem:s19+$0x1620];
	[tilespmem:s19+$0x10E20] =	vst v3;
	v3 =	vadd.f32 v60, v59  }
0xe7: {  	v50 =	vld [tilespmem:s19+$0x1640];
	v58 =	vadd.f32 v11, v10;
	[tilespmem:s19+$0x10E30] =	vst v49  }
0xe8: {  	v57 =	vld [tilespmem:s19+$0x9660];
	[tilespmem:s19+$0x10E40] =	vst v3;
	v3 =	vadd.f32 v4, v63  }
0xe9: {  	v46 =	vld [tilespmem:s19+$0x1A50];
	v37 =	vadd.f32 v37, v22;
	[tilespmem:s19+$0x11210] =	vst v58  }
0xea: {  	v40 =	vadd.f32 v42, v41;
	v41 =	vld [tilespmem:s19+$0x1A30];
	[tilespmem:s19+$0x10E60] =	vst v3;
	v3 =	vadd.f32 v9, v8  }
0xeb: {  	v42 =	vld [tilespmem:s19+$0x9A30];
	[tilespmem:s19+$0x11270] =	vst v37  }
0xec: {  	v47 =	vld [tilespmem:s19+$0x1630];
	[tilespmem:s19+$0x11200] =	vst v3;
	v3 =	vadd.f32 v13, v12  }
0xed: {  	v48 =	vld [tilespmem:s19+$0x9630];
	[tilespmem:s19+$0x11610] =	vst v40;
	v52 =	vadd.f32 v62, v61  }
0xee: {  	v49 =	vld [tilespmem:s19+$0x1A60];
	[tilespmem:s19+$0x11220] =	vst v3;
	v3 =	vadd.f32 v17, v16  }
0xef: {  	v51 =	vld [tilespmem:s19+$0x9640];
	v61 =	vadd.f32 v15, v14;
	[tilespmem:s19+$0x10E50] =	vst v52  }
0xf0: {  	v62 =	vld [tilespmem:s19+$0x1A00];
	[tilespmem:s19+$0x11240] =	vst v3;
	v3 =	vadd.f32 v21, v20  }
0xf1: {  	v55 =	vadd.f32 v7, v6;
	v56 =	vld [tilespmem:s19+$0x1660];
	[tilespmem:s19+$0x11230] =	vst v61  }
0xf2: {  	v52 =	vld [tilespmem:s19+$0x1A70];
	[tilespmem:s19+$0x11260] =	vst v3;
	v3 =	vadd.f32 v39, v24  }
0xf3: {  	v43 =	vadd.f32 v48, v47;
	v47 =	vld [tilespmem:s19+$0x9A50];
	[tilespmem:s19+$0x10E70] =	vst v55  }
0xf4: {  	v59 =	vld [tilespmem:s19+$0x1670];
	[tilespmem:s19+$0x11600] =	vst v3;
	v3 =	vadd.f32 v45, v44  }
0xf5: {  	[tilespmem:s19+$0x11630] =	vst v43;
	v63 =	vld [tilespmem:s19+$0x9A00];
	v4 =	vadd.f32 v54, v53  }
0xf6: {  	v60 =	vld [tilespmem:s19+$0x9670];
	[tilespmem:s19+$0x11620] =	vst v3;
	v3 =	vadd.f32 v51, v50  }
0xf7: {  	v54 =	vadd.f32 v42, v41;
	[tilespmem:s19+$0x11650] =	vst v4;
	v39 =	vld [tilespmem:s19+$0x9A20]  }
0xf8: {  	v44 =	vld [tilespmem:s19+$0x1A40];
	[tilespmem:s19+$0x11640] =	vst v3;
	v3 =	vadd.f32 v57, v56  }
0xf9: {  	[tilespmem:s19+$0x11A30] =	vst v54;
	v55 =	vadd.f32 v47, v46;
	v45 =	vld [tilespmem:s19+$0x9A40]  }
0xfa: {  	v53 =	vld [tilespmem:s19+$0x9A70];
	[tilespmem:s19+$0x11660] =	vst v3;
	v3 =	vadd.f32 v63, v62  }
0xfb: {  	v48 =	vadd.f32 v60, v59;
	[tilespmem:s19+$0x11A50] =	vst v55;
	v50 =	vld [tilespmem:s19+$0x9A60]  }
0xfc: {  	[tilespmem:s19+$0x11A00] =	vst v3;
	v3 =	vadd.f32 v39, v38  }
0xfd: {  	[tilespmem:s19+$0x11670] =	vst v48;
	v51 =	vadd.f32 v36, v35  }
0xfe: {  	[tilespmem:s19+$0x11A20] =	vst v3;
	v3 =	vadd.f32 v45, v44  }
0xff: {  	s20 =	sand.u32 $0x7, s13;
	[tilespmem:s19+$0x11A10] =	vst v51;
	v56 =	vadd.f32 v53, v52  }
0x100: {  	s20 =	sshll.u32 s20, $0x7;
	[tilespmem:s19+$0x11A40] =	vst v3;
	v3 =	vadd.f32 v50, v49  }
0x101: {  	s20 =	sadd.s32 s20, s17;
	[tilespmem:s19+$0x11A70] =	vst v56  }
0x102: {  	[tilespmem:s19+$0x11A60] =	vst v3;
	s19 =	sor.u32 $0x1C00, s20  }
0x103: {  	v3 =	vld [tilespmem:s19+$0x200]  }
0x104: {  	v4 =	vld [tilespmem:s19+$0x8200];
	_ =	sdelay $0x4  }
0x105: {  	v3 =	vadd.f32 v4, v3;
	_ =	sdelay $0x1  }
0x106: {  	[tilespmem:s19+$0x10200] =	vst v3;
	s19 =	sor.u32 $0x1C10, s20  }
0x107: {  	v3 =	vld [tilespmem:s19+$0x200]  }
0x108: {  	v57 =	vld [tilespmem:s19+$0x8200];
	_ =	sdelay $0x4  }
0x109: {  	v3 =	vadd.f32 v57, v3;
	_ =	sdelay $0x1  }
0x10a: {  	[tilespmem:s19+$0x10200] =	vst v3;
	s19 =	sor.u32 $0x1C20, s20  }
0x10b: {  	v3 =	vld [tilespmem:s19+$0x200]  }
0x10c: {  	v58 =	vld [tilespmem:s19+$0x8200];
	_ =	sdelay $0x4  }
0x10d: {  	v3 =	vadd.f32 v58, v3;
	_ =	sdelay $0x1  }
0x10e: {  	[tilespmem:s19+$0x10200] =	vst v3;
	s19 =	sor.u32 $0x1C30, s20  }
0x10f: {  	v3 =	vld [tilespmem:s19+$0x200]  }
0x110: {  	v59 =	vld [tilespmem:s19+$0x8200];
	_ =	sdelay $0x4  }
0x111: {  	v3 =	vadd.f32 v59, v3;
	_ =	sdelay $0x1  }
0x112: {  	[tilespmem:s19+$0x10200] =	vst v3;
	s19 =	sor.u32 $0x1C40, s20  }
0x113: {  	v3 =	vld [tilespmem:s19+$0x200]  }
0x114: {  	v60 =	vld [tilespmem:s19+$0x8200];
	_ =	sdelay $0x4  }
0x115: {  	v3 =	vadd.f32 v60, v3;
	_ =	sdelay $0x1  }
0x116: {  	[tilespmem:s19+$0x10200] =	vst v3;
	s19 =	sor.u32 $0x1C50, s20  }
0x117: {  	v3 =	vld [tilespmem:s19+$0x200]  }
0x118: {  	v61 =	vld [tilespmem:s19+$0x8200];
	_ =	sdelay $0x4  }
0x119: {  	v3 =	vadd.f32 v61, v3;
	_ =	sdelay $0x1  }
0x11a: {  	[tilespmem:s19+$0x10200] =	vst v3;
	s19 =	sor.u32 $0x1C60, s20  }
0x11b: {  	v3 =	vld [tilespmem:s19+$0x200]  }
0x11c: {  	v62 =	vld [tilespmem:s19+$0x8200];
	_ =	sdelay $0x4  }
0x11d: {  	v3 =	vadd.f32 v62, v3;
	_ =	sdelay $0x1  }
0x11e: {  	s20 =	sor.u32 $0x1C70, s20;
	[tilespmem:s19+$0x10200] =	vst v3  }
0x11f: {  	v3 =	vld [tilespmem:s20+$0x200]  }
0x120: {  	v63 =	vld [tilespmem:s20+$0x8200];
	_ =	sdelay $0x1  }
0x121: {  	p0 =	sne.s32 s18, $0x780  }
.Ltmp0:
0x122: {  	_ = 	snop;
	(pc) =	sbr.rel @p0 .LBB2_2-.Ltmp0, $4  }
0x123: {  	_ = 	snop  }
0x124: {  	v3 =	vadd.f32 v63, v3  }
0x125: {  	s16 =	sadd.s32 $0x400, s16  }
0x126: {  	s18 =	sadd.s32 $0x80, s18;
	s13 =	sadd.s32 $0x1, s13;
	s17 =	sadd.s32 $0x400, s17;
	[tilespmem:s20+$0x10200] =	vst v3  }
0x127: {  	s16 =	simm.s32 $0x0  }
0x128: {  	[hbm4b:s8+s16] =	stream.linear.scatter [tilespmem:s31], [sflag:$0x5], $0x4000, $0x38;
	[tilespmem:$0x18200] =	vst v63  }
0x129: {  	_ =	swait.ge [sflag:s0], $0x4000  }
0x12a: {  	[sflag:s0] =	ssyncset.done $0x0  }
0x12b: {  	[sflag:s0] =	ssyncadd.s32 $0xFFFFC000  }
0x12c: {  	v3 =	vld [tilespmem:$0x120];
	_ =	sdelay $0x4  }
0x12d: {  	v4 =	vshll.u32 v3, $0x3  }
0x12e: {  	v3 =	vand.u32 $0x7, v3;
	v4 =	vand.u32 $0xFFFFFFC0, v4  }
0x12f: {  	v3 =	vor.u32 v3, v4  }
0x130: {  	v4 =	vperm.xlane v3, v0;
	_ =	sdelay $0x1  }
0x131: {  	v4 =	vadd.s32 v1, v4;
	_ =	sdelay $0x3  }
0x132: {  	s13 =	simm.s32 $0x200  }
0x133: {  	[tilespmem:s13], [sflag:$0x1] =	stream.indirect_vreg.gather [hbm4b:s3+s16], $0x80, v4, vm0, $0xb8;
	[tilespmem:$0x18200] =	vst v63  }
0x134: {  	s18 =	simm.s32 $0xA00;
	v3 =	vperm.xlane v3, v2  }
0x135: {  	[tilespmem:s18], [sflag:$0x1] =	stream.indirect_vreg.gather [hbm4b:s6+s16], $0x80, v4, vm0, $0xb8;
	[tilespmem:$0x18200] =	vst v63  }
0x136: {  	s19 =	simm.s32 $0x1200;
	v3 =	vadd.s32 v1, v3  }
0x137: {  	[tilespmem:s19], [sflag:$0x1] =	stream.indirect_vreg.gather [hbm4b:s7+s16], $0x80, v4, vm0, $0xb8;
	[tilespmem:$0x18200] =	vst v63  }
0x138: {  	s20 =	simm.s32 $0x1A00  }
0x139: {  	[tilespmem:s20], [sflag:$0x1] =	stream.indirect_vreg.gather [hbm4b:s9+s16], $0x80, v4, vm0, $0xb8;
	[tilespmem:$0x18200] =	vst v63  }
0x13a: {  	s17 =	simm.s32 $0x2200  }
0x13b: {  	[tilespmem:s17], [sflag:$0x1] =	stream.indirect_vreg.gather [hbm4b:s3+s16], $0x80, v3, vm0, $0xb8;
	[tilespmem:$0x18200] =	vst v63  }
0x13c: {  	s18 =	simm.s32 $0x2A00  }
0x13d: {  	[tilespmem:s18], [sflag:$0x1] =	stream.indirect_vreg.gather [hbm4b:s6+s16], $0x80, v3, vm0, $0xb8;
	[tilespmem:$0x18200] =	vst v63  }
0x13e: {  	s19 =	simm.s32 $0x3200  }
0x13f: {  	[tilespmem:s19], [sflag:$0x1] =	stream.indirect_vreg.gather [hbm4b:s7+s16], $0x80, v3, vm0, $0xb8;
	[tilespmem:$0x18200] =	vst v63  }
0x140: {  	s20 =	simm.s32 $0x3A00  }
0x141: {  	[tilespmem:s20], [sflag:$0x1] =	stream.indirect_vreg.gather [hbm4b:s9+s16], $0x80, v3, vm0, $0xb8;
	[tilespmem:$0x18200] =	vst v63  }
0x142: {  	v3 =	vld [tilespmem:$0x1A0];
	_ =	sdelay $0x4  }
0x143: {  	v63 =	vshll.u32 v3, $0x3  }
0x144: {  	v3 =	vand.u32 $0x7, v3;
	v4 =	vand.u32 $0xFFFFFFC0, v63  }
0x145: {  	v3 =	vor.u32 v3, v4  }
0x146: {  	v4 =	vperm.xlane v3, v0;
	_ =	sdelay $0x1  }
0x147: {  	v4 =	vadd.s32 v1, v4;
	_ =	sdelay $0x3  }
0x148: {  	s17 =	simm.s32 $0x8200  }
0x149: {  	[tilespmem:s17], [sflag:$0x3] =	stream.indirect_vreg.gather [hbm4b:s3+s16], $0x80, v4, vm0, $0xb8;
	[tilespmem:$0x18200] =	vst v63  }
0x14a: {  	s18 =	simm.s32 $0x8A00;
	v3 =	vperm.xlane v3, v2  }
0x14b: {  	[tilespmem:s18], [sflag:$0x3] =	stream.indirect_vreg.gather [hbm4b:s6+s16], $0x80, v4, vm0, $0xb8;
	[tilespmem:$0x18200] =	vst v63  }
0x14c: {  	s19 =	simm.s32 $0x9200;
	v3 =	vadd.s32 v1, v3  }
0x14d: {  	[tilespmem:s19], [sflag:$0x3] =	stream.indirect_vreg.gather [hbm4b:s7+s16], $0x80, v4, vm0, $0xb8;
	[tilespmem:$0x18200] =	vst v63  }
0x14e: {  	s20 =	simm.s32 $0x9A00  }
0x14f: {  	[tilespmem:s20], [sflag:$0x3] =	stream.indirect_vreg.gather [hbm4b:s9+s16], $0x80, v4, vm0, $0xb8;
	[tilespmem:$0x18200] =	vst v63  }
0x150: {  	s17 =	simm.s32 $0xA200  }
0x151: {  	[tilespmem:s17], [sflag:$0x3] =	stream.indirect_vreg.gather [hbm4b:s3+s16], $0x80, v3, vm0, $0xb8;
	[tilespmem:$0x18200] =	vst v63  }
0x152: {  	s18 =	simm.s32 $0xAA00  }
0x153: {  	[tilespmem:s18], [sflag:$0x3] =	stream.indirect_vreg.gather [hbm4b:s6+s16], $0x80, v3, vm0, $0xb8;
	[tilespmem:$0x18200] =	vst v63  }
0x154: {  	s19 =	simm.s32 $0xB200  }
0x155: {  	[tilespmem:s19], [sflag:$0x3] =	stream.indirect_vreg.gather [hbm4b:s7+s16], $0x80, v3, vm0, $0xb8;
	[tilespmem:$0x18200] =	vst v63  }
0x156: {  	s20 =	simm.s32 $0xBA00  }
0x157: {  	[tilespmem:s20], [sflag:$0x3] =	stream.indirect_vreg.gather [hbm4b:s9+s16], $0x80, v3, vm0, $0xb8;
	[tilespmem:$0x18200] =	vst v63  }
0x158: {  	_ =	swait.ge [sflag:s10], $0x4000  }
0x159: {  	[sflag:s10] =	ssyncset.done $0x0  }
0x15a: {  	[sflag:s10] =	ssyncadd.s32 $0xFFFFC000  }
0x15b: {  	_ =	swait.ge [sflag:s1], $0x4000  }
0x15c: {  	s13 =	simm.s32 $0xFFFFC000;
	[sflag:s1] =	ssyncset.done $0x0  }
0x15d: {  	s17 =	simm.s32 $0x0;
	s18 =	simm.s32 $0x0;
	[sflag:s1] =	ssyncadd.s32 $0xFFFFC000  }
.LBB2_4:
0x15e: {  	s19 =	sadd.s32 $0x4000, s13  }
0x15f: {  	s20 =	sand.u32 $0x380, s18;
	s19 =	sand.u32 $0x2000, s19  }
0x160: {  	s19 =	sor.u32 s20, s19  }
0x161: {  	v3 =	vld [tilespmem:s19+$0x4200]  }
0x162: {  	v4 =	vld [tilespmem:s19+$0xC200]  }
0x163: {  	v5 =	vld [tilespmem:s19+$0x4210]  }
0x164: {  	v6 =	vld [tilespmem:s19+$0xC210]  }
0x165: {  	v7 =	vld [tilespmem:s19+$0x4220]  }
0x166: {  	v8 =	vld [tilespmem:s19+$0xC220]  }
0x167: {  	v9 =	vld [tilespmem:s19+$0x4230]  }
0x168: {  	v10 =	vld [tilespmem:s19+$0xC230]  }
0x169: {  	v11 =	vld [tilespmem:s19+$0x4240]  }
0x16a: {  	v12 =	vld [tilespmem:s19+$0xC240]  }
0x16b: {  	v13 =	vld [tilespmem:s19+$0x4250]  }
0x16c: {  	v14 =	vld [tilespmem:s19+$0xC250]  }
0x16d: {  	v15 =	vld [tilespmem:s19+$0x4260]  }
0x16e: {  	v16 =	vld [tilespmem:s19+$0xC260]  }
0x16f: {  	v17 =	vld [tilespmem:s19+$0x4270]  }
0x170: {  	v18 =	vld [tilespmem:s19+$0xC270]  }
0x171: {  	v19 =	vld [tilespmem:s19+$0x4600]  }
0x172: {  	v20 =	vld [tilespmem:s19+$0xC600]  }
0x173: {  	v21 =	vld [tilespmem:s19+$0x4610]  }
0x174: {  	v22 =	vld [tilespmem:s19+$0xC610]  }
0x175: {  	v23 =	vld [tilespmem:s19+$0x4620]  }
0x176: {  	v24 =	vld [tilespmem:s19+$0xC620]  }
0x177: {  	v25 =	vld [tilespmem:s19+$0x4630]  }
0x178: {  	v26 =	vld [tilespmem:s19+$0xC630]  }
0x179: {  	v27 =	vld [tilespmem:s19+$0x4640]  }
0x17a: {  	v28 =	vld [tilespmem:s19+$0xC640]  }
0x17b: {  	v29 =	vld [tilespmem:s19+$0x4650]  }
0x17c: {  	v30 =	vld [tilespmem:s19+$0xC650]  }
0x17d: {  	v31 =	vld [tilespmem:s19+$0x4660]  }
0x17e: {  	v32 =	vld [tilespmem:s19+$0xC660]  }
0x17f: {  	v33 =	vld [tilespmem:s19+$0x4670]  }
0x180: {  	v34 =	vld [tilespmem:s19+$0xC670]  }
0x181: {  	v35 =	vld [tilespmem:s19+$0x4A00]  }
0x182: {  	v36 =	vld [tilespmem:s19+$0xCA00]  }
0x183: {  	v37 =	vld [tilespmem:s19+$0x4A10]  }
0x184: {  	v38 =	vld [tilespmem:s19+$0xCA10]  }
0x185: {  	v39 =	vld [tilespmem:s19+$0x4A20]  }
0x186: {  	v40 =	vld [tilespmem:s19+$0xCA20]  }
0x187: {  	v41 =	vld [tilespmem:s19+$0x4A30]  }
0x188: {  	v42 =	vld [tilespmem:s19+$0xCA30]  }
0x189: {  	v43 =	vld [tilespmem:s19+$0x4A40]  }
0x18a: {  	v44 =	vld [tilespmem:s19+$0xCA40]  }
0x18b: {  	v45 =	vld [tilespmem:s19+$0x4A50]  }
0x18c: {  	v46 =	vld [tilespmem:s19+$0xCA50]  }
0x18d: {  	v47 =	vld [tilespmem:s19+$0x4A60]  }
0x18e: {  	v48 =	vld [tilespmem:s19+$0xCA60]  }
0x18f: {  	v49 =	vld [tilespmem:s19+$0x4A70]  }
0x190: {  	v50 =	vld [tilespmem:s19+$0xCA70]  }
0x191: {  	v51 =	vld [tilespmem:s19+$0x4E00]  }
0x192: {  	v52 =	vld [tilespmem:s19+$0xCE00]  }
0x193: {  	v53 =	vld [tilespmem:s19+$0x4E10]  }
0x194: {  	v54 =	vld [tilespmem:s19+$0xCE10]  }
0x195: {  	v55 =	vld [tilespmem:s19+$0x4E20]  }
0x196: {  	v56 =	vld [tilespmem:s19+$0xCE20]  }
0x197: {  	v57 =	vld [tilespmem:s19+$0x4E30]  }
0x198: {  	v58 =	vld [tilespmem:s19+$0xCE30]  }
0x199: {  	v59 =	vld [tilespmem:s19+$0x4E40]  }
0x19a: {  	v60 =	vld [tilespmem:s19+$0xCE40]  }
0x19b: {  	v61 =	vld [tilespmem:s19+$0x4E50]  }
0x19c: {  	v62 =	vld [tilespmem:s19+$0xCE50]  }
0x19d: {  	v63 =	vld [tilespmem:s19+$0x4E60]  }
0x19e: {  	v3 =	vadd.f32 v4, v3;
	v4 =	vld [tilespmem:s19+$0xCE60]  }
0x19f: {  	v5 =	vadd.f32 v6, v5;
	v6 =	vld [tilespmem:s19+$0x4E70]  }
0x1a0: {  	v14 =	vadd.f32 v14, v13;
	v13 =	vld [tilespmem:s19+$0xD220];
	[tilespmem:s19+$0x14200] =	vst v3  }
0x1a1: {  	v18 =	vadd.f32 v18, v17;
	v17 =	vld [tilespmem:s19+$0xD240];
	v3 =	vadd.f32 v8, v7;
	[tilespmem:s19+$0x14210] =	vst v5  }
0x1a2: {  	v22 =	vadd.f32 v22, v21;
	v21 =	vld [tilespmem:s19+$0xD260];
	[tilespmem:s19+$0x14250] =	vst v14  }
0x1a3: {  	v7 =	vld [tilespmem:s19+$0xCE70];
	[tilespmem:s19+$0x14220] =	vst v3;
	v3 =	vadd.f32 v12, v11  }
0x1a4: {  	v8 =	vld [tilespmem:s19+$0x5200];
	[tilespmem:s19+$0x14270] =	vst v18  }
0x1a5: {  	v5 =	vadd.f32 v10, v9;
	v9 =	vld [tilespmem:s19+$0xD200];
	[tilespmem:s19+$0x14240] =	vst v3;
	v3 =	vadd.f32 v16, v15  }
0x1a6: {  	v26 =	vadd.f32 v26, v25;
	v10 =	vld [tilespmem:s19+$0x5210];
	[tilespmem:s19+$0x14610] =	vst v22  }
0x1a7: {  	v14 =	vld [tilespmem:s19+$0x5230];
	[tilespmem:s19+$0x14260] =	vst v3;
	v3 =	vadd.f32 v20, v19  }
0x1a8: {  	v30 =	vadd.f32 v30, v29;
	[tilespmem:s19+$0x14630] =	vst v26;
	v18 =	vld [tilespmem:s19+$0x5250]  }
0x1a9: {  	v19 =	vld [tilespmem:s19+$0xD250];
	[tilespmem:s19+$0x14600] =	vst v3;
	v3 =	vadd.f32 v24, v23  }
0x1aa: {  	v34 =	vadd.f32 v34, v33;
	[tilespmem:s19+$0x14650] =	vst v30;
	v22 =	vld [tilespmem:s19+$0x5270]  }
0x1ab: {  	v11 =	vld [tilespmem:s19+$0xD210];
	[tilespmem:s19+$0x14620] =	vst v3;
	v3 =	vadd.f32 v28, v27  }
0x1ac: {  	[tilespmem:s19+$0x14670] =	vst v34;
	v12 =	vld [tilespmem:s19+$0x5220]  }
0x1ad: {  	v15 =	vld [tilespmem:s19+$0xD230];
	[tilespmem:s19+$0x14640] =	vst v3;
	v3 =	vadd.f32 v32, v31  }
0x1ae: {  	[tilespmem:s19+$0x14230] =	vst v5;
	v16 =	vld [tilespmem:s19+$0x5240];
	v19 =	vadd.f32 v19, v18  }
0x1af: {  	v20 =	vld [tilespmem:s19+$0x5260];
	[tilespmem:s19+$0x14660] =	vst v3;
	v3 =	vadd.f32 v36, v35  }
0x1b0: {  	v24 =	vld [tilespmem:s19+$0x5600];
	[tilespmem:s19+$0x15250] =	vst v19;
	v36 =	vadd.f32 v38, v37  }
0x1b1: {  	v37 =	vld [tilespmem:s19+$0xD270];
	[tilespmem:s19+$0x14A00] =	vst v3;
	v3 =	vadd.f32 v40, v39  }
0x1b2: {  	v38 =	vadd.f32 v42, v41;
	v41 =	vld [tilespmem:s19+$0x5610];
	[tilespmem:s19+$0x14A10] =	vst v36  }
0x1b3: {  	v42 =	vld [tilespmem:s19+$0xD610];
	[tilespmem:s19+$0x14A20] =	vst v3;
	v3 =	vadd.f32 v44, v43  }
0x1b4: {  	v35 =	vld [tilespmem:s19+$0x5A10];
	[tilespmem:s19+$0x14A30] =	vst v38;
	v40 =	vadd.f32 v46, v45  }
0x1b5: {  	v39 =	vld [tilespmem:s19+$0xD600];
	[tilespmem:s19+$0x14A40] =	vst v3;
	v3 =	vadd.f32 v48, v47  }
0x1b6: {  	v45 =	vld [tilespmem:s19+$0xD620];
	v46 =	vadd.f32 v54, v53;
	[tilespmem:s19+$0x14A50] =	vst v40  }
0x1b7: {  	v53 =	vld [tilespmem:s19+$0x5650];
	[tilespmem:s19+$0x14A60] =	vst v3;
	v3 =	vadd.f32 v52, v51  }
0x1b8: {  	v54 =	vld [tilespmem:s19+$0xD650];
	v43 =	vadd.f32 v50, v49;
	[tilespmem:s19+$0x14E10] =	vst v46  }
0x1b9: {  	v36 =	vld [tilespmem:s19+$0xDA10];
	[tilespmem:s19+$0x14E00] =	vst v3;
	v3 =	vadd.f32 v56, v55  }
0x1ba: {  	v38 =	vld [tilespmem:s19+$0x5A20];
	v49 =	vadd.f32 v58, v57;
	[tilespmem:s19+$0x14A70] =	vst v43  }
0x1bb: {  	v44 =	vld [tilespmem:s19+$0x5620];
	[tilespmem:s19+$0x14E20] =	vst v3;
	v3 =	vadd.f32 v60, v59  }
0x1bc: {  	v50 =	vld [tilespmem:s19+$0x5640];
	v58 =	vadd.f32 v11, v10;
	[tilespmem:s19+$0x14E30] =	vst v49  }
0x1bd: {  	v57 =	vld [tilespmem:s19+$0xD660];
	[tilespmem:s19+$0x14E40] =	vst v3;
	v3 =	vadd.f32 v4, v63  }
0x1be: {  	v46 =	vld [tilespmem:s19+$0x5A50];
	v37 =	vadd.f32 v37, v22;
	[tilespmem:s19+$0x15210] =	vst v58  }
0x1bf: {  	v40 =	vadd.f32 v42, v41;
	v41 =	vld [tilespmem:s19+$0x5A30];
	[tilespmem:s19+$0x14E60] =	vst v3;
	v3 =	vadd.f32 v9, v8  }
0x1c0: {  	v42 =	vld [tilespmem:s19+$0xDA30];
	[tilespmem:s19+$0x15270] =	vst v37  }
0x1c1: {  	v47 =	vld [tilespmem:s19+$0x5630];
	[tilespmem:s19+$0x15200] =	vst v3;
	v3 =	vadd.f32 v13, v12  }
0x1c2: {  	v48 =	vld [tilespmem:s19+$0xD630];
	[tilespmem:s19+$0x15610] =	vst v40;
	v52 =	vadd.f32 v62, v61  }
0x1c3: {  	v49 =	vld [tilespmem:s19+$0x5A60];
	[tilespmem:s19+$0x15220] =	vst v3;
	v3 =	vadd.f32 v17, v16  }
0x1c4: {  	v51 =	vld [tilespmem:s19+$0xD640];
	v61 =	vadd.f32 v15, v14;
	[tilespmem:s19+$0x14E50] =	vst v52  }
0x1c5: {  	v62 =	vld [tilespmem:s19+$0x5A00];
	[tilespmem:s19+$0x15240] =	vst v3;
	v3 =	vadd.f32 v21, v20  }
0x1c6: {  	v55 =	vadd.f32 v7, v6;
	v56 =	vld [tilespmem:s19+$0x5660];
	[tilespmem:s19+$0x15230] =	vst v61  }
0x1c7: {  	v52 =	vld [tilespmem:s19+$0x5A70];
	[tilespmem:s19+$0x15260] =	vst v3;
	v3 =	vadd.f32 v39, v24  }
0x1c8: {  	v43 =	vadd.f32 v48, v47;
	v47 =	vld [tilespmem:s19+$0xDA50];
	[tilespmem:s19+$0x14E70] =	vst v55  }
0x1c9: {  	v59 =	vld [tilespmem:s19+$0x5670];
	[tilespmem:s19+$0x15600] =	vst v3;
	v3 =	vadd.f32 v45, v44  }
0x1ca: {  	[tilespmem:s19+$0x15630] =	vst v43;
	v63 =	vld [tilespmem:s19+$0xDA00];
	v4 =	vadd.f32 v54, v53  }
0x1cb: {  	v60 =	vld [tilespmem:s19+$0xD670];
	[tilespmem:s19+$0x15620] =	vst v3;
	v3 =	vadd.f32 v51, v50  }
0x1cc: {  	v54 =	vadd.f32 v42, v41;
	[tilespmem:s19+$0x15650] =	vst v4;
	v39 =	vld [tilespmem:s19+$0xDA20]  }
0x1cd: {  	v44 =	vld [tilespmem:s19+$0x5A40];
	[tilespmem:s19+$0x15640] =	vst v3;
	v3 =	vadd.f32 v57, v56  }
0x1ce: {  	[tilespmem:s19+$0x15A30] =	vst v54;
	v55 =	vadd.f32 v47, v46;
	v45 =	vld [tilespmem:s19+$0xDA40]  }
0x1cf: {  	v53 =	vld [tilespmem:s19+$0xDA70];
	[tilespmem:s19+$0x15660] =	vst v3;
	v3 =	vadd.f32 v63, v62  }
0x1d0: {  	v48 =	vadd.f32 v60, v59;
	[tilespmem:s19+$0x15A50] =	vst v55;
	v50 =	vld [tilespmem:s19+$0xDA60]  }
0x1d1: {  	[tilespmem:s19+$0x15A00] =	vst v3;
	v3 =	vadd.f32 v39, v38  }
0x1d2: {  	[tilespmem:s19+$0x15670] =	vst v48;
	v51 =	vadd.f32 v36, v35  }
0x1d3: {  	[tilespmem:s19+$0x15A20] =	vst v3;
	v3 =	vadd.f32 v45, v44  }
0x1d4: {  	s20 =	sand.u32 $0x7, s16;
	[tilespmem:s19+$0x15A10] =	vst v51;
	v56 =	vadd.f32 v53, v52  }
0x1d5: {  	s20 =	sshll.u32 s20, $0x7;
	[tilespmem:s19+$0x15A40] =	vst v3;
	v3 =	vadd.f32 v50, v49  }
0x1d6: {  	s20 =	sadd.s32 s20, s17;
	[tilespmem:s19+$0x15A70] =	vst v56  }
0x1d7: {  	[tilespmem:s19+$0x15A60] =	vst v3;
	s19 =	sor.u32 $0x1C00, s20  }
0x1d8: {  	v3 =	vld [tilespmem:s19+$0x4200]  }
0x1d9: {  	v4 =	vld [tilespmem:s19+$0xC200];
	_ =	sdelay $0x4  }
0x1da: {  	v3 =	vadd.f32 v4, v3;
	_ =	sdelay $0x1  }
0x1db: {  	[tilespmem:s19+$0x14200] =	vst v3;
	s19 =	sor.u32 $0x1C10, s20  }
0x1dc: {  	v3 =	vld [tilespmem:s19+$0x4200]  }
0x1dd: {  	v57 =	vld [tilespmem:s19+$0xC200];
	_ =	sdelay $0x4  }
0x1de: {  	v3 =	vadd.f32 v57, v3;
	_ =	sdelay $0x1  }
0x1df: {  	[tilespmem:s19+$0x14200] =	vst v3;
	s19 =	sor.u32 $0x1C20, s20  }
0x1e0: {  	v3 =	vld [tilespmem:s19+$0x4200]  }
0x1e1: {  	v58 =	vld [tilespmem:s19+$0xC200];
	_ =	sdelay $0x4  }
0x1e2: {  	v3 =	vadd.f32 v58, v3;
	_ =	sdelay $0x1  }
0x1e3: {  	[tilespmem:s19+$0x14200] =	vst v3;
	s19 =	sor.u32 $0x1C30, s20  }
0x1e4: {  	v3 =	vld [tilespmem:s19+$0x4200]  }
0x1e5: {  	v59 =	vld [tilespmem:s19+$0xC200];
	_ =	sdelay $0x4  }
0x1e6: {  	v3 =	vadd.f32 v59, v3;
	_ =	sdelay $0x1  }
0x1e7: {  	[tilespmem:s19+$0x14200] =	vst v3;
	s19 =	sor.u32 $0x1C40, s20  }
0x1e8: {  	v3 =	vld [tilespmem:s19+$0x4200]  }
0x1e9: {  	v60 =	vld [tilespmem:s19+$0xC200];
	_ =	sdelay $0x4  }
0x1ea: {  	v3 =	vadd.f32 v60, v3;
	_ =	sdelay $0x1  }
0x1eb: {  	[tilespmem:s19+$0x14200] =	vst v3;
	s19 =	sor.u32 $0x1C50, s20  }
0x1ec: {  	v3 =	vld [tilespmem:s19+$0x4200]  }
0x1ed: {  	v61 =	vld [tilespmem:s19+$0xC200];
	_ =	sdelay $0x4  }
0x1ee: {  	v3 =	vadd.f32 v61, v3;
	_ =	sdelay $0x1  }
0x1ef: {  	[tilespmem:s19+$0x14200] =	vst v3;
	s19 =	sor.u32 $0x1C60, s20  }
0x1f0: {  	v3 =	vld [tilespmem:s19+$0x4200]  }
0x1f1: {  	v62 =	vld [tilespmem:s19+$0xC200];
	_ =	sdelay $0x4  }
0x1f2: {  	v3 =	vadd.f32 v62, v3;
	_ =	sdelay $0x1  }
0x1f3: {  	s20 =	sor.u32 $0x1C70, s20;
	[tilespmem:s19+$0x14200] =	vst v3  }
0x1f4: {  	v3 =	vld [tilespmem:s20+$0x4200]  }
0x1f5: {  	v63 =	vld [tilespmem:s20+$0xC200];
	_ =	sdelay $0x1  }
0x1f6: {  	p0 =	sne.s32 s18, $0x780  }
.Ltmp1:
0x1f7: {  	_ = 	snop;
	(pc) =	sbr.rel @p0 .LBB2_4-.Ltmp1, $4  }
0x1f8: {  	_ = 	snop  }
0x1f9: {  	v3 =	vadd.f32 v63, v3  }
0x1fa: {  	s13 =	sadd.s32 $0x400, s13  }
0x1fb: {  	s18 =	sadd.s32 $0x80, s18;
	s16 =	sadd.s32 $0x1, s16;
	s17 =	sadd.s32 $0x400, s17;
	[tilespmem:s20+$0x14200] =	vst v3  }
0x1fc: {  	s16 =	simm.s32 $0x0;
	s13 =	rddreg [dreg:$0x5]  }
0x1fd: {  	[hbm4b:s13+s16] =	stream.linear.scatter [tilespmem:s11], [sflag:$0x6], $0x4000, $0x38;
	[tilespmem:$0x18200] =	vst v63  }
0x1fe: {  	_ =	swait.ge [sflag:s15], $0x4000  }
0x1ff: {  	[sflag:s15] =	ssyncset.done $0x0  }
0x200: {  	[sflag:s15] =	ssyncadd.s32 $0xFFFFC000  }
0x201: {  	v3 =	vld [tilespmem:$0x130];
	_ =	sdelay $0x4  }
0x202: {  	v4 =	vshll.u32 v3, $0x3  }
0x203: {  	v3 =	vand.u32 $0x7, v3;
	v4 =	vand.u32 $0xFFFFFFC0, v4  }
0x204: {  	v3 =	vor.u32 v3, v4  }
0x205: {  	v4 =	vperm.xlane v3, v0;
	_ =	sdelay $0x1  }
0x206: {  	v4 =	vadd.s32 v1, v4;
	_ =	sdelay $0x3  }
0x207: {  	s18 =	simm.s32 $0x4200  }
0x208: {  	[tilespmem:s18], [sflag:$0x2] =	stream.indirect_vreg.gather [hbm4b:s3+s16], $0x80, v4, vm0, $0xb8;
	[tilespmem:$0x18200] =	vst v63  }
0x209: {  	s19 =	simm.s32 $0x4A00;
	v3 =	vperm.xlane v3, v2  }
0x20a: {  	[tilespmem:s19], [sflag:$0x2] =	stream.indirect_vreg.gather [hbm4b:s6+s16], $0x80, v4, vm0, $0xb8;
	[tilespmem:$0x18200] =	vst v63  }
0x20b: {  	s20 =	simm.s32 $0x5200;
	v3 =	vadd.s32 v1, v3  }
0x20c: {  	[tilespmem:s20], [sflag:$0x2] =	stream.indirect_vreg.gather [hbm4b:s7+s16], $0x80, v4, vm0, $0xb8;
	[tilespmem:$0x18200] =	vst v63  }
0x20d: {  	s17 =	simm.s32 $0x5A00  }
0x20e: {  	[tilespmem:s17], [sflag:$0x2] =	stream.indirect_vreg.gather [hbm4b:s9+s16], $0x80, v4, vm0, $0xb8;
	[tilespmem:$0x18200] =	vst v63  }
0x20f: {  	s18 =	simm.s32 $0x6200  }
0x210: {  	[tilespmem:s18], [sflag:$0x2] =	stream.indirect_vreg.gather [hbm4b:s3+s16], $0x80, v3, vm0, $0xb8;
	[tilespmem:$0x18200] =	vst v63  }
0x211: {  	s19 =	simm.s32 $0x6A00  }
0x212: {  	[tilespmem:s19], [sflag:$0x2] =	stream.indirect_vreg.gather [hbm4b:s6+s16], $0x80, v3, vm0, $0xb8;
	[tilespmem:$0x18200] =	vst v63  }
0x213: {  	s20 =	simm.s32 $0x7200  }
0x214: {  	[tilespmem:s20], [sflag:$0x2] =	stream.indirect_vreg.gather [hbm4b:s7+s16], $0x80, v3, vm0, $0xb8;
	[tilespmem:$0x18200] =	vst v63  }
0x215: {  	_ = 	snop  }
0x216: {  	[tilespmem:s21], [sflag:$0x2] =	stream.indirect_vreg.gather [hbm4b:s9+s16], $0x80, v3, vm0, $0xb8;
	[tilespmem:$0x18200] =	vst v63  }
0x217: {  	v3 =	vld [tilespmem:$0x1B0];
	_ =	sdelay $0x4  }
0x218: {  	v63 =	vshll.u32 v3, $0x3  }
0x219: {  	v3 =	vand.u32 $0x7, v3;
	v4 =	vand.u32 $0xFFFFFFC0, v63  }
0x21a: {  	v3 =	vor.u32 v3, v4  }
0x21b: {  	v4 =	vperm.xlane v3, v0;
	_ =	sdelay $0x1  }
0x21c: {  	v4 =	vadd.s32 v1, v4;
	_ =	sdelay $0x4  }
0x21d: {  	[tilespmem:s22], [sflag:$0x4] =	stream.indirect_vreg.gather [hbm4b:s3+s16], $0x80, v4, vm0, $0xb8;
	[tilespmem:$0x18200] =	vst v63  }
0x21e: {  	v3 =	vperm.xlane v3, v2  }
0x21f: {  	[tilespmem:s23], [sflag:$0x4] =	stream.indirect_vreg.gather [hbm4b:s6+s16], $0x80, v4, vm0, $0xb8;
	[tilespmem:$0x18200] =	vst v63  }
0x220: {  	v3 =	vadd.s32 v1, v3  }
0x221: {  	[tilespmem:s24], [sflag:$0x4] =	stream.indirect_vreg.gather [hbm4b:s7+s16], $0x80, v4, vm0, $0xb8;
	[tilespmem:$0x18200] =	vst v63  }
0x222: {  	_ = 	snop  }
0x223: {  	[tilespmem:s25], [sflag:$0x4] =	stream.indirect_vreg.gather [hbm4b:s9+s16], $0x80, v4, vm0, $0xb8;
	[tilespmem:$0x18200] =	vst v63  }
0x224: {  	_ = 	snop  }
0x225: {  	[tilespmem:s4], [sflag:$0x4] =	stream.indirect_vreg.gather [hbm4b:s3+s16], $0x80, v3, vm0, $0xb8;
	[tilespmem:$0x18200] =	vst v63  }
0x226: {  	_ = 	snop  }
0x227: {  	[tilespmem:s26], [sflag:$0x4] =	stream.indirect_vreg.gather [hbm4b:s6+s16], $0x80, v3, vm0, $0xb8;
	[tilespmem:$0x18200] =	vst v63  }
0x228: {  	_ = 	snop  }
0x229: {  	[tilespmem:s5], [sflag:$0x4] =	stream.indirect_vreg.gather [hbm4b:s7+s16], $0x80, v3, vm0, $0xb8;
	[tilespmem:$0x18200] =	vst v63  }
0x22a: {  	_ = 	snop  }
0x22b: {  	[tilespmem:s28], [sflag:$0x4] =	stream.indirect_vreg.gather [hbm4b:s9+s16], $0x80, v3, vm0, $0xb8;
	[tilespmem:$0x18200] =	vst v63  }
0x22c: {  	_ =	swait.ge [sflag:s29], $0x4000  }
0x22d: {  	[sflag:s29] =	ssyncset.done $0x0  }
0x22e: {  	[sflag:s29] =	ssyncadd.s32 $0xFFFFC000  }
0x22f: {  	_ =	swait.ge [sflag:s30], $0x4000  }
0x230: {  	s13 =	simm.s32 $0xFFFFC000;
	[sflag:s30] =	ssyncset.done $0x0  }
0x231: {  	s17 =	simm.s32 $0x0;
	s18 =	simm.s32 $0x0;
	[sflag:s30] =	ssyncadd.s32 $0xFFFFC000  }
.LBB2_6:
0x232: {  	s19 =	sadd.s32 $0x4000, s13  }
0x233: {  	s20 =	sand.u32 $0x380, s18;
	s19 =	sand.u32 $0x2000, s19  }
0x234: {  	s19 =	sor.u32 s20, s19  }
0x235: {  	v3 =	vld [tilespmem:s19+$0x200]  }
0x236: {  	v4 =	vld [tilespmem:s19+$0x8200]  }
0x237: {  	v5 =	vld [tilespmem:s19+$0x210]  }
0x238: {  	v6 =	vld [tilespmem:s19+$0x8210]  }
0x239: {  	v7 =	vld [tilespmem:s19+$0x220]  }
0x23a: {  	v8 =	vld [tilespmem:s19+$0x8220]  }
0x23b: {  	v9 =	vld [tilespmem:s19+$0x230]  }
0x23c: {  	v10 =	vld [tilespmem:s19+$0x8230]  }
0x23d: {  	v11 =	vld [tilespmem:s19+$0x240]  }
0x23e: {  	v12 =	vld [tilespmem:s19+$0x8240]  }
0x23f: {  	v13 =	vld [tilespmem:s19+$0x250]  }
0x240: {  	v14 =	vld [tilespmem:s19+$0x8250]  }
0x241: {  	v15 =	vld [tilespmem:s19+$0x260]  }
0x242: {  	v16 =	vld [tilespmem:s19+$0x8260]  }
0x243: {  	v17 =	vld [tilespmem:s19+$0x270]  }
0x244: {  	v18 =	vld [tilespmem:s19+$0x8270]  }
0x245: {  	v19 =	vld [tilespmem:s19+$0x600]  }
0x246: {  	v20 =	vld [tilespmem:s19+$0x8600]  }
0x247: {  	v21 =	vld [tilespmem:s19+$0x610]  }
0x248: {  	v22 =	vld [tilespmem:s19+$0x8610]  }
0x249: {  	v23 =	vld [tilespmem:s19+$0x620]  }
0x24a: {  	v24 =	vld [tilespmem:s19+$0x8620]  }
0x24b: {  	v25 =	vld [tilespmem:s19+$0x630]  }
0x24c: {  	v26 =	vld [tilespmem:s19+$0x8630]  }
0x24d: {  	v27 =	vld [tilespmem:s19+$0x640]  }
0x24e: {  	v28 =	vld [tilespmem:s19+$0x8640]  }
0x24f: {  	v29 =	vld [tilespmem:s19+$0x650]  }
0x250: {  	v30 =	vld [tilespmem:s19+$0x8650]  }
0x251: {  	v31 =	vld [tilespmem:s19+$0x660]  }
0x252: {  	v32 =	vld [tilespmem:s19+$0x8660]  }
0x253: {  	v33 =	vld [tilespmem:s19+$0x670]  }
0x254: {  	v34 =	vld [tilespmem:s19+$0x8670]  }
0x255: {  	v35 =	vld [tilespmem:s19+$0xA00]  }
0x256: {  	v36 =	vld [tilespmem:s19+$0x8A00]  }
0x257: {  	v37 =	vld [tilespmem:s19+$0xA10]  }
0x258: {  	v38 =	vld [tilespmem:s19+$0x8A10]  }
0x259: {  	v39 =	vld [tilespmem:s19+$0xA20]  }
0x25a: {  	v40 =	vld [tilespmem:s19+$0x8A20]  }
0x25b: {  	v41 =	vld [tilespmem:s19+$0xA30]  }
0x25c: {  	v42 =	vld [tilespmem:s19+$0x8A30]  }
0x25d: {  	v43 =	vld [tilespmem:s19+$0xA40]  }
0x25e: {  	v44 =	vld [tilespmem:s19+$0x8A40]  }
0x25f: {  	v45 =	vld [tilespmem:s19+$0xA50]  }
0x260: {  	v46 =	vld [tilespmem:s19+$0x8A50]  }
0x261: {  	v47 =	vld [tilespmem:s19+$0xA60]  }
0x262: {  	v48 =	vld [tilespmem:s19+$0x8A60]  }
0x263: {  	v49 =	vld [tilespmem:s19+$0xA70]  }
0x264: {  	v50 =	vld [tilespmem:s19+$0x8A70]  }
0x265: {  	v51 =	vld [tilespmem:s19+$0xE00]  }
0x266: {  	v52 =	vld [tilespmem:s19+$0x8E00]  }
0x267: {  	v53 =	vld [tilespmem:s19+$0xE10]  }
0x268: {  	v54 =	vld [tilespmem:s19+$0x8E10]  }
0x269: {  	v55 =	vld [tilespmem:s19+$0xE20]  }
0x26a: {  	v56 =	vld [tilespmem:s19+$0x8E20]  }
0x26b: {  	v57 =	vld [tilespmem:s19+$0xE30]  }
0x26c: {  	v58 =	vld [tilespmem:s19+$0x8E30]  }
0x26d: {  	v59 =	vld [tilespmem:s19+$0xE40]  }
0x26e: {  	v60 =	vld [tilespmem:s19+$0x8E40]  }
0x26f: {  	v61 =	vld [tilespmem:s19+$0xE50]  }
0x270: {  	v62 =	vld [tilespmem:s19+$0x8E50]  }
0x271: {  	v63 =	vld [tilespmem:s19+$0xE60]  }
0x272: {  	v3 =	vadd.f32 v4, v3;
	v4 =	vld [tilespmem:s19+$0x8E60]  }
0x273: {  	v5 =	vadd.f32 v6, v5;
	v6 =	vld [tilespmem:s19+$0xE70]  }
0x274: {  	v14 =	vadd.f32 v14, v13;
	v13 =	vld [tilespmem:s19+$0x9220];
	[tilespmem:s19+$0x10200] =	vst v3  }
0x275: {  	v18 =	vadd.f32 v18, v17;
	v17 =	vld [tilespmem:s19+$0x9240];
	v3 =	vadd.f32 v8, v7;
	[tilespmem:s19+$0x10210] =	vst v5  }
0x276: {  	v22 =	vadd.f32 v22, v21;
	v21 =	vld [tilespmem:s19+$0x9260];
	[tilespmem:s19+$0x10250] =	vst v14  }
0x277: {  	v7 =	vld [tilespmem:s19+$0x8E70];
	[tilespmem:s19+$0x10220] =	vst v3;
	v3 =	vadd.f32 v12, v11  }
0x278: {  	v8 =	vld [tilespmem:s19+$0x1200];
	[tilespmem:s19+$0x10270] =	vst v18  }
0x279: {  	v5 =	vadd.f32 v10, v9;
	v9 =	vld [tilespmem:s19+$0x9200];
	[tilespmem:s19+$0x10240] =	vst v3;
	v3 =	vadd.f32 v16, v15  }
0x27a: {  	v26 =	vadd.f32 v26, v25;
	v10 =	vld [tilespmem:s19+$0x1210];
	[tilespmem:s19+$0x10610] =	vst v22  }
0x27b: {  	v14 =	vld [tilespmem:s19+$0x1230];
	[tilespmem:s19+$0x10260] =	vst v3;
	v3 =	vadd.f32 v20, v19  }
0x27c: {  	v30 =	vadd.f32 v30, v29;
	[tilespmem:s19+$0x10630] =	vst v26;
	v18 =	vld [tilespmem:s19+$0x1250]  }
0x27d: {  	v19 =	vld [tilespmem:s19+$0x9250];
	[tilespmem:s19+$0x10600] =	vst v3;
	v3 =	vadd.f32 v24, v23  }
0x27e: {  	v34 =	vadd.f32 v34, v33;
	[tilespmem:s19+$0x10650] =	vst v30;
	v22 =	vld [tilespmem:s19+$0x1270]  }
0x27f: {  	v11 =	vld [tilespmem:s19+$0x9210];
	[tilespmem:s19+$0x10620] =	vst v3;
	v3 =	vadd.f32 v28, v27  }
0x280: {  	[tilespmem:s19+$0x10670] =	vst v34;
	v12 =	vld [tilespmem:s19+$0x1220]  }
0x281: {  	v15 =	vld [tilespmem:s19+$0x9230];
	[tilespmem:s19+$0x10640] =	vst v3;
	v3 =	vadd.f32 v32, v31  }
0x282: {  	[tilespmem:s19+$0x10230] =	vst v5;
	v16 =	vld [tilespmem:s19+$0x1240];
	v19 =	vadd.f32 v19, v18  }
0x283: {  	v20 =	vld [tilespmem:s19+$0x1260];
	[tilespmem:s19+$0x10660] =	vst v3;
	v3 =	vadd.f32 v36, v35  }
0x284: {  	v24 =	vld [tilespmem:s19+$0x1600];
	[tilespmem:s19+$0x11250] =	vst v19;
	v36 =	vadd.f32 v38, v37  }
0x285: {  	v37 =	vld [tilespmem:s19+$0x9270];
	[tilespmem:s19+$0x10A00] =	vst v3;
	v3 =	vadd.f32 v40, v39  }
0x286: {  	v38 =	vadd.f32 v42, v41;
	v41 =	vld [tilespmem:s19+$0x1610];
	[tilespmem:s19+$0x10A10] =	vst v36  }
0x287: {  	v42 =	vld [tilespmem:s19+$0x9610];
	[tilespmem:s19+$0x10A20] =	vst v3;
	v3 =	vadd.f32 v44, v43  }
0x288: {  	v35 =	vld [tilespmem:s19+$0x1A10];
	[tilespmem:s19+$0x10A30] =	vst v38;
	v40 =	vadd.f32 v46, v45  }
0x289: {  	v39 =	vld [tilespmem:s19+$0x9600];
	[tilespmem:s19+$0x10A40] =	vst v3;
	v3 =	vadd.f32 v48, v47  }
0x28a: {  	v45 =	vld [tilespmem:s19+$0x9620];
	v46 =	vadd.f32 v54, v53;
	[tilespmem:s19+$0x10A50] =	vst v40  }
0x28b: {  	v53 =	vld [tilespmem:s19+$0x1650];
	[tilespmem:s19+$0x10A60] =	vst v3;
	v3 =	vadd.f32 v52, v51  }
0x28c: {  	v54 =	vld [tilespmem:s19+$0x9650];
	v43 =	vadd.f32 v50, v49;
	[tilespmem:s19+$0x10E10] =	vst v46  }
0x28d: {  	v36 =	vld [tilespmem:s19+$0x9A10];
	[tilespmem:s19+$0x10E00] =	vst v3;
	v3 =	vadd.f32 v56, v55  }
0x28e: {  	v38 =	vld [tilespmem:s19+$0x1A20];
	v49 =	vadd.f32 v58, v57;
	[tilespmem:s19+$0x10A70] =	vst v43  }
0x28f: {  	v44 =	vld [tilespmem:s19+$0x1620];
	[tilespmem:s19+$0x10E20] =	vst v3;
	v3 =	vadd.f32 v60, v59  }
0x290: {  	v50 =	vld [tilespmem:s19+$0x1640];
	v58 =	vadd.f32 v11, v10;
	[tilespmem:s19+$0x10E30] =	vst v49  }
0x291: {  	v57 =	vld [tilespmem:s19+$0x9660];
	[tilespmem:s19+$0x10E40] =	vst v3;
	v3 =	vadd.f32 v4, v63  }
0x292: {  	v46 =	vld [tilespmem:s19+$0x1A50];
	v37 =	vadd.f32 v37, v22;
	[tilespmem:s19+$0x11210] =	vst v58  }
0x293: {  	v40 =	vadd.f32 v42, v41;
	v41 =	vld [tilespmem:s19+$0x1A30];
	[tilespmem:s19+$0x10E60] =	vst v3;
	v3 =	vadd.f32 v9, v8  }
0x294: {  	v42 =	vld [tilespmem:s19+$0x9A30];
	[tilespmem:s19+$0x11270] =	vst v37  }
0x295: {  	v47 =	vld [tilespmem:s19+$0x1630];
	[tilespmem:s19+$0x11200] =	vst v3;
	v3 =	vadd.f32 v13, v12  }
0x296: {  	v48 =	vld [tilespmem:s19+$0x9630];
	[tilespmem:s19+$0x11610] =	vst v40;
	v52 =	vadd.f32 v62, v61  }
0x297: {  	v49 =	vld [tilespmem:s19+$0x1A60];
	[tilespmem:s19+$0x11220] =	vst v3;
	v3 =	vadd.f32 v17, v16  }
0x298: {  	v51 =	vld [tilespmem:s19+$0x9640];
	v61 =	vadd.f32 v15, v14;
	[tilespmem:s19+$0x10E50] =	vst v52  }
0x299: {  	v62 =	vld [tilespmem:s19+$0x1A00];
	[tilespmem:s19+$0x11240] =	vst v3;
	v3 =	vadd.f32 v21, v20  }
0x29a: {  	v55 =	vadd.f32 v7, v6;
	v56 =	vld [tilespmem:s19+$0x1660];
	[tilespmem:s19+$0x11230] =	vst v61  }
0x29b: {  	v52 =	vld [tilespmem:s19+$0x1A70];
	[tilespmem:s19+$0x11260] =	vst v3;
	v3 =	vadd.f32 v39, v24  }
0x29c: {  	v43 =	vadd.f32 v48, v47;
	v47 =	vld [tilespmem:s19+$0x9A50];
	[tilespmem:s19+$0x10E70] =	vst v55  }
0x29d: {  	v59 =	vld [tilespmem:s19+$0x1670];
	[tilespmem:s19+$0x11600] =	vst v3;
	v3 =	vadd.f32 v45, v44  }
0x29e: {  	[tilespmem:s19+$0x11630] =	vst v43;
	v63 =	vld [tilespmem:s19+$0x9A00];
	v4 =	vadd.f32 v54, v53  }
0x29f: {  	v60 =	vld [tilespmem:s19+$0x9670];
	[tilespmem:s19+$0x11620] =	vst v3;
	v3 =	vadd.f32 v51, v50  }
0x2a0: {  	v54 =	vadd.f32 v42, v41;
	[tilespmem:s19+$0x11650] =	vst v4;
	v39 =	vld [tilespmem:s19+$0x9A20]  }
0x2a1: {  	v44 =	vld [tilespmem:s19+$0x1A40];
	[tilespmem:s19+$0x11640] =	vst v3;
	v3 =	vadd.f32 v57, v56  }
0x2a2: {  	[tilespmem:s19+$0x11A30] =	vst v54;
	v55 =	vadd.f32 v47, v46;
	v45 =	vld [tilespmem:s19+$0x9A40]  }
0x2a3: {  	v53 =	vld [tilespmem:s19+$0x9A70];
	[tilespmem:s19+$0x11660] =	vst v3;
	v3 =	vadd.f32 v63, v62  }
0x2a4: {  	v48 =	vadd.f32 v60, v59;
	[tilespmem:s19+$0x11A50] =	vst v55;
	v50 =	vld [tilespmem:s19+$0x9A60]  }
0x2a5: {  	[tilespmem:s19+$0x11A00] =	vst v3;
	v3 =	vadd.f32 v39, v38  }
0x2a6: {  	[tilespmem:s19+$0x11670] =	vst v48;
	v51 =	vadd.f32 v36, v35  }
0x2a7: {  	[tilespmem:s19+$0x11A20] =	vst v3;
	v3 =	vadd.f32 v45, v44  }
0x2a8: {  	s20 =	sand.u32 $0x7, s16;
	[tilespmem:s19+$0x11A10] =	vst v51;
	v56 =	vadd.f32 v53, v52  }
0x2a9: {  	s20 =	sshll.u32 s20, $0x7;
	[tilespmem:s19+$0x11A40] =	vst v3;
	v3 =	vadd.f32 v50, v49  }
0x2aa: {  	s20 =	sadd.s32 s20, s17;
	[tilespmem:s19+$0x11A70] =	vst v56  }
0x2ab: {  	[tilespmem:s19+$0x11A60] =	vst v3;
	s19 =	sor.u32 $0x1C00, s20  }
0x2ac: {  	v3 =	vld [tilespmem:s19+$0x200]  }
0x2ad: {  	v4 =	vld [tilespmem:s19+$0x8200];
	_ =	sdelay $0x4  }
0x2ae: {  	v3 =	vadd.f32 v4, v3;
	_ =	sdelay $0x1  }
0x2af: {  	[tilespmem:s19+$0x10200] =	vst v3;
	s19 =	sor.u32 $0x1C10, s20  }
0x2b0: {  	v3 =	vld [tilespmem:s19+$0x200]  }
0x2b1: {  	v57 =	vld [tilespmem:s19+$0x8200];
	_ =	sdelay $0x4  }
0x2b2: {  	v3 =	vadd.f32 v57, v3;
	_ =	sdelay $0x1  }
0x2b3: {  	[tilespmem:s19+$0x10200] =	vst v3;
	s19 =	sor.u32 $0x1C20, s20  }
0x2b4: {  	v3 =	vld [tilespmem:s19+$0x200]  }
0x2b5: {  	v58 =	vld [tilespmem:s19+$0x8200];
	_ =	sdelay $0x4  }
0x2b6: {  	v3 =	vadd.f32 v58, v3;
	_ =	sdelay $0x1  }
0x2b7: {  	[tilespmem:s19+$0x10200] =	vst v3;
	s19 =	sor.u32 $0x1C30, s20  }
0x2b8: {  	v3 =	vld [tilespmem:s19+$0x200]  }
0x2b9: {  	v59 =	vld [tilespmem:s19+$0x8200];
	_ =	sdelay $0x4  }
0x2ba: {  	v3 =	vadd.f32 v59, v3;
	_ =	sdelay $0x1  }
0x2bb: {  	[tilespmem:s19+$0x10200] =	vst v3;
	s19 =	sor.u32 $0x1C40, s20  }
0x2bc: {  	v3 =	vld [tilespmem:s19+$0x200]  }
0x2bd: {  	v60 =	vld [tilespmem:s19+$0x8200];
	_ =	sdelay $0x4  }
0x2be: {  	v3 =	vadd.f32 v60, v3;
	_ =	sdelay $0x1  }
0x2bf: {  	[tilespmem:s19+$0x10200] =	vst v3;
	s19 =	sor.u32 $0x1C50, s20  }
0x2c0: {  	v3 =	vld [tilespmem:s19+$0x200]  }
0x2c1: {  	v61 =	vld [tilespmem:s19+$0x8200];
	_ =	sdelay $0x4  }
0x2c2: {  	v3 =	vadd.f32 v61, v3;
	_ =	sdelay $0x1  }
0x2c3: {  	[tilespmem:s19+$0x10200] =	vst v3;
	s19 =	sor.u32 $0x1C60, s20  }
0x2c4: {  	v3 =	vld [tilespmem:s19+$0x200]  }
0x2c5: {  	v62 =	vld [tilespmem:s19+$0x8200];
	_ =	sdelay $0x4  }
0x2c6: {  	v3 =	vadd.f32 v62, v3;
	_ =	sdelay $0x1  }
0x2c7: {  	s20 =	sor.u32 $0x1C70, s20;
	[tilespmem:s19+$0x10200] =	vst v3  }
0x2c8: {  	v3 =	vld [tilespmem:s20+$0x200]  }
0x2c9: {  	v63 =	vld [tilespmem:s20+$0x8200];
	_ =	sdelay $0x1  }
0x2ca: {  	p0 =	sne.s32 s18, $0x780  }
.Ltmp2:
0x2cb: {  	_ = 	snop;
	(pc) =	sbr.rel @p0 .LBB2_6-.Ltmp2, $4  }
0x2cc: {  	_ = 	snop  }
0x2cd: {  	v3 =	vadd.f32 v63, v3  }
0x2ce: {  	s13 =	sadd.s32 $0x400, s13  }
0x2cf: {  	s18 =	sadd.s32 $0x80, s18;
	s16 =	sadd.s32 $0x1, s16;
	s17 =	sadd.s32 $0x400, s17;
	[tilespmem:s20+$0x10200] =	vst v3  }
0x2d0: {  	s16 =	simm.s32 $0x0;
	s13 =	rddreg [dreg:$0x6]  }
0x2d1: {  	[hbm4b:s13+s16] =	stream.linear.scatter [tilespmem:s31], [sflag:$0x5], $0x4000, $0x38;
	[tilespmem:$0x18200] =	vst v63  }
0x2d2: {  	_ =	swait.ge [sflag:s10], $0x4000  }
0x2d3: {  	[sflag:s10] =	ssyncset.done $0x0  }
0x2d4: {  	[sflag:s10] =	ssyncadd.s32 $0xFFFFC000  }
0x2d5: {  	_ =	swait.ge [sflag:s1], $0x4000  }
0x2d6: {  	s17 =	simm.s32 $0x0;
	[sflag:s1] =	ssyncset.done $0x0  }
0x2d7: {  	s18 =	simm.s32 $0x0;
	s13 =	simm.s32 $0xFFFFC000;
	[sflag:s1] =	ssyncadd.s32 $0xFFFFC000  }
.LBB2_8:
0x2d8: {  	s19 =	sadd.s32 $0x4000, s13  }
0x2d9: {  	s20 =	sand.u32 $0x380, s18;
	s19 =	sand.u32 $0x2000, s19  }
0x2da: {  	s19 =	sor.u32 s20, s19  }
0x2db: {  	v3 =	vld [tilespmem:s19+$0x4200]  }
0x2dc: {  	v4 =	vld [tilespmem:s19+$0xC200]  }
0x2dd: {  	v5 =	vld [tilespmem:s19+$0x4210]  }
0x2de: {  	v6 =	vld [tilespmem:s19+$0xC210]  }
0x2df: {  	v7 =	vld [tilespmem:s19+$0x4220]  }
0x2e0: {  	v8 =	vld [tilespmem:s19+$0xC220]  }
0x2e1: {  	v9 =	vld [tilespmem:s19+$0x4230]  }
0x2e2: {  	v10 =	vld [tilespmem:s19+$0xC230]  }
0x2e3: {  	v11 =	vld [tilespmem:s19+$0x4240]  }
0x2e4: {  	v12 =	vld [tilespmem:s19+$0xC240]  }
0x2e5: {  	v13 =	vld [tilespmem:s19+$0x4250]  }
0x2e6: {  	v14 =	vld [tilespmem:s19+$0xC250]  }
0x2e7: {  	v15 =	vld [tilespmem:s19+$0x4260]  }
0x2e8: {  	v16 =	vld [tilespmem:s19+$0xC260]  }
0x2e9: {  	v17 =	vld [tilespmem:s19+$0x4270]  }
0x2ea: {  	v18 =	vld [tilespmem:s19+$0xC270]  }
0x2eb: {  	v19 =	vld [tilespmem:s19+$0x4600]  }
0x2ec: {  	v20 =	vld [tilespmem:s19+$0xC600]  }
0x2ed: {  	v21 =	vld [tilespmem:s19+$0x4610]  }
0x2ee: {  	v22 =	vld [tilespmem:s19+$0xC610]  }
0x2ef: {  	v23 =	vld [tilespmem:s19+$0x4620]  }
0x2f0: {  	v24 =	vld [tilespmem:s19+$0xC620]  }
0x2f1: {  	v25 =	vld [tilespmem:s19+$0x4630]  }
0x2f2: {  	v26 =	vld [tilespmem:s19+$0xC630]  }
0x2f3: {  	v27 =	vld [tilespmem:s19+$0x4640]  }
0x2f4: {  	v28 =	vld [tilespmem:s19+$0xC640]  }
0x2f5: {  	v29 =	vld [tilespmem:s19+$0x4650]  }
0x2f6: {  	v30 =	vld [tilespmem:s19+$0xC650]  }
0x2f7: {  	v31 =	vld [tilespmem:s19+$0x4660]  }
0x2f8: {  	v32 =	vld [tilespmem:s19+$0xC660]  }
0x2f9: {  	v33 =	vld [tilespmem:s19+$0x4670]  }
0x2fa: {  	v34 =	vld [tilespmem:s19+$0xC670]  }
0x2fb: {  	v35 =	vld [tilespmem:s19+$0x4A00]  }
0x2fc: {  	v36 =	vld [tilespmem:s19+$0xCA00]  }
0x2fd: {  	v37 =	vld [tilespmem:s19+$0x4A10]  }
0x2fe: {  	v38 =	vld [tilespmem:s19+$0xCA10]  }
0x2ff: {  	v39 =	vld [tilespmem:s19+$0x4A20]  }
0x300: {  	v40 =	vld [tilespmem:s19+$0xCA20]  }
0x301: {  	v41 =	vld [tilespmem:s19+$0x4A30]  }
0x302: {  	v42 =	vld [tilespmem:s19+$0xCA30]  }
0x303: {  	v43 =	vld [tilespmem:s19+$0x4A40]  }
0x304: {  	v44 =	vld [tilespmem:s19+$0xCA40]  }
0x305: {  	v45 =	vld [tilespmem:s19+$0x4A50]  }
0x306: {  	v46 =	vld [tilespmem:s19+$0xCA50]  }
0x307: {  	v47 =	vld [tilespmem:s19+$0x4A60]  }
0x308: {  	v48 =	vld [tilespmem:s19+$0xCA60]  }
0x309: {  	v49 =	vld [tilespmem:s19+$0x4A70]  }
0x30a: {  	v50 =	vld [tilespmem:s19+$0xCA70]  }
0x30b: {  	v51 =	vld [tilespmem:s19+$0x4E00]  }
0x30c: {  	v52 =	vld [tilespmem:s19+$0xCE00]  }
0x30d: {  	v53 =	vld [tilespmem:s19+$0x4E10]  }
0x30e: {  	v54 =	vld [tilespmem:s19+$0xCE10]  }
0x30f: {  	v55 =	vld [tilespmem:s19+$0x4E20]  }
0x310: {  	v56 =	vld [tilespmem:s19+$0xCE20]  }
0x311: {  	v57 =	vld [tilespmem:s19+$0x4E30]  }
0x312: {  	v58 =	vld [tilespmem:s19+$0xCE30]  }
0x313: {  	v59 =	vld [tilespmem:s19+$0x4E40]  }
0x314: {  	v60 =	vld [tilespmem:s19+$0xCE40]  }
0x315: {  	v61 =	vld [tilespmem:s19+$0x4E50]  }
0x316: {  	v62 =	vld [tilespmem:s19+$0xCE50]  }
0x317: {  	v63 =	vld [tilespmem:s19+$0x4E60]  }
0x318: {  	v3 =	vadd.f32 v4, v3;
	v4 =	vld [tilespmem:s19+$0xCE60]  }
0x319: {  	v5 =	vadd.f32 v6, v5;
	v6 =	vld [tilespmem:s19+$0x4E70]  }
0x31a: {  	v14 =	vadd.f32 v14, v13;
	v13 =	vld [tilespmem:s19+$0xD220];
	[tilespmem:s19+$0x14200] =	vst v3  }
0x31b: {  	v18 =	vadd.f32 v18, v17;
	v17 =	vld [tilespmem:s19+$0xD240];
	v3 =	vadd.f32 v8, v7;
	[tilespmem:s19+$0x14210] =	vst v5  }
0x31c: {  	v22 =	vadd.f32 v22, v21;
	v21 =	vld [tilespmem:s19+$0xD260];
	[tilespmem:s19+$0x14250] =	vst v14  }
0x31d: {  	v7 =	vld [tilespmem:s19+$0xCE70];
	[tilespmem:s19+$0x14220] =	vst v3;
	v3 =	vadd.f32 v12, v11  }
0x31e: {  	v8 =	vld [tilespmem:s19+$0x5200];
	[tilespmem:s19+$0x14270] =	vst v18  }
0x31f: {  	v5 =	vadd.f32 v10, v9;
	v9 =	vld [tilespmem:s19+$0xD200];
	[tilespmem:s19+$0x14240] =	vst v3;
	v3 =	vadd.f32 v16, v15  }
0x320: {  	v26 =	vadd.f32 v26, v25;
	v10 =	vld [tilespmem:s19+$0x5210];
	[tilespmem:s19+$0x14610] =	vst v22  }
0x321: {  	v14 =	vld [tilespmem:s19+$0x5230];
	[tilespmem:s19+$0x14260] =	vst v3;
	v3 =	vadd.f32 v20, v19  }
0x322: {  	v30 =	vadd.f32 v30, v29;
	[tilespmem:s19+$0x14630] =	vst v26;
	v18 =	vld [tilespmem:s19+$0x5250]  }
0x323: {  	v19 =	vld [tilespmem:s19+$0xD250];
	[tilespmem:s19+$0x14600] =	vst v3;
	v3 =	vadd.f32 v24, v23  }
0x324: {  	v34 =	vadd.f32 v34, v33;
	[tilespmem:s19+$0x14650] =	vst v30;
	v22 =	vld [tilespmem:s19+$0x5270]  }
0x325: {  	v11 =	vld [tilespmem:s19+$0xD210];
	[tilespmem:s19+$0x14620] =	vst v3;
	v3 =	vadd.f32 v28, v27  }
0x326: {  	[tilespmem:s19+$0x14670] =	vst v34;
	v12 =	vld [tilespmem:s19+$0x5220]  }
0x327: {  	v15 =	vld [tilespmem:s19+$0xD230];
	[tilespmem:s19+$0x14640] =	vst v3;
	v3 =	vadd.f32 v32, v31  }
0x328: {  	[tilespmem:s19+$0x14230] =	vst v5;
	v16 =	vld [tilespmem:s19+$0x5240];
	v19 =	vadd.f32 v19, v18  }
0x329: {  	v20 =	vld [tilespmem:s19+$0x5260];
	[tilespmem:s19+$0x14660] =	vst v3;
	v3 =	vadd.f32 v36, v35  }
0x32a: {  	v24 =	vld [tilespmem:s19+$0x5600];
	[tilespmem:s19+$0x15250] =	vst v19;
	v36 =	vadd.f32 v38, v37  }
0x32b: {  	v37 =	vld [tilespmem:s19+$0xD270];
	[tilespmem:s19+$0x14A00] =	vst v3;
	v3 =	vadd.f32 v40, v39  }
0x32c: {  	v38 =	vadd.f32 v42, v41;
	v41 =	vld [tilespmem:s19+$0x5610];
	[tilespmem:s19+$0x14A10] =	vst v36  }
0x32d: {  	v42 =	vld [tilespmem:s19+$0xD610];
	[tilespmem:s19+$0x14A20] =	vst v3;
	v3 =	vadd.f32 v44, v43  }
0x32e: {  	v35 =	vld [tilespmem:s19+$0x5A10];
	[tilespmem:s19+$0x14A30] =	vst v38;
	v40 =	vadd.f32 v46, v45  }
0x32f: {  	v39 =	vld [tilespmem:s19+$0xD600];
	[tilespmem:s19+$0x14A40] =	vst v3;
	v3 =	vadd.f32 v48, v47  }
0x330: {  	v45 =	vld [tilespmem:s19+$0xD620];
	v46 =	vadd.f32 v54, v53;
	[tilespmem:s19+$0x14A50] =	vst v40  }
0x331: {  	v53 =	vld [tilespmem:s19+$0x5650];
	[tilespmem:s19+$0x14A60] =	vst v3;
	v3 =	vadd.f32 v52, v51  }
0x332: {  	v54 =	vld [tilespmem:s19+$0xD650];
	v43 =	vadd.f32 v50, v49;
	[tilespmem:s19+$0x14E10] =	vst v46  }
0x333: {  	v36 =	vld [tilespmem:s19+$0xDA10];
	[tilespmem:s19+$0x14E00] =	vst v3;
	v3 =	vadd.f32 v56, v55  }
0x334: {  	v38 =	vld [tilespmem:s19+$0x5A20];
	v49 =	vadd.f32 v58, v57;
	[tilespmem:s19+$0x14A70] =	vst v43  }
0x335: {  	v44 =	vld [tilespmem:s19+$0x5620];
	[tilespmem:s19+$0x14E20] =	vst v3;
	v3 =	vadd.f32 v60, v59  }
0x336: {  	v50 =	vld [tilespmem:s19+$0x5640];
	v58 =	vadd.f32 v11, v10;
	[tilespmem:s19+$0x14E30] =	vst v49  }
0x337: {  	v57 =	vld [tilespmem:s19+$0xD660];
	[tilespmem:s19+$0x14E40] =	vst v3;
	v3 =	vadd.f32 v4, v63  }
0x338: {  	v46 =	vld [tilespmem:s19+$0x5A50];
	v37 =	vadd.f32 v37, v22;
	[tilespmem:s19+$0x15210] =	vst v58  }
0x339: {  	v40 =	vadd.f32 v42, v41;
	v41 =	vld [tilespmem:s19+$0x5A30];
	[tilespmem:s19+$0x14E60] =	vst v3;
	v3 =	vadd.f32 v9, v8  }
0x33a: {  	v42 =	vld [tilespmem:s19+$0xDA30];
	[tilespmem:s19+$0x15270] =	vst v37  }
0x33b: {  	v47 =	vld [tilespmem:s19+$0x5630];
	[tilespmem:s19+$0x15200] =	vst v3;
	v3 =	vadd.f32 v13, v12  }
0x33c: {  	v48 =	vld [tilespmem:s19+$0xD630];
	[tilespmem:s19+$0x15610] =	vst v40;
	v52 =	vadd.f32 v62, v61  }
0x33d: {  	v49 =	vld [tilespmem:s19+$0x5A60];
	[tilespmem:s19+$0x15220] =	vst v3;
	v3 =	vadd.f32 v17, v16  }
0x33e: {  	v51 =	vld [tilespmem:s19+$0xD640];
	v61 =	vadd.f32 v15, v14;
	[tilespmem:s19+$0x14E50] =	vst v52  }
0x33f: {  	v62 =	vld [tilespmem:s19+$0x5A00];
	[tilespmem:s19+$0x15240] =	vst v3;
	v3 =	vadd.f32 v21, v20  }
0x340: {  	v55 =	vadd.f32 v7, v6;
	v56 =	vld [tilespmem:s19+$0x5660];
	[tilespmem:s19+$0x15230] =	vst v61  }
0x341: {  	v52 =	vld [tilespmem:s19+$0x5A70];
	[tilespmem:s19+$0x15260] =	vst v3;
	v3 =	vadd.f32 v39, v24  }
0x342: {  	v43 =	vadd.f32 v48, v47;
	v47 =	vld [tilespmem:s19+$0xDA50];
	[tilespmem:s19+$0x14E70] =	vst v55  }
0x343: {  	v59 =	vld [tilespmem:s19+$0x5670];
	[tilespmem:s19+$0x15600] =	vst v3;
	v3 =	vadd.f32 v45, v44  }
0x344: {  	[tilespmem:s19+$0x15630] =	vst v43;
	v63 =	vld [tilespmem:s19+$0xDA00];
	v4 =	vadd.f32 v54, v53  }
0x345: {  	v60 =	vld [tilespmem:s19+$0xD670];
	[tilespmem:s19+$0x15620] =	vst v3;
	v3 =	vadd.f32 v51, v50  }
0x346: {  	v54 =	vadd.f32 v42, v41;
	[tilespmem:s19+$0x15650] =	vst v4;
	v39 =	vld [tilespmem:s19+$0xDA20]  }
0x347: {  	v44 =	vld [tilespmem:s19+$0x5A40];
	[tilespmem:s19+$0x15640] =	vst v3;
	v3 =	vadd.f32 v57, v56  }
0x348: {  	[tilespmem:s19+$0x15A30] =	vst v54;
	v55 =	vadd.f32 v47, v46;
	v45 =	vld [tilespmem:s19+$0xDA40]  }
0x349: {  	v53 =	vld [tilespmem:s19+$0xDA70];
	[tilespmem:s19+$0x15660] =	vst v3;
	v3 =	vadd.f32 v63, v62  }
0x34a: {  	v48 =	vadd.f32 v60, v59;
	[tilespmem:s19+$0x15A50] =	vst v55;
	v50 =	vld [tilespmem:s19+$0xDA60]  }
0x34b: {  	[tilespmem:s19+$0x15A00] =	vst v3;
	v3 =	vadd.f32 v39, v38  }
0x34c: {  	[tilespmem:s19+$0x15670] =	vst v48;
	v51 =	vadd.f32 v36, v35  }
0x34d: {  	[tilespmem:s19+$0x15A20] =	vst v3;
	v3 =	vadd.f32 v45, v44  }
0x34e: {  	s20 =	sand.u32 $0x7, s16;
	[tilespmem:s19+$0x15A10] =	vst v51;
	v56 =	vadd.f32 v53, v52  }
0x34f: {  	s20 =	sshll.u32 s20, $0x7;
	[tilespmem:s19+$0x15A40] =	vst v3;
	v3 =	vadd.f32 v50, v49  }
0x350: {  	s20 =	sadd.s32 s20, s17;
	[tilespmem:s19+$0x15A70] =	vst v56  }
0x351: {  	[tilespmem:s19+$0x15A60] =	vst v3;
	s19 =	sor.u32 $0x1C00, s20  }
0x352: {  	v3 =	vld [tilespmem:s19+$0x4200]  }
0x353: {  	v4 =	vld [tilespmem:s19+$0xC200];
	_ =	sdelay $0x4  }
0x354: {  	v3 =	vadd.f32 v4, v3;
	_ =	sdelay $0x1  }
0x355: {  	[tilespmem:s19+$0x14200] =	vst v3;
	s19 =	sor.u32 $0x1C10, s20  }
0x356: {  	v3 =	vld [tilespmem:s19+$0x4200]  }
0x357: {  	v57 =	vld [tilespmem:s19+$0xC200];
	_ =	sdelay $0x4  }
0x358: {  	v3 =	vadd.f32 v57, v3;
	_ =	sdelay $0x1  }
0x359: {  	[tilespmem:s19+$0x14200] =	vst v3;
	s19 =	sor.u32 $0x1C20, s20  }
0x35a: {  	v3 =	vld [tilespmem:s19+$0x4200]  }
0x35b: {  	v58 =	vld [tilespmem:s19+$0xC200];
	_ =	sdelay $0x4  }
0x35c: {  	v3 =	vadd.f32 v58, v3;
	_ =	sdelay $0x1  }
0x35d: {  	[tilespmem:s19+$0x14200] =	vst v3;
	s19 =	sor.u32 $0x1C30, s20  }
0x35e: {  	v3 =	vld [tilespmem:s19+$0x4200]  }
0x35f: {  	v59 =	vld [tilespmem:s19+$0xC200];
	_ =	sdelay $0x4  }
0x360: {  	v3 =	vadd.f32 v59, v3;
	_ =	sdelay $0x1  }
0x361: {  	[tilespmem:s19+$0x14200] =	vst v3;
	s19 =	sor.u32 $0x1C40, s20  }
0x362: {  	v3 =	vld [tilespmem:s19+$0x4200]  }
0x363: {  	v60 =	vld [tilespmem:s19+$0xC200];
	_ =	sdelay $0x4  }
0x364: {  	v3 =	vadd.f32 v60, v3;
	_ =	sdelay $0x1  }
0x365: {  	[tilespmem:s19+$0x14200] =	vst v3;
	s19 =	sor.u32 $0x1C50, s20  }
0x366: {  	v3 =	vld [tilespmem:s19+$0x4200]  }
0x367: {  	v61 =	vld [tilespmem:s19+$0xC200];
	_ =	sdelay $0x4  }
0x368: {  	v3 =	vadd.f32 v61, v3;
	_ =	sdelay $0x1  }
0x369: {  	[tilespmem:s19+$0x14200] =	vst v3;
	s19 =	sor.u32 $0x1C60, s20  }
0x36a: {  	v3 =	vld [tilespmem:s19+$0x4200]  }
0x36b: {  	v62 =	vld [tilespmem:s19+$0xC200];
	_ =	sdelay $0x4  }
0x36c: {  	v3 =	vadd.f32 v62, v3;
	_ =	sdelay $0x1  }
0x36d: {  	s20 =	sor.u32 $0x1C70, s20;
	[tilespmem:s19+$0x14200] =	vst v3  }
0x36e: {  	v3 =	vld [tilespmem:s20+$0x4200]  }
0x36f: {  	v63 =	vld [tilespmem:s20+$0xC200];
	_ =	sdelay $0x1  }
0x370: {  	p0 =	sne.s32 s18, $0x780  }
.Ltmp3:
0x371: {  	_ = 	snop;
	(pc) =	sbr.rel @p0 .LBB2_8-.Ltmp3, $4  }
0x372: {  	_ = 	snop  }
0x373: {  	v3 =	vadd.f32 v63, v3  }
0x374: {  	s13 =	sadd.s32 $0x400, s13  }
0x375: {  	s18 =	sadd.s32 $0x80, s18;
	s16 =	sadd.s32 $0x1, s16;
	s17 =	sadd.s32 $0x400, s17;
	[tilespmem:s20+$0x14200] =	vst v3  }
0x376: {  	s13 =	rddreg [dreg:$0x7]  }
0x377: {  	[hbm4b:s13+s2] =	stream.linear.scatter [tilespmem:s11], [sflag:$0x6], $0x4000, $0x38;
	[tilespmem:$0x18200] =	vst v63  }
0x378: {  	_ =	swait.ge [sflag:s0], $0x4000  }
0x379: {  	[sflag:s0] =	ssyncset.done $0x0  }
0x37a: {  	[sflag:s0] =	ssyncadd.s32 $0xFFFFC000  }
0x37b: {  	_ =	swait.ge [sflag:s15], $0x4000  }
0x37c: {  	s12 =	sadd.s32 $0x1, s12;
	s20 =	rddreg [dreg:$0x8]  }
0x37d: {  	p0 =	sne.s32 s12, s20  }
.Ltmp4:
0x37e: {  	_ = 	snop;
	(pc) =	sbr.rel @p0 .LBB2_1-.Ltmp4, $3  }
0x37f: {  	_ =	sdelay $0x1  }
0x380: {  	[sflag:s15] =	ssyncset.done $0x0  }
0x381: {  	[sflag:s15] =	ssyncadd.s32 $0xFFFFC000  }
0x382: {  	_ =	sfence.sel $0x180000  }
0x383: {  	[bflag:$0x0] =	sbarrier.arrive $0xFFFF  }
0x384: {  	_ =	strace $0x9000004A  }
0x385: {  	s0 =	stileid.u32;
	[bflag:$0x2] =	sbarrier.arrive $0xFFFF  }
0x386: {  	p0 =	sne.s32 s0, $0x0;
	s0 =	rddreg [dreg:$0x2]  }
0x387: {  	s0 =	sadd.s32 @!p0 $0x100000, s0  }
0x388: {  	[sflag:s0] =	ssyncadd.tile.s32 @!p0 $0x1;
	_ =	shalt  }
.Lfunc_end2:
_tile_overlayer_lowered:
.L_overlay_start_2:
0x389: {  	(tag) =	ssettag $0x2  }
0x38a: {  	s0 =	rddreg [dreg:$0x0];
	s2 =	stileid.u32  }
0x38b: {  	s1 =	rddreg [dreg:$0x1];
	p0 =	sne.s32 s2, $0x0  }
0x38c: {  	s3 =	rddreg [dreg:$0x2];
	[bflag:$0x3] =	sbarrier.arrive $0xFFFF;
	s2 =	simm.s32 @!p0 $0x1C07  }
0x38d: {  	[timem:s3], [sflag:s2] =	dma.local @!p0 [hbm:s0], s1  }
0x38e: {  	s0 =	simm.s32 @!p0 $0x7  }
0x38f: {  	_ =	swait.ge @!p0 [sflag:s0], s1  }
0x390: {  	s1 =	ssub.s32 @!p0 $0x0, s1;
	[sflag:s0] =	ssyncset.done @!p0 $0x0  }
0x391: {  	[sflag:s0] =	ssyncadd.s32 @!p0 s1  }
0x392: {  	[bflag:$0x3] =	sbarrier.arrive $0xFFFF  }
0x393: {  	_ =	shalt  }

</sc_bundles>
